<compile_context>
chip_gen: v7x
topology: tpu7x:2x2x1
jax: 0.10.2.dev20260603
libtpu: 0.0.44.dev20260713+nightly
codegen_flags: <defaults>
</compile_context>

<pallas_src>
import functools
import math

import jax
import jax.numpy as jnp
from jax import lax
from jax.experimental import pallas as pl
from jax.experimental.pallas import tpu as pltpu
from jax.experimental.pallas import tpu_sc as plsc

N_NODES = 10000
N_EDGES = 640000
STALK = 4
NPAD = 10240
FLATP = NPAD * STALK

NC = 2
NS = 16
NW = NC * NS
EDGES_PER_TILE = N_EDGES // NW
ECH = 4000
NCH = EDGES_PER_TILE // ECH
EBUF = 4096
EGROUPS = ECH // 16
HF = FLATP // 2
RCH = HF // NS


def _stalk_body(x_ref, w_ref, b_ref, o_ref):
    xst = lax.dot_general(w_ref[...], x_ref[...], (((1,), (1,)), ((), ())),
                          preferred_element_type=jnp.float32)
    o_ref[:, :N_NODES] = xst + b_ref[...]


def _edge_body(xs_hbm, src_hbm, dst_hbm, out0_hbm, out1_hbm,
               xs_v, acc_v, src0_v, src1_v, dst0_v, dst1_v, shared,
               sem_xs, sem_s, sem_d):
    src_b = (src0_v, src1_v)
    dst_b = (dst0_v, dst1_v)
    cid = lax.axis_index("c")
    sid = lax.axis_index("s")
    wid = sid * NC + cid
    base = wid * EDGES_PER_TILE

    cp_xs = pltpu.async_copy(xs_hbm, xs_v, sem_xs)
    cp_s = pltpu.async_copy(src_hbm.at[pl.ds(base, ECH)],
                            src0_v.at[pl.ds(0, ECH)], sem_s)
    cp_d = pltpu.async_copy(dst_hbm.at[pl.ds(base, ECH)],
                            dst0_v.at[pl.ds(0, ECH)], sem_d)

    zero = jnp.zeros((16,), jnp.float32)

    @plsc.parallel_loop(0, FLATP // 16, unroll=8)
    def _(i):
        acc_v[pl.ds(i * 16, 16)] = zero

    cp_xs.wait()

    for k in range(NCH):
        b = k % 2
        if k + 1 < NCH:
            nb = (k + 1) % 2
            off = base + (k + 1) * ECH
            cpn_s = pltpu.async_copy(src_hbm.at[pl.ds(off, ECH)],
                                     src_b[nb].at[pl.ds(0, ECH)], sem_s)
            cpn_d = pltpu.async_copy(dst_hbm.at[pl.ds(off, ECH)],
                                     dst_b[nb].at[pl.ds(0, ECH)], sem_d)
        cp_s.wait()
        cp_d.wait()
        sv, dv = src_b[b], dst_b[b]

        @plsc.parallel_loop(0, EGROUPS, unroll=10)
        def _(g):
            s16 = plsc.bitcast(sv[pl.ds(g * 16, 16)], jnp.int32)
            d16 = plsc.bitcast(dv[pl.ds(g * 16, 16)], jnp.int32)
            for c in range(STALK):
                si = s16 if c == 0 else s16 + (c * NPAD)
                di = d16 if c == 0 else d16 + (c * NPAD)
                gs = plsc.load_gather(xs_v, [si])
                gd = plsc.load_gather(xs_v, [di])
                df = gd - gs
                plsc.addupdate_scatter(acc_v, [di], df)
                plsc.addupdate_scatter(acc_v, [si], -df)

        if k + 1 < NCH:
            cp_s, cp_d = cpn_s, cpn_d

    for h in range(2):
        if h == 1:
            plsc.subcore_barrier()
        pltpu.sync_copy(acc_v.at[pl.ds(h * HF, HF)], shared.at[sid])
        plsc.subcore_barrier()

        col = sid * RCH
        cps = []
        for r in range(NS):
            cps.append(pltpu.async_copy(
                shared.at[r, pl.ds(col, RCH)],
                acc_v.at[pl.ds(h * HF + r * RCH, RCH)], sem_xs))
        for cp in cps:
            cp.wait()

        @plsc.parallel_loop(0, RCH // 16, unroll=4)
        def _(j):
            v = acc_v[pl.ds(h * HF + j * 16, 16)]
            for r in range(1, NS):
                v = v + acc_v[pl.ds(h * HF + r * RCH + j * 16, 16)]
            acc_v[pl.ds(h * HF + j * 16, 16)] = v

        off = h * HF + col

        @pl.when(cid == 0)
        def _():
            pltpu.sync_copy(acc_v.at[pl.ds(h * HF, RCH)],
                            out0_hbm.at[pl.ds(off, RCH)])

        @pl.when(cid == 1)
        def _():
            pltpu.sync_copy(acc_v.at[pl.ds(h * HF, RCH)],
                            out1_hbm.at[pl.ds(off, RCH)])


@functools.cache
def _make_edge_kernel():
    mesh = plsc.VectorSubcoreMesh(core_axis_name="c", subcore_axis_name="s")
    return pl.kernel(
        _edge_body,
        mesh=mesh,
        compiler_params=pltpu.CompilerParams(needs_layout_passes=False,
                                             disable_bounds_checks=True),
        out_type=(jax.ShapeDtypeStruct((FLATP,), jnp.float32),
                  jax.ShapeDtypeStruct((FLATP,), jnp.float32)),
        scratch_types=[
            pltpu.VMEM((FLATP,), jnp.float32),
            pltpu.VMEM((FLATP,), jnp.float32),
            pltpu.VMEM((EBUF,), jnp.float32),
            pltpu.VMEM((EBUF,), jnp.float32),
            pltpu.VMEM((EBUF,), jnp.float32),
            pltpu.VMEM((EBUF,), jnp.float32),
            pltpu.VMEM_SHARED((NS, HF), jnp.float32),
            pltpu.SemaphoreType.DMA,
            pltpu.SemaphoreType.DMA,
            pltpu.SemaphoreType.DMA,
        ],
    )


def _out_body(p0_ref, p1_ref, w_ref, b_ref, o_ref):
    agg = (p0_ref[...] + p1_ref[...])[:, :N_NODES]
    out = lax.dot_general(agg, w_ref[...], (((0,), (1,)), ((), ())),
                          preferred_element_type=jnp.float32)
    out = out + b_ref[...]
    o_ref[...] = out * 0.5 * (1.0 + lax.erf(out * (1.0 / math.sqrt(2.0))))


def kernel(x, edge_index, W_r, b_r, W_o, b_o):
    out_ch = W_o.shape[0]
    xst = pl.pallas_call(
        _stalk_body,
        out_shape=jax.ShapeDtypeStruct((STALK, NPAD), jnp.float32),
    )(x, W_r, b_r.reshape(STALK, 1))

    xs_flat = xst.reshape(FLATP)
    src = lax.bitcast_convert_type(edge_index[0], jnp.float32)
    dst = lax.bitcast_convert_type(edge_index[1], jnp.float32)
    p0, p1 = _make_edge_kernel()(xs_flat, src, dst)

    out = pl.pallas_call(
        _out_body,
        out_shape=jax.ShapeDtypeStruct((N_NODES, out_ch), jnp.float32),
    )(p0.reshape(STALK, NPAD), p1.reshape(STALK, NPAD), W_o,
      b_o.reshape(1, out_ch))
    return out

# --- scband reference (transcript-rebuilt; emitter-appended) ---
"""Pipeline reference for scband-sheaf-conv-layer-3246995276434 (READ-ONLY COPY).

The authoritative reference and input builder live on the scoring server;
editing this copy changes nothing except your own understanding.
"""

import jax, jax.numpy as jnp
import numpy as np

N_NODES = 10000
N_EDGES = 640000
IN_CH = 128
OUT_CH = 128
STALK = 4


def setup_inputs(seed: int = 0) -> dict:
    key = jax.random.key(seed)
    k1, k2, k3, k4, k5, k6 = jax.random.split(key, 6)
    x = jax.random.normal(k1, (N_NODES, IN_CH), dtype=jnp.float32)
    edge_index = jax.random.randint(k2, (2, N_EDGES), 0, N_NODES, dtype=jnp.int64 if jax.config.jax_enable_x64 else jnp.int32).astype(jnp.int32)
    # Learned parameters (torch nn.Linear layout: weight [out, in], bias [out])
    W_r = jax.random.normal(k3, (STALK, IN_CH), dtype=jnp.float32) * (1.0 / np.sqrt(IN_CH))
    b_r = jax.random.normal(k4, (STALK,), dtype=jnp.float32) * 0.01
    W_o = jax.random.normal(k5, (OUT_CH, STALK), dtype=jnp.float32) * (1.0 / np.sqrt(STALK))
    b_o = jax.random.normal(k6, (OUT_CH,), dtype=jnp.float32) * 0.01
    return {"x": x, "edge_index": edge_index, "W_r": W_r, "b_r": b_r, "W_o": W_o, "b_o": b_o}


def reference(x, edge_index, W_r, b_r, W_o, b_o):
    # restriction map: project node features to stalk space
    x_stalk = x @ W_r.T + b_r  # (N, stalk)
    src = edge_index[0]
    dst = edge_index[1]
    diff = x_stalk[dst] - x_stalk[src]  # (E, stalk) gather
    out = jnp.zeros_like(x_stalk)
    out = out.at[dst].add(diff)        # scatter-add
    out = out.at[src].add(-diff)       # scatter-add
    out = out @ W_o.T + b_o            # (N, out_ch)
    out = jax.nn.gelu(out, approximate=False)  # torch GELU default is exact erf
    return out

if __name__ == "__main__":
    import jax
    _d = setup_inputs()
    print(jax.jit(kernel)(*tuple(_d.values())))

</pallas_src>

<mosaic_0001>
#map = affine_map<(d0, d1) -> (0)>
module attributes {stable_mosaic.version = 14 : i64} {
  func.func @_edge_body(%arg0: i32, %arg1: i32, %arg2: memref<40960xf32, #tpu.memory_space<hbm>>, %arg3: memref<640000xf32, #tpu.memory_space<hbm>>, %arg4: memref<640000xf32, #tpu.memory_space<hbm>>, %arg5: memref<40960xf32, #tpu.memory_space<hbm>>, %arg6: memref<40960xf32, #tpu.memory_space<hbm>>, %arg7: memref<40960xf32, #tpu.memory_space<vmem>>, %arg8: memref<40960xf32, #tpu.memory_space<vmem>>, %arg9: memref<4096xf32, #tpu.memory_space<vmem>>, %arg10: memref<4096xf32, #tpu.memory_space<vmem>>, %arg11: memref<4096xf32, #tpu.memory_space<vmem>>, %arg12: memref<4096xf32, #tpu.memory_space<vmem>>, %arg13: memref<16x20480xf32, #tpu.memory_space<vmem_shared>>, %arg14: memref<!tpu.dma_semaphore, #tpu.memory_space<semaphore_mem>>, %arg15: memref<!tpu.dma_semaphore, #tpu.memory_space<semaphore_mem>>, %arg16: memref<!tpu.dma_semaphore, #tpu.memory_space<semaphore_mem>>) attributes {dimension_semantics = [#tpu.dimension_semantics<core_parallel>, #tpu.dimension_semantics<subcore_parallel>], iteration_bounds = array<i64: 2, 16>, scalar_prefetch = 0 : i64, scratch_operands = 10 : i64, tpu.core_type = #tpu.core_type<sc_vector_subcore>, window_params = [{transform_indices = #map}, {transform_indices = #map}, {transform_indices = #map}, {transform_indices = #map}, {transform_indices = #map}]} {
    %mul3A = arith.constant 2 : i32
    %mul3A_0 = arith.muli %arg1, %mul3A : i32
    %add3A = arith.addi %mul3A_0, %arg0 : i32
    %mul3A_1 = arith.constant 20000 : i32
    %mul3A_2 = arith.muli %add3A, %mul3A_1 : i32
    tpu.enqueue_dma source(%arg2 : memref<40960xf32, #tpu.memory_space<hbm>>) target(%arg7 : memref<40960xf32, #tpu.memory_space<vmem>>) target_semaphore(%arg14 : memref<!tpu.dma_semaphore, #tpu.memory_space<semaphore_mem>>)
    %dma_start3A = arith.constant 0 : i32
    %dma_start3A_3 = tpu.memref_slice %arg9[%dma_start3A] : memref<4096xf32, #tpu.memory_space<vmem>> -> memref<4000xf32, #tpu.memory_space<vmem>>
    %dma_start3A_4 = tpu.memref_slice %arg3[%mul3A_2] : memref<640000xf32, #tpu.memory_space<hbm>> -> memref<4000xf32, #tpu.memory_space<hbm>>
    %dma_start3A_5 = arith.constant 0 : i32
    %dma_start3A_6 = tpu.memref_slice %arg9[%dma_start3A_5] : memref<4096xf32, #tpu.memory_space<vmem>> -> memref<4000xf32, #tpu.memory_space<vmem>>
    %dma_start3A_7 = tpu.memref_slice %arg3[%mul3A_2] : memref<640000xf32, #tpu.memory_space<hbm>> -> memref<4000xf32, #tpu.memory_space<hbm>>
    tpu.enqueue_dma source(%dma_start3A_7 : memref<4000xf32, #tpu.memory_space<hbm>>) target(%dma_start3A_6 : memref<4000xf32, #tpu.memory_space<vmem>>) target_semaphore(%arg15 : memref<!tpu.dma_semaphore, #tpu.memory_space<semaphore_mem>>)
    %dma_start3A_8 = arith.constant 0 : i32
    %dma_start3A_9 = tpu.memref_slice %arg11[%dma_start3A_8] : memref<4096xf32, #tpu.memory_space<vmem>> -> memref<4000xf32, #tpu.memory_space<vmem>>
    %dma_start3A_10 = tpu.memref_slice %arg4[%mul3A_2] : memref<640000xf32, #tpu.memory_space<hbm>> -> memref<4000xf32, #tpu.memory_space<hbm>>
    %dma_start3A_11 = arith.constant 0 : i32
    %dma_start3A_12 = tpu.memref_slice %arg11[%dma_start3A_11] : memref<4096xf32, #tpu.memory_space<vmem>> -> memref<4000xf32, #tpu.memory_space<vmem>>
    %dma_start3A_13 = tpu.memref_slice %arg4[%mul3A_2] : memref<640000xf32, #tpu.memory_space<hbm>> -> memref<4000xf32, #tpu.memory_space<hbm>>
    tpu.enqueue_dma source(%dma_start3A_13 : memref<4000xf32, #tpu.memory_space<hbm>>) target(%dma_start3A_12 : memref<4000xf32, #tpu.memory_space<vmem>>) target_semaphore(%arg16 : memref<!tpu.dma_semaphore, #tpu.memory_space<semaphore_mem>>)
    %broadcast_in_dim3A = arith.constant 0.000000e+00 : f32
    %broadcast_in_dim3A_14 = vector.broadcast %broadcast_in_dim3A : f32 to vector<16xf32>
    %parallel_loop3A = arith.constant 0 : i32
    %parallel_loop3A_15 = arith.constant 2560 : i32
    %parallel_loop3A_16 = arith.constant 1 : i32
    scf.for %parallel_loop3A_756 = %parallel_loop3A to %parallel_loop3A_15 step %parallel_loop3A_16  : i32 {
      %parallel_loop3A_757 = arith.constant 16 : i32
      %parallel_loop3A_758 = arith.muli %parallel_loop3A_756, %parallel_loop3A_757 : i32
      %parallel_loop3A_759 = arith.index_cast %parallel_loop3A_758 : i32 to index
      %parallel_loop3A_760 = tpu.vector_load %arg8[%parallel_loop3A_759] {strides = array<i32>} : memref<40960xf32, #tpu.memory_space<vmem>>, vector<16xf32>,
      tpu.vector_store %arg8[%parallel_loop3A_759], %broadcast_in_dim3A_14 {strides = array<i32>} : memref<40960xf32, #tpu.memory_space<vmem>>, vector<16xf32>,
    } {sc.loop_unroll_factor = 8 : i64, sc.parallel_access}
    tpu.wait_dma2 semaphore(%arg14 : memref<!tpu.dma_semaphore, #tpu.memory_space<semaphore_mem>>) src(%arg2 : memref<40960xf32, #tpu.memory_space<hbm>>) dst(%arg7 : memref<40960xf32, #tpu.memory_space<vmem>>)
    %add3A_17 = arith.constant 4000 : i32
    %add3A_18 = arith.addi %mul3A_2, %add3A_17 : i32
    %dma_start3A_19 = arith.constant 0 : i32
    %dma_start3A_20 = tpu.memref_slice %arg10[%dma_start3A_19] : memref<4096xf32, #tpu.memory_space<vmem>> -> memref<4000xf32, #tpu.memory_space<vmem>>
    %dma_start3A_21 = tpu.memref_slice %arg3[%add3A_18] : memref<640000xf32, #tpu.memory_space<hbm>> -> memref<4000xf32, #tpu.memory_space<hbm>>
    %dma_start3A_22 = arith.constant 0 : i32
    %dma_start3A_23 = tpu.memref_slice %arg10[%dma_start3A_22] : memref<4096xf32, #tpu.memory_space<vmem>> -> memref<4000xf32, #tpu.memory_space<vmem>>
    %dma_start3A_24 = tpu.memref_slice %arg3[%add3A_18] : memref<640000xf32, #tpu.memory_space<hbm>> -> memref<4000xf32, #tpu.memory_space<hbm>>
    tpu.enqueue_dma source(%dma_start3A_24 : memref<4000xf32, #tpu.memory_space<hbm>>) target(%dma_start3A_23 : memref<4000xf32, #tpu.memory_space<vmem>>) target_semaphore(%arg15 : memref<!tpu.dma_semaphore, #tpu.memory_space<semaphore_mem>>)
    %dma_start3A_25 = arith.constant 0 : i32
    %dma_start3A_26 = tpu.memref_slice %arg12[%dma_start3A_25] : memref<4096xf32, #tpu.memory_space<vmem>> -> memref<4000xf32, #tpu.memory_space<vmem>>
    %dma_start3A_27 = tpu.memref_slice %arg4[%add3A_18] : memref<640000xf32, #tpu.memory_space<hbm>> -> memref<4000xf32, #tpu.memory_space<hbm>>
    %dma_start3A_28 = arith.constant 0 : i32
    %dma_start3A_29 = tpu.memref_slice %arg12[%dma_start3A_28] : memref<4096xf32, #tpu.memory_space<vmem>> -> memref<4000xf32, #tpu.memory_space<vmem>>
    %dma_start3A_30 = tpu.memref_slice %arg4[%add3A_18] : memref<640000xf32, #tpu.memory_space<hbm>> -> memref<4000xf32, #tpu.memory_space<hbm>>
    tpu.enqueue_dma source(%dma_start3A_30 : memref<4000xf32, #tpu.memory_space<hbm>>) target(%dma_start3A_29 : memref<4000xf32, #tpu.memory_space<vmem>>) target_semaphore(%arg16 : memref<!tpu.dma_semaphore, #tpu.memory_space<semaphore_mem>>)
    %dma_wait3A = arith.constant 0 : i32
    %dma_wait3A_31 = tpu.memref_slice %arg9[%dma_wait3A] : memref<4096xf32, #tpu.memory_space<vmem>> -> memref<4000xf32, #tpu.memory_space<vmem>>
    %dma_wait3A_32 = tpu.memref_slice %arg3[%mul3A_2] : memref<640000xf32, #tpu.memory_space<hbm>> -> memref<4000xf32, #tpu.memory_space<hbm>>
    %dma_wait3A_33 = arith.constant 0 : i32
    %dma_wait3A_34 = tpu.memref_slice %arg9[%dma_wait3A_33] : memref<4096xf32, #tpu.memory_space<vmem>> -> memref<4000xf32, #tpu.memory_space<vmem>>
    %dma_wait3A_35 = tpu.memref_slice %arg3[%mul3A_2] : memref<640000xf32, #tpu.memory_space<hbm>> -> memref<4000xf32, #tpu.memory_space<hbm>>
    tpu.wait_dma2 semaphore(%arg15 : memref<!tpu.dma_semaphore, #tpu.memory_space<semaphore_mem>>) src(%dma_wait3A_35 : memref<4000xf32, #tpu.memory_space<hbm>>) dst(%dma_wait3A_34 : memref<4000xf32, #tpu.memory_space<vmem>>)
    %dma_wait3A_36 = arith.constant 0 : i32
    %dma_wait3A_37 = tpu.memref_slice %arg11[%dma_wait3A_36] : memref<4096xf32, #tpu.memory_space<vmem>> -> memref<4000xf32, #tpu.memory_space<vmem>>
    %dma_wait3A_38 = tpu.memref_slice %arg4[%mul3A_2] : memref<640000xf32, #tpu.memory_space<hbm>> -> memref<4000xf32, #tpu.memory_space<hbm>>
    %dma_wait3A_39 = arith.constant 0 : i32
    %dma_wait3A_40 = tpu.memref_slice %arg11[%dma_wait3A_39] : memref<4096xf32, #tpu.memory_space<vmem>> -> memref<4000xf32, #tpu.memory_space<vmem>>
    %dma_wait3A_41 = tpu.memref_slice %arg4[%mul3A_2] : memref<640000xf32, #tpu.memory_space<hbm>> -> memref<4000xf32, #tpu.memory_space<hbm>>
    tpu.wait_dma2 semaphore(%arg16 : memref<!tpu.dma_semaphore, #tpu.memory_space<semaphore_mem>>) src(%dma_wait3A_41 : memref<4000xf32, #tpu.memory_space<hbm>>) dst(%dma_wait3A_40 : memref<4000xf32, #tpu.memory_space<vmem>>)
    %parallel_loop3A_42 = arith.constant 0 : i32
    %parallel_loop3A_43 = arith.constant 250 : i32
    %parallel_loop3A_44 = arith.constant 1 : i32
    scf.for %parallel_loop3A_756 = %parallel_loop3A_42 to %parallel_loop3A_43 step %parallel_loop3A_44  : i32 {
      %parallel_loop3A_757 = arith.constant 16 : i32
      %parallel_loop3A_758 = arith.muli %parallel_loop3A_756, %parallel_loop3A_757 : i32
      %parallel_loop3A_759 = arith.index_cast %parallel_loop3A_758 : i32 to index
      %parallel_loop3A_760 = tpu.vector_load %arg9[%parallel_loop3A_759] {strides = array<i32>} : memref<4096xf32, #tpu.memory_space<vmem>>, vector<16xf32>,
      %parallel_loop3A_761 = vector.bitcast %parallel_loop3A_760 : vector<16xf32> to vector<16xi32>
      %parallel_loop3A_762 = arith.constant 16 : i32
      %parallel_loop3A_763 = arith.muli %parallel_loop3A_756, %parallel_loop3A_762 : i32
      %parallel_loop3A_764 = arith.index_cast %parallel_loop3A_763 : i32 to index
      %parallel_loop3A_765 = tpu.vector_load %arg11[%parallel_loop3A_764] {strides = array<i32>} : memref<4096xf32, #tpu.memory_space<vmem>>, vector<16xf32>,
      %parallel_loop3A_766 = vector.bitcast %parallel_loop3A_765 : vector<16xf32> to vector<16xi32>
      %parallel_loop3A_767 = tpu.vector_load_idx %arg7[%parallel_loop3A_761] : memref<40960xf32, #tpu.memory_space<vmem>>[vector<16xi32>], vector<16xf32>,
      %parallel_loop3A_768 = tpu.vector_load_idx %arg7[%parallel_loop3A_766] : memref<40960xf32, #tpu.memory_space<vmem>>[vector<16xi32>], vector<16xf32>,
      %parallel_loop3A_769 = arith.subf %parallel_loop3A_768, %parallel_loop3A_767 : vector<16xf32>
      tpu.vector_store_idx %arg8[%parallel_loop3A_766], %parallel_loop3A_769 {add = true} : memref<40960xf32, #tpu.memory_space<vmem>>[vector<16xi32>], vector<16xf32>,
      %parallel_loop3A_770 = arith.constant 0.000000e+00 : f32
      %parallel_loop3A_771 = vector.broadcast %parallel_loop3A_770 : f32 to vector<16xf32>
      %parallel_loop3A_772 = arith.subf %parallel_loop3A_771, %parallel_loop3A_769 : vector<16xf32>
      tpu.vector_store_idx %arg8[%parallel_loop3A_761], %parallel_loop3A_772 {add = true} : memref<40960xf32, #tpu.memory_space<vmem>>[vector<16xi32>], vector<16xf32>,
      %parallel_loop3A_773 = arith.constant 10240 : i32
      %parallel_loop3A_774 = vector.broadcast %parallel_loop3A_773 : i32 to vector<16xi32>
      %parallel_loop3A_775 = arith.addi %parallel_loop3A_761, %parallel_loop3A_774 : vector<16xi32>
      %parallel_loop3A_776 = arith.constant 10240 : i32
      %parallel_loop3A_777 = vector.broadcast %parallel_loop3A_776 : i32 to vector<16xi32>
      %parallel_loop3A_778 = arith.addi %parallel_loop3A_766, %parallel_loop3A_777 : vector<16xi32>
      %parallel_loop3A_779 = tpu.vector_load_idx %arg7[%parallel_loop3A_775] : memref<40960xf32, #tpu.memory_space<vmem>>[vector<16xi32>], vector<16xf32>,
      %parallel_loop3A_780 = tpu.vector_load_idx %arg7[%parallel_loop3A_778] : memref<40960xf32, #tpu.memory_space<vmem>>[vector<16xi32>], vector<16xf32>,
      %parallel_loop3A_781 = arith.subf %parallel_loop3A_780, %parallel_loop3A_779 : vector<16xf32>
      tpu.vector_store_idx %arg8[%parallel_loop3A_778], %parallel_loop3A_781 {add = true} : memref<40960xf32, #tpu.memory_space<vmem>>[vector<16xi32>], vector<16xf32>,
      %parallel_loop3A_782 = arith.constant 0.000000e+00 : f32
      %parallel_loop3A_783 = vector.broadcast %parallel_loop3A_782 : f32 to vector<16xf32>
      %parallel_loop3A_784 = arith.subf %parallel_loop3A_783, %parallel_loop3A_781 : vector<16xf32>
      tpu.vector_store_idx %arg8[%parallel_loop3A_775], %parallel_loop3A_784 {add = true} : memref<40960xf32, #tpu.memory_space<vmem>>[vector<16xi32>], vector<16xf32>,
      %parallel_loop3A_785 = arith.constant 20480 : i32
      %parallel_loop3A_786 = vector.broadcast %parallel_loop3A_785 : i32 to vector<16xi32>
      %parallel_loop3A_787 = arith.addi %parallel_loop3A_761, %parallel_loop3A_786 : vector<16xi32>
      %parallel_loop3A_788 = arith.constant 20480 : i32
      %parallel_loop3A_789 = vector.broadcast %parallel_loop3A_788 : i32 to vector<16xi32>
      %parallel_loop3A_790 = arith.addi %parallel_loop3A_766, %parallel_loop3A_789 : vector<16xi32>
      %parallel_loop3A_791 = tpu.vector_load_idx %arg7[%parallel_loop3A_787] : memref<40960xf32, #tpu.memory_space<vmem>>[vector<16xi32>], vector<16xf32>,
      %parallel_loop3A_792 = tpu.vector_load_idx %arg7[%parallel_loop3A_790] : memref<40960xf32, #tpu.memory_space<vmem>>[vector<16xi32>], vector<16xf32>,
      %parallel_loop3A_793 = arith.subf %parallel_loop3A_792, %parallel_loop3A_791 : vector<16xf32>
      tpu.vector_store_idx %arg8[%parallel_loop3A_790], %parallel_loop3A_793 {add = true} : memref<40960xf32, #tpu.memory_space<vmem>>[vector<16xi32>], vector<16xf32>,
      %parallel_loop3A_794 = arith.constant 0.000000e+00 : f32
      %parallel_loop3A_795 = vector.broadcast %parallel_loop3A_794 : f32 to vector<16xf32>
      %parallel_loop3A_796 = arith.subf %parallel_loop3A_795, %parallel_loop3A_793 : vector<16xf32>
      tpu.vector_store_idx %arg8[%parallel_loop3A_787], %parallel_loop3A_796 {add = true} : memref<40960xf32, #tpu.memory_space<vmem>>[vector<16xi32>], vector<16xf32>,
      %parallel_loop3A_797 = arith.constant 30720 : i32
      %parallel_loop3A_798 = vector.broadcast %parallel_loop3A_797 : i32 to vector<16xi32>
      %parallel_loop3A_799 = arith.addi %parallel_loop3A_761, %parallel_loop3A_798 : vector<16xi32>
      %parallel_loop3A_800 = arith.constant 30720 : i32
      %parallel_loop3A_801 = vector.broadcast %parallel_loop3A_800 : i32 to vector<16xi32>
      %parallel_loop3A_802 = arith.addi %parallel_loop3A_766, %parallel_loop3A_801 : vector<16xi32>
      %parallel_loop3A_803 = tpu.vector_load_idx %arg7[%parallel_loop3A_799] : memref<40960xf32, #tpu.memory_space<vmem>>[vector<16xi32>], vector<16xf32>,
      %parallel_loop3A_804 = tpu.vector_load_idx %arg7[%parallel_loop3A_802] : memref<40960xf32, #tpu.memory_space<vmem>>[vector<16xi32>], vector<16xf32>,
      %parallel_loop3A_805 = arith.subf %parallel_loop3A_804, %parallel_loop3A_803 : vector<16xf32>
      tpu.vector_store_idx %arg8[%parallel_loop3A_802], %parallel_loop3A_805 {add = true} : memref<40960xf32, #tpu.memory_space<vmem>>[vector<16xi32>], vector<16xf32>,
      %parallel_loop3A_806 = arith.constant 0.000000e+00 : f32
      %parallel_loop3A_807 = vector.broadcast %parallel_loop3A_806 : f32 to vector<16xf32>
      %parallel_loop3A_808 = arith.subf %parallel_loop3A_807, %parallel_loop3A_805 : vector<16xf32>
      tpu.vector_store_idx %arg8[%parallel_loop3A_799], %parallel_loop3A_808 {add = true} : memref<40960xf32, #tpu.memory_space<vmem>>[vector<16xi32>], vector<16xf32>,
    } {sc.loop_unroll_factor = 10 : i64, sc.parallel_access}
    %add3A_45 = arith.constant 8000 : i32
    %add3A_46 = arith.addi %mul3A_2, %add3A_45 : i32
    %dma_start3A_47 = arith.constant 0 : i32
    %dma_start3A_48 = tpu.memref_slice %arg9[%dma_start3A_47] : memref<4096xf32, #tpu.memory_space<vmem>> -> memref<4000xf32, #tpu.memory_space<vmem>>
    %dma_start3A_49 = tpu.memref_slice %arg3[%add3A_46] : memref<640000xf32, #tpu.memory_space<hbm>> -> memref<4000xf32, #tpu.memory_space<hbm>>
    %dma_start3A_50 = arith.constant 0 : i32
    %dma_start3A_51 = tpu.memref_slice %arg9[%dma_start3A_50] : memref<4096xf32, #tpu.memory_space<vmem>> -> memref<4000xf32, #tpu.memory_space<vmem>>
    %dma_start3A_52 = tpu.memref_slice %arg3[%add3A_46] : memref<640000xf32, #tpu.memory_space<hbm>> -> memref<4000xf32, #tpu.memory_space<hbm>>
    tpu.enqueue_dma source(%dma_start3A_52 : memref<4000xf32, #tpu.memory_space<hbm>>) target(%dma_start3A_51 : memref<4000xf32, #tpu.memory_space<vmem>>) target_semaphore(%arg15 : memref<!tpu.dma_semaphore, #tpu.memory_space<semaphore_mem>>)
    %dma_start3A_53 = arith.constant 0 : i32
    %dma_start3A_54 = tpu.memref_slice %arg11[%dma_start3A_53] : memref<4096xf32, #tpu.memory_space<vmem>> -> memref<4000xf32, #tpu.memory_space<vmem>>
    %dma_start3A_55 = tpu.memref_slice %arg4[%add3A_46] : memref<640000xf32, #tpu.memory_space<hbm>> -> memref<4000xf32, #tpu.memory_space<hbm>>
    %dma_start3A_56 = arith.constant 0 : i32
    %dma_start3A_57 = tpu.memref_slice %arg11[%dma_start3A_56] : memref<4096xf32, #tpu.memory_space<vmem>> -> memref<4000xf32, #tpu.memory_space<vmem>>
    %dma_start3A_58 = tpu.memref_slice %arg4[%add3A_46] : memref<640000xf32, #tpu.memory_space<hbm>> -> memref<4000xf32, #tpu.memory_space<hbm>>
    tpu.enqueue_dma source(%dma_start3A_58 : memref<4000xf32, #tpu.memory_space<hbm>>) target(%dma_start3A_57 : memref<4000xf32, #tpu.memory_space<vmem>>) target_semaphore(%arg16 : memref<!tpu.dma_semaphore, #tpu.memory_space<semaphore_mem>>)
    %dma_wait3A_59 = arith.constant 0 : i32
    %dma_wait3A_60 = tpu.memref_slice %arg10[%dma_wait3A_59] : memref<4096xf32, #tpu.memory_space<vmem>> -> memref<4000xf32, #tpu.memory_space<vmem>>
    %dma_wait3A_61 = tpu.memref_slice %arg3[%add3A_18] : memref<640000xf32, #tpu.memory_space<hbm>> -> memref<4000xf32, #tpu.memory_space<hbm>>
    %dma_wait3A_62 = arith.constant 0 : i32
    %dma_wait3A_63 = tpu.memref_slice %arg10[%dma_wait3A_62] : memref<4096xf32, #tpu.memory_space<vmem>> -> memref<4000xf32, #tpu.memory_space<vmem>>
    %dma_wait3A_64 = tpu.memref_slice %arg3[%add3A_18] : memref<640000xf32, #tpu.memory_space<hbm>> -> memref<4000xf32, #tpu.memory_space<hbm>>
    tpu.wait_dma2 semaphore(%arg15 : memref<!tpu.dma_semaphore, #tpu.memory_space<semaphore_mem>>) src(%dma_wait3A_64 : memref<4000xf32, #tpu.memory_space<hbm>>) dst(%dma_wait3A_63 : memref<4000xf32, #tpu.memory_space<vmem>>)
    %dma_wait3A_65 = arith.constant 0 : i32
    %dma_wait3A_66 = tpu.memref_slice %arg12[%dma_wait3A_65] : memref<4096xf32, #tpu.memory_space<vmem>> -> memref<4000xf32, #tpu.memory_space<vmem>>
    %dma_wait3A_67 = tpu.memref_slice %arg4[%add3A_18] : memref<640000xf32, #tpu.memory_space<hbm>> -> memref<4000xf32, #tpu.memory_space<hbm>>
    %dma_wait3A_68 = arith.constant 0 : i32
    %dma_wait3A_69 = tpu.memref_slice %arg12[%dma_wait3A_68] : memref<4096xf32, #tpu.memory_space<vmem>> -> memref<4000xf32, #tpu.memory_space<vmem>>
    %dma_wait3A_70 = tpu.memref_slice %arg4[%add3A_18] : memref<640000xf32, #tpu.memory_space<hbm>> -> memref<4000xf32, #tpu.memory_space<hbm>>
    tpu.wait_dma2 semaphore(%arg16 : memref<!tpu.dma_semaphore, #tpu.memory_space<semaphore_mem>>) src(%dma_wait3A_70 : memref<4000xf32, #tpu.memory_space<hbm>>) dst(%dma_wait3A_69 : memref<4000xf32, #tpu.memory_space<vmem>>)
    %parallel_loop3A_71 = arith.constant 0 : i32
    %parallel_loop3A_72 = arith.constant 250 : i32
    %parallel_loop3A_73 = arith.constant 1 : i32
    scf.for %parallel_loop3A_756 = %parallel_loop3A_71 to %parallel_loop3A_72 step %parallel_loop3A_73  : i32 {
      %parallel_loop3A_757 = arith.constant 16 : i32
      %parallel_loop3A_758 = arith.muli %parallel_loop3A_756, %parallel_loop3A_757 : i32
      %parallel_loop3A_759 = arith.index_cast %parallel_loop3A_758 : i32 to index
      %parallel_loop3A_760 = tpu.vector_load %arg10[%parallel_loop3A_759] {strides = array<i32>} : memref<4096xf32, #tpu.memory_space<vmem>>, vector<16xf32>,
      %parallel_loop3A_761 = vector.bitcast %parallel_loop3A_760 : vector<16xf32> to vector<16xi32>
      %parallel_loop3A_762 = arith.constant 16 : i32
      %parallel_loop3A_763 = arith.muli %parallel_loop3A_756, %parallel_loop3A_762 : i32
      %parallel_loop3A_764 = arith.index_cast %parallel_loop3A_763 : i32 to index
      %parallel_loop3A_765 = tpu.vector_load %arg12[%parallel_loop3A_764] {strides = array<i32>} : memref<4096xf32, #tpu.memory_space<vmem>>, vector<16xf32>,
      %parallel_loop3A_766 = vector.bitcast %parallel_loop3A_765 : vector<16xf32> to vector<16xi32>
      %parallel_loop3A_767 = tpu.vector_load_idx %arg7[%parallel_loop3A_761] : memref<40960xf32, #tpu.memory_space<vmem>>[vector<16xi32>], vector<16xf32>,
      %parallel_loop3A_768 = tpu.vector_load_idx %arg7[%parallel_loop3A_766] : memref<40960xf32, #tpu.memory_space<vmem>>[vector<16xi32>], vector<16xf32>,
      %parallel_loop3A_769 = arith.subf %parallel_loop3A_768, %parallel_loop3A_767 : vector<16xf32>
      tpu.vector_store_idx %arg8[%parallel_loop3A_766], %parallel_loop3A_769 {add = true} : memref<40960xf32, #tpu.memory_space<vmem>>[vector<16xi32>], vector<16xf32>,
      %parallel_loop3A_770 = arith.constant 0.000000e+00 : f32
      %parallel_loop3A_771 = vector.broadcast %parallel_loop3A_770 : f32 to vector<16xf32>
      %parallel_loop3A_772 = arith.subf %parallel_loop3A_771, %parallel_loop3A_769 : vector<16xf32>
      tpu.vector_store_idx %arg8[%parallel_loop3A_761], %parallel_loop3A_772 {add = true} : memref<40960xf32, #tpu.memory_space<vmem>>[vector<16xi32>], vector<16xf32>,
      %parallel_loop3A_773 = arith.constant 10240 : i32
      %parallel_loop3A_774 = vector.broadcast %parallel_loop3A_773 : i32 to vector<16xi32>
      %parallel_loop3A_775 = arith.addi %parallel_loop3A_761, %parallel_loop3A_774 : vector<16xi32>
      %parallel_loop3A_776 = arith.constant 10240 : i32
      %parallel_loop3A_777 = vector.broadcast %parallel_loop3A_776 : i32 to vector<16xi32>
      %parallel_loop3A_778 = arith.addi %parallel_loop3A_766, %parallel_loop3A_777 : vector<16xi32>
      %parallel_loop3A_779 = tpu.vector_load_idx %arg7[%parallel_loop3A_775] : memref<40960xf32, #tpu.memory_space<vmem>>[vector<16xi32>], vector<16xf32>,
      %parallel_loop3A_780 = tpu.vector_load_idx %arg7[%parallel_loop3A_778] : memref<40960xf32, #tpu.memory_space<vmem>>[vector<16xi32>], vector<16xf32>,
      %parallel_loop3A_781 = arith.subf %parallel_loop3A_780, %parallel_loop3A_779 : vector<16xf32>
      tpu.vector_store_idx %arg8[%parallel_loop3A_778], %parallel_loop3A_781 {add = true} : memref<40960xf32, #tpu.memory_space<vmem>>[vector<16xi32>], vector<16xf32>,
      %parallel_loop3A_782 = arith.constant 0.000000e+00 : f32
      %parallel_loop3A_783 = vector.broadcast %parallel_loop3A_782 : f32 to vector<16xf32>
      %parallel_loop3A_784 = arith.subf %parallel_loop3A_783, %parallel_loop3A_781 : vector<16xf32>
      tpu.vector_store_idx %arg8[%parallel_loop3A_775], %parallel_loop3A_784 {add = true} : memref<40960xf32, #tpu.memory_space<vmem>>[vector<16xi32>], vector<16xf32>,
      %parallel_loop3A_785 = arith.constant 20480 : i32
      %parallel_loop3A_786 = vector.broadcast %parallel_loop3A_785 : i32 to vector<16xi32>
      %parallel_loop3A_787 = arith.addi %parallel_loop3A_761, %parallel_loop3A_786 : vector<16xi32>
      %parallel_loop3A_788 = arith.constant 20480 : i32
      %parallel_loop3A_789 = vector.broadcast %parallel_loop3A_788 : i32 to vector<16xi32>
      %parallel_loop3A_790 = arith.addi %parallel_loop3A_766, %parallel_loop3A_789 : vector<16xi32>
      %parallel_loop3A_791 = tpu.vector_load_idx %arg7[%parallel_loop3A_787] : memref<40960xf32, #tpu.memory_space<vmem>>[vector<16xi32>], vector<16xf32>,
      %parallel_loop3A_792 = tpu.vector_load_idx %arg7[%parallel_loop3A_790] : memref<40960xf32, #tpu.memory_space<vmem>>[vector<16xi32>], vector<16xf32>,
      %parallel_loop3A_793 = arith.subf %parallel_loop3A_792, %parallel_loop3A_791 : vector<16xf32>
      tpu.vector_store_idx %arg8[%parallel_loop3A_790], %parallel_loop3A_793 {add = true} : memref<40960xf32, #tpu.memory_space<vmem>>[vector<16xi32>], vector<16xf32>,
      %parallel_loop3A_794 = arith.constant 0.000000e+00 : f32
      %parallel_loop3A_795 = vector.broadcast %parallel_loop3A_794 : f32 to vector<16xf32>
      %parallel_loop3A_796 = arith.subf %parallel_loop3A_795, %parallel_loop3A_793 : vector<16xf32>
      tpu.vector_store_idx %arg8[%parallel_loop3A_787], %parallel_loop3A_796 {add = true} : memref<40960xf32, #tpu.memory_space<vmem>>[vector<16xi32>], vector<16xf32>,
      %parallel_loop3A_797 = arith.constant 30720 : i32
      %parallel_loop3A_798 = vector.broadcast %parallel_loop3A_797 : i32 to vector<16xi32>
      %parallel_loop3A_799 = arith.addi %parallel_loop3A_761, %parallel_loop3A_798 : vector<16xi32>
      %parallel_loop3A_800 = arith.constant 30720 : i32
      %parallel_loop3A_801 = vector.broadcast %parallel_loop3A_800 : i32 to vector<16xi32>
      %parallel_loop3A_802 = arith.addi %parallel_loop3A_766, %parallel_loop3A_801 : vector<16xi32>
      %parallel_loop3A_803 = tpu.vector_load_idx %arg7[%parallel_loop3A_799] : memref<40960xf32, #tpu.memory_space<vmem>>[vector<16xi32>], vector<16xf32>,
      %parallel_loop3A_804 = tpu.vector_load_idx %arg7[%parallel_loop3A_802] : memref<40960xf32, #tpu.memory_space<vmem>>[vector<16xi32>], vector<16xf32>,
      %parallel_loop3A_805 = arith.subf %parallel_loop3A_804, %parallel_loop3A_803 : vector<16xf32>
      tpu.vector_store_idx %arg8[%parallel_loop3A_802], %parallel_loop3A_805 {add = true} : memref<40960xf32, #tpu.memory_space<vmem>>[vector<16xi32>], vector<16xf32>,
      %parallel_loop3A_806 = arith.constant 0.000000e+00 : f32
      %parallel_loop3A_807 = vector.broadcast %parallel_loop3A_806 : f32 to vector<16xf32>
      %parallel_loop3A_808 = arith.subf %parallel_loop3A_807, %parallel_loop3A_805 : vector<16xf32>
      tpu.vector_store_idx %arg8[%parallel_loop3A_799], %parallel_loop3A_808 {add = true} : memref<40960xf32, #tpu.memory_space<vmem>>[vector<16xi32>], vector<16xf32>,
    } {sc.loop_unroll_factor = 10 : i64, sc.parallel_access}
    %add3A_74 = arith.constant 12000 : i32
    %add3A_75 = arith.addi %mul3A_2, %add3A_74 : i32
    %dma_start3A_76 = arith.constant 0 : i32
    %dma_start3A_77 = tpu.memref_slice %arg10[%dma_start3A_76] : memref<4096xf32, #tpu.memory_space<vmem>> -> memref<4000xf32, #tpu.memory_space<vmem>>
    %dma_start3A_78 = tpu.memref_slice %arg3[%add3A_75] : memref<640000xf32, #tpu.memory_space<hbm>> -> memref<4000xf32, #tpu.memory_space<hbm>>
    %dma_start3A_79 = arith.constant 0 : i32
    %dma_start3A_80 = tpu.memref_slice %arg10[%dma_start3A_79] : memref<4096xf32, #tpu.memory_space<vmem>> -> memref<4000xf32, #tpu.memory_space<vmem>>
    %dma_start3A_81 = tpu.memref_slice %arg3[%add3A_75] : memref<640000xf32, #tpu.memory_space<hbm>> -> memref<4000xf32, #tpu.memory_space<hbm>>
    tpu.enqueue_dma source(%dma_start3A_81 : memref<4000xf32, #tpu.memory_space<hbm>>) target(%dma_start3A_80 : memref<4000xf32, #tpu.memory_space<vmem>>) target_semaphore(%arg15 : memref<!tpu.dma_semaphore, #tpu.memory_space<semaphore_mem>>)
    %dma_start3A_82 = arith.constant 0 : i32
    %dma_start3A_83 = tpu.memref_slice %arg12[%dma_start3A_82] : memref<4096xf32, #tpu.memory_space<vmem>> -> memref<4000xf32, #tpu.memory_space<vmem>>
    %dma_start3A_84 = tpu.memref_slice %arg4[%add3A_75] : memref<640000xf32, #tpu.memory_space<hbm>> -> memref<4000xf32, #tpu.memory_space<hbm>>
    %dma_start3A_85 = arith.constant 0 : i32
    %dma_start3A_86 = tpu.memref_slice %arg12[%dma_start3A_85] : memref<4096xf32, #tpu.memory_space<vmem>> -> memref<4000xf32, #tpu.memory_space<vmem>>
    %dma_start3A_87 = tpu.memref_slice %arg4[%add3A_75] : memref<640000xf32, #tpu.memory_space<hbm>> -> memref<4000xf32, #tpu.memory_space<hbm>>
    tpu.enqueue_dma source(%dma_start3A_87 : memref<4000xf32, #tpu.memory_space<hbm>>) target(%dma_start3A_86 : memref<4000xf32, #tpu.memory_space<vmem>>) target_semaphore(%arg16 : memref<!tpu.dma_semaphore, #tpu.memory_space<semaphore_mem>>)
    %dma_wait3A_88 = arith.constant 0 : i32
    %dma_wait3A_89 = tpu.memref_slice %arg9[%dma_wait3A_88] : memref<4096xf32, #tpu.memory_space<vmem>> -> memref<4000xf32, #tpu.memory_space<vmem>>
    %dma_wait3A_90 = tpu.memref_slice %arg3[%add3A_46] : memref<640000xf32, #tpu.memory_space<hbm>> -> memref<4000xf32, #tpu.memory_space<hbm>>
    %dma_wait3A_91 = arith.constant 0 : i32
    %dma_wait3A_92 = tpu.memref_slice %arg9[%dma_wait3A_91] : memref<4096xf32, #tpu.memory_space<vmem>> -> memref<4000xf32, #tpu.memory_space<vmem>>
    %dma_wait3A_93 = tpu.memref_slice %arg3[%add3A_46] : memref<640000xf32, #tpu.memory_space<hbm>> -> memref<4000xf32, #tpu.memory_space<hbm>>
    tpu.wait_dma2 semaphore(%arg15 : memref<!tpu.dma_semaphore, #tpu.memory_space<semaphore_mem>>) src(%dma_wait3A_93 : memref<4000xf32, #tpu.memory_space<hbm>>) dst(%dma_wait3A_92 : memref<4000xf32, #tpu.memory_space<vmem>>)
    %dma_wait3A_94 = arith.constant 0 : i32
    %dma_wait3A_95 = tpu.memref_slice %arg11[%dma_wait3A_94] : memref<4096xf32, #tpu.memory_space<vmem>> -> memref<4000xf32, #tpu.memory_space<vmem>>
    %dma_wait3A_96 = tpu.memref_slice %arg4[%add3A_46] : memref<640000xf32, #tpu.memory_space<hbm>> -> memref<4000xf32, #tpu.memory_space<hbm>>
    %dma_wait3A_97 = arith.constant 0 : i32
    %dma_wait3A_98 = tpu.memref_slice %arg11[%dma_wait3A_97] : memref<4096xf32, #tpu.memory_space<vmem>> -> memref<4000xf32, #tpu.memory_space<vmem>>
    %dma_wait3A_99 = tpu.memref_slice %arg4[%add3A_46] : memref<640000xf32, #tpu.memory_space<hbm>> -> memref<4000xf32, #tpu.memory_space<hbm>>
    tpu.wait_dma2 semaphore(%arg16 : memref<!tpu.dma_semaphore, #tpu.memory_space<semaphore_mem>>) src(%dma_wait3A_99 : memref<4000xf32, #tpu.memory_space<hbm>>) dst(%dma_wait3A_98 : memref<4000xf32, #tpu.memory_space<vmem>>)
    %parallel_loop3A_100 = arith.constant 0 : i32
    %parallel_loop3A_101 = arith.constant 250 : i32
    %parallel_loop3A_102 = arith.constant 1 : i32
    scf.for %parallel_loop3A_756 = %parallel_loop3A_100 to %parallel_loop3A_101 step %parallel_loop3A_102  : i32 {
      %parallel_loop3A_757 = arith.constant 16 : i32
      %parallel_loop3A_758 = arith.muli %parallel_loop3A_756, %parallel_loop3A_757 : i32
      %parallel_loop3A_759 = arith.index_cast %parallel_loop3A_758 : i32 to index
      %parallel_loop3A_760 = tpu.vector_load %arg9[%parallel_loop3A_759] {strides = array<i32>} : memref<4096xf32, #tpu.memory_space<vmem>>, vector<16xf32>,
      %parallel_loop3A_761 = vector.bitcast %parallel_loop3A_760 : vector<16xf32> to vector<16xi32>
      %parallel_loop3A_762 = arith.constant 16 : i32
      %parallel_loop3A_763 = arith.muli %parallel_loop3A_756, %parallel_loop3A_762 : i32
      %parallel_loop3A_764 = arith.index_cast %parallel_loop3A_763 : i32 to index
      %parallel_loop3A_765 = tpu.vector_load %arg11[%parallel_loop3A_764] {strides = array<i32>} : memref<4096xf32, #tpu.memory_space<vmem>>, vector<16xf32>,
      %parallel_loop3A_766 = vector.bitcast %parallel_loop3A_765 : vector<16xf32> to vector<16xi32>
      %parallel_loop3A_767 = tpu.vector_load_idx %arg7[%parallel_loop3A_761] : memref<40960xf32, #tpu.memory_space<vmem>>[vector<16xi32>], vector<16xf32>,
      %parallel_loop3A_768 = tpu.vector_load_idx %arg7[%parallel_loop3A_766] : memref<40960xf32, #tpu.memory_space<vmem>>[vector<16xi32>], vector<16xf32>,
      %parallel_loop3A_769 = arith.subf %parallel_loop3A_768, %parallel_loop3A_767 : vector<16xf32>
      tpu.vector_store_idx %arg8[%parallel_loop3A_766], %parallel_loop3A_769 {add = true} : memref<40960xf32, #tpu.memory_space<vmem>>[vector<16xi32>], vector<16xf32>,
      %parallel_loop3A_770 = arith.constant 0.000000e+00 : f32
      %parallel_loop3A_771 = vector.broadcast %parallel_loop3A_770 : f32 to vector<16xf32>
      %parallel_loop3A_772 = arith.subf %parallel_loop3A_771, %parallel_loop3A_769 : vector<16xf32>
      tpu.vector_store_idx %arg8[%parallel_loop3A_761], %parallel_loop3A_772 {add = true} : memref<40960xf32, #tpu.memory_space<vmem>>[vector<16xi32>], vector<16xf32>,
      %parallel_loop3A_773 = arith.constant 10240 : i32
      %parallel_loop3A_774 = vector.broadcast %parallel_loop3A_773 : i32 to vector<16xi32>
      %parallel_loop3A_775 = arith.addi %parallel_loop3A_761, %parallel_loop3A_774 : vector<16xi32>
      %parallel_loop3A_776 = arith.constant 10240 : i32
      %parallel_loop3A_777 = vector.broadcast %parallel_loop3A_776 : i32 to vector<16xi32>
      %parallel_loop3A_778 = arith.addi %parallel_loop3A_766, %parallel_loop3A_777 : vector<16xi32>
      %parallel_loop3A_779 = tpu.vector_load_idx %arg7[%parallel_loop3A_775] : memref<40960xf32, #tpu.memory_space<vmem>>[vector<16xi32>], vector<16xf32>,
      %parallel_loop3A_780 = tpu.vector_load_idx %arg7[%parallel_loop3A_778] : memref<40960xf32, #tpu.memory_space<vmem>>[vector<16xi32>], vector<16xf32>,
      %parallel_loop3A_781 = arith.subf %parallel_loop3A_780, %parallel_loop3A_779 : vector<16xf32>
      tpu.vector_store_idx %arg8[%parallel_loop3A_778], %parallel_loop3A_781 {add = true} : memref<40960xf32, #tpu.memory_space<vmem>>[vector<16xi32>], vector<16xf32>,
      %parallel_loop3A_782 = arith.constant 0.000000e+00 : f32
      %parallel_loop3A_783 = vector.broadcast %parallel_loop3A_782 : f32 to vector<16xf32>
      %parallel_loop3A_784 = arith.subf %parallel_loop3A_783, %parallel_loop3A_781 : vector<16xf32>
      tpu.vector_store_idx %arg8[%parallel_loop3A_775], %parallel_loop3A_784 {add = true} : memref<40960xf32, #tpu.memory_space<vmem>>[vector<16xi32>], vector<16xf32>,
      %parallel_loop3A_785 = arith.constant 20480 : i32
      %parallel_loop3A_786 = vector.broadcast %parallel_loop3A_785 : i32 to vector<16xi32>
      %parallel_loop3A_787 = arith.addi %parallel_loop3A_761, %parallel_loop3A_786 : vector<16xi32>
      %parallel_loop3A_788 = arith.constant 20480 : i32
      %parallel_loop3A_789 = vector.broadcast %parallel_loop3A_788 : i32 to vector<16xi32>
      %parallel_loop3A_790 = arith.addi %parallel_loop3A_766, %parallel_loop3A_789 : vector<16xi32>
      %parallel_loop3A_791 = tpu.vector_load_idx %arg7[%parallel_loop3A_787] : memref<40960xf32, #tpu.memory_space<vmem>>[vector<16xi32>], vector<16xf32>,
      %parallel_loop3A_792 = tpu.vector_load_idx %arg7[%parallel_loop3A_790] : memref<40960xf32, #tpu.memory_space<vmem>>[vector<16xi32>], vector<16xf32>,
      %parallel_loop3A_793 = arith.subf %parallel_loop3A_792, %parallel_loop3A_791 : vector<16xf32>
      tpu.vector_store_idx %arg8[%parallel_loop3A_790], %parallel_loop3A_793 {add = true} : memref<40960xf32, #tpu.memory_space<vmem>>[vector<16xi32>], vector<16xf32>,
      %parallel_loop3A_794 = arith.constant 0.000000e+00 : f32
      %parallel_loop3A_795 = vector.broadcast %parallel_loop3A_794 : f32 to vector<16xf32>
      %parallel_loop3A_796 = arith.subf %parallel_loop3A_795, %parallel_loop3A_793 : vector<16xf32>
      tpu.vector_store_idx %arg8[%parallel_loop3A_787], %parallel_loop3A_796 {add = true} : memref<40960xf32, #tpu.memory_space<vmem>>[vector<16xi32>], vector<16xf32>,
      %parallel_loop3A_797 = arith.constant 30720 : i32
      %parallel_loop3A_798 = vector.broadcast %parallel_loop3A_797 : i32 to vector<16xi32>
      %parallel_loop3A_799 = arith.addi %parallel_loop3A_761, %parallel_loop3A_798 : vector<16xi32>
      %parallel_loop3A_800 = arith.constant 30720 : i32
      %parallel_loop3A_801 = vector.broadcast %parallel_loop3A_800 : i32 to vector<16xi32>
      %parallel_loop3A_802 = arith.addi %parallel_loop3A_766, %parallel_loop3A_801 : vector<16xi32>
      %parallel_loop3A_803 = tpu.vector_load_idx %arg7[%parallel_loop3A_799] : memref<40960xf32, #tpu.memory_space<vmem>>[vector<16xi32>], vector<16xf32>,
      %parallel_loop3A_804 = tpu.vector_load_idx %arg7[%parallel_loop3A_802] : memref<40960xf32, #tpu.memory_space<vmem>>[vector<16xi32>], vector<16xf32>,
      %parallel_loop3A_805 = arith.subf %parallel_loop3A_804, %parallel_loop3A_803 : vector<16xf32>
      tpu.vector_store_idx %arg8[%parallel_loop3A_802], %parallel_loop3A_805 {add = true} : memref<40960xf32, #tpu.memory_space<vmem>>[vector<16xi32>], vector<16xf32>,
      %parallel_loop3A_806 = arith.constant 0.000000e+00 : f32
      %parallel_loop3A_807 = vector.broadcast %parallel_loop3A_806 : f32 to vector<16xf32>
      %parallel_loop3A_808 = arith.subf %parallel_loop3A_807, %parallel_loop3A_805 : vector<16xf32>
      tpu.vector_store_idx %arg8[%parallel_loop3A_799], %parallel_loop3A_808 {add = true} : memref<40960xf32, #tpu.memory_space<vmem>>[vector<16xi32>], vector<16xf32>,
    } {sc.loop_unroll_factor = 10 : i64, sc.parallel_access}
    %add3A_103 = arith.constant 16000 : i32
    %add3A_104 = arith.addi %mul3A_2, %add3A_103 : i32
    %dma_start3A_105 = arith.constant 0 : i32
    %dma_start3A_106 = tpu.memref_slice %arg9[%dma_start3A_105] : memref<4096xf32, #tpu.memory_space<vmem>> -> memref<4000xf32, #tpu.memory_space<vmem>>
    %dma_start3A_107 = tpu.memref_slice %arg3[%add3A_104] : memref<640000xf32, #tpu.memory_space<hbm>> -> memref<4000xf32, #tpu.memory_space<hbm>>
    %dma_start3A_108 = arith.constant 0 : i32
    %dma_start3A_109 = tpu.memref_slice %arg9[%dma_start3A_108] : memref<4096xf32, #tpu.memory_space<vmem>> -> memref<4000xf32, #tpu.memory_space<vmem>>
    %dma_start3A_110 = tpu.memref_slice %arg3[%add3A_104] : memref<640000xf32, #tpu.memory_space<hbm>> -> memref<4000xf32, #tpu.memory_space<hbm>>
    tpu.enqueue_dma source(%dma_start3A_110 : memref<4000xf32, #tpu.memory_space<hbm>>) target(%dma_start3A_109 : memref<4000xf32, #tpu.memory_space<vmem>>) target_semaphore(%arg15 : memref<!tpu.dma_semaphore, #tpu.memory_space<semaphore_mem>>)
    %dma_start3A_111 = arith.constant 0 : i32
    %dma_start3A_112 = tpu.memref_slice %arg11[%dma_start3A_111] : memref<4096xf32, #tpu.memory_space<vmem>> -> memref<4000xf32, #tpu.memory_space<vmem>>
    %dma_start3A_113 = tpu.memref_slice %arg4[%add3A_104] : memref<640000xf32, #tpu.memory_space<hbm>> -> memref<4000xf32, #tpu.memory_space<hbm>>
    %dma_start3A_114 = arith.constant 0 : i32
    %dma_start3A_115 = tpu.memref_slice %arg11[%dma_start3A_114] : memref<4096xf32, #tpu.memory_space<vmem>> -> memref<4000xf32, #tpu.memory_space<vmem>>
    %dma_start3A_116 = tpu.memref_slice %arg4[%add3A_104] : memref<640000xf32, #tpu.memory_space<hbm>> -> memref<4000xf32, #tpu.memory_space<hbm>>
    tpu.enqueue_dma source(%dma_start3A_116 : memref<4000xf32, #tpu.memory_space<hbm>>) target(%dma_start3A_115 : memref<4000xf32, #tpu.memory_space<vmem>>) target_semaphore(%arg16 : memref<!tpu.dma_semaphore, #tpu.memory_space<semaphore_mem>>)
    %dma_wait3A_117 = arith.constant 0 : i32
    %dma_wait3A_118 = tpu.memref_slice %arg10[%dma_wait3A_117] : memref<4096xf32, #tpu.memory_space<vmem>> -> memref<4000xf32, #tpu.memory_space<vmem>>
    %dma_wait3A_119 = tpu.memref_slice %arg3[%add3A_75] : memref<640000xf32, #tpu.memory_space<hbm>> -> memref<4000xf32, #tpu.memory_space<hbm>>
    %dma_wait3A_120 = arith.constant 0 : i32
    %dma_wait3A_121 = tpu.memref_slice %arg10[%dma_wait3A_120] : memref<4096xf32, #tpu.memory_space<vmem>> -> memref<4000xf32, #tpu.memory_space<vmem>>
    %dma_wait3A_122 = tpu.memref_slice %arg3[%add3A_75] : memref<640000xf32, #tpu.memory_space<hbm>> -> memref<4000xf32, #tpu.memory_space<hbm>>
    tpu.wait_dma2 semaphore(%arg15 : memref<!tpu.dma_semaphore, #tpu.memory_space<semaphore_mem>>) src(%dma_wait3A_122 : memref<4000xf32, #tpu.memory_space<hbm>>) dst(%dma_wait3A_121 : memref<4000xf32, #tpu.memory_space<vmem>>)
    %dma_wait3A_123 = arith.constant 0 : i32
    %dma_wait3A_124 = tpu.memref_slice %arg12[%dma_wait3A_123] : memref<4096xf32, #tpu.memory_space<vmem>> -> memref<4000xf32, #tpu.memory_space<vmem>>
    %dma_wait3A_125 = tpu.memref_slice %arg4[%add3A_75] : memref<640000xf32, #tpu.memory_space<hbm>> -> memref<4000xf32, #tpu.memory_space<hbm>>
    %dma_wait3A_126 = arith.constant 0 : i32
    %dma_wait3A_127 = tpu.memref_slice %arg12[%dma_wait3A_126] : memref<4096xf32, #tpu.memory_space<vmem>> -> memref<4000xf32, #tpu.memory_space<vmem>>
    %dma_wait3A_128 = tpu.memref_slice %arg4[%add3A_75] : memref<640000xf32, #tpu.memory_space<hbm>> -> memref<4000xf32, #tpu.memory_space<hbm>>
    tpu.wait_dma2 semaphore(%arg16 : memref<!tpu.dma_semaphore, #tpu.memory_space<semaphore_mem>>) src(%dma_wait3A_128 : memref<4000xf32, #tpu.memory_space<hbm>>) dst(%dma_wait3A_127 : memref<4000xf32, #tpu.memory_space<vmem>>)
    %parallel_loop3A_129 = arith.constant 0 : i32
    %parallel_loop3A_130 = arith.constant 250 : i32
    %parallel_loop3A_131 = arith.constant 1 : i32
    scf.for %parallel_loop3A_756 = %parallel_loop3A_129 to %parallel_loop3A_130 step %parallel_loop3A_131  : i32 {
      %parallel_loop3A_757 = arith.constant 16 : i32
      %parallel_loop3A_758 = arith.muli %parallel_loop3A_756, %parallel_loop3A_757 : i32
      %parallel_loop3A_759 = arith.index_cast %parallel_loop3A_758 : i32 to index
      %parallel_loop3A_760 = tpu.vector_load %arg10[%parallel_loop3A_759] {strides = array<i32>} : memref<4096xf32, #tpu.memory_space<vmem>>, vector<16xf32>,
      %parallel_loop3A_761 = vector.bitcast %parallel_loop3A_760 : vector<16xf32> to vector<16xi32>
      %parallel_loop3A_762 = arith.constant 16 : i32
      %parallel_loop3A_763 = arith.muli %parallel_loop3A_756, %parallel_loop3A_762 : i32
      %parallel_loop3A_764 = arith.index_cast %parallel_loop3A_763 : i32 to index
      %parallel_loop3A_765 = tpu.vector_load %arg12[%parallel_loop3A_764] {strides = array<i32>} : memref<4096xf32, #tpu.memory_space<vmem>>, vector<16xf32>,
      %parallel_loop3A_766 = vector.bitcast %parallel_loop3A_765 : vector<16xf32> to vector<16xi32>
      %parallel_loop3A_767 = tpu.vector_load_idx %arg7[%parallel_loop3A_761] : memref<40960xf32, #tpu.memory_space<vmem>>[vector<16xi32>], vector<16xf32>,
      %parallel_loop3A_768 = tpu.vector_load_idx %arg7[%parallel_loop3A_766] : memref<40960xf32, #tpu.memory_space<vmem>>[vector<16xi32>], vector<16xf32>,
      %parallel_loop3A_769 = arith.subf %parallel_loop3A_768, %parallel_loop3A_767 : vector<16xf32>
      tpu.vector_store_idx %arg8[%parallel_loop3A_766], %parallel_loop3A_769 {add = true} : memref<40960xf32, #tpu.memory_space<vmem>>[vector<16xi32>], vector<16xf32>,
      %parallel_loop3A_770 = arith.constant 0.000000e+00 : f32
      %parallel_loop3A_771 = vector.broadcast %parallel_loop3A_770 : f32 to vector<16xf32>
      %parallel_loop3A_772 = arith.subf %parallel_loop3A_771, %parallel_loop3A_769 : vector<16xf32>
      tpu.vector_store_idx %arg8[%parallel_loop3A_761], %parallel_loop3A_772 {add = true} : memref<40960xf32, #tpu.memory_space<vmem>>[vector<16xi32>], vector<16xf32>,
      %parallel_loop3A_773 = arith.constant 10240 : i32
      %parallel_loop3A_774 = vector.broadcast %parallel_loop3A_773 : i32 to vector<16xi32>
      %parallel_loop3A_775 = arith.addi %parallel_loop3A_761, %parallel_loop3A_774 : vector<16xi32>
      %parallel_loop3A_776 = arith.constant 10240 : i32
      %parallel_loop3A_777 = vector.broadcast %parallel_loop3A_776 : i32 to vector<16xi32>
      %parallel_loop3A_778 = arith.addi %parallel_loop3A_766, %parallel_loop3A_777 : vector<16xi32>
      %parallel_loop3A_779 = tpu.vector_load_idx %arg7[%parallel_loop3A_775] : memref<40960xf32, #tpu.memory_space<vmem>>[vector<16xi32>], vector<16xf32>,
      %parallel_loop3A_780 = tpu.vector_load_idx %arg7[%parallel_loop3A_778] : memref<40960xf32, #tpu.memory_space<vmem>>[vector<16xi32>], vector<16xf32>,
      %parallel_loop3A_781 = arith.subf %parallel_loop3A_780, %parallel_loop3A_779 : vector<16xf32>
      tpu.vector_store_idx %arg8[%parallel_loop3A_778], %parallel_loop3A_781 {add = true} : memref<40960xf32, #tpu.memory_space<vmem>>[vector<16xi32>], vector<16xf32>,
      %parallel_loop3A_782 = arith.constant 0.000000e+00 : f32
      %parallel_loop3A_783 = vector.broadcast %parallel_loop3A_782 : f32 to vector<16xf32>
      %parallel_loop3A_784 = arith.subf %parallel_loop3A_783, %parallel_loop3A_781 : vector<16xf32>
      tpu.vector_store_idx %arg8[%parallel_loop3A_775], %parallel_loop3A_784 {add = true} : memref<40960xf32, #tpu.memory_space<vmem>>[vector<16xi32>], vector<16xf32>,
      %parallel_loop3A_785 = arith.constant 20480 : i32
      %parallel_loop3A_786 = vector.broadcast %parallel_loop3A_785 : i32 to vector<16xi32>
      %parallel_loop3A_787 = arith.addi %parallel_loop3A_761, %parallel_loop3A_786 : vector<16xi32>
      %parallel_loop3A_788 = arith.constant 20480 : i32
      %parallel_loop3A_789 = vector.broadcast %parallel_loop3A_788 : i32 to vector<16xi32>
      %parallel_loop3A_790 = arith.addi %parallel_loop3A_766, %parallel_loop3A_789 : vector<16xi32>
      %parallel_loop3A_791 = tpu.vector_load_idx %arg7[%parallel_loop3A_787] : memref<40960xf32, #tpu.memory_space<vmem>>[vector<16xi32>], vector<16xf32>,
      %parallel_loop3A_792 = tpu.vector_load_idx %arg7[%parallel_loop3A_790] : memref<40960xf32, #tpu.memory_space<vmem>>[vector<16xi32>], vector<16xf32>,
      %parallel_loop3A_793 = arith.subf %parallel_loop3A_792, %parallel_loop3A_791 : vector<16xf32>
      tpu.vector_store_idx %arg8[%parallel_loop3A_790], %parallel_loop3A_793 {add = true} : memref<40960xf32, #tpu.memory_space<vmem>>[vector<16xi32>], vector<16xf32>,
      %parallel_loop3A_794 = arith.constant 0.000000e+00 : f32
      %parallel_loop3A_795 = vector.broadcast %parallel_loop3A_794 : f32 to vector<16xf32>
      %parallel_loop3A_796 = arith.subf %parallel_loop3A_795, %parallel_loop3A_793 : vector<16xf32>
      tpu.vector_store_idx %arg8[%parallel_loop3A_787], %parallel_loop3A_796 {add = true} : memref<40960xf32, #tpu.memory_space<vmem>>[vector<16xi32>], vector<16xf32>,
      %parallel_loop3A_797 = arith.constant 30720 : i32
      %parallel_loop3A_798 = vector.broadcast %parallel_loop3A_797 : i32 to vector<16xi32>
      %parallel_loop3A_799 = arith.addi %parallel_loop3A_761, %parallel_loop3A_798 : vector<16xi32>
      %parallel_loop3A_800 = arith.constant 30720 : i32
      %parallel_loop3A_801 = vector.broadcast %parallel_loop3A_800 : i32 to vector<16xi32>
      %parallel_loop3A_802 = arith.addi %parallel_loop3A_766, %parallel_loop3A_801 : vector<16xi32>
      %parallel_loop3A_803 = tpu.vector_load_idx %arg7[%parallel_loop3A_799] : memref<40960xf32, #tpu.memory_space<vmem>>[vector<16xi32>], vector<16xf32>,
      %parallel_loop3A_804 = tpu.vector_load_idx %arg7[%parallel_loop3A_802] : memref<40960xf32, #tpu.memory_space<vmem>>[vector<16xi32>], vector<16xf32>,
      %parallel_loop3A_805 = arith.subf %parallel_loop3A_804, %parallel_loop3A_803 : vector<16xf32>
      tpu.vector_store_idx %arg8[%parallel_loop3A_802], %parallel_loop3A_805 {add = true} : memref<40960xf32, #tpu.memory_space<vmem>>[vector<16xi32>], vector<16xf32>,
      %parallel_loop3A_806 = arith.constant 0.000000e+00 : f32
      %parallel_loop3A_807 = vector.broadcast %parallel_loop3A_806 : f32 to vector<16xf32>
      %parallel_loop3A_808 = arith.subf %parallel_loop3A_807, %parallel_loop3A_805 : vector<16xf32>
      tpu.vector_store_idx %arg8[%parallel_loop3A_799], %parallel_loop3A_808 {add = true} : memref<40960xf32, #tpu.memory_space<vmem>>[vector<16xi32>], vector<16xf32>,
    } {sc.loop_unroll_factor = 10 : i64, sc.parallel_access}
    %dma_wait3A_132 = arith.constant 0 : i32
    %dma_wait3A_133 = tpu.memref_slice %arg9[%dma_wait3A_132] : memref<4096xf32, #tpu.memory_space<vmem>> -> memref<4000xf32, #tpu.memory_space<vmem>>
    %dma_wait3A_134 = tpu.memref_slice %arg3[%add3A_104] : memref<640000xf32, #tpu.memory_space<hbm>> -> memref<4000xf32, #tpu.memory_space<hbm>>
    %dma_wait3A_135 = arith.constant 0 : i32
    %dma_wait3A_136 = tpu.memref_slice %arg9[%dma_wait3A_135] : memref<4096xf32, #tpu.memory_space<vmem>> -> memref<4000xf32, #tpu.memory_space<vmem>>
    %dma_wait3A_137 = tpu.memref_slice %arg3[%add3A_104] : memref<640000xf32, #tpu.memory_space<hbm>> -> memref<4000xf32, #tpu.memory_space<hbm>>
    tpu.wait_dma2 semaphore(%arg15 : memref<!tpu.dma_semaphore, #tpu.memory_space<semaphore_mem>>) src(%dma_wait3A_137 : memref<4000xf32, #tpu.memory_space<hbm>>) dst(%dma_wait3A_136 : memref<4000xf32, #tpu.memory_space<vmem>>)
    %dma_wait3A_138 = arith.constant 0 : i32
    %dma_wait3A_139 = tpu.memref_slice %arg11[%dma_wait3A_138] : memref<4096xf32, #tpu.memory_space<vmem>> -> memref<4000xf32, #tpu.memory_space<vmem>>
    %dma_wait3A_140 = tpu.memref_slice %arg4[%add3A_104] : memref<640000xf32, #tpu.memory_space<hbm>> -> memref<4000xf32, #tpu.memory_space<hbm>>
    %dma_wait3A_141 = arith.constant 0 : i32
    %dma_wait3A_142 = tpu.memref_slice %arg11[%dma_wait3A_141] : memref<4096xf32, #tpu.memory_space<vmem>> -> memref<4000xf32, #tpu.memory_space<vmem>>
    %dma_wait3A_143 = tpu.memref_slice %arg4[%add3A_104] : memref<640000xf32, #tpu.memory_space<hbm>> -> memref<4000xf32, #tpu.memory_space<hbm>>
    tpu.wait_dma2 semaphore(%arg16 : memref<!tpu.dma_semaphore, #tpu.memory_space<semaphore_mem>>) src(%dma_wait3A_143 : memref<4000xf32, #tpu.memory_space<hbm>>) dst(%dma_wait3A_142 : memref<4000xf32, #tpu.memory_space<vmem>>)
    %parallel_loop3A_144 = arith.constant 0 : i32
    %parallel_loop3A_145 = arith.constant 250 : i32
    %parallel_loop3A_146 = arith.constant 1 : i32
    scf.for %parallel_loop3A_756 = %parallel_loop3A_144 to %parallel_loop3A_145 step %parallel_loop3A_146  : i32 {
      %parallel_loop3A_757 = arith.constant 16 : i32
      %parallel_loop3A_758 = arith.muli %parallel_loop3A_756, %parallel_loop3A_757 : i32
      %parallel_loop3A_759 = arith.index_cast %parallel_loop3A_758 : i32 to index
      %parallel_loop3A_760 = tpu.vector_load %arg9[%parallel_loop3A_759] {strides = array<i32>} : memref<4096xf32, #tpu.memory_space<vmem>>, vector<16xf32>,
      %parallel_loop3A_761 = vector.bitcast %parallel_loop3A_760 : vector<16xf32> to vector<16xi32>
      %parallel_loop3A_762 = arith.constant 16 : i32
      %parallel_loop3A_763 = arith.muli %parallel_loop3A_756, %parallel_loop3A_762 : i32
      %parallel_loop3A_764 = arith.index_cast %parallel_loop3A_763 : i32 to index
      %parallel_loop3A_765 = tpu.vector_load %arg11[%parallel_loop3A_764] {strides = array<i32>} : memref<4096xf32, #tpu.memory_space<vmem>>, vector<16xf32>,
      %parallel_loop3A_766 = vector.bitcast %parallel_loop3A_765 : vector<16xf32> to vector<16xi32>
      %parallel_loop3A_767 = tpu.vector_load_idx %arg7[%parallel_loop3A_761] : memref<40960xf32, #tpu.memory_space<vmem>>[vector<16xi32>], vector<16xf32>,
      %parallel_loop3A_768 = tpu.vector_load_idx %arg7[%parallel_loop3A_766] : memref<40960xf32, #tpu.memory_space<vmem>>[vector<16xi32>], vector<16xf32>,
      %parallel_loop3A_769 = arith.subf %parallel_loop3A_768, %parallel_loop3A_767 : vector<16xf32>
      tpu.vector_store_idx %arg8[%parallel_loop3A_766], %parallel_loop3A_769 {add = true} : memref<40960xf32, #tpu.memory_space<vmem>>[vector<16xi32>], vector<16xf32>,
      %parallel_loop3A_770 = arith.constant 0.000000e+00 : f32
      %parallel_loop3A_771 = vector.broadcast %parallel_loop3A_770 : f32 to vector<16xf32>
      %parallel_loop3A_772 = arith.subf %parallel_loop3A_771, %parallel_loop3A_769 : vector<16xf32>
      tpu.vector_store_idx %arg8[%parallel_loop3A_761], %parallel_loop3A_772 {add = true} : memref<40960xf32, #tpu.memory_space<vmem>>[vector<16xi32>], vector<16xf32>,
      %parallel_loop3A_773 = arith.constant 10240 : i32
      %parallel_loop3A_774 = vector.broadcast %parallel_loop3A_773 : i32 to vector<16xi32>
      %parallel_loop3A_775 = arith.addi %parallel_loop3A_761, %parallel_loop3A_774 : vector<16xi32>
      %parallel_loop3A_776 = arith.constant 10240 : i32
      %parallel_loop3A_777 = vector.broadcast %parallel_loop3A_776 : i32 to vector<16xi32>
      %parallel_loop3A_778 = arith.addi %parallel_loop3A_766, %parallel_loop3A_777 : vector<16xi32>
      %parallel_loop3A_779 = tpu.vector_load_idx %arg7[%parallel_loop3A_775] : memref<40960xf32, #tpu.memory_space<vmem>>[vector<16xi32>], vector<16xf32>,
      %parallel_loop3A_780 = tpu.vector_load_idx %arg7[%parallel_loop3A_778] : memref<40960xf32, #tpu.memory_space<vmem>>[vector<16xi32>], vector<16xf32>,
      %parallel_loop3A_781 = arith.subf %parallel_loop3A_780, %parallel_loop3A_779 : vector<16xf32>
      tpu.vector_store_idx %arg8[%parallel_loop3A_778], %parallel_loop3A_781 {add = true} : memref<40960xf32, #tpu.memory_space<vmem>>[vector<16xi32>], vector<16xf32>,
      %parallel_loop3A_782 = arith.constant 0.000000e+00 : f32
      %parallel_loop3A_783 = vector.broadcast %parallel_loop3A_782 : f32 to vector<16xf32>
      %parallel_loop3A_784 = arith.subf %parallel_loop3A_783, %parallel_loop3A_781 : vector<16xf32>
      tpu.vector_store_idx %arg8[%parallel_loop3A_775], %parallel_loop3A_784 {add = true} : memref<40960xf32, #tpu.memory_space<vmem>>[vector<16xi32>], vector<16xf32>,
      %parallel_loop3A_785 = arith.constant 20480 : i32
      %parallel_loop3A_786 = vector.broadcast %parallel_loop3A_785 : i32 to vector<16xi32>
      %parallel_loop3A_787 = arith.addi %parallel_loop3A_761, %parallel_loop3A_786 : vector<16xi32>
      %parallel_loop3A_788 = arith.constant 20480 : i32
      %parallel_loop3A_789 = vector.broadcast %parallel_loop3A_788 : i32 to vector<16xi32>
      %parallel_loop3A_790 = arith.addi %parallel_loop3A_766, %parallel_loop3A_789 : vector<16xi32>
      %parallel_loop3A_791 = tpu.vector_load_idx %arg7[%parallel_loop3A_787] : memref<40960xf32, #tpu.memory_space<vmem>>[vector<16xi32>], vector<16xf32>,
      %parallel_loop3A_792 = tpu.vector_load_idx %arg7[%parallel_loop3A_790] : memref<40960xf32, #tpu.memory_space<vmem>>[vector<16xi32>], vector<16xf32>,
      %parallel_loop3A_793 = arith.subf %parallel_loop3A_792, %parallel_loop3A_791 : vector<16xf32>
      tpu.vector_store_idx %arg8[%parallel_loop3A_790], %parallel_loop3A_793 {add = true} : memref<40960xf32, #tpu.memory_space<vmem>>[vector<16xi32>], vector<16xf32>,
      %parallel_loop3A_794 = arith.constant 0.000000e+00 : f32
      %parallel_loop3A_795 = vector.broadcast %parallel_loop3A_794 : f32 to vector<16xf32>
      %parallel_loop3A_796 = arith.subf %parallel_loop3A_795, %parallel_loop3A_793 : vector<16xf32>
      tpu.vector_store_idx %arg8[%parallel_loop3A_787], %parallel_loop3A_796 {add = true} : memref<40960xf32, #tpu.memory_space<vmem>>[vector<16xi32>], vector<16xf32>,
      %parallel_loop3A_797 = arith.constant 30720 : i32
      %parallel_loop3A_798 = vector.broadcast %parallel_loop3A_797 : i32 to vector<16xi32>
      %parallel_loop3A_799 = arith.addi %parallel_loop3A_761, %parallel_loop3A_798 : vector<16xi32>
      %parallel_loop3A_800 = arith.constant 30720 : i32
      %parallel_loop3A_801 = vector.broadcast %parallel_loop3A_800 : i32 to vector<16xi32>
      %parallel_loop3A_802 = arith.addi %parallel_loop3A_766, %parallel_loop3A_801 : vector<16xi32>
      %parallel_loop3A_803 = tpu.vector_load_idx %arg7[%parallel_loop3A_799] : memref<40960xf32, #tpu.memory_space<vmem>>[vector<16xi32>], vector<16xf32>,
      %parallel_loop3A_804 = tpu.vector_load_idx %arg7[%parallel_loop3A_802] : memref<40960xf32, #tpu.memory_space<vmem>>[vector<16xi32>], vector<16xf32>,
      %parallel_loop3A_805 = arith.subf %parallel_loop3A_804, %parallel_loop3A_803 : vector<16xf32>
      tpu.vector_store_idx %arg8[%parallel_loop3A_802], %parallel_loop3A_805 {add = true} : memref<40960xf32, #tpu.memory_space<vmem>>[vector<16xi32>], vector<16xf32>,
      %parallel_loop3A_806 = arith.constant 0.000000e+00 : f32
      %parallel_loop3A_807 = vector.broadcast %parallel_loop3A_806 : f32 to vector<16xf32>
      %parallel_loop3A_808 = arith.subf %parallel_loop3A_807, %parallel_loop3A_805 : vector<16xf32>
      tpu.vector_store_idx %arg8[%parallel_loop3A_799], %parallel_loop3A_808 {add = true} : memref<40960xf32, #tpu.memory_space<vmem>>[vector<16xi32>], vector<16xf32>,
    } {sc.loop_unroll_factor = 10 : i64, sc.parallel_access}
    "tpu.region"() ({
      %run_scoped3A = tpu.sem_alloc : memref<!tpu.dma_semaphore, #tpu.memory_space<semaphore_mem>>
      %dma_start3A_756 = arith.constant 0 : i32
      %dma_start3A_757 = tpu.memref_slice %arg8[%dma_start3A_756] : memref<40960xf32, #tpu.memory_space<vmem>> -> memref<20480xf32, #tpu.memory_space<vmem>>
      %dma_start3A_758 = arith.constant 0 : i32
      %dma_start3A_759 = tpu.memref_slice %arg13[%arg1, %dma_start3A_758] : memref<16x20480xf32, #tpu.memory_space<vmem_shared>> -> memref<1x20480xf32, #tpu.memory_space<vmem_shared>>
      %dma_start3A_760 = tpu.memref_squeeze %dma_start3A_759 : memref<1x20480xf32, #tpu.memory_space<vmem_shared>> -> memref<20480xf32, #tpu.memory_space<vmem_shared>>
      %dma_start3A_761 = arith.constant 0 : i32
      %dma_start3A_762 = tpu.memref_slice %arg13[%arg1, %dma_start3A_761] : memref<16x20480xf32, #tpu.memory_space<vmem_shared>> -> memref<1x20480xf32, #tpu.memory_space<vmem_shared>>
      %dma_start3A_763 = tpu.memref_squeeze %dma_start3A_762 : memref<1x20480xf32, #tpu.memory_space<vmem_shared>> -> memref<20480xf32, #tpu.memory_space<vmem_shared>>
      %dma_start3A_764 = arith.constant 0 : i32
      %dma_start3A_765 = tpu.memref_slice %arg8[%dma_start3A_764] : memref<40960xf32, #tpu.memory_space<vmem>> -> memref<20480xf32, #tpu.memory_space<vmem>>
      tpu.enqueue_dma source(%dma_start3A_765 : memref<20480xf32, #tpu.memory_space<vmem>>) target(%dma_start3A_763 : memref<20480xf32, #tpu.memory_space<vmem_shared>>) target_semaphore(%run_scoped3A : memref<!tpu.dma_semaphore, #tpu.memory_space<semaphore_mem>>)
      %dma_wait3A_766 = arith.constant 0 : i32
      %dma_wait3A_767 = tpu.memref_slice %arg8[%dma_wait3A_766] : memref<40960xf32, #tpu.memory_space<vmem>> -> memref<20480xf32, #tpu.memory_space<vmem>>
      %dma_wait3A_768 = arith.constant 0 : i32
      %dma_wait3A_769 = tpu.memref_slice %arg13[%arg1, %dma_wait3A_768] : memref<16x20480xf32, #tpu.memory_space<vmem_shared>> -> memref<1x20480xf32, #tpu.memory_space<vmem_shared>>
      %dma_wait3A_770 = tpu.memref_squeeze %dma_wait3A_769 : memref<1x20480xf32, #tpu.memory_space<vmem_shared>> -> memref<20480xf32, #tpu.memory_space<vmem_shared>>
      %dma_wait3A_771 = arith.constant 0 : i32
      %dma_wait3A_772 = tpu.memref_slice %arg13[%arg1, %dma_wait3A_771] : memref<16x20480xf32, #tpu.memory_space<vmem_shared>> -> memref<1x20480xf32, #tpu.memory_space<vmem_shared>>
      %dma_wait3A_773 = tpu.memref_squeeze %dma_wait3A_772 : memref<1x20480xf32, #tpu.memory_space<vmem_shared>> -> memref<20480xf32, #tpu.memory_space<vmem_shared>>
      %dma_wait3A_774 = arith.constant 0 : i32
      %dma_wait3A_775 = tpu.memref_slice %arg8[%dma_wait3A_774] : memref<40960xf32, #tpu.memory_space<vmem>> -> memref<20480xf32, #tpu.memory_space<vmem>>
      tpu.wait_dma2 semaphore(%run_scoped3A : memref<!tpu.dma_semaphore, #tpu.memory_space<semaphore_mem>>) src(%dma_wait3A_775 : memref<20480xf32, #tpu.memory_space<vmem>>) dst(%dma_wait3A_773 : memref<20480xf32, #tpu.memory_space<vmem_shared>>)
      tpu.yield
    }) : () -> ()
    %barrier3A = arith.constant 0 : index
    tpu.barrier barrier_id(%barrier3A)
    %mul3A_147 = arith.constant 1280 : i32
    %mul3A_148 = arith.muli %arg1, %mul3A_147 : i32
    %dma_start3A_149 = arith.constant 0 : i32
    %dma_start3A_150 = arith.constant 0 : i32
    %dma_start3A_151 = tpu.memref_slice %arg8[%dma_start3A_150] : memref<40960xf32, #tpu.memory_space<vmem>> -> memref<1280xf32, #tpu.memory_space<vmem>>
    %dma_start3A_152 = tpu.memref_slice %arg13[%dma_start3A_149, %mul3A_148] : memref<16x20480xf32, #tpu.memory_space<vmem_shared>> -> memref<1x1280xf32, #tpu.memory_space<vmem_shared>>
    %dma_start3A_153 = tpu.memref_squeeze %dma_start3A_152 : memref<1x1280xf32, #tpu.memory_space<vmem_shared>> -> memref<1280xf32, #tpu.memory_space<vmem_shared>>
    %dma_start3A_154 = arith.constant 0 : i32
    %dma_start3A_155 = tpu.memref_slice %arg8[%dma_start3A_154] : memref<40960xf32, #tpu.memory_space<vmem>> -> memref<1280xf32, #tpu.memory_space<vmem>>
    %dma_start3A_156 = tpu.memref_slice %arg13[%dma_start3A_149, %mul3A_148] : memref<16x20480xf32, #tpu.memory_space<vmem_shared>> -> memref<1x1280xf32, #tpu.memory_space<vmem_shared>>
    %dma_start3A_157 = tpu.memref_squeeze %dma_start3A_156 : memref<1x1280xf32, #tpu.memory_space<vmem_shared>> -> memref<1280xf32, #tpu.memory_space<vmem_shared>>
    tpu.enqueue_dma source(%dma_start3A_157 : memref<1280xf32, #tpu.memory_space<vmem_shared>>) target(%dma_start3A_155 : memref<1280xf32, #tpu.memory_space<vmem>>) target_semaphore(%arg14 : memref<!tpu.dma_semaphore, #tpu.memory_space<semaphore_mem>>)
    %dma_start3A_158 = arith.constant 1 : i32
    %dma_start3A_159 = arith.constant 1280 : i32
    %dma_start3A_160 = tpu.memref_slice %arg8[%dma_start3A_159] : memref<40960xf32, #tpu.memory_space<vmem>> -> memref<1280xf32, #tpu.memory_space<vmem>>
    %dma_start3A_161 = tpu.memref_slice %arg13[%dma_start3A_158, %mul3A_148] : memref<16x20480xf32, #tpu.memory_space<vmem_shared>> -> memref<1x1280xf32, #tpu.memory_space<vmem_shared>>
    %dma_start3A_162 = tpu.memref_squeeze %dma_start3A_161 : memref<1x1280xf32, #tpu.memory_space<vmem_shared>> -> memref<1280xf32, #tpu.memory_space<vmem_shared>>
    %dma_start3A_163 = arith.constant 1280 : i32
    %dma_start3A_164 = tpu.memref_slice %arg8[%dma_start3A_163] : memref<40960xf32, #tpu.memory_space<vmem>> -> memref<1280xf32, #tpu.memory_space<vmem>>
    %dma_start3A_165 = tpu.memref_slice %arg13[%dma_start3A_158, %mul3A_148] : memref<16x20480xf32, #tpu.memory_space<vmem_shared>> -> memref<1x1280xf32, #tpu.memory_space<vmem_shared>>
    %dma_start3A_166 = tpu.memref_squeeze %dma_start3A_165 : memref<1x1280xf32, #tpu.memory_space<vmem_shared>> -> memref<1280xf32, #tpu.memory_space<vmem_shared>>
    tpu.enqueue_dma source(%dma_start3A_166 : memref<1280xf32, #tpu.memory_space<vmem_shared>>) target(%dma_start3A_164 : memref<1280xf32, #tpu.memory_space<vmem>>) target_semaphore(%arg14 : memref<!tpu.dma_semaphore, #tpu.memory_space<semaphore_mem>>)
    %dma_start3A_167 = arith.constant 2 : i32
    %dma_start3A_168 = arith.constant 2560 : i32
    %dma_start3A_169 = tpu.memref_slice %arg8[%dma_start3A_168] : memref<40960xf32, #tpu.memory_space<vmem>> -> memref<1280xf32, #tpu.memory_space<vmem>>
    %dma_start3A_170 = tpu.memref_slice %arg13[%dma_start3A_167, %mul3A_148] : memref<16x20480xf32, #tpu.memory_space<vmem_shared>> -> memref<1x1280xf32, #tpu.memory_space<vmem_shared>>
    %dma_start3A_171 = tpu.memref_squeeze %dma_start3A_170 : memref<1x1280xf32, #tpu.memory_space<vmem_shared>> -> memref<1280xf32, #tpu.memory_space<vmem_shared>>
    %dma_start3A_172 = arith.constant 2560 : i32
    %dma_start3A_173 = tpu.memref_slice %arg8[%dma_start3A_172] : memref<40960xf32, #tpu.memory_space<vmem>> -> memref<1280xf32, #tpu.memory_space<vmem>>
    %dma_start3A_174 = tpu.memref_slice %arg13[%dma_start3A_167, %mul3A_148] : memref<16x20480xf32, #tpu.memory_space<vmem_shared>> -> memref<1x1280xf32, #tpu.memory_space<vmem_shared>>
    %dma_start3A_175 = tpu.memref_squeeze %dma_start3A_174 : memref<1x1280xf32, #tpu.memory_space<vmem_shared>> -> memref<1280xf32, #tpu.memory_space<vmem_shared>>
    tpu.enqueue_dma source(%dma_start3A_175 : memref<1280xf32, #tpu.memory_space<vmem_shared>>) target(%dma_start3A_173 : memref<1280xf32, #tpu.memory_space<vmem>>) target_semaphore(%arg14 : memref<!tpu.dma_semaphore, #tpu.memory_space<semaphore_mem>>)
    %dma_start3A_176 = arith.constant 3 : i32
    %dma_start3A_177 = arith.constant 3840 : i32
    %dma_start3A_178 = tpu.memref_slice %arg8[%dma_start3A_177] : memref<40960xf32, #tpu.memory_space<vmem>> -> memref<1280xf32, #tpu.memory_space<vmem>>
    %dma_start3A_179 = tpu.memref_slice %arg13[%dma_start3A_176, %mul3A_148] : memref<16x20480xf32, #tpu.memory_space<vmem_shared>> -> memref<1x1280xf32, #tpu.memory_space<vmem_shared>>
    %dma_start3A_180 = tpu.memref_squeeze %dma_start3A_179 : memref<1x1280xf32, #tpu.memory_space<vmem_shared>> -> memref<1280xf32, #tpu.memory_space<vmem_shared>>
    %dma_start3A_181 = arith.constant 3840 : i32
    %dma_start3A_182 = tpu.memref_slice %arg8[%dma_start3A_181] : memref<40960xf32, #tpu.memory_space<vmem>> -> memref<1280xf32, #tpu.memory_space<vmem>>
    %dma_start3A_183 = tpu.memref_slice %arg13[%dma_start3A_176, %mul3A_148] : memref<16x20480xf32, #tpu.memory_space<vmem_shared>> -> memref<1x1280xf32, #tpu.memory_space<vmem_shared>>
    %dma_start3A_184 = tpu.memref_squeeze %dma_start3A_183 : memref<1x1280xf32, #tpu.memory_space<vmem_shared>> -> memref<1280xf32, #tpu.memory_space<vmem_shared>>
    tpu.enqueue_dma source(%dma_start3A_184 : memref<1280xf32, #tpu.memory_space<vmem_shared>>) target(%dma_start3A_182 : memref<1280xf32, #tpu.memory_space<vmem>>) target_semaphore(%arg14 : memref<!tpu.dma_semaphore, #tpu.memory_space<semaphore_mem>>)
    %dma_start3A_185 = arith.constant 4 : i32
    %dma_start3A_186 = arith.constant 5120 : i32
    %dma_start3A_187 = tpu.memref_slice %arg8[%dma_start3A_186] : memref<40960xf32, #tpu.memory_space<vmem>> -> memref<1280xf32, #tpu.memory_space<vmem>>
    %dma_start3A_188 = tpu.memref_slice %arg13[%dma_start3A_185, %mul3A_148] : memref<16x20480xf32, #tpu.memory_space<vmem_shared>> -> memref<1x1280xf32, #tpu.memory_space<vmem_shared>>
    %dma_start3A_189 = tpu.memref_squeeze %dma_start3A_188 : memref<1x1280xf32, #tpu.memory_space<vmem_shared>> -> memref<1280xf32, #tpu.memory_space<vmem_shared>>
    %dma_start3A_190 = arith.constant 5120 : i32
    %dma_start3A_191 = tpu.memref_slice %arg8[%dma_start3A_190] : memref<40960xf32, #tpu.memory_space<vmem>> -> memref<1280xf32, #tpu.memory_space<vmem>>
    %dma_start3A_192 = tpu.memref_slice %arg13[%dma_start3A_185, %mul3A_148] : memref<16x20480xf32, #tpu.memory_space<vmem_shared>> -> memref<1x1280xf32, #tpu.memory_space<vmem_shared>>
    %dma_start3A_193 = tpu.memref_squeeze %dma_start3A_192 : memref<1x1280xf32, #tpu.memory_space<vmem_shared>> -> memref<1280xf32, #tpu.memory_space<vmem_shared>>
    tpu.enqueue_dma source(%dma_start3A_193 : memref<1280xf32, #tpu.memory_space<vmem_shared>>) target(%dma_start3A_191 : memref<1280xf32, #tpu.memory_space<vmem>>) target_semaphore(%arg14 : memref<!tpu.dma_semaphore, #tpu.memory_space<semaphore_mem>>)
    %dma_start3A_194 = arith.constant 5 : i32
    %dma_start3A_195 = arith.constant 6400 : i32
    %dma_start3A_196 = tpu.memref_slice %arg8[%dma_start3A_195] : memref<40960xf32, #tpu.memory_space<vmem>> -> memref<1280xf32, #tpu.memory_space<vmem>>
    %dma_start3A_197 = tpu.memref_slice %arg13[%dma_start3A_194, %mul3A_148] : memref<16x20480xf32, #tpu.memory_space<vmem_shared>> -> memref<1x1280xf32, #tpu.memory_space<vmem_shared>>
    %dma_start3A_198 = tpu.memref_squeeze %dma_start3A_197 : memref<1x1280xf32, #tpu.memory_space<vmem_shared>> -> memref<1280xf32, #tpu.memory_space<vmem_shared>>
    %dma_start3A_199 = arith.constant 6400 : i32
    %dma_start3A_200 = tpu.memref_slice %arg8[%dma_start3A_199] : memref<40960xf32, #tpu.memory_space<vmem>> -> memref<1280xf32, #tpu.memory_space<vmem>>
    %dma_start3A_201 = tpu.memref_slice %arg13[%dma_start3A_194, %mul3A_148] : memref<16x20480xf32, #tpu.memory_space<vmem_shared>> -> memref<1x1280xf32, #tpu.memory_space<vmem_shared>>
    %dma_start3A_202 = tpu.memref_squeeze %dma_start3A_201 : memref<1x1280xf32, #tpu.memory_space<vmem_shared>> -> memref<1280xf32, #tpu.memory_space<vmem_shared>>
    tpu.enqueue_dma source(%dma_start3A_202 : memref<1280xf32, #tpu.memory_space<vmem_shared>>) target(%dma_start3A_200 : memref<1280xf32, #tpu.memory_space<vmem>>) target_semaphore(%arg14 : memref<!tpu.dma_semaphore, #tpu.memory_space<semaphore_mem>>)
    %dma_start3A_203 = arith.constant 6 : i32
    %dma_start3A_204 = arith.constant 7680 : i32
    %dma_start3A_205 = tpu.memref_slice %arg8[%dma_start3A_204] : memref<40960xf32, #tpu.memory_space<vmem>> -> memref<1280xf32, #tpu.memory_space<vmem>>
    %dma_start3A_206 = tpu.memref_slice %arg13[%dma_start3A_203, %mul3A_148] : memref<16x20480xf32, #tpu.memory_space<vmem_shared>> -> memref<1x1280xf32, #tpu.memory_space<vmem_shared>>
    %dma_start3A_207 = tpu.memref_squeeze %dma_start3A_206 : memref<1x1280xf32, #tpu.memory_space<vmem_shared>> -> memref<1280xf32, #tpu.memory_space<vmem_shared>>
    %dma_start3A_208 = arith.constant 7680 : i32
    %dma_start3A_209 = tpu.memref_slice %arg8[%dma_start3A_208] : memref<40960xf32, #tpu.memory_space<vmem>> -> memref<1280xf32, #tpu.memory_space<vmem>>
    %dma_start3A_210 = tpu.memref_slice %arg13[%dma_start3A_203, %mul3A_148] : memref<16x20480xf32, #tpu.memory_space<vmem_shared>> -> memref<1x1280xf32, #tpu.memory_space<vmem_shared>>
    %dma_start3A_211 = tpu.memref_squeeze %dma_start3A_210 : memref<1x1280xf32, #tpu.memory_space<vmem_shared>> -> memref<1280xf32, #tpu.memory_space<vmem_shared>>
    tpu.enqueue_dma source(%dma_start3A_211 : memref<1280xf32, #tpu.memory_space<vmem_shared>>) target(%dma_start3A_209 : memref<1280xf32, #tpu.memory_space<vmem>>) target_semaphore(%arg14 : memref<!tpu.dma_semaphore, #tpu.memory_space<semaphore_mem>>)
    %dma_start3A_212 = arith.constant 7 : i32
    %dma_start3A_213 = arith.constant 8960 : i32
    %dma_start3A_214 = tpu.memref_slice %arg8[%dma_start3A_213] : memref<40960xf32, #tpu.memory_space<vmem>> -> memref<1280xf32, #tpu.memory_space<vmem>>
    %dma_start3A_215 = tpu.memref_slice %arg13[%dma_start3A_212, %mul3A_148] : memref<16x20480xf32, #tpu.memory_space<vmem_shared>> -> memref<1x1280xf32, #tpu.memory_space<vmem_shared>>
    %dma_start3A_216 = tpu.memref_squeeze %dma_start3A_215 : memref<1x1280xf32, #tpu.memory_space<vmem_shared>> -> memref<1280xf32, #tpu.memory_space<vmem_shared>>
    %dma_start3A_217 = arith.constant 8960 : i32
    %dma_start3A_218 = tpu.memref_slice %arg8[%dma_start3A_217] : memref<40960xf32, #tpu.memory_space<vmem>> -> memref<1280xf32, #tpu.memory_space<vmem>>
    %dma_start3A_219 = tpu.memref_slice %arg13[%dma_start3A_212, %mul3A_148] : memref<16x20480xf32, #tpu.memory_space<vmem_shared>> -> memref<1x1280xf32, #tpu.memory_space<vmem_shared>>
    %dma_start3A_220 = tpu.memref_squeeze %dma_start3A_219 : memref<1x1280xf32, #tpu.memory_space<vmem_shared>> -> memref<1280xf32, #tpu.memory_space<vmem_shared>>
    tpu.enqueue_dma source(%dma_start3A_220 : memref<1280xf32, #tpu.memory_space<vmem_shared>>) target(%dma_start3A_218 : memref<1280xf32, #tpu.memory_space<vmem>>) target_semaphore(%arg14 : memref<!tpu.dma_semaphore, #tpu.memory_space<semaphore_mem>>)
    %dma_start3A_221 = arith.constant 8 : i32
    %dma_start3A_222 = arith.constant 10240 : i32
    %dma_start3A_223 = tpu.memref_slice %arg8[%dma_start3A_222] : memref<40960xf32, #tpu.memory_space<vmem>> -> memref<1280xf32, #tpu.memory_space<vmem>>
    %dma_start3A_224 = tpu.memref_slice %arg13[%dma_start3A_221, %mul3A_148] : memref<16x20480xf32, #tpu.memory_space<vmem_shared>> -> memref<1x1280xf32, #tpu.memory_space<vmem_shared>>
    %dma_start3A_225 = tpu.memref_squeeze %dma_start3A_224 : memref<1x1280xf32, #tpu.memory_space<vmem_shared>> -> memref<1280xf32, #tpu.memory_space<vmem_shared>>
    %dma_start3A_226 = arith.constant 10240 : i32
    %dma_start3A_227 = tpu.memref_slice %arg8[%dma_start3A_226] : memref<40960xf32, #tpu.memory_space<vmem>> -> memref<1280xf32, #tpu.memory_space<vmem>>
    %dma_start3A_228 = tpu.memref_slice %arg13[%dma_start3A_221, %mul3A_148] : memref<16x20480xf32, #tpu.memory_space<vmem_shared>> -> memref<1x1280xf32, #tpu.memory_space<vmem_shared>>
    %dma_start3A_229 = tpu.memref_squeeze %dma_start3A_228 : memref<1x1280xf32, #tpu.memory_space<vmem_shared>> -> memref<1280xf32, #tpu.memory_space<vmem_shared>>
    tpu.enqueue_dma source(%dma_start3A_229 : memref<1280xf32, #tpu.memory_space<vmem_shared>>) target(%dma_start3A_227 : memref<1280xf32, #tpu.memory_space<vmem>>) target_semaphore(%arg14 : memref<!tpu.dma_semaphore, #tpu.memory_space<semaphore_mem>>)
    %dma_start3A_230 = arith.constant 9 : i32
    %dma_start3A_231 = arith.constant 11520 : i32
    %dma_start3A_232 = tpu.memref_slice %arg8[%dma_start3A_231] : memref<40960xf32, #tpu.memory_space<vmem>> -> memref<1280xf32, #tpu.memory_space<vmem>>
    %dma_start3A_233 = tpu.memref_slice %arg13[%dma_start3A_230, %mul3A_148] : memref<16x20480xf32, #tpu.memory_space<vmem_shared>> -> memref<1x1280xf32, #tpu.memory_space<vmem_shared>>
    %dma_start3A_234 = tpu.memref_squeeze %dma_start3A_233 : memref<1x1280xf32, #tpu.memory_space<vmem_shared>> -> memref<1280xf32, #tpu.memory_space<vmem_shared>>
    %dma_start3A_235 = arith.constant 11520 : i32
    %dma_start3A_236 = tpu.memref_slice %arg8[%dma_start3A_235] : memref<40960xf32, #tpu.memory_space<vmem>> -> memref<1280xf32, #tpu.memory_space<vmem>>
    %dma_start3A_237 = tpu.memref_slice %arg13[%dma_start3A_230, %mul3A_148] : memref<16x20480xf32, #tpu.memory_space<vmem_shared>> -> memref<1x1280xf32, #tpu.memory_space<vmem_shared>>
    %dma_start3A_238 = tpu.memref_squeeze %dma_start3A_237 : memref<1x1280xf32, #tpu.memory_space<vmem_shared>> -> memref<1280xf32, #tpu.memory_space<vmem_shared>>
    tpu.enqueue_dma source(%dma_start3A_238 : memref<1280xf32, #tpu.memory_space<vmem_shared>>) target(%dma_start3A_236 : memref<1280xf32, #tpu.memory_space<vmem>>) target_semaphore(%arg14 : memref<!tpu.dma_semaphore, #tpu.memory_space<semaphore_mem>>)
    %dma_start3A_239 = arith.constant 10 : i32
    %dma_start3A_240 = arith.constant 12800 : i32
    %dma_start3A_241 = tpu.memref_slice %arg8[%dma_start3A_240] : memref<40960xf32, #tpu.memory_space<vmem>> -> memref<1280xf32, #tpu.memory_space<vmem>>
    %dma_start3A_242 = tpu.memref_slice %arg13[%dma_start3A_239, %mul3A_148] : memref<16x20480xf32, #tpu.memory_space<vmem_shared>> -> memref<1x1280xf32, #tpu.memory_space<vmem_shared>>
    %dma_start3A_243 = tpu.memref_squeeze %dma_start3A_242 : memref<1x1280xf32, #tpu.memory_space<vmem_shared>> -> memref<1280xf32, #tpu.memory_space<vmem_shared>>
    %dma_start3A_244 = arith.constant 12800 : i32
    %dma_start3A_245 = tpu.memref_slice %arg8[%dma_start3A_244] : memref<40960xf32, #tpu.memory_space<vmem>> -> memref<1280xf32, #tpu.memory_space<vmem>>
    %dma_start3A_246 = tpu.memref_slice %arg13[%dma_start3A_239, %mul3A_148] : memref<16x20480xf32, #tpu.memory_space<vmem_shared>> -> memref<1x1280xf32, #tpu.memory_space<vmem_shared>>
    %dma_start3A_247 = tpu.memref_squeeze %dma_start3A_246 : memref<1x1280xf32, #tpu.memory_space<vmem_shared>> -> memref<1280xf32, #tpu.memory_space<vmem_shared>>
    tpu.enqueue_dma source(%dma_start3A_247 : memref<1280xf32, #tpu.memory_space<vmem_shared>>) target(%dma_start3A_245 : memref<1280xf32, #tpu.memory_space<vmem>>) target_semaphore(%arg14 : memref<!tpu.dma_semaphore, #tpu.memory_space<semaphore_mem>>)
    %dma_start3A_248 = arith.constant 11 : i32
    %dma_start3A_249 = arith.constant 14080 : i32
    %dma_start3A_250 = tpu.memref_slice %arg8[%dma_start3A_249] : memref<40960xf32, #tpu.memory_space<vmem>> -> memref<1280xf32, #tpu.memory_space<vmem>>
    %dma_start3A_251 = tpu.memref_slice %arg13[%dma_start3A_248, %mul3A_148] : memref<16x20480xf32, #tpu.memory_space<vmem_shared>> -> memref<1x1280xf32, #tpu.memory_space<vmem_shared>>
    %dma_start3A_252 = tpu.memref_squeeze %dma_start3A_251 : memref<1x1280xf32, #tpu.memory_space<vmem_shared>> -> memref<1280xf32, #tpu.memory_space<vmem_shared>>
    %dma_start3A_253 = arith.constant 14080 : i32
    %dma_start3A_254 = tpu.memref_slice %arg8[%dma_start3A_253] : memref<40960xf32, #tpu.memory_space<vmem>> -> memref<1280xf32, #tpu.memory_space<vmem>>
    %dma_start3A_255 = tpu.memref_slice %arg13[%dma_start3A_248, %mul3A_148] : memref<16x20480xf32, #tpu.memory_space<vmem_shared>> -> memref<1x1280xf32, #tpu.memory_space<vmem_shared>>
    %dma_start3A_256 = tpu.memref_squeeze %dma_start3A_255 : memref<1x1280xf32, #tpu.memory_space<vmem_shared>> -> memref<1280xf32, #tpu.memory_space<vmem_shared>>
    tpu.enqueue_dma source(%dma_start3A_256 : memref<1280xf32, #tpu.memory_space<vmem_shared>>) target(%dma_start3A_254 : memref<1280xf32, #tpu.memory_space<vmem>>) target_semaphore(%arg14 : memref<!tpu.dma_semaphore, #tpu.memory_space<semaphore_mem>>)
    %dma_start3A_257 = arith.constant 12 : i32
    %dma_start3A_258 = arith.constant 15360 : i32
    %dma_start3A_259 = tpu.memref_slice %arg8[%dma_start3A_258] : memref<40960xf32, #tpu.memory_space<vmem>> -> memref<1280xf32, #tpu.memory_space<vmem>>
    %dma_start3A_260 = tpu.memref_slice %arg13[%dma_start3A_257, %mul3A_148] : memref<16x20480xf32, #tpu.memory_space<vmem_shared>> -> memref<1x1280xf32, #tpu.memory_space<vmem_shared>>
    %dma_start3A_261 = tpu.memref_squeeze %dma_start3A_260 : memref<1x1280xf32, #tpu.memory_space<vmem_shared>> -> memref<1280xf32, #tpu.memory_space<vmem_shared>>
    %dma_start3A_262 = arith.constant 15360 : i32
    %dma_start3A_263 = tpu.memref_slice %arg8[%dma_start3A_262] : memref<40960xf32, #tpu.memory_space<vmem>> -> memref<1280xf32, #tpu.memory_space<vmem>>
    %dma_start3A_264 = tpu.memref_slice %arg13[%dma_start3A_257, %mul3A_148] : memref<16x20480xf32, #tpu.memory_space<vmem_shared>> -> memref<1x1280xf32, #tpu.memory_space<vmem_shared>>
    %dma_start3A_265 = tpu.memref_squeeze %dma_start3A_264 : memref<1x1280xf32, #tpu.memory_space<vmem_shared>> -> memref<1280xf32, #tpu.memory_space<vmem_shared>>
    tpu.enqueue_dma source(%dma_start3A_265 : memref<1280xf32, #tpu.memory_space<vmem_shared>>) target(%dma_start3A_263 : memref<1280xf32, #tpu.memory_space<vmem>>) target_semaphore(%arg14 : memref<!tpu.dma_semaphore, #tpu.memory_space<semaphore_mem>>)
    %dma_start3A_266 = arith.constant 13 : i32
    %dma_start3A_267 = arith.constant 16640 : i32
    %dma_start3A_268 = tpu.memref_slice %arg8[%dma_start3A_267] : memref<40960xf32, #tpu.memory_space<vmem>> -> memref<1280xf32, #tpu.memory_space<vmem>>
    %dma_start3A_269 = tpu.memref_slice %arg13[%dma_start3A_266, %mul3A_148] : memref<16x20480xf32, #tpu.memory_space<vmem_shared>> -> memref<1x1280xf32, #tpu.memory_space<vmem_shared>>
    %dma_start3A_270 = tpu.memref_squeeze %dma_start3A_269 : memref<1x1280xf32, #tpu.memory_space<vmem_shared>> -> memref<1280xf32, #tpu.memory_space<vmem_shared>>
    %dma_start3A_271 = arith.constant 16640 : i32
    %dma_start3A_272 = tpu.memref_slice %arg8[%dma_start3A_271] : memref<40960xf32, #tpu.memory_space<vmem>> -> memref<1280xf32, #tpu.memory_space<vmem>>
    %dma_start3A_273 = tpu.memref_slice %arg13[%dma_start3A_266, %mul3A_148] : memref<16x20480xf32, #tpu.memory_space<vmem_shared>> -> memref<1x1280xf32, #tpu.memory_space<vmem_shared>>
    %dma_start3A_274 = tpu.memref_squeeze %dma_start3A_273 : memref<1x1280xf32, #tpu.memory_space<vmem_shared>> -> memref<1280xf32, #tpu.memory_space<vmem_shared>>
    tpu.enqueue_dma source(%dma_start3A_274 : memref<1280xf32, #tpu.memory_space<vmem_shared>>) target(%dma_start3A_272 : memref<1280xf32, #tpu.memory_space<vmem>>) target_semaphore(%arg14 : memref<!tpu.dma_semaphore, #tpu.memory_space<semaphore_mem>>)
    %dma_start3A_275 = arith.constant 14 : i32
    %dma_start3A_276 = arith.constant 17920 : i32
    %dma_start3A_277 = tpu.memref_slice %arg8[%dma_start3A_276] : memref<40960xf32, #tpu.memory_space<vmem>> -> memref<1280xf32, #tpu.memory_space<vmem>>
    %dma_start3A_278 = tpu.memref_slice %arg13[%dma_start3A_275, %mul3A_148] : memref<16x20480xf32, #tpu.memory_space<vmem_shared>> -> memref<1x1280xf32, #tpu.memory_space<vmem_shared>>
    %dma_start3A_279 = tpu.memref_squeeze %dma_start3A_278 : memref<1x1280xf32, #tpu.memory_space<vmem_shared>> -> memref<1280xf32, #tpu.memory_space<vmem_shared>>
    %dma_start3A_280 = arith.constant 17920 : i32
    %dma_start3A_281 = tpu.memref_slice %arg8[%dma_start3A_280] : memref<40960xf32, #tpu.memory_space<vmem>> -> memref<1280xf32, #tpu.memory_space<vmem>>
    %dma_start3A_282 = tpu.memref_slice %arg13[%dma_start3A_275, %mul3A_148] : memref<16x20480xf32, #tpu.memory_space<vmem_shared>> -> memref<1x1280xf32, #tpu.memory_space<vmem_shared>>
    %dma_start3A_283 = tpu.memref_squeeze %dma_start3A_282 : memref<1x1280xf32, #tpu.memory_space<vmem_shared>> -> memref<1280xf32, #tpu.memory_space<vmem_shared>>
    tpu.enqueue_dma source(%dma_start3A_283 : memref<1280xf32, #tpu.memory_space<vmem_shared>>) target(%dma_start3A_281 : memref<1280xf32, #tpu.memory_space<vmem>>) target_semaphore(%arg14 : memref<!tpu.dma_semaphore, #tpu.memory_space<semaphore_mem>>)
    %dma_start3A_284 = arith.constant 15 : i32
    %dma_start3A_285 = arith.constant 19200 : i32
    %dma_start3A_286 = tpu.memref_slice %arg8[%dma_start3A_285] : memref<40960xf32, #tpu.memory_space<vmem>> -> memref<1280xf32, #tpu.memory_space<vmem>>
    %dma_start3A_287 = tpu.memref_slice %arg13[%dma_start3A_284, %mul3A_148] : memref<16x20480xf32, #tpu.memory_space<vmem_shared>> -> memref<1x1280xf32, #tpu.memory_space<vmem_shared>>
    %dma_start3A_288 = tpu.memref_squeeze %dma_start3A_287 : memref<1x1280xf32, #tpu.memory_space<vmem_shared>> -> memref<1280xf32, #tpu.memory_space<vmem_shared>>
    %dma_start3A_289 = arith.constant 19200 : i32
    %dma_start3A_290 = tpu.memref_slice %arg8[%dma_start3A_289] : memref<40960xf32, #tpu.memory_space<vmem>> -> memref<1280xf32, #tpu.memory_space<vmem>>
    %dma_start3A_291 = tpu.memref_slice %arg13[%dma_start3A_284, %mul3A_148] : memref<16x20480xf32, #tpu.memory_space<vmem_shared>> -> memref<1x1280xf32, #tpu.memory_space<vmem_shared>>
    %dma_start3A_292 = tpu.memref_squeeze %dma_start3A_291 : memref<1x1280xf32, #tpu.memory_space<vmem_shared>> -> memref<1280xf32, #tpu.memory_space<vmem_shared>>
    tpu.enqueue_dma source(%dma_start3A_292 : memref<1280xf32, #tpu.memory_space<vmem_shared>>) target(%dma_start3A_290 : memref<1280xf32, #tpu.memory_space<vmem>>) target_semaphore(%arg14 : memref<!tpu.dma_semaphore, #tpu.memory_space<semaphore_mem>>)
    %dma_wait3A_293 = arith.constant 0 : i32
    %dma_wait3A_294 = arith.constant 0 : i32
    %dma_wait3A_295 = tpu.memref_slice %arg8[%dma_wait3A_294] : memref<40960xf32, #tpu.memory_space<vmem>> -> memref<1280xf32, #tpu.memory_space<vmem>>
    %dma_wait3A_296 = tpu.memref_slice %arg13[%dma_wait3A_293, %mul3A_148] : memref<16x20480xf32, #tpu.memory_space<vmem_shared>> -> memref<1x1280xf32, #tpu.memory_space<vmem_shared>>
    %dma_wait3A_297 = tpu.memref_squeeze %dma_wait3A_296 : memref<1x1280xf32, #tpu.memory_space<vmem_shared>> -> memref<1280xf32, #tpu.memory_space<vmem_shared>>
    %dma_wait3A_298 = arith.constant 0 : i32
    %dma_wait3A_299 = tpu.memref_slice %arg8[%dma_wait3A_298] : memref<40960xf32, #tpu.memory_space<vmem>> -> memref<1280xf32, #tpu.memory_space<vmem>>
    %dma_wait3A_300 = tpu.memref_slice %arg13[%dma_wait3A_293, %mul3A_148] : memref<16x20480xf32, #tpu.memory_space<vmem_shared>> -> memref<1x1280xf32, #tpu.memory_space<vmem_shared>>
    %dma_wait3A_301 = tpu.memref_squeeze %dma_wait3A_300 : memref<1x1280xf32, #tpu.memory_space<vmem_shared>> -> memref<1280xf32, #tpu.memory_space<vmem_shared>>
    tpu.wait_dma2 semaphore(%arg14 : memref<!tpu.dma_semaphore, #tpu.memory_space<semaphore_mem>>) src(%dma_wait3A_301 : memref<1280xf32, #tpu.memory_space<vmem_shared>>) dst(%dma_wait3A_299 : memref<1280xf32, #tpu.memory_space<vmem>>)
    %dma_wait3A_302 = arith.constant 1 : i32
    %dma_wait3A_303 = arith.constant 1280 : i32
    %dma_wait3A_304 = tpu.memref_slice %arg8[%dma_wait3A_303] : memref<40960xf32, #tpu.memory_space<vmem>> -> memref<1280xf32, #tpu.memory_space<vmem>>
    %dma_wait3A_305 = tpu.memref_slice %arg13[%dma_wait3A_302, %mul3A_148] : memref<16x20480xf32, #tpu.memory_space<vmem_shared>> -> memref<1x1280xf32, #tpu.memory_space<vmem_shared>>
    %dma_wait3A_306 = tpu.memref_squeeze %dma_wait3A_305 : memref<1x1280xf32, #tpu.memory_space<vmem_shared>> -> memref<1280xf32, #tpu.memory_space<vmem_shared>>
    %dma_wait3A_307 = arith.constant 1280 : i32
    %dma_wait3A_308 = tpu.memref_slice %arg8[%dma_wait3A_307] : memref<40960xf32, #tpu.memory_space<vmem>> -> memref<1280xf32, #tpu.memory_space<vmem>>
    %dma_wait3A_309 = tpu.memref_slice %arg13[%dma_wait3A_302, %mul3A_148] : memref<16x20480xf32, #tpu.memory_space<vmem_shared>> -> memref<1x1280xf32, #tpu.memory_space<vmem_shared>>
    %dma_wait3A_310 = tpu.memref_squeeze %dma_wait3A_309 : memref<1x1280xf32, #tpu.memory_space<vmem_shared>> -> memref<1280xf32, #tpu.memory_space<vmem_shared>>
    tpu.wait_dma2 semaphore(%arg14 : memref<!tpu.dma_semaphore, #tpu.memory_space<semaphore_mem>>) src(%dma_wait3A_310 : memref<1280xf32, #tpu.memory_space<vmem_shared>>) dst(%dma_wait3A_308 : memref<1280xf32, #tpu.memory_space<vmem>>)
    %dma_wait3A_311 = arith.constant 2 : i32
    %dma_wait3A_312 = arith.constant 2560 : i32
    %dma_wait3A_313 = tpu.memref_slice %arg8[%dma_wait3A_312] : memref<40960xf32, #tpu.memory_space<vmem>> -> memref<1280xf32, #tpu.memory_space<vmem>>
    %dma_wait3A_314 = tpu.memref_slice %arg13[%dma_wait3A_311, %mul3A_148] : memref<16x20480xf32, #tpu.memory_space<vmem_shared>> -> memref<1x1280xf32, #tpu.memory_space<vmem_shared>>
    %dma_wait3A_315 = tpu.memref_squeeze %dma_wait3A_314 : memref<1x1280xf32, #tpu.memory_space<vmem_shared>> -> memref<1280xf32, #tpu.memory_space<vmem_shared>>
    %dma_wait3A_316 = arith.constant 2560 : i32
    %dma_wait3A_317 = tpu.memref_slice %arg8[%dma_wait3A_316] : memref<40960xf32, #tpu.memory_space<vmem>> -> memref<1280xf32, #tpu.memory_space<vmem>>
    %dma_wait3A_318 = tpu.memref_slice %arg13[%dma_wait3A_311, %mul3A_148] : memref<16x20480xf32, #tpu.memory_space<vmem_shared>> -> memref<1x1280xf32, #tpu.memory_space<vmem_shared>>
    %dma_wait3A_319 = tpu.memref_squeeze %dma_wait3A_318 : memref<1x1280xf32, #tpu.memory_space<vmem_shared>> -> memref<1280xf32, #tpu.memory_space<vmem_shared>>
    tpu.wait_dma2 semaphore(%arg14 : memref<!tpu.dma_semaphore, #tpu.memory_space<semaphore_mem>>) src(%dma_wait3A_319 : memref<1280xf32, #tpu.memory_space<vmem_shared>>) dst(%dma_wait3A_317 : memref<1280xf32, #tpu.memory_space<vmem>>)
    %dma_wait3A_320 = arith.constant 3 : i32
    %dma_wait3A_321 = arith.constant 3840 : i32
    %dma_wait3A_322 = tpu.memref_slice %arg8[%dma_wait3A_321] : memref<40960xf32, #tpu.memory_space<vmem>> -> memref<1280xf32, #tpu.memory_space<vmem>>
    %dma_wait3A_323 = tpu.memref_slice %arg13[%dma_wait3A_320, %mul3A_148] : memref<16x20480xf32, #tpu.memory_space<vmem_shared>> -> memref<1x1280xf32, #tpu.memory_space<vmem_shared>>
    %dma_wait3A_324 = tpu.memref_squeeze %dma_wait3A_323 : memref<1x1280xf32, #tpu.memory_space<vmem_shared>> -> memref<1280xf32, #tpu.memory_space<vmem_shared>>
    %dma_wait3A_325 = arith.constant 3840 : i32
    %dma_wait3A_326 = tpu.memref_slice %arg8[%dma_wait3A_325] : memref<40960xf32, #tpu.memory_space<vmem>> -> memref<1280xf32, #tpu.memory_space<vmem>>
    %dma_wait3A_327 = tpu.memref_slice %arg13[%dma_wait3A_320, %mul3A_148] : memref<16x20480xf32, #tpu.memory_space<vmem_shared>> -> memref<1x1280xf32, #tpu.memory_space<vmem_shared>>
    %dma_wait3A_328 = tpu.memref_squeeze %dma_wait3A_327 : memref<1x1280xf32, #tpu.memory_space<vmem_shared>> -> memref<1280xf32, #tpu.memory_space<vmem_shared>>
    tpu.wait_dma2 semaphore(%arg14 : memref<!tpu.dma_semaphore, #tpu.memory_space<semaphore_mem>>) src(%dma_wait3A_328 : memref<1280xf32, #tpu.memory_space<vmem_shared>>) dst(%dma_wait3A_326 : memref<1280xf32, #tpu.memory_space<vmem>>)
    %dma_wait3A_329 = arith.constant 4 : i32
    %dma_wait3A_330 = arith.constant 5120 : i32
    %dma_wait3A_331 = tpu.memref_slice %arg8[%dma_wait3A_330] : memref<40960xf32, #tpu.memory_space<vmem>> -> memref<1280xf32, #tpu.memory_space<vmem>>
    %dma_wait3A_332 = tpu.memref_slice %arg13[%dma_wait3A_329, %mul3A_148] : memref<16x20480xf32, #tpu.memory_space<vmem_shared>> -> memref<1x1280xf32, #tpu.memory_space<vmem_shared>>
    %dma_wait3A_333 = tpu.memref_squeeze %dma_wait3A_332 : memref<1x1280xf32, #tpu.memory_space<vmem_shared>> -> memref<1280xf32, #tpu.memory_space<vmem_shared>>
    %dma_wait3A_334 = arith.constant 5120 : i32
    %dma_wait3A_335 = tpu.memref_slice %arg8[%dma_wait3A_334] : memref<40960xf32, #tpu.memory_space<vmem>> -> memref<1280xf32, #tpu.memory_space<vmem>>
    %dma_wait3A_336 = tpu.memref_slice %arg13[%dma_wait3A_329, %mul3A_148] : memref<16x20480xf32, #tpu.memory_space<vmem_shared>> -> memref<1x1280xf32, #tpu.memory_space<vmem_shared>>
    %dma_wait3A_337 = tpu.memref_squeeze %dma_wait3A_336 : memref<1x1280xf32, #tpu.memory_space<vmem_shared>> -> memref<1280xf32, #tpu.memory_space<vmem_shared>>
    tpu.wait_dma2 semaphore(%arg14 : memref<!tpu.dma_semaphore, #tpu.memory_space<semaphore_mem>>) src(%dma_wait3A_337 : memref<1280xf32, #tpu.memory_space<vmem_shared>>) dst(%dma_wait3A_335 : memref<1280xf32, #tpu.memory_space<vmem>>)
    %dma_wait3A_338 = arith.constant 5 : i32
    %dma_wait3A_339 = arith.constant 6400 : i32
    %dma_wait3A_340 = tpu.memref_slice %arg8[%dma_wait3A_339] : memref<40960xf32, #tpu.memory_space<vmem>> -> memref<1280xf32, #tpu.memory_space<vmem>>
    %dma_wait3A_341 = tpu.memref_slice %arg13[%dma_wait3A_338, %mul3A_148] : memref<16x20480xf32, #tpu.memory_space<vmem_shared>> -> memref<1x1280xf32, #tpu.memory_space<vmem_shared>>
    %dma_wait3A_342 = tpu.memref_squeeze %dma_wait3A_341 : memref<1x1280xf32, #tpu.memory_space<vmem_shared>> -> memref<1280xf32, #tpu.memory_space<vmem_shared>>
    %dma_wait3A_343 = arith.constant 6400 : i32
    %dma_wait3A_344 = tpu.memref_slice %arg8[%dma_wait3A_343] : memref<40960xf32, #tpu.memory_space<vmem>> -> memref<1280xf32, #tpu.memory_space<vmem>>
    %dma_wait3A_345 = tpu.memref_slice %arg13[%dma_wait3A_338, %mul3A_148] : memref<16x20480xf32, #tpu.memory_space<vmem_shared>> -> memref<1x1280xf32, #tpu.memory_space<vmem_shared>>
    %dma_wait3A_346 = tpu.memref_squeeze %dma_wait3A_345 : memref<1x1280xf32, #tpu.memory_space<vmem_shared>> -> memref<1280xf32, #tpu.memory_space<vmem_shared>>
    tpu.wait_dma2 semaphore(%arg14 : memref<!tpu.dma_semaphore, #tpu.memory_space<semaphore_mem>>) src(%dma_wait3A_346 : memref<1280xf32, #tpu.memory_space<vmem_shared>>) dst(%dma_wait3A_344 : memref<1280xf32, #tpu.memory_space<vmem>>)
    %dma_wait3A_347 = arith.constant 6 : i32
    %dma_wait3A_348 = arith.constant 7680 : i32
    %dma_wait3A_349 = tpu.memref_slice %arg8[%dma_wait3A_348] : memref<40960xf32, #tpu.memory_space<vmem>> -> memref<1280xf32, #tpu.memory_space<vmem>>
    %dma_wait3A_350 = tpu.memref_slice %arg13[%dma_wait3A_347, %mul3A_148] : memref<16x20480xf32, #tpu.memory_space<vmem_shared>> -> memref<1x1280xf32, #tpu.memory_space<vmem_shared>>
    %dma_wait3A_351 = tpu.memref_squeeze %dma_wait3A_350 : memref<1x1280xf32, #tpu.memory_space<vmem_shared>> -> memref<1280xf32, #tpu.memory_space<vmem_shared>>
    %dma_wait3A_352 = arith.constant 7680 : i32
    %dma_wait3A_353 = tpu.memref_slice %arg8[%dma_wait3A_352] : memref<40960xf32, #tpu.memory_space<vmem>> -> memref<1280xf32, #tpu.memory_space<vmem>>
    %dma_wait3A_354 = tpu.memref_slice %arg13[%dma_wait3A_347, %mul3A_148] : memref<16x20480xf32, #tpu.memory_space<vmem_shared>> -> memref<1x1280xf32, #tpu.memory_space<vmem_shared>>
    %dma_wait3A_355 = tpu.memref_squeeze %dma_wait3A_354 : memref<1x1280xf32, #tpu.memory_space<vmem_shared>> -> memref<1280xf32, #tpu.memory_space<vmem_shared>>
    tpu.wait_dma2 semaphore(%arg14 : memref<!tpu.dma_semaphore, #tpu.memory_space<semaphore_mem>>) src(%dma_wait3A_355 : memref<1280xf32, #tpu.memory_space<vmem_shared>>) dst(%dma_wait3A_353 : memref<1280xf32, #tpu.memory_space<vmem>>)
    %dma_wait3A_356 = arith.constant 7 : i32
    %dma_wait3A_357 = arith.constant 8960 : i32
    %dma_wait3A_358 = tpu.memref_slice %arg8[%dma_wait3A_357] : memref<40960xf32, #tpu.memory_space<vmem>> -> memref<1280xf32, #tpu.memory_space<vmem>>
    %dma_wait3A_359 = tpu.memref_slice %arg13[%dma_wait3A_356, %mul3A_148] : memref<16x20480xf32, #tpu.memory_space<vmem_shared>> -> memref<1x1280xf32, #tpu.memory_space<vmem_shared>>
    %dma_wait3A_360 = tpu.memref_squeeze %dma_wait3A_359 : memref<1x1280xf32, #tpu.memory_space<vmem_shared>> -> memref<1280xf32, #tpu.memory_space<vmem_shared>>
    %dma_wait3A_361 = arith.constant 8960 : i32
    %dma_wait3A_362 = tpu.memref_slice %arg8[%dma_wait3A_361] : memref<40960xf32, #tpu.memory_space<vmem>> -> memref<1280xf32, #tpu.memory_space<vmem>>
    %dma_wait3A_363 = tpu.memref_slice %arg13[%dma_wait3A_356, %mul3A_148] : memref<16x20480xf32, #tpu.memory_space<vmem_shared>> -> memref<1x1280xf32, #tpu.memory_space<vmem_shared>>
    %dma_wait3A_364 = tpu.memref_squeeze %dma_wait3A_363 : memref<1x1280xf32, #tpu.memory_space<vmem_shared>> -> memref<1280xf32, #tpu.memory_space<vmem_shared>>
    tpu.wait_dma2 semaphore(%arg14 : memref<!tpu.dma_semaphore, #tpu.memory_space<semaphore_mem>>) src(%dma_wait3A_364 : memref<1280xf32, #tpu.memory_space<vmem_shared>>) dst(%dma_wait3A_362 : memref<1280xf32, #tpu.memory_space<vmem>>)
    %dma_wait3A_365 = arith.constant 8 : i32
    %dma_wait3A_366 = arith.constant 10240 : i32
    %dma_wait3A_367 = tpu.memref_slice %arg8[%dma_wait3A_366] : memref<40960xf32, #tpu.memory_space<vmem>> -> memref<1280xf32, #tpu.memory_space<vmem>>
    %dma_wait3A_368 = tpu.memref_slice %arg13[%dma_wait3A_365, %mul3A_148] : memref<16x20480xf32, #tpu.memory_space<vmem_shared>> -> memref<1x1280xf32, #tpu.memory_space<vmem_shared>>
    %dma_wait3A_369 = tpu.memref_squeeze %dma_wait3A_368 : memref<1x1280xf32, #tpu.memory_space<vmem_shared>> -> memref<1280xf32, #tpu.memory_space<vmem_shared>>
    %dma_wait3A_370 = arith.constant 10240 : i32
    %dma_wait3A_371 = tpu.memref_slice %arg8[%dma_wait3A_370] : memref<40960xf32, #tpu.memory_space<vmem>> -> memref<1280xf32, #tpu.memory_space<vmem>>
    %dma_wait3A_372 = tpu.memref_slice %arg13[%dma_wait3A_365, %mul3A_148] : memref<16x20480xf32, #tpu.memory_space<vmem_shared>> -> memref<1x1280xf32, #tpu.memory_space<vmem_shared>>
    %dma_wait3A_373 = tpu.memref_squeeze %dma_wait3A_372 : memref<1x1280xf32, #tpu.memory_space<vmem_shared>> -> memref<1280xf32, #tpu.memory_space<vmem_shared>>
    tpu.wait_dma2 semaphore(%arg14 : memref<!tpu.dma_semaphore, #tpu.memory_space<semaphore_mem>>) src(%dma_wait3A_373 : memref<1280xf32, #tpu.memory_space<vmem_shared>>) dst(%dma_wait3A_371 : memref<1280xf32, #tpu.memory_space<vmem>>)
    %dma_wait3A_374 = arith.constant 9 : i32
    %dma_wait3A_375 = arith.constant 11520 : i32
    %dma_wait3A_376 = tpu.memref_slice %arg8[%dma_wait3A_375] : memref<40960xf32, #tpu.memory_space<vmem>> -> memref<1280xf32, #tpu.memory_space<vmem>>
    %dma_wait3A_377 = tpu.memref_slice %arg13[%dma_wait3A_374, %mul3A_148] : memref<16x20480xf32, #tpu.memory_space<vmem_shared>> -> memref<1x1280xf32, #tpu.memory_space<vmem_shared>>
    %dma_wait3A_378 = tpu.memref_squeeze %dma_wait3A_377 : memref<1x1280xf32, #tpu.memory_space<vmem_shared>> -> memref<1280xf32, #tpu.memory_space<vmem_shared>>
    %dma_wait3A_379 = arith.constant 11520 : i32
    %dma_wait3A_380 = tpu.memref_slice %arg8[%dma_wait3A_379] : memref<40960xf32, #tpu.memory_space<vmem>> -> memref<1280xf32, #tpu.memory_space<vmem>>
    %dma_wait3A_381 = tpu.memref_slice %arg13[%dma_wait3A_374, %mul3A_148] : memref<16x20480xf32, #tpu.memory_space<vmem_shared>> -> memref<1x1280xf32, #tpu.memory_space<vmem_shared>>
    %dma_wait3A_382 = tpu.memref_squeeze %dma_wait3A_381 : memref<1x1280xf32, #tpu.memory_space<vmem_shared>> -> memref<1280xf32, #tpu.memory_space<vmem_shared>>
    tpu.wait_dma2 semaphore(%arg14 : memref<!tpu.dma_semaphore, #tpu.memory_space<semaphore_mem>>) src(%dma_wait3A_382 : memref<1280xf32, #tpu.memory_space<vmem_shared>>) dst(%dma_wait3A_380 : memref<1280xf32, #tpu.memory_space<vmem>>)
    %dma_wait3A_383 = arith.constant 10 : i32
    %dma_wait3A_384 = arith.constant 12800 : i32
    %dma_wait3A_385 = tpu.memref_slice %arg8[%dma_wait3A_384] : memref<40960xf32, #tpu.memory_space<vmem>> -> memref<1280xf32, #tpu.memory_space<vmem>>
    %dma_wait3A_386 = tpu.memref_slice %arg13[%dma_wait3A_383, %mul3A_148] : memref<16x20480xf32, #tpu.memory_space<vmem_shared>> -> memref<1x1280xf32, #tpu.memory_space<vmem_shared>>
    %dma_wait3A_387 = tpu.memref_squeeze %dma_wait3A_386 : memref<1x1280xf32, #tpu.memory_space<vmem_shared>> -> memref<1280xf32, #tpu.memory_space<vmem_shared>>
    %dma_wait3A_388 = arith.constant 12800 : i32
    %dma_wait3A_389 = tpu.memref_slice %arg8[%dma_wait3A_388] : memref<40960xf32, #tpu.memory_space<vmem>> -> memref<1280xf32, #tpu.memory_space<vmem>>
    %dma_wait3A_390 = tpu.memref_slice %arg13[%dma_wait3A_383, %mul3A_148] : memref<16x20480xf32, #tpu.memory_space<vmem_shared>> -> memref<1x1280xf32, #tpu.memory_space<vmem_shared>>
    %dma_wait3A_391 = tpu.memref_squeeze %dma_wait3A_390 : memref<1x1280xf32, #tpu.memory_space<vmem_shared>> -> memref<1280xf32, #tpu.memory_space<vmem_shared>>
    tpu.wait_dma2 semaphore(%arg14 : memref<!tpu.dma_semaphore, #tpu.memory_space<semaphore_mem>>) src(%dma_wait3A_391 : memref<1280xf32, #tpu.memory_space<vmem_shared>>) dst(%dma_wait3A_389 : memref<1280xf32, #tpu.memory_space<vmem>>)
    %dma_wait3A_392 = arith.constant 11 : i32
    %dma_wait3A_393 = arith.constant 14080 : i32
    %dma_wait3A_394 = tpu.memref_slice %arg8[%dma_wait3A_393] : memref<40960xf32, #tpu.memory_space<vmem>> -> memref<1280xf32, #tpu.memory_space<vmem>>
    %dma_wait3A_395 = tpu.memref_slice %arg13[%dma_wait3A_392, %mul3A_148] : memref<16x20480xf32, #tpu.memory_space<vmem_shared>> -> memref<1x1280xf32, #tpu.memory_space<vmem_shared>>
    %dma_wait3A_396 = tpu.memref_squeeze %dma_wait3A_395 : memref<1x1280xf32, #tpu.memory_space<vmem_shared>> -> memref<1280xf32, #tpu.memory_space<vmem_shared>>
    %dma_wait3A_397 = arith.constant 14080 : i32
    %dma_wait3A_398 = tpu.memref_slice %arg8[%dma_wait3A_397] : memref<40960xf32, #tpu.memory_space<vmem>> -> memref<1280xf32, #tpu.memory_space<vmem>>
    %dma_wait3A_399 = tpu.memref_slice %arg13[%dma_wait3A_392, %mul3A_148] : memref<16x20480xf32, #tpu.memory_space<vmem_shared>> -> memref<1x1280xf32, #tpu.memory_space<vmem_shared>>
    %dma_wait3A_400 = tpu.memref_squeeze %dma_wait3A_399 : memref<1x1280xf32, #tpu.memory_space<vmem_shared>> -> memref<1280xf32, #tpu.memory_space<vmem_shared>>
    tpu.wait_dma2 semaphore(%arg14 : memref<!tpu.dma_semaphore, #tpu.memory_space<semaphore_mem>>) src(%dma_wait3A_400 : memref<1280xf32, #tpu.memory_space<vmem_shared>>) dst(%dma_wait3A_398 : memref<1280xf32, #tpu.memory_space<vmem>>)
    %dma_wait3A_401 = arith.constant 12 : i32
    %dma_wait3A_402 = arith.constant 15360 : i32
    %dma_wait3A_403 = tpu.memref_slice %arg8[%dma_wait3A_402] : memref<40960xf32, #tpu.memory_space<vmem>> -> memref<1280xf32, #tpu.memory_space<vmem>>
    %dma_wait3A_404 = tpu.memref_slice %arg13[%dma_wait3A_401, %mul3A_148] : memref<16x20480xf32, #tpu.memory_space<vmem_shared>> -> memref<1x1280xf32, #tpu.memory_space<vmem_shared>>
    %dma_wait3A_405 = tpu.memref_squeeze %dma_wait3A_404 : memref<1x1280xf32, #tpu.memory_space<vmem_shared>> -> memref<1280xf32, #tpu.memory_space<vmem_shared>>
    %dma_wait3A_406 = arith.constant 15360 : i32
    %dma_wait3A_407 = tpu.memref_slice %arg8[%dma_wait3A_406] : memref<40960xf32, #tpu.memory_space<vmem>> -> memref<1280xf32, #tpu.memory_space<vmem>>
    %dma_wait3A_408 = tpu.memref_slice %arg13[%dma_wait3A_401, %mul3A_148] : memref<16x20480xf32, #tpu.memory_space<vmem_shared>> -> memref<1x1280xf32, #tpu.memory_space<vmem_shared>>
    %dma_wait3A_409 = tpu.memref_squeeze %dma_wait3A_408 : memref<1x1280xf32, #tpu.memory_space<vmem_shared>> -> memref<1280xf32, #tpu.memory_space<vmem_shared>>
    tpu.wait_dma2 semaphore(%arg14 : memref<!tpu.dma_semaphore, #tpu.memory_space<semaphore_mem>>) src(%dma_wait3A_409 : memref<1280xf32, #tpu.memory_space<vmem_shared>>) dst(%dma_wait3A_407 : memref<1280xf32, #tpu.memory_space<vmem>>)
    %dma_wait3A_410 = arith.constant 13 : i32
    %dma_wait3A_411 = arith.constant 16640 : i32
    %dma_wait3A_412 = tpu.memref_slice %arg8[%dma_wait3A_411] : memref<40960xf32, #tpu.memory_space<vmem>> -> memref<1280xf32, #tpu.memory_space<vmem>>
    %dma_wait3A_413 = tpu.memref_slice %arg13[%dma_wait3A_410, %mul3A_148] : memref<16x20480xf32, #tpu.memory_space<vmem_shared>> -> memref<1x1280xf32, #tpu.memory_space<vmem_shared>>
    %dma_wait3A_414 = tpu.memref_squeeze %dma_wait3A_413 : memref<1x1280xf32, #tpu.memory_space<vmem_shared>> -> memref<1280xf32, #tpu.memory_space<vmem_shared>>
    %dma_wait3A_415 = arith.constant 16640 : i32
    %dma_wait3A_416 = tpu.memref_slice %arg8[%dma_wait3A_415] : memref<40960xf32, #tpu.memory_space<vmem>> -> memref<1280xf32, #tpu.memory_space<vmem>>
    %dma_wait3A_417 = tpu.memref_slice %arg13[%dma_wait3A_410, %mul3A_148] : memref<16x20480xf32, #tpu.memory_space<vmem_shared>> -> memref<1x1280xf32, #tpu.memory_space<vmem_shared>>
    %dma_wait3A_418 = tpu.memref_squeeze %dma_wait3A_417 : memref<1x1280xf32, #tpu.memory_space<vmem_shared>> -> memref<1280xf32, #tpu.memory_space<vmem_shared>>
    tpu.wait_dma2 semaphore(%arg14 : memref<!tpu.dma_semaphore, #tpu.memory_space<semaphore_mem>>) src(%dma_wait3A_418 : memref<1280xf32, #tpu.memory_space<vmem_shared>>) dst(%dma_wait3A_416 : memref<1280xf32, #tpu.memory_space<vmem>>)
    %dma_wait3A_419 = arith.constant 14 : i32
    %dma_wait3A_420 = arith.constant 17920 : i32
    %dma_wait3A_421 = tpu.memref_slice %arg8[%dma_wait3A_420] : memref<40960xf32, #tpu.memory_space<vmem>> -> memref<1280xf32, #tpu.memory_space<vmem>>
    %dma_wait3A_422 = tpu.memref_slice %arg13[%dma_wait3A_419, %mul3A_148] : memref<16x20480xf32, #tpu.memory_space<vmem_shared>> -> memref<1x1280xf32, #tpu.memory_space<vmem_shared>>
    %dma_wait3A_423 = tpu.memref_squeeze %dma_wait3A_422 : memref<1x1280xf32, #tpu.memory_space<vmem_shared>> -> memref<1280xf32, #tpu.memory_space<vmem_shared>>
    %dma_wait3A_424 = arith.constant 17920 : i32
    %dma_wait3A_425 = tpu.memref_slice %arg8[%dma_wait3A_424] : memref<40960xf32, #tpu.memory_space<vmem>> -> memref<1280xf32, #tpu.memory_space<vmem>>
    %dma_wait3A_426 = tpu.memref_slice %arg13[%dma_wait3A_419, %mul3A_148] : memref<16x20480xf32, #tpu.memory_space<vmem_shared>> -> memref<1x1280xf32, #tpu.memory_space<vmem_shared>>
    %dma_wait3A_427 = tpu.memref_squeeze %dma_wait3A_426 : memref<1x1280xf32, #tpu.memory_space<vmem_shared>> -> memref<1280xf32, #tpu.memory_space<vmem_shared>>
    tpu.wait_dma2 semaphore(%arg14 : memref<!tpu.dma_semaphore, #tpu.memory_space<semaphore_mem>>) src(%dma_wait3A_427 : memref<1280xf32, #tpu.memory_space<vmem_shared>>) dst(%dma_wait3A_425 : memref<1280xf32, #tpu.memory_space<vmem>>)
    %dma_wait3A_428 = arith.constant 15 : i32
    %dma_wait3A_429 = arith.constant 19200 : i32
    %dma_wait3A_430 = tpu.memref_slice %arg8[%dma_wait3A_429] : memref<40960xf32, #tpu.memory_space<vmem>> -> memref<1280xf32, #tpu.memory_space<vmem>>
    %dma_wait3A_431 = tpu.memref_slice %arg13[%dma_wait3A_428, %mul3A_148] : memref<16x20480xf32, #tpu.memory_space<vmem_shared>> -> memref<1x1280xf32, #tpu.memory_space<vmem_shared>>
    %dma_wait3A_432 = tpu.memref_squeeze %dma_wait3A_431 : memref<1x1280xf32, #tpu.memory_space<vmem_shared>> -> memref<1280xf32, #tpu.memory_space<vmem_shared>>
    %dma_wait3A_433 = arith.constant 19200 : i32
    %dma_wait3A_434 = tpu.memref_slice %arg8[%dma_wait3A_433] : memref<40960xf32, #tpu.memory_space<vmem>> -> memref<1280xf32, #tpu.memory_space<vmem>>
    %dma_wait3A_435 = tpu.memref_slice %arg13[%dma_wait3A_428, %mul3A_148] : memref<16x20480xf32, #tpu.memory_space<vmem_shared>> -> memref<1x1280xf32, #tpu.memory_space<vmem_shared>>
    %dma_wait3A_436 = tpu.memref_squeeze %dma_wait3A_435 : memref<1x1280xf32, #tpu.memory_space<vmem_shared>> -> memref<1280xf32, #tpu.memory_space<vmem_shared>>
    tpu.wait_dma2 semaphore(%arg14 : memref<!tpu.dma_semaphore, #tpu.memory_space<semaphore_mem>>) src(%dma_wait3A_436 : memref<1280xf32, #tpu.memory_space<vmem_shared>>) dst(%dma_wait3A_434 : memref<1280xf32, #tpu.memory_space<vmem>>)
    %parallel_loop3A_437 = arith.constant 0 : i32
    %parallel_loop3A_438 = arith.constant 80 : i32
    %parallel_loop3A_439 = arith.constant 1 : i32
    scf.for %parallel_loop3A_756 = %parallel_loop3A_437 to %parallel_loop3A_438 step %parallel_loop3A_439  : i32 {
      %parallel_loop3A_757 = arith.constant 16 : i32
      %parallel_loop3A_758 = arith.muli %parallel_loop3A_756, %parallel_loop3A_757 : i32
      %parallel_loop3A_759 = arith.constant 0 : i32
      %parallel_loop3A_760 = arith.addi %parallel_loop3A_759, %parallel_loop3A_758 : i32
      %parallel_loop3A_761 = arith.index_cast %parallel_loop3A_760 : i32 to index
      %parallel_loop3A_762 = tpu.vector_load %arg8[%parallel_loop3A_761] {strides = array<i32>} : memref<40960xf32, #tpu.memory_space<vmem>>, vector<16xf32>,
      %parallel_loop3A_763 = arith.constant 16 : i32
      %parallel_loop3A_764 = arith.muli %parallel_loop3A_756, %parallel_loop3A_763 : i32
      %parallel_loop3A_765 = arith.constant 1280 : i32
      %parallel_loop3A_766 = arith.addi %parallel_loop3A_765, %parallel_loop3A_764 : i32
      %parallel_loop3A_767 = arith.index_cast %parallel_loop3A_766 : i32 to index
      %parallel_loop3A_768 = tpu.vector_load %arg8[%parallel_loop3A_767] {strides = array<i32>} : memref<40960xf32, #tpu.memory_space<vmem>>, vector<16xf32>,
      %parallel_loop3A_769 = arith.addf %parallel_loop3A_762, %parallel_loop3A_768 : vector<16xf32>
      %parallel_loop3A_770 = arith.constant 16 : i32
      %parallel_loop3A_771 = arith.muli %parallel_loop3A_756, %parallel_loop3A_770 : i32
      %parallel_loop3A_772 = arith.constant 2560 : i32
      %parallel_loop3A_773 = arith.addi %parallel_loop3A_772, %parallel_loop3A_771 : i32
      %parallel_loop3A_774 = arith.index_cast %parallel_loop3A_773 : i32 to index
      %parallel_loop3A_775 = tpu.vector_load %arg8[%parallel_loop3A_774] {strides = array<i32>} : memref<40960xf32, #tpu.memory_space<vmem>>, vector<16xf32>,
      %parallel_loop3A_776 = arith.addf %parallel_loop3A_769, %parallel_loop3A_775 : vector<16xf32>
      %parallel_loop3A_777 = arith.constant 16 : i32
      %parallel_loop3A_778 = arith.muli %parallel_loop3A_756, %parallel_loop3A_777 : i32
      %parallel_loop3A_779 = arith.constant 3840 : i32
      %parallel_loop3A_780 = arith.addi %parallel_loop3A_779, %parallel_loop3A_778 : i32
      %parallel_loop3A_781 = arith.index_cast %parallel_loop3A_780 : i32 to index
      %parallel_loop3A_782 = tpu.vector_load %arg8[%parallel_loop3A_781] {strides = array<i32>} : memref<40960xf32, #tpu.memory_space<vmem>>, vector<16xf32>,
      %parallel_loop3A_783 = arith.addf %parallel_loop3A_776, %parallel_loop3A_782 : vector<16xf32>
      %parallel_loop3A_784 = arith.constant 16 : i32
      %parallel_loop3A_785 = arith.muli %parallel_loop3A_756, %parallel_loop3A_784 : i32
      %parallel_loop3A_786 = arith.constant 5120 : i32
      %parallel_loop3A_787 = arith.addi %parallel_loop3A_786, %parallel_loop3A_785 : i32
      %parallel_loop3A_788 = arith.index_cast %parallel_loop3A_787 : i32 to index
      %parallel_loop3A_789 = tpu.vector_load %arg8[%parallel_loop3A_788] {strides = array<i32>} : memref<40960xf32, #tpu.memory_space<vmem>>, vector<16xf32>,
      %parallel_loop3A_790 = arith.addf %parallel_loop3A_783, %parallel_loop3A_789 : vector<16xf32>
      %parallel_loop3A_791 = arith.constant 16 : i32
      %parallel_loop3A_792 = arith.muli %parallel_loop3A_756, %parallel_loop3A_791 : i32
      %parallel_loop3A_793 = arith.constant 6400 : i32
      %parallel_loop3A_794 = arith.addi %parallel_loop3A_793, %parallel_loop3A_792 : i32
      %parallel_loop3A_795 = arith.index_cast %parallel_loop3A_794 : i32 to index
      %parallel_loop3A_796 = tpu.vector_load %arg8[%parallel_loop3A_795] {strides = array<i32>} : memref<40960xf32, #tpu.memory_space<vmem>>, vector<16xf32>,
      %parallel_loop3A_797 = arith.addf %parallel_loop3A_790, %parallel_loop3A_796 : vector<16xf32>
      %parallel_loop3A_798 = arith.constant 16 : i32
      %parallel_loop3A_799 = arith.muli %parallel_loop3A_756, %parallel_loop3A_798 : i32
      %parallel_loop3A_800 = arith.constant 7680 : i32
      %parallel_loop3A_801 = arith.addi %parallel_loop3A_800, %parallel_loop3A_799 : i32
      %parallel_loop3A_802 = arith.index_cast %parallel_loop3A_801 : i32 to index
      %parallel_loop3A_803 = tpu.vector_load %arg8[%parallel_loop3A_802] {strides = array<i32>} : memref<40960xf32, #tpu.memory_space<vmem>>, vector<16xf32>,
      %parallel_loop3A_804 = arith.addf %parallel_loop3A_797, %parallel_loop3A_803 : vector<16xf32>
      %parallel_loop3A_805 = arith.constant 16 : i32
      %parallel_loop3A_806 = arith.muli %parallel_loop3A_756, %parallel_loop3A_805 : i32
      %parallel_loop3A_807 = arith.constant 8960 : i32
      %parallel_loop3A_808 = arith.addi %parallel_loop3A_807, %parallel_loop3A_806 : i32
      %parallel_loop3A_809 = arith.index_cast %parallel_loop3A_808 : i32 to index
      %parallel_loop3A_810 = tpu.vector_load %arg8[%parallel_loop3A_809] {strides = array<i32>} : memref<40960xf32, #tpu.memory_space<vmem>>, vector<16xf32>,
      %parallel_loop3A_811 = arith.addf %parallel_loop3A_804, %parallel_loop3A_810 : vector<16xf32>
      %parallel_loop3A_812 = arith.constant 16 : i32
      %parallel_loop3A_813 = arith.muli %parallel_loop3A_756, %parallel_loop3A_812 : i32
      %parallel_loop3A_814 = arith.constant 10240 : i32
      %parallel_loop3A_815 = arith.addi %parallel_loop3A_814, %parallel_loop3A_813 : i32
      %parallel_loop3A_816 = arith.index_cast %parallel_loop3A_815 : i32 to index
      %parallel_loop3A_817 = tpu.vector_load %arg8[%parallel_loop3A_816] {strides = array<i32>} : memref<40960xf32, #tpu.memory_space<vmem>>, vector<16xf32>,
      %parallel_loop3A_818 = arith.addf %parallel_loop3A_811, %parallel_loop3A_817 : vector<16xf32>
      %parallel_loop3A_819 = arith.constant 16 : i32
      %parallel_loop3A_820 = arith.muli %parallel_loop3A_756, %parallel_loop3A_819 : i32
      %parallel_loop3A_821 = arith.constant 11520 : i32
      %parallel_loop3A_822 = arith.addi %parallel_loop3A_821, %parallel_loop3A_820 : i32
      %parallel_loop3A_823 = arith.index_cast %parallel_loop3A_822 : i32 to index
      %parallel_loop3A_824 = tpu.vector_load %arg8[%parallel_loop3A_823] {strides = array<i32>} : memref<40960xf32, #tpu.memory_space<vmem>>, vector<16xf32>,
      %parallel_loop3A_825 = arith.addf %parallel_loop3A_818, %parallel_loop3A_824 : vector<16xf32>
      %parallel_loop3A_826 = arith.constant 16 : i32
      %parallel_loop3A_827 = arith.muli %parallel_loop3A_756, %parallel_loop3A_826 : i32
      %parallel_loop3A_828 = arith.constant 12800 : i32
      %parallel_loop3A_829 = arith.addi %parallel_loop3A_828, %parallel_loop3A_827 : i32
      %parallel_loop3A_830 = arith.index_cast %parallel_loop3A_829 : i32 to index
      %parallel_loop3A_831 = tpu.vector_load %arg8[%parallel_loop3A_830] {strides = array<i32>} : memref<40960xf32, #tpu.memory_space<vmem>>, vector<16xf32>,
      %parallel_loop3A_832 = arith.addf %parallel_loop3A_825, %parallel_loop3A_831 : vector<16xf32>
      %parallel_loop3A_833 = arith.constant 16 : i32
      %parallel_loop3A_834 = arith.muli %parallel_loop3A_756, %parallel_loop3A_833 : i32
      %parallel_loop3A_835 = arith.constant 14080 : i32
      %parallel_loop3A_836 = arith.addi %parallel_loop3A_835, %parallel_loop3A_834 : i32
      %parallel_loop3A_837 = arith.index_cast %parallel_loop3A_836 : i32 to index
      %parallel_loop3A_838 = tpu.vector_load %arg8[%parallel_loop3A_837] {strides = array<i32>} : memref<40960xf32, #tpu.memory_space<vmem>>, vector<16xf32>,
      %parallel_loop3A_839 = arith.addf %parallel_loop3A_832, %parallel_loop3A_838 : vector<16xf32>
      %parallel_loop3A_840 = arith.constant 16 : i32
      %parallel_loop3A_841 = arith.muli %parallel_loop3A_756, %parallel_loop3A_840 : i32
      %parallel_loop3A_842 = arith.constant 15360 : i32
      %parallel_loop3A_843 = arith.addi %parallel_loop3A_842, %parallel_loop3A_841 : i32
      %parallel_loop3A_844 = arith.index_cast %parallel_loop3A_843 : i32 to index
      %parallel_loop3A_845 = tpu.vector_load %arg8[%parallel_loop3A_844] {strides = array<i32>} : memref<40960xf32, #tpu.memory_space<vmem>>, vector<16xf32>,
      %parallel_loop3A_846 = arith.addf %parallel_loop3A_839, %parallel_loop3A_845 : vector<16xf32>
      %parallel_loop3A_847 = arith.constant 16 : i32
      %parallel_loop3A_848 = arith.muli %parallel_loop3A_756, %parallel_loop3A_847 : i32
      %parallel_loop3A_849 = arith.constant 16640 : i32
      %parallel_loop3A_850 = arith.addi %parallel_loop3A_849, %parallel_loop3A_848 : i32
      %parallel_loop3A_851 = arith.index_cast %parallel_loop3A_850 : i32 to index
      %parallel_loop3A_852 = tpu.vector_load %arg8[%parallel_loop3A_851] {strides = array<i32>} : memref<40960xf32, #tpu.memory_space<vmem>>, vector<16xf32>,
      %parallel_loop3A_853 = arith.addf %parallel_loop3A_846, %parallel_loop3A_852 : vector<16xf32>
      %parallel_loop3A_854 = arith.constant 16 : i32
      %parallel_loop3A_855 = arith.muli %parallel_loop3A_756, %parallel_loop3A_854 : i32
      %parallel_loop3A_856 = arith.constant 17920 : i32
      %parallel_loop3A_857 = arith.addi %parallel_loop3A_856, %parallel_loop3A_855 : i32
      %parallel_loop3A_858 = arith.index_cast %parallel_loop3A_857 : i32 to index
      %parallel_loop3A_859 = tpu.vector_load %arg8[%parallel_loop3A_858] {strides = array<i32>} : memref<40960xf32, #tpu.memory_space<vmem>>, vector<16xf32>,
      %parallel_loop3A_860 = arith.addf %parallel_loop3A_853, %parallel_loop3A_859 : vector<16xf32>
      %parallel_loop3A_861 = arith.constant 16 : i32
      %parallel_loop3A_862 = arith.muli %parallel_loop3A_756, %parallel_loop3A_861 : i32
      %parallel_loop3A_863 = arith.constant 19200 : i32
      %parallel_loop3A_864 = arith.addi %parallel_loop3A_863, %parallel_loop3A_862 : i32
      %parallel_loop3A_865 = arith.index_cast %parallel_loop3A_864 : i32 to index
      %parallel_loop3A_866 = tpu.vector_load %arg8[%parallel_loop3A_865] {strides = array<i32>} : memref<40960xf32, #tpu.memory_space<vmem>>, vector<16xf32>,
      %parallel_loop3A_867 = arith.addf %parallel_loop3A_860, %parallel_loop3A_866 : vector<16xf32>
      %parallel_loop3A_868 = arith.constant 16 : i32
      %parallel_loop3A_869 = arith.muli %parallel_loop3A_756, %parallel_loop3A_868 : i32
      %parallel_loop3A_870 = arith.constant 0 : i32
      %parallel_loop3A_871 = arith.addi %parallel_loop3A_870, %parallel_loop3A_869 : i32
      %parallel_loop3A_872 = arith.index_cast %parallel_loop3A_871 : i32 to index
      %parallel_loop3A_873 = tpu.vector_load %arg8[%parallel_loop3A_872] {strides = array<i32>} : memref<40960xf32, #tpu.memory_space<vmem>>, vector<16xf32>,
      tpu.vector_store %arg8[%parallel_loop3A_872], %parallel_loop3A_867 {strides = array<i32>} : memref<40960xf32, #tpu.memory_space<vmem>>, vector<16xf32>,
    } {sc.loop_unroll_factor = 4 : i64, sc.parallel_access}
    %add3A_440 = arith.constant 0 : i32
    %add3A_441 = arith.addi %add3A_440, %mul3A_148 : i32
    %eq3A = arith.constant 0 : i32
    %eq3A_442 = arith.cmpi eq, %arg0, %eq3A : i32
    %convert_element_type3A = arith.extui %eq3A_442 : i1 to i32
    %cond3A = arith.constant 0 : i32
    %cond3A_443 = arith.cmpi ne, %convert_element_type3A, %cond3A : i32
    scf.if %cond3A_443 {
      "tpu.region"() ({
        %run_scoped3A = tpu.sem_alloc : memref<!tpu.dma_semaphore, #tpu.memory_space<semaphore_mem>>
        %dma_start3A_756 = arith.constant 0 : i32
        %dma_start3A_757 = tpu.memref_slice %arg8[%dma_start3A_756] : memref<40960xf32, #tpu.memory_space<vmem>> -> memref<1280xf32, #tpu.memory_space<vmem>>
        %dma_start3A_758 = tpu.memref_slice %arg5[%add3A_441] : memref<40960xf32, #tpu.memory_space<hbm>> -> memref<1280xf32, #tpu.memory_space<hbm>>
        %dma_start3A_759 = tpu.memref_slice %arg5[%add3A_441] : memref<40960xf32, #tpu.memory_space<hbm>> -> memref<1280xf32, #tpu.memory_space<hbm>>
        %dma_start3A_760 = arith.constant 0 : i32
        %dma_start3A_761 = tpu.memref_slice %arg8[%dma_start3A_760] : memref<40960xf32, #tpu.memory_space<vmem>> -> memref<1280xf32, #tpu.memory_space<vmem>>
        tpu.enqueue_dma source(%dma_start3A_761 : memref<1280xf32, #tpu.memory_space<vmem>>) target(%dma_start3A_759 : memref<1280xf32, #tpu.memory_space<hbm>>) target_semaphore(%run_scoped3A : memref<!tpu.dma_semaphore, #tpu.memory_space<semaphore_mem>>)
        %dma_wait3A_762 = arith.constant 0 : i32
        %dma_wait3A_763 = tpu.memref_slice %arg8[%dma_wait3A_762] : memref<40960xf32, #tpu.memory_space<vmem>> -> memref<1280xf32, #tpu.memory_space<vmem>>
        %dma_wait3A_764 = tpu.memref_slice %arg5[%add3A_441] : memref<40960xf32, #tpu.memory_space<hbm>> -> memref<1280xf32, #tpu.memory_space<hbm>>
        %dma_wait3A_765 = tpu.memref_slice %arg5[%add3A_441] : memref<40960xf32, #tpu.memory_space<hbm>> -> memref<1280xf32, #tpu.memory_space<hbm>>
        %dma_wait3A_766 = arith.constant 0 : i32
        %dma_wait3A_767 = tpu.memref_slice %arg8[%dma_wait3A_766] : memref<40960xf32, #tpu.memory_space<vmem>> -> memref<1280xf32, #tpu.memory_space<vmem>>
        tpu.wait_dma2 semaphore(%run_scoped3A : memref<!tpu.dma_semaphore, #tpu.memory_space<semaphore_mem>>) src(%dma_wait3A_767 : memref<1280xf32, #tpu.memory_space<vmem>>) dst(%dma_wait3A_765 : memref<1280xf32, #tpu.memory_space<hbm>>)
        tpu.yield
      }) : () -> ()
    } else {
    }
    %eq3A_444 = arith.constant 1 : i32
    %eq3A_445 = arith.cmpi eq, %arg0, %eq3A_444 : i32
    %convert_element_type3A_446 = arith.extui %eq3A_445 : i1 to i32
    %cond3A_447 = arith.constant 0 : i32
    %cond3A_448 = arith.cmpi ne, %convert_element_type3A_446, %cond3A_447 : i32
    scf.if %cond3A_448 {
      "tpu.region"() ({
        %run_scoped3A = tpu.sem_alloc : memref<!tpu.dma_semaphore, #tpu.memory_space<semaphore_mem>>
        %dma_start3A_756 = arith.constant 0 : i32
        %dma_start3A_757 = tpu.memref_slice %arg8[%dma_start3A_756] : memref<40960xf32, #tpu.memory_space<vmem>> -> memref<1280xf32, #tpu.memory_space<vmem>>
        %dma_start3A_758 = tpu.memref_slice %arg6[%add3A_441] : memref<40960xf32, #tpu.memory_space<hbm>> -> memref<1280xf32, #tpu.memory_space<hbm>>
        %dma_start3A_759 = tpu.memref_slice %arg6[%add3A_441] : memref<40960xf32, #tpu.memory_space<hbm>> -> memref<1280xf32, #tpu.memory_space<hbm>>
        %dma_start3A_760 = arith.constant 0 : i32
        %dma_start3A_761 = tpu.memref_slice %arg8[%dma_start3A_760] : memref<40960xf32, #tpu.memory_space<vmem>> -> memref<1280xf32, #tpu.memory_space<vmem>>
        tpu.enqueue_dma source(%dma_start3A_761 : memref<1280xf32, #tpu.memory_space<vmem>>) target(%dma_start3A_759 : memref<1280xf32, #tpu.memory_space<hbm>>) target_semaphore(%run_scoped3A : memref<!tpu.dma_semaphore, #tpu.memory_space<semaphore_mem>>)
        %dma_wait3A_762 = arith.constant 0 : i32
        %dma_wait3A_763 = tpu.memref_slice %arg8[%dma_wait3A_762] : memref<40960xf32, #tpu.memory_space<vmem>> -> memref<1280xf32, #tpu.memory_space<vmem>>
        %dma_wait3A_764 = tpu.memref_slice %arg6[%add3A_441] : memref<40960xf32, #tpu.memory_space<hbm>> -> memref<1280xf32, #tpu.memory_space<hbm>>
        %dma_wait3A_765 = tpu.memref_slice %arg6[%add3A_441] : memref<40960xf32, #tpu.memory_space<hbm>> -> memref<1280xf32, #tpu.memory_space<hbm>>
        %dma_wait3A_766 = arith.constant 0 : i32
        %dma_wait3A_767 = tpu.memref_slice %arg8[%dma_wait3A_766] : memref<40960xf32, #tpu.memory_space<vmem>> -> memref<1280xf32, #tpu.memory_space<vmem>>
        tpu.wait_dma2 semaphore(%run_scoped3A : memref<!tpu.dma_semaphore, #tpu.memory_space<semaphore_mem>>) src(%dma_wait3A_767 : memref<1280xf32, #tpu.memory_space<vmem>>) dst(%dma_wait3A_765 : memref<1280xf32, #tpu.memory_space<hbm>>)
        tpu.yield
      }) : () -> ()
    } else {
    }
    %barrier3A_449 = arith.constant 0 : index
    tpu.barrier barrier_id(%barrier3A_449)
    "tpu.region"() ({
      %run_scoped3A = tpu.sem_alloc : memref<!tpu.dma_semaphore, #tpu.memory_space<semaphore_mem>>
      %dma_start3A_756 = arith.constant 20480 : i32
      %dma_start3A_757 = tpu.memref_slice %arg8[%dma_start3A_756] : memref<40960xf32, #tpu.memory_space<vmem>> -> memref<20480xf32, #tpu.memory_space<vmem>>
      %dma_start3A_758 = arith.constant 0 : i32
      %dma_start3A_759 = tpu.memref_slice %arg13[%arg1, %dma_start3A_758] : memref<16x20480xf32, #tpu.memory_space<vmem_shared>> -> memref<1x20480xf32, #tpu.memory_space<vmem_shared>>
      %dma_start3A_760 = tpu.memref_squeeze %dma_start3A_759 : memref<1x20480xf32, #tpu.memory_space<vmem_shared>> -> memref<20480xf32, #tpu.memory_space<vmem_shared>>
      %dma_start3A_761 = arith.constant 0 : i32
      %dma_start3A_762 = tpu.memref_slice %arg13[%arg1, %dma_start3A_761] : memref<16x20480xf32, #tpu.memory_space<vmem_shared>> -> memref<1x20480xf32, #tpu.memory_space<vmem_shared>>
      %dma_start3A_763 = tpu.memref_squeeze %dma_start3A_762 : memref<1x20480xf32, #tpu.memory_space<vmem_shared>> -> memref<20480xf32, #tpu.memory_space<vmem_shared>>
      %dma_start3A_764 = arith.constant 20480 : i32
      %dma_start3A_765 = tpu.memref_slice %arg8[%dma_start3A_764] : memref<40960xf32, #tpu.memory_space<vmem>> -> memref<20480xf32, #tpu.memory_space<vmem>>
      tpu.enqueue_dma source(%dma_start3A_765 : memref<20480xf32, #tpu.memory_space<vmem>>) target(%dma_start3A_763 : memref<20480xf32, #tpu.memory_space<vmem_shared>>) target_semaphore(%run_scoped3A : memref<!tpu.dma_semaphore, #tpu.memory_space<semaphore_mem>>)
      %dma_wait3A_766 = arith.constant 20480 : i32
      %dma_wait3A_767 = tpu.memref_slice %arg8[%dma_wait3A_766] : memref<40960xf32, #tpu.memory_space<vmem>> -> memref<20480xf32, #tpu.memory_space<vmem>>
      %dma_wait3A_768 = arith.constant 0 : i32
      %dma_wait3A_769 = tpu.memref_slice %arg13[%arg1, %dma_wait3A_768] : memref<16x20480xf32, #tpu.memory_space<vmem_shared>> -> memref<1x20480xf32, #tpu.memory_space<vmem_shared>>
      %dma_wait3A_770 = tpu.memref_squeeze %dma_wait3A_769 : memref<1x20480xf32, #tpu.memory_space<vmem_shared>> -> memref<20480xf32, #tpu.memory_space<vmem_shared>>
      %dma_wait3A_771 = arith.constant 0 : i32
      %dma_wait3A_772 = tpu.memref_slice %arg13[%arg1, %dma_wait3A_771] : memref<16x20480xf32, #tpu.memory_space<vmem_shared>> -> memref<1x20480xf32, #tpu.memory_space<vmem_shared>>
      %dma_wait3A_773 = tpu.memref_squeeze %dma_wait3A_772 : memref<1x20480xf32, #tpu.memory_space<vmem_shared>> -> memref<20480xf32, #tpu.memory_space<vmem_shared>>
      %dma_wait3A_774 = arith.constant 20480 : i32
      %dma_wait3A_775 = tpu.memref_slice %arg8[%dma_wait3A_774] : memref<40960xf32, #tpu.memory_space<vmem>> -> memref<20480xf32, #tpu.memory_space<vmem>>
      tpu.wait_dma2 semaphore(%run_scoped3A : memref<!tpu.dma_semaphore, #tpu.memory_space<semaphore_mem>>) src(%dma_wait3A_775 : memref<20480xf32, #tpu.memory_space<vmem>>) dst(%dma_wait3A_773 : memref<20480xf32, #tpu.memory_space<vmem_shared>>)
      tpu.yield
    }) : () -> ()
    %barrier3A_450 = arith.constant 0 : index
    tpu.barrier barrier_id(%barrier3A_450)
    %mul3A_451 = arith.constant 1280 : i32
    %mul3A_452 = arith.muli %arg1, %mul3A_451 : i32
    %dma_start3A_453 = arith.constant 0 : i32
    %dma_start3A_454 = arith.constant 20480 : i32
    %dma_start3A_455 = tpu.memref_slice %arg8[%dma_start3A_454] : memref<40960xf32, #tpu.memory_space<vmem>> -> memref<1280xf32, #tpu.memory_space<vmem>>
    %dma_start3A_456 = tpu.memref_slice %arg13[%dma_start3A_453, %mul3A_452] : memref<16x20480xf32, #tpu.memory_space<vmem_shared>> -> memref<1x1280xf32, #tpu.memory_space<vmem_shared>>
    %dma_start3A_457 = tpu.memref_squeeze %dma_start3A_456 : memref<1x1280xf32, #tpu.memory_space<vmem_shared>> -> memref<1280xf32, #tpu.memory_space<vmem_shared>>
    %dma_start3A_458 = arith.constant 20480 : i32
    %dma_start3A_459 = tpu.memref_slice %arg8[%dma_start3A_458] : memref<40960xf32, #tpu.memory_space<vmem>> -> memref<1280xf32, #tpu.memory_space<vmem>>
    %dma_start3A_460 = tpu.memref_slice %arg13[%dma_start3A_453, %mul3A_452] : memref<16x20480xf32, #tpu.memory_space<vmem_shared>> -> memref<1x1280xf32, #tpu.memory_space<vmem_shared>>
    %dma_start3A_461 = tpu.memref_squeeze %dma_start3A_460 : memref<1x1280xf32, #tpu.memory_space<vmem_shared>> -> memref<1280xf32, #tpu.memory_space<vmem_shared>>
    tpu.enqueue_dma source(%dma_start3A_461 : memref<1280xf32, #tpu.memory_space<vmem_shared>>) target(%dma_start3A_459 : memref<1280xf32, #tpu.memory_space<vmem>>) target_semaphore(%arg14 : memref<!tpu.dma_semaphore, #tpu.memory_space<semaphore_mem>>)
    %dma_start3A_462 = arith.constant 1 : i32
    %dma_start3A_463 = arith.constant 21760 : i32
    %dma_start3A_464 = tpu.memref_slice %arg8[%dma_start3A_463] : memref<40960xf32, #tpu.memory_space<vmem>> -> memref<1280xf32, #tpu.memory_space<vmem>>
    %dma_start3A_465 = tpu.memref_slice %arg13[%dma_start3A_462, %mul3A_452] : memref<16x20480xf32, #tpu.memory_space<vmem_shared>> -> memref<1x1280xf32, #tpu.memory_space<vmem_shared>>
    %dma_start3A_466 = tpu.memref_squeeze %dma_start3A_465 : memref<1x1280xf32, #tpu.memory_space<vmem_shared>> -> memref<1280xf32, #tpu.memory_space<vmem_shared>>
    %dma_start3A_467 = arith.constant 21760 : i32
    %dma_start3A_468 = tpu.memref_slice %arg8[%dma_start3A_467] : memref<40960xf32, #tpu.memory_space<vmem>> -> memref<1280xf32, #tpu.memory_space<vmem>>
    %dma_start3A_469 = tpu.memref_slice %arg13[%dma_start3A_462, %mul3A_452] : memref<16x20480xf32, #tpu.memory_space<vmem_shared>> -> memref<1x1280xf32, #tpu.memory_space<vmem_shared>>
    %dma_start3A_470 = tpu.memref_squeeze %dma_start3A_469 : memref<1x1280xf32, #tpu.memory_space<vmem_shared>> -> memref<1280xf32, #tpu.memory_space<vmem_shared>>
    tpu.enqueue_dma source(%dma_start3A_470 : memref<1280xf32, #tpu.memory_space<vmem_shared>>) target(%dma_start3A_468 : memref<1280xf32, #tpu.memory_space<vmem>>) target_semaphore(%arg14 : memref<!tpu.dma_semaphore, #tpu.memory_space<semaphore_mem>>)
    %dma_start3A_471 = arith.constant 2 : i32
    %dma_start3A_472 = arith.constant 23040 : i32
    %dma_start3A_473 = tpu.memref_slice %arg8[%dma_start3A_472] : memref<40960xf32, #tpu.memory_space<vmem>> -> memref<1280xf32, #tpu.memory_space<vmem>>
    %dma_start3A_474 = tpu.memref_slice %arg13[%dma_start3A_471, %mul3A_452] : memref<16x20480xf32, #tpu.memory_space<vmem_shared>> -> memref<1x1280xf32, #tpu.memory_space<vmem_shared>>
    %dma_start3A_475 = tpu.memref_squeeze %dma_start3A_474 : memref<1x1280xf32, #tpu.memory_space<vmem_shared>> -> memref<1280xf32, #tpu.memory_space<vmem_shared>>
    %dma_start3A_476 = arith.constant 23040 : i32
    %dma_start3A_477 = tpu.memref_slice %arg8[%dma_start3A_476] : memref<40960xf32, #tpu.memory_space<vmem>> -> memref<1280xf32, #tpu.memory_space<vmem>>
    %dma_start3A_478 = tpu.memref_slice %arg13[%dma_start3A_471, %mul3A_452] : memref<16x20480xf32, #tpu.memory_space<vmem_shared>> -> memref<1x1280xf32, #tpu.memory_space<vmem_shared>>
    %dma_start3A_479 = tpu.memref_squeeze %dma_start3A_478 : memref<1x1280xf32, #tpu.memory_space<vmem_shared>> -> memref<1280xf32, #tpu.memory_space<vmem_shared>>
    tpu.enqueue_dma source(%dma_start3A_479 : memref<1280xf32, #tpu.memory_space<vmem_shared>>) target(%dma_start3A_477 : memref<1280xf32, #tpu.memory_space<vmem>>) target_semaphore(%arg14 : memref<!tpu.dma_semaphore, #tpu.memory_space<semaphore_mem>>)
    %dma_start3A_480 = arith.constant 3 : i32
    %dma_start3A_481 = arith.constant 24320 : i32
    %dma_start3A_482 = tpu.memref_slice %arg8[%dma_start3A_481] : memref<40960xf32, #tpu.memory_space<vmem>> -> memref<1280xf32, #tpu.memory_space<vmem>>
    %dma_start3A_483 = tpu.memref_slice %arg13[%dma_start3A_480, %mul3A_452] : memref<16x20480xf32, #tpu.memory_space<vmem_shared>> -> memref<1x1280xf32, #tpu.memory_space<vmem_shared>>
    %dma_start3A_484 = tpu.memref_squeeze %dma_start3A_483 : memref<1x1280xf32, #tpu.memory_space<vmem_shared>> -> memref<1280xf32, #tpu.memory_space<vmem_shared>>
    %dma_start3A_485 = arith.constant 24320 : i32
    %dma_start3A_486 = tpu.memref_slice %arg8[%dma_start3A_485] : memref<40960xf32, #tpu.memory_space<vmem>> -> memref<1280xf32, #tpu.memory_space<vmem>>
    %dma_start3A_487 = tpu.memref_slice %arg13[%dma_start3A_480, %mul3A_452] : memref<16x20480xf32, #tpu.memory_space<vmem_shared>> -> memref<1x1280xf32, #tpu.memory_space<vmem_shared>>
    %dma_start3A_488 = tpu.memref_squeeze %dma_start3A_487 : memref<1x1280xf32, #tpu.memory_space<vmem_shared>> -> memref<1280xf32, #tpu.memory_space<vmem_shared>>
    tpu.enqueue_dma source(%dma_start3A_488 : memref<1280xf32, #tpu.memory_space<vmem_shared>>) target(%dma_start3A_486 : memref<1280xf32, #tpu.memory_space<vmem>>) target_semaphore(%arg14 : memref<!tpu.dma_semaphore, #tpu.memory_space<semaphore_mem>>)
    %dma_start3A_489 = arith.constant 4 : i32
    %dma_start3A_490 = arith.constant 25600 : i32
    %dma_start3A_491 = tpu.memref_slice %arg8[%dma_start3A_490] : memref<40960xf32, #tpu.memory_space<vmem>> -> memref<1280xf32, #tpu.memory_space<vmem>>
    %dma_start3A_492 = tpu.memref_slice %arg13[%dma_start3A_489, %mul3A_452] : memref<16x20480xf32, #tpu.memory_space<vmem_shared>> -> memref<1x1280xf32, #tpu.memory_space<vmem_shared>>
    %dma_start3A_493 = tpu.memref_squeeze %dma_start3A_492 : memref<1x1280xf32, #tpu.memory_space<vmem_shared>> -> memref<1280xf32, #tpu.memory_space<vmem_shared>>
    %dma_start3A_494 = arith.constant 25600 : i32
    %dma_start3A_495 = tpu.memref_slice %arg8[%dma_start3A_494] : memref<40960xf32, #tpu.memory_space<vmem>> -> memref<1280xf32, #tpu.memory_space<vmem>>
    %dma_start3A_496 = tpu.memref_slice %arg13[%dma_start3A_489, %mul3A_452] : memref<16x20480xf32, #tpu.memory_space<vmem_shared>> -> memref<1x1280xf32, #tpu.memory_space<vmem_shared>>
    %dma_start3A_497 = tpu.memref_squeeze %dma_start3A_496 : memref<1x1280xf32, #tpu.memory_space<vmem_shared>> -> memref<1280xf32, #tpu.memory_space<vmem_shared>>
    tpu.enqueue_dma source(%dma_start3A_497 : memref<1280xf32, #tpu.memory_space<vmem_shared>>) target(%dma_start3A_495 : memref<1280xf32, #tpu.memory_space<vmem>>) target_semaphore(%arg14 : memref<!tpu.dma_semaphore, #tpu.memory_space<semaphore_mem>>)
    %dma_start3A_498 = arith.constant 5 : i32
    %dma_start3A_499 = arith.constant 26880 : i32
    %dma_start3A_500 = tpu.memref_slice %arg8[%dma_start3A_499] : memref<40960xf32, #tpu.memory_space<vmem>> -> memref<1280xf32, #tpu.memory_space<vmem>>
    %dma_start3A_501 = tpu.memref_slice %arg13[%dma_start3A_498, %mul3A_452] : memref<16x20480xf32, #tpu.memory_space<vmem_shared>> -> memref<1x1280xf32, #tpu.memory_space<vmem_shared>>
    %dma_start3A_502 = tpu.memref_squeeze %dma_start3A_501 : memref<1x1280xf32, #tpu.memory_space<vmem_shared>> -> memref<1280xf32, #tpu.memory_space<vmem_shared>>
    %dma_start3A_503 = arith.constant 26880 : i32
    %dma_start3A_504 = tpu.memref_slice %arg8[%dma_start3A_503] : memref<40960xf32, #tpu.memory_space<vmem>> -> memref<1280xf32, #tpu.memory_space<vmem>>
    %dma_start3A_505 = tpu.memref_slice %arg13[%dma_start3A_498, %mul3A_452] : memref<16x20480xf32, #tpu.memory_space<vmem_shared>> -> memref<1x1280xf32, #tpu.memory_space<vmem_shared>>
    %dma_start3A_506 = tpu.memref_squeeze %dma_start3A_505 : memref<1x1280xf32, #tpu.memory_space<vmem_shared>> -> memref<1280xf32, #tpu.memory_space<vmem_shared>>
    tpu.enqueue_dma source(%dma_start3A_506 : memref<1280xf32, #tpu.memory_space<vmem_shared>>) target(%dma_start3A_504 : memref<1280xf32, #tpu.memory_space<vmem>>) target_semaphore(%arg14 : memref<!tpu.dma_semaphore, #tpu.memory_space<semaphore_mem>>)
    %dma_start3A_507 = arith.constant 6 : i32
    %dma_start3A_508 = arith.constant 28160 : i32
    %dma_start3A_509 = tpu.memref_slice %arg8[%dma_start3A_508] : memref<40960xf32, #tpu.memory_space<vmem>> -> memref<1280xf32, #tpu.memory_space<vmem>>
    %dma_start3A_510 = tpu.memref_slice %arg13[%dma_start3A_507, %mul3A_452] : memref<16x20480xf32, #tpu.memory_space<vmem_shared>> -> memref<1x1280xf32, #tpu.memory_space<vmem_shared>>
    %dma_start3A_511 = tpu.memref_squeeze %dma_start3A_510 : memref<1x1280xf32, #tpu.memory_space<vmem_shared>> -> memref<1280xf32, #tpu.memory_space<vmem_shared>>
    %dma_start3A_512 = arith.constant 28160 : i32
    %dma_start3A_513 = tpu.memref_slice %arg8[%dma_start3A_512] : memref<40960xf32, #tpu.memory_space<vmem>> -> memref<1280xf32, #tpu.memory_space<vmem>>
    %dma_start3A_514 = tpu.memref_slice %arg13[%dma_start3A_507, %mul3A_452] : memref<16x20480xf32, #tpu.memory_space<vmem_shared>> -> memref<1x1280xf32, #tpu.memory_space<vmem_shared>>
    %dma_start3A_515 = tpu.memref_squeeze %dma_start3A_514 : memref<1x1280xf32, #tpu.memory_space<vmem_shared>> -> memref<1280xf32, #tpu.memory_space<vmem_shared>>
    tpu.enqueue_dma source(%dma_start3A_515 : memref<1280xf32, #tpu.memory_space<vmem_shared>>) target(%dma_start3A_513 : memref<1280xf32, #tpu.memory_space<vmem>>) target_semaphore(%arg14 : memref<!tpu.dma_semaphore, #tpu.memory_space<semaphore_mem>>)
    %dma_start3A_516 = arith.constant 7 : i32
    %dma_start3A_517 = arith.constant 29440 : i32
    %dma_start3A_518 = tpu.memref_slice %arg8[%dma_start3A_517] : memref<40960xf32, #tpu.memory_space<vmem>> -> memref<1280xf32, #tpu.memory_space<vmem>>
    %dma_start3A_519 = tpu.memref_slice %arg13[%dma_start3A_516, %mul3A_452] : memref<16x20480xf32, #tpu.memory_space<vmem_shared>> -> memref<1x1280xf32, #tpu.memory_space<vmem_shared>>
    %dma_start3A_520 = tpu.memref_squeeze %dma_start3A_519 : memref<1x1280xf32, #tpu.memory_space<vmem_shared>> -> memref<1280xf32, #tpu.memory_space<vmem_shared>>
    %dma_start3A_521 = arith.constant 29440 : i32
    %dma_start3A_522 = tpu.memref_slice %arg8[%dma_start3A_521] : memref<40960xf32, #tpu.memory_space<vmem>> -> memref<1280xf32, #tpu.memory_space<vmem>>
    %dma_start3A_523 = tpu.memref_slice %arg13[%dma_start3A_516, %mul3A_452] : memref<16x20480xf32, #tpu.memory_space<vmem_shared>> -> memref<1x1280xf32, #tpu.memory_space<vmem_shared>>
    %dma_start3A_524 = tpu.memref_squeeze %dma_start3A_523 : memref<1x1280xf32, #tpu.memory_space<vmem_shared>> -> memref<1280xf32, #tpu.memory_space<vmem_shared>>
    tpu.enqueue_dma source(%dma_start3A_524 : memref<1280xf32, #tpu.memory_space<vmem_shared>>) target(%dma_start3A_522 : memref<1280xf32, #tpu.memory_space<vmem>>) target_semaphore(%arg14 : memref<!tpu.dma_semaphore, #tpu.memory_space<semaphore_mem>>)
    %dma_start3A_525 = arith.constant 8 : i32
    %dma_start3A_526 = arith.constant 30720 : i32
    %dma_start3A_527 = tpu.memref_slice %arg8[%dma_start3A_526] : memref<40960xf32, #tpu.memory_space<vmem>> -> memref<1280xf32, #tpu.memory_space<vmem>>
    %dma_start3A_528 = tpu.memref_slice %arg13[%dma_start3A_525, %mul3A_452] : memref<16x20480xf32, #tpu.memory_space<vmem_shared>> -> memref<1x1280xf32, #tpu.memory_space<vmem_shared>>
    %dma_start3A_529 = tpu.memref_squeeze %dma_start3A_528 : memref<1x1280xf32, #tpu.memory_space<vmem_shared>> -> memref<1280xf32, #tpu.memory_space<vmem_shared>>
    %dma_start3A_530 = arith.constant 30720 : i32
    %dma_start3A_531 = tpu.memref_slice %arg8[%dma_start3A_530] : memref<40960xf32, #tpu.memory_space<vmem>> -> memref<1280xf32, #tpu.memory_space<vmem>>
    %dma_start3A_532 = tpu.memref_slice %arg13[%dma_start3A_525, %mul3A_452] : memref<16x20480xf32, #tpu.memory_space<vmem_shared>> -> memref<1x1280xf32, #tpu.memory_space<vmem_shared>>
    %dma_start3A_533 = tpu.memref_squeeze %dma_start3A_532 : memref<1x1280xf32, #tpu.memory_space<vmem_shared>> -> memref<1280xf32, #tpu.memory_space<vmem_shared>>
    tpu.enqueue_dma source(%dma_start3A_533 : memref<1280xf32, #tpu.memory_space<vmem_shared>>) target(%dma_start3A_531 : memref<1280xf32, #tpu.memory_space<vmem>>) target_semaphore(%arg14 : memref<!tpu.dma_semaphore, #tpu.memory_space<semaphore_mem>>)
    %dma_start3A_534 = arith.constant 9 : i32
    %dma_start3A_535 = arith.constant 32000 : i32
    %dma_start3A_536 = tpu.memref_slice %arg8[%dma_start3A_535] : memref<40960xf32, #tpu.memory_space<vmem>> -> memref<1280xf32, #tpu.memory_space<vmem>>
    %dma_start3A_537 = tpu.memref_slice %arg13[%dma_start3A_534, %mul3A_452] : memref<16x20480xf32, #tpu.memory_space<vmem_shared>> -> memref<1x1280xf32, #tpu.memory_space<vmem_shared>>
    %dma_start3A_538 = tpu.memref_squeeze %dma_start3A_537 : memref<1x1280xf32, #tpu.memory_space<vmem_shared>> -> memref<1280xf32, #tpu.memory_space<vmem_shared>>
    %dma_start3A_539 = arith.constant 32000 : i32
    %dma_start3A_540 = tpu.memref_slice %arg8[%dma_start3A_539] : memref<40960xf32, #tpu.memory_space<vmem>> -> memref<1280xf32, #tpu.memory_space<vmem>>
    %dma_start3A_541 = tpu.memref_slice %arg13[%dma_start3A_534, %mul3A_452] : memref<16x20480xf32, #tpu.memory_space<vmem_shared>> -> memref<1x1280xf32, #tpu.memory_space<vmem_shared>>
    %dma_start3A_542 = tpu.memref_squeeze %dma_start3A_541 : memref<1x1280xf32, #tpu.memory_space<vmem_shared>> -> memref<1280xf32, #tpu.memory_space<vmem_shared>>
    tpu.enqueue_dma source(%dma_start3A_542 : memref<1280xf32, #tpu.memory_space<vmem_shared>>) target(%dma_start3A_540 : memref<1280xf32, #tpu.memory_space<vmem>>) target_semaphore(%arg14 : memref<!tpu.dma_semaphore, #tpu.memory_space<semaphore_mem>>)
    %dma_start3A_543 = arith.constant 10 : i32
    %dma_start3A_544 = arith.constant 33280 : i32
    %dma_start3A_545 = tpu.memref_slice %arg8[%dma_start3A_544] : memref<40960xf32, #tpu.memory_space<vmem>> -> memref<1280xf32, #tpu.memory_space<vmem>>
    %dma_start3A_546 = tpu.memref_slice %arg13[%dma_start3A_543, %mul3A_452] : memref<16x20480xf32, #tpu.memory_space<vmem_shared>> -> memref<1x1280xf32, #tpu.memory_space<vmem_shared>>
    %dma_start3A_547 = tpu.memref_squeeze %dma_start3A_546 : memref<1x1280xf32, #tpu.memory_space<vmem_shared>> -> memref<1280xf32, #tpu.memory_space<vmem_shared>>
    %dma_start3A_548 = arith.constant 33280 : i32
    %dma_start3A_549 = tpu.memref_slice %arg8[%dma_start3A_548] : memref<40960xf32, #tpu.memory_space<vmem>> -> memref<1280xf32, #tpu.memory_space<vmem>>
    %dma_start3A_550 = tpu.memref_slice %arg13[%dma_start3A_543, %mul3A_452] : memref<16x20480xf32, #tpu.memory_space<vmem_shared>> -> memref<1x1280xf32, #tpu.memory_space<vmem_shared>>
    %dma_start3A_551 = tpu.memref_squeeze %dma_start3A_550 : memref<1x1280xf32, #tpu.memory_space<vmem_shared>> -> memref<1280xf32, #tpu.memory_space<vmem_shared>>
    tpu.enqueue_dma source(%dma_start3A_551 : memref<1280xf32, #tpu.memory_space<vmem_shared>>) target(%dma_start3A_549 : memref<1280xf32, #tpu.memory_space<vmem>>) target_semaphore(%arg14 : memref<!tpu.dma_semaphore, #tpu.memory_space<semaphore_mem>>)
    %dma_start3A_552 = arith.constant 11 : i32
    %dma_start3A_553 = arith.constant 34560 : i32
    %dma_start3A_554 = tpu.memref_slice %arg8[%dma_start3A_553] : memref<40960xf32, #tpu.memory_space<vmem>> -> memref<1280xf32, #tpu.memory_space<vmem>>
    %dma_start3A_555 = tpu.memref_slice %arg13[%dma_start3A_552, %mul3A_452] : memref<16x20480xf32, #tpu.memory_space<vmem_shared>> -> memref<1x1280xf32, #tpu.memory_space<vmem_shared>>
    %dma_start3A_556 = tpu.memref_squeeze %dma_start3A_555 : memref<1x1280xf32, #tpu.memory_space<vmem_shared>> -> memref<1280xf32, #tpu.memory_space<vmem_shared>>
    %dma_start3A_557 = arith.constant 34560 : i32
    %dma_start3A_558 = tpu.memref_slice %arg8[%dma_start3A_557] : memref<40960xf32, #tpu.memory_space<vmem>> -> memref<1280xf32, #tpu.memory_space<vmem>>
    %dma_start3A_559 = tpu.memref_slice %arg13[%dma_start3A_552, %mul3A_452] : memref<16x20480xf32, #tpu.memory_space<vmem_shared>> -> memref<1x1280xf32, #tpu.memory_space<vmem_shared>>
    %dma_start3A_560 = tpu.memref_squeeze %dma_start3A_559 : memref<1x1280xf32, #tpu.memory_space<vmem_shared>> -> memref<1280xf32, #tpu.memory_space<vmem_shared>>
    tpu.enqueue_dma source(%dma_start3A_560 : memref<1280xf32, #tpu.memory_space<vmem_shared>>) target(%dma_start3A_558 : memref<1280xf32, #tpu.memory_space<vmem>>) target_semaphore(%arg14 : memref<!tpu.dma_semaphore, #tpu.memory_space<semaphore_mem>>)
    %dma_start3A_561 = arith.constant 12 : i32
    %dma_start3A_562 = arith.constant 35840 : i32
    %dma_start3A_563 = tpu.memref_slice %arg8[%dma_start3A_562] : memref<40960xf32, #tpu.memory_space<vmem>> -> memref<1280xf32, #tpu.memory_space<vmem>>
    %dma_start3A_564 = tpu.memref_slice %arg13[%dma_start3A_561, %mul3A_452] : memref<16x20480xf32, #tpu.memory_space<vmem_shared>> -> memref<1x1280xf32, #tpu.memory_space<vmem_shared>>
    %dma_start3A_565 = tpu.memref_squeeze %dma_start3A_564 : memref<1x1280xf32, #tpu.memory_space<vmem_shared>> -> memref<1280xf32, #tpu.memory_space<vmem_shared>>
    %dma_start3A_566 = arith.constant 35840 : i32
    %dma_start3A_567 = tpu.memref_slice %arg8[%dma_start3A_566] : memref<40960xf32, #tpu.memory_space<vmem>> -> memref<1280xf32, #tpu.memory_space<vmem>>
    %dma_start3A_568 = tpu.memref_slice %arg13[%dma_start3A_561, %mul3A_452] : memref<16x20480xf32, #tpu.memory_space<vmem_shared>> -> memref<1x1280xf32, #tpu.memory_space<vmem_shared>>
    %dma_start3A_569 = tpu.memref_squeeze %dma_start3A_568 : memref<1x1280xf32, #tpu.memory_space<vmem_shared>> -> memref<1280xf32, #tpu.memory_space<vmem_shared>>
    tpu.enqueue_dma source(%dma_start3A_569 : memref<1280xf32, #tpu.memory_space<vmem_shared>>) target(%dma_start3A_567 : memref<1280xf32, #tpu.memory_space<vmem>>) target_semaphore(%arg14 : memref<!tpu.dma_semaphore, #tpu.memory_space<semaphore_mem>>)
    %dma_start3A_570 = arith.constant 13 : i32
    %dma_start3A_571 = arith.constant 37120 : i32
    %dma_start3A_572 = tpu.memref_slice %arg8[%dma_start3A_571] : memref<40960xf32, #tpu.memory_space<vmem>> -> memref<1280xf32, #tpu.memory_space<vmem>>
    %dma_start3A_573 = tpu.memref_slice %arg13[%dma_start3A_570, %mul3A_452] : memref<16x20480xf32, #tpu.memory_space<vmem_shared>> -> memref<1x1280xf32, #tpu.memory_space<vmem_shared>>
    %dma_start3A_574 = tpu.memref_squeeze %dma_start3A_573 : memref<1x1280xf32, #tpu.memory_space<vmem_shared>> -> memref<1280xf32, #tpu.memory_space<vmem_shared>>
    %dma_start3A_575 = arith.constant 37120 : i32
    %dma_start3A_576 = tpu.memref_slice %arg8[%dma_start3A_575] : memref<40960xf32, #tpu.memory_space<vmem>> -> memref<1280xf32, #tpu.memory_space<vmem>>
    %dma_start3A_577 = tpu.memref_slice %arg13[%dma_start3A_570, %mul3A_452] : memref<16x20480xf32, #tpu.memory_space<vmem_shared>> -> memref<1x1280xf32, #tpu.memory_space<vmem_shared>>
    %dma_start3A_578 = tpu.memref_squeeze %dma_start3A_577 : memref<1x1280xf32, #tpu.memory_space<vmem_shared>> -> memref<1280xf32, #tpu.memory_space<vmem_shared>>
    tpu.enqueue_dma source(%dma_start3A_578 : memref<1280xf32, #tpu.memory_space<vmem_shared>>) target(%dma_start3A_576 : memref<1280xf32, #tpu.memory_space<vmem>>) target_semaphore(%arg14 : memref<!tpu.dma_semaphore, #tpu.memory_space<semaphore_mem>>)
    %dma_start3A_579 = arith.constant 14 : i32
    %dma_start3A_580 = arith.constant 38400 : i32
    %dma_start3A_581 = tpu.memref_slice %arg8[%dma_start3A_580] : memref<40960xf32, #tpu.memory_space<vmem>> -> memref<1280xf32, #tpu.memory_space<vmem>>
    %dma_start3A_582 = tpu.memref_slice %arg13[%dma_start3A_579, %mul3A_452] : memref<16x20480xf32, #tpu.memory_space<vmem_shared>> -> memref<1x1280xf32, #tpu.memory_space<vmem_shared>>
    %dma_start3A_583 = tpu.memref_squeeze %dma_start3A_582 : memref<1x1280xf32, #tpu.memory_space<vmem_shared>> -> memref<1280xf32, #tpu.memory_space<vmem_shared>>
    %dma_start3A_584 = arith.constant 38400 : i32
    %dma_start3A_585 = tpu.memref_slice %arg8[%dma_start3A_584] : memref<40960xf32, #tpu.memory_space<vmem>> -> memref<1280xf32, #tpu.memory_space<vmem>>
    %dma_start3A_586 = tpu.memref_slice %arg13[%dma_start3A_579, %mul3A_452] : memref<16x20480xf32, #tpu.memory_space<vmem_shared>> -> memref<1x1280xf32, #tpu.memory_space<vmem_shared>>
    %dma_start3A_587 = tpu.memref_squeeze %dma_start3A_586 : memref<1x1280xf32, #tpu.memory_space<vmem_shared>> -> memref<1280xf32, #tpu.memory_space<vmem_shared>>
    tpu.enqueue_dma source(%dma_start3A_587 : memref<1280xf32, #tpu.memory_space<vmem_shared>>) target(%dma_start3A_585 : memref<1280xf32, #tpu.memory_space<vmem>>) target_semaphore(%arg14 : memref<!tpu.dma_semaphore, #tpu.memory_space<semaphore_mem>>)
    %dma_start3A_588 = arith.constant 15 : i32
    %dma_start3A_589 = arith.constant 39680 : i32
    %dma_start3A_590 = tpu.memref_slice %arg8[%dma_start3A_589] : memref<40960xf32, #tpu.memory_space<vmem>> -> memref<1280xf32, #tpu.memory_space<vmem>>
    %dma_start3A_591 = tpu.memref_slice %arg13[%dma_start3A_588, %mul3A_452] : memref<16x20480xf32, #tpu.memory_space<vmem_shared>> -> memref<1x1280xf32, #tpu.memory_space<vmem_shared>>
    %dma_start3A_592 = tpu.memref_squeeze %dma_start3A_591 : memref<1x1280xf32, #tpu.memory_space<vmem_shared>> -> memref<1280xf32, #tpu.memory_space<vmem_shared>>
    %dma_start3A_593 = arith.constant 39680 : i32
    %dma_start3A_594 = tpu.memref_slice %arg8[%dma_start3A_593] : memref<40960xf32, #tpu.memory_space<vmem>> -> memref<1280xf32, #tpu.memory_space<vmem>>
    %dma_start3A_595 = tpu.memref_slice %arg13[%dma_start3A_588, %mul3A_452] : memref<16x20480xf32, #tpu.memory_space<vmem_shared>> -> memref<1x1280xf32, #tpu.memory_space<vmem_shared>>
    %dma_start3A_596 = tpu.memref_squeeze %dma_start3A_595 : memref<1x1280xf32, #tpu.memory_space<vmem_shared>> -> memref<1280xf32, #tpu.memory_space<vmem_shared>>
    tpu.enqueue_dma source(%dma_start3A_596 : memref<1280xf32, #tpu.memory_space<vmem_shared>>) target(%dma_start3A_594 : memref<1280xf32, #tpu.memory_space<vmem>>) target_semaphore(%arg14 : memref<!tpu.dma_semaphore, #tpu.memory_space<semaphore_mem>>)
    %dma_wait3A_597 = arith.constant 0 : i32
    %dma_wait3A_598 = arith.constant 20480 : i32
    %dma_wait3A_599 = tpu.memref_slice %arg8[%dma_wait3A_598] : memref<40960xf32, #tpu.memory_space<vmem>> -> memref<1280xf32, #tpu.memory_space<vmem>>
    %dma_wait3A_600 = tpu.memref_slice %arg13[%dma_wait3A_597, %mul3A_452] : memref<16x20480xf32, #tpu.memory_space<vmem_shared>> -> memref<1x1280xf32, #tpu.memory_space<vmem_shared>>
    %dma_wait3A_601 = tpu.memref_squeeze %dma_wait3A_600 : memref<1x1280xf32, #tpu.memory_space<vmem_shared>> -> memref<1280xf32, #tpu.memory_space<vmem_shared>>
    %dma_wait3A_602 = arith.constant 20480 : i32
    %dma_wait3A_603 = tpu.memref_slice %arg8[%dma_wait3A_602] : memref<40960xf32, #tpu.memory_space<vmem>> -> memref<1280xf32, #tpu.memory_space<vmem>>
    %dma_wait3A_604 = tpu.memref_slice %arg13[%dma_wait3A_597, %mul3A_452] : memref<16x20480xf32, #tpu.memory_space<vmem_shared>> -> memref<1x1280xf32, #tpu.memory_space<vmem_shared>>
    %dma_wait3A_605 = tpu.memref_squeeze %dma_wait3A_604 : memref<1x1280xf32, #tpu.memory_space<vmem_shared>> -> memref<1280xf32, #tpu.memory_space<vmem_shared>>
    tpu.wait_dma2 semaphore(%arg14 : memref<!tpu.dma_semaphore, #tpu.memory_space<semaphore_mem>>) src(%dma_wait3A_605 : memref<1280xf32, #tpu.memory_space<vmem_shared>>) dst(%dma_wait3A_603 : memref<1280xf32, #tpu.memory_space<vmem>>)
    %dma_wait3A_606 = arith.constant 1 : i32
    %dma_wait3A_607 = arith.constant 21760 : i32
    %dma_wait3A_608 = tpu.memref_slice %arg8[%dma_wait3A_607] : memref<40960xf32, #tpu.memory_space<vmem>> -> memref<1280xf32, #tpu.memory_space<vmem>>
    %dma_wait3A_609 = tpu.memref_slice %arg13[%dma_wait3A_606, %mul3A_452] : memref<16x20480xf32, #tpu.memory_space<vmem_shared>> -> memref<1x1280xf32, #tpu.memory_space<vmem_shared>>
    %dma_wait3A_610 = tpu.memref_squeeze %dma_wait3A_609 : memref<1x1280xf32, #tpu.memory_space<vmem_shared>> -> memref<1280xf32, #tpu.memory_space<vmem_shared>>
    %dma_wait3A_611 = arith.constant 21760 : i32
    %dma_wait3A_612 = tpu.memref_slice %arg8[%dma_wait3A_611] : memref<40960xf32, #tpu.memory_space<vmem>> -> memref<1280xf32, #tpu.memory_space<vmem>>
    %dma_wait3A_613 = tpu.memref_slice %arg13[%dma_wait3A_606, %mul3A_452] : memref<16x20480xf32, #tpu.memory_space<vmem_shared>> -> memref<1x1280xf32, #tpu.memory_space<vmem_shared>>
    %dma_wait3A_614 = tpu.memref_squeeze %dma_wait3A_613 : memref<1x1280xf32, #tpu.memory_space<vmem_shared>> -> memref<1280xf32, #tpu.memory_space<vmem_shared>>
    tpu.wait_dma2 semaphore(%arg14 : memref<!tpu.dma_semaphore, #tpu.memory_space<semaphore_mem>>) src(%dma_wait3A_614 : memref<1280xf32, #tpu.memory_space<vmem_shared>>) dst(%dma_wait3A_612 : memref<1280xf32, #tpu.memory_space<vmem>>)
    %dma_wait3A_615 = arith.constant 2 : i32
    %dma_wait3A_616 = arith.constant 23040 : i32
    %dma_wait3A_617 = tpu.memref_slice %arg8[%dma_wait3A_616] : memref<40960xf32, #tpu.memory_space<vmem>> -> memref<1280xf32, #tpu.memory_space<vmem>>
    %dma_wait3A_618 = tpu.memref_slice %arg13[%dma_wait3A_615, %mul3A_452] : memref<16x20480xf32, #tpu.memory_space<vmem_shared>> -> memref<1x1280xf32, #tpu.memory_space<vmem_shared>>
    %dma_wait3A_619 = tpu.memref_squeeze %dma_wait3A_618 : memref<1x1280xf32, #tpu.memory_space<vmem_shared>> -> memref<1280xf32, #tpu.memory_space<vmem_shared>>
    %dma_wait3A_620 = arith.constant 23040 : i32
    %dma_wait3A_621 = tpu.memref_slice %arg8[%dma_wait3A_620] : memref<40960xf32, #tpu.memory_space<vmem>> -> memref<1280xf32, #tpu.memory_space<vmem>>
    %dma_wait3A_622 = tpu.memref_slice %arg13[%dma_wait3A_615, %mul3A_452] : memref<16x20480xf32, #tpu.memory_space<vmem_shared>> -> memref<1x1280xf32, #tpu.memory_space<vmem_shared>>
    %dma_wait3A_623 = tpu.memref_squeeze %dma_wait3A_622 : memref<1x1280xf32, #tpu.memory_space<vmem_shared>> -> memref<1280xf32, #tpu.memory_space<vmem_shared>>
    tpu.wait_dma2 semaphore(%arg14 : memref<!tpu.dma_semaphore, #tpu.memory_space<semaphore_mem>>) src(%dma_wait3A_623 : memref<1280xf32, #tpu.memory_space<vmem_shared>>) dst(%dma_wait3A_621 : memref<1280xf32, #tpu.memory_space<vmem>>)
    %dma_wait3A_624 = arith.constant 3 : i32
    %dma_wait3A_625 = arith.constant 24320 : i32
    %dma_wait3A_626 = tpu.memref_slice %arg8[%dma_wait3A_625] : memref<40960xf32, #tpu.memory_space<vmem>> -> memref<1280xf32, #tpu.memory_space<vmem>>
    %dma_wait3A_627 = tpu.memref_slice %arg13[%dma_wait3A_624, %mul3A_452] : memref<16x20480xf32, #tpu.memory_space<vmem_shared>> -> memref<1x1280xf32, #tpu.memory_space<vmem_shared>>
    %dma_wait3A_628 = tpu.memref_squeeze %dma_wait3A_627 : memref<1x1280xf32, #tpu.memory_space<vmem_shared>> -> memref<1280xf32, #tpu.memory_space<vmem_shared>>
    %dma_wait3A_629 = arith.constant 24320 : i32
    %dma_wait3A_630 = tpu.memref_slice %arg8[%dma_wait3A_629] : memref<40960xf32, #tpu.memory_space<vmem>> -> memref<1280xf32, #tpu.memory_space<vmem>>
    %dma_wait3A_631 = tpu.memref_slice %arg13[%dma_wait3A_624, %mul3A_452] : memref<16x20480xf32, #tpu.memory_space<vmem_shared>> -> memref<1x1280xf32, #tpu.memory_space<vmem_shared>>
    %dma_wait3A_632 = tpu.memref_squeeze %dma_wait3A_631 : memref<1x1280xf32, #tpu.memory_space<vmem_shared>> -> memref<1280xf32, #tpu.memory_space<vmem_shared>>
    tpu.wait_dma2 semaphore(%arg14 : memref<!tpu.dma_semaphore, #tpu.memory_space<semaphore_mem>>) src(%dma_wait3A_632 : memref<1280xf32, #tpu.memory_space<vmem_shared>>) dst(%dma_wait3A_630 : memref<1280xf32, #tpu.memory_space<vmem>>)
    %dma_wait3A_633 = arith.constant 4 : i32
    %dma_wait3A_634 = arith.constant 25600 : i32
    %dma_wait3A_635 = tpu.memref_slice %arg8[%dma_wait3A_634] : memref<40960xf32, #tpu.memory_space<vmem>> -> memref<1280xf32, #tpu.memory_space<vmem>>
    %dma_wait3A_636 = tpu.memref_slice %arg13[%dma_wait3A_633, %mul3A_452] : memref<16x20480xf32, #tpu.memory_space<vmem_shared>> -> memref<1x1280xf32, #tpu.memory_space<vmem_shared>>
    %dma_wait3A_637 = tpu.memref_squeeze %dma_wait3A_636 : memref<1x1280xf32, #tpu.memory_space<vmem_shared>> -> memref<1280xf32, #tpu.memory_space<vmem_shared>>
    %dma_wait3A_638 = arith.constant 25600 : i32
    %dma_wait3A_639 = tpu.memref_slice %arg8[%dma_wait3A_638] : memref<40960xf32, #tpu.memory_space<vmem>> -> memref<1280xf32, #tpu.memory_space<vmem>>
    %dma_wait3A_640 = tpu.memref_slice %arg13[%dma_wait3A_633, %mul3A_452] : memref<16x20480xf32, #tpu.memory_space<vmem_shared>> -> memref<1x1280xf32, #tpu.memory_space<vmem_shared>>
    %dma_wait3A_641 = tpu.memref_squeeze %dma_wait3A_640 : memref<1x1280xf32, #tpu.memory_space<vmem_shared>> -> memref<1280xf32, #tpu.memory_space<vmem_shared>>
    tpu.wait_dma2 semaphore(%arg14 : memref<!tpu.dma_semaphore, #tpu.memory_space<semaphore_mem>>) src(%dma_wait3A_641 : memref<1280xf32, #tpu.memory_space<vmem_shared>>) dst(%dma_wait3A_639 : memref<1280xf32, #tpu.memory_space<vmem>>)
    %dma_wait3A_642 = arith.constant 5 : i32
    %dma_wait3A_643 = arith.constant 26880 : i32
    %dma_wait3A_644 = tpu.memref_slice %arg8[%dma_wait3A_643] : memref<40960xf32, #tpu.memory_space<vmem>> -> memref<1280xf32, #tpu.memory_space<vmem>>
    %dma_wait3A_645 = tpu.memref_slice %arg13[%dma_wait3A_642, %mul3A_452] : memref<16x20480xf32, #tpu.memory_space<vmem_shared>> -> memref<1x1280xf32, #tpu.memory_space<vmem_shared>>
    %dma_wait3A_646 = tpu.memref_squeeze %dma_wait3A_645 : memref<1x1280xf32, #tpu.memory_space<vmem_shared>> -> memref<1280xf32, #tpu.memory_space<vmem_shared>>
    %dma_wait3A_647 = arith.constant 26880 : i32
    %dma_wait3A_648 = tpu.memref_slice %arg8[%dma_wait3A_647] : memref<40960xf32, #tpu.memory_space<vmem>> -> memref<1280xf32, #tpu.memory_space<vmem>>
    %dma_wait3A_649 = tpu.memref_slice %arg13[%dma_wait3A_642, %mul3A_452] : memref<16x20480xf32, #tpu.memory_space<vmem_shared>> -> memref<1x1280xf32, #tpu.memory_space<vmem_shared>>
    %dma_wait3A_650 = tpu.memref_squeeze %dma_wait3A_649 : memref<1x1280xf32, #tpu.memory_space<vmem_shared>> -> memref<1280xf32, #tpu.memory_space<vmem_shared>>
    tpu.wait_dma2 semaphore(%arg14 : memref<!tpu.dma_semaphore, #tpu.memory_space<semaphore_mem>>) src(%dma_wait3A_650 : memref<1280xf32, #tpu.memory_space<vmem_shared>>) dst(%dma_wait3A_648 : memref<1280xf32, #tpu.memory_space<vmem>>)
    %dma_wait3A_651 = arith.constant 6 : i32
    %dma_wait3A_652 = arith.constant 28160 : i32
    %dma_wait3A_653 = tpu.memref_slice %arg8[%dma_wait3A_652] : memref<40960xf32, #tpu.memory_space<vmem>> -> memref<1280xf32, #tpu.memory_space<vmem>>
    %dma_wait3A_654 = tpu.memref_slice %arg13[%dma_wait3A_651, %mul3A_452] : memref<16x20480xf32, #tpu.memory_space<vmem_shared>> -> memref<1x1280xf32, #tpu.memory_space<vmem_shared>>
    %dma_wait3A_655 = tpu.memref_squeeze %dma_wait3A_654 : memref<1x1280xf32, #tpu.memory_space<vmem_shared>> -> memref<1280xf32, #tpu.memory_space<vmem_shared>>
    %dma_wait3A_656 = arith.constant 28160 : i32
    %dma_wait3A_657 = tpu.memref_slice %arg8[%dma_wait3A_656] : memref<40960xf32, #tpu.memory_space<vmem>> -> memref<1280xf32, #tpu.memory_space<vmem>>
    %dma_wait3A_658 = tpu.memref_slice %arg13[%dma_wait3A_651, %mul3A_452] : memref<16x20480xf32, #tpu.memory_space<vmem_shared>> -> memref<1x1280xf32, #tpu.memory_space<vmem_shared>>
    %dma_wait3A_659 = tpu.memref_squeeze %dma_wait3A_658 : memref<1x1280xf32, #tpu.memory_space<vmem_shared>> -> memref<1280xf32, #tpu.memory_space<vmem_shared>>
    tpu.wait_dma2 semaphore(%arg14 : memref<!tpu.dma_semaphore, #tpu.memory_space<semaphore_mem>>) src(%dma_wait3A_659 : memref<1280xf32, #tpu.memory_space<vmem_shared>>) dst(%dma_wait3A_657 : memref<1280xf32, #tpu.memory_space<vmem>>)
    %dma_wait3A_660 = arith.constant 7 : i32
    %dma_wait3A_661 = arith.constant 29440 : i32
    %dma_wait3A_662 = tpu.memref_slice %arg8[%dma_wait3A_661] : memref<40960xf32, #tpu.memory_space<vmem>> -> memref<1280xf32, #tpu.memory_space<vmem>>
    %dma_wait3A_663 = tpu.memref_slice %arg13[%dma_wait3A_660, %mul3A_452] : memref<16x20480xf32, #tpu.memory_space<vmem_shared>> -> memref<1x1280xf32, #tpu.memory_space<vmem_shared>>
    %dma_wait3A_664 = tpu.memref_squeeze %dma_wait3A_663 : memref<1x1280xf32, #tpu.memory_space<vmem_shared>> -> memref<1280xf32, #tpu.memory_space<vmem_shared>>
    %dma_wait3A_665 = arith.constant 29440 : i32
    %dma_wait3A_666 = tpu.memref_slice %arg8[%dma_wait3A_665] : memref<40960xf32, #tpu.memory_space<vmem>> -> memref<1280xf32, #tpu.memory_space<vmem>>
    %dma_wait3A_667 = tpu.memref_slice %arg13[%dma_wait3A_660, %mul3A_452] : memref<16x20480xf32, #tpu.memory_space<vmem_shared>> -> memref<1x1280xf32, #tpu.memory_space<vmem_shared>>
    %dma_wait3A_668 = tpu.memref_squeeze %dma_wait3A_667 : memref<1x1280xf32, #tpu.memory_space<vmem_shared>> -> memref<1280xf32, #tpu.memory_space<vmem_shared>>
    tpu.wait_dma2 semaphore(%arg14 : memref<!tpu.dma_semaphore, #tpu.memory_space<semaphore_mem>>) src(%dma_wait3A_668 : memref<1280xf32, #tpu.memory_space<vmem_shared>>) dst(%dma_wait3A_666 : memref<1280xf32, #tpu.memory_space<vmem>>)
    %dma_wait3A_669 = arith.constant 8 : i32
    %dma_wait3A_670 = arith.constant 30720 : i32
    %dma_wait3A_671 = tpu.memref_slice %arg8[%dma_wait3A_670] : memref<40960xf32, #tpu.memory_space<vmem>> -> memref<1280xf32, #tpu.memory_space<vmem>>
    %dma_wait3A_672 = tpu.memref_slice %arg13[%dma_wait3A_669, %mul3A_452] : memref<16x20480xf32, #tpu.memory_space<vmem_shared>> -> memref<1x1280xf32, #tpu.memory_space<vmem_shared>>
    %dma_wait3A_673 = tpu.memref_squeeze %dma_wait3A_672 : memref<1x1280xf32, #tpu.memory_space<vmem_shared>> -> memref<1280xf32, #tpu.memory_space<vmem_shared>>
    %dma_wait3A_674 = arith.constant 30720 : i32
    %dma_wait3A_675 = tpu.memref_slice %arg8[%dma_wait3A_674] : memref<40960xf32, #tpu.memory_space<vmem>> -> memref<1280xf32, #tpu.memory_space<vmem>>
    %dma_wait3A_676 = tpu.memref_slice %arg13[%dma_wait3A_669, %mul3A_452] : memref<16x20480xf32, #tpu.memory_space<vmem_shared>> -> memref<1x1280xf32, #tpu.memory_space<vmem_shared>>
    %dma_wait3A_677 = tpu.memref_squeeze %dma_wait3A_676 : memref<1x1280xf32, #tpu.memory_space<vmem_shared>> -> memref<1280xf32, #tpu.memory_space<vmem_shared>>
    tpu.wait_dma2 semaphore(%arg14 : memref<!tpu.dma_semaphore, #tpu.memory_space<semaphore_mem>>) src(%dma_wait3A_677 : memref<1280xf32, #tpu.memory_space<vmem_shared>>) dst(%dma_wait3A_675 : memref<1280xf32, #tpu.memory_space<vmem>>)
    %dma_wait3A_678 = arith.constant 9 : i32
    %dma_wait3A_679 = arith.constant 32000 : i32
    %dma_wait3A_680 = tpu.memref_slice %arg8[%dma_wait3A_679] : memref<40960xf32, #tpu.memory_space<vmem>> -> memref<1280xf32, #tpu.memory_space<vmem>>
    %dma_wait3A_681 = tpu.memref_slice %arg13[%dma_wait3A_678, %mul3A_452] : memref<16x20480xf32, #tpu.memory_space<vmem_shared>> -> memref<1x1280xf32, #tpu.memory_space<vmem_shared>>
    %dma_wait3A_682 = tpu.memref_squeeze %dma_wait3A_681 : memref<1x1280xf32, #tpu.memory_space<vmem_shared>> -> memref<1280xf32, #tpu.memory_space<vmem_shared>>
    %dma_wait3A_683 = arith.constant 32000 : i32
    %dma_wait3A_684 = tpu.memref_slice %arg8[%dma_wait3A_683] : memref<40960xf32, #tpu.memory_space<vmem>> -> memref<1280xf32, #tpu.memory_space<vmem>>
    %dma_wait3A_685 = tpu.memref_slice %arg13[%dma_wait3A_678, %mul3A_452] : memref<16x20480xf32, #tpu.memory_space<vmem_shared>> -> memref<1x1280xf32, #tpu.memory_space<vmem_shared>>
    %dma_wait3A_686 = tpu.memref_squeeze %dma_wait3A_685 : memref<1x1280xf32, #tpu.memory_space<vmem_shared>> -> memref<1280xf32, #tpu.memory_space<vmem_shared>>
    tpu.wait_dma2 semaphore(%arg14 : memref<!tpu.dma_semaphore, #tpu.memory_space<semaphore_mem>>) src(%dma_wait3A_686 : memref<1280xf32, #tpu.memory_space<vmem_shared>>) dst(%dma_wait3A_684 : memref<1280xf32, #tpu.memory_space<vmem>>)
    %dma_wait3A_687 = arith.constant 10 : i32
    %dma_wait3A_688 = arith.constant 33280 : i32
    %dma_wait3A_689 = tpu.memref_slice %arg8[%dma_wait3A_688] : memref<40960xf32, #tpu.memory_space<vmem>> -> memref<1280xf32, #tpu.memory_space<vmem>>
    %dma_wait3A_690 = tpu.memref_slice %arg13[%dma_wait3A_687, %mul3A_452] : memref<16x20480xf32, #tpu.memory_space<vmem_shared>> -> memref<1x1280xf32, #tpu.memory_space<vmem_shared>>
    %dma_wait3A_691 = tpu.memref_squeeze %dma_wait3A_690 : memref<1x1280xf32, #tpu.memory_space<vmem_shared>> -> memref<1280xf32, #tpu.memory_space<vmem_shared>>
    %dma_wait3A_692 = arith.constant 33280 : i32
    %dma_wait3A_693 = tpu.memref_slice %arg8[%dma_wait3A_692] : memref<40960xf32, #tpu.memory_space<vmem>> -> memref<1280xf32, #tpu.memory_space<vmem>>
    %dma_wait3A_694 = tpu.memref_slice %arg13[%dma_wait3A_687, %mul3A_452] : memref<16x20480xf32, #tpu.memory_space<vmem_shared>> -> memref<1x1280xf32, #tpu.memory_space<vmem_shared>>
    %dma_wait3A_695 = tpu.memref_squeeze %dma_wait3A_694 : memref<1x1280xf32, #tpu.memory_space<vmem_shared>> -> memref<1280xf32, #tpu.memory_space<vmem_shared>>
    tpu.wait_dma2 semaphore(%arg14 : memref<!tpu.dma_semaphore, #tpu.memory_space<semaphore_mem>>) src(%dma_wait3A_695 : memref<1280xf32, #tpu.memory_space<vmem_shared>>) dst(%dma_wait3A_693 : memref<1280xf32, #tpu.memory_space<vmem>>)
    %dma_wait3A_696 = arith.constant 11 : i32
    %dma_wait3A_697 = arith.constant 34560 : i32
    %dma_wait3A_698 = tpu.memref_slice %arg8[%dma_wait3A_697] : memref<40960xf32, #tpu.memory_space<vmem>> -> memref<1280xf32, #tpu.memory_space<vmem>>
    %dma_wait3A_699 = tpu.memref_slice %arg13[%dma_wait3A_696, %mul3A_452] : memref<16x20480xf32, #tpu.memory_space<vmem_shared>> -> memref<1x1280xf32, #tpu.memory_space<vmem_shared>>
    %dma_wait3A_700 = tpu.memref_squeeze %dma_wait3A_699 : memref<1x1280xf32, #tpu.memory_space<vmem_shared>> -> memref<1280xf32, #tpu.memory_space<vmem_shared>>
    %dma_wait3A_701 = arith.constant 34560 : i32
    %dma_wait3A_702 = tpu.memref_slice %arg8[%dma_wait3A_701] : memref<40960xf32, #tpu.memory_space<vmem>> -> memref<1280xf32, #tpu.memory_space<vmem>>
    %dma_wait3A_703 = tpu.memref_slice %arg13[%dma_wait3A_696, %mul3A_452] : memref<16x20480xf32, #tpu.memory_space<vmem_shared>> -> memref<1x1280xf32, #tpu.memory_space<vmem_shared>>
    %dma_wait3A_704 = tpu.memref_squeeze %dma_wait3A_703 : memref<1x1280xf32, #tpu.memory_space<vmem_shared>> -> memref<1280xf32, #tpu.memory_space<vmem_shared>>
    tpu.wait_dma2 semaphore(%arg14 : memref<!tpu.dma_semaphore, #tpu.memory_space<semaphore_mem>>) src(%dma_wait3A_704 : memref<1280xf32, #tpu.memory_space<vmem_shared>>) dst(%dma_wait3A_702 : memref<1280xf32, #tpu.memory_space<vmem>>)
    %dma_wait3A_705 = arith.constant 12 : i32
    %dma_wait3A_706 = arith.constant 35840 : i32
    %dma_wait3A_707 = tpu.memref_slice %arg8[%dma_wait3A_706] : memref<40960xf32, #tpu.memory_space<vmem>> -> memref<1280xf32, #tpu.memory_space<vmem>>
    %dma_wait3A_708 = tpu.memref_slice %arg13[%dma_wait3A_705, %mul3A_452] : memref<16x20480xf32, #tpu.memory_space<vmem_shared>> -> memref<1x1280xf32, #tpu.memory_space<vmem_shared>>
    %dma_wait3A_709 = tpu.memref_squeeze %dma_wait3A_708 : memref<1x1280xf32, #tpu.memory_space<vmem_shared>> -> memref<1280xf32, #tpu.memory_space<vmem_shared>>
    %dma_wait3A_710 = arith.constant 35840 : i32
    %dma_wait3A_711 = tpu.memref_slice %arg8[%dma_wait3A_710] : memref<40960xf32, #tpu.memory_space<vmem>> -> memref<1280xf32, #tpu.memory_space<vmem>>
    %dma_wait3A_712 = tpu.memref_slice %arg13[%dma_wait3A_705, %mul3A_452] : memref<16x20480xf32, #tpu.memory_space<vmem_shared>> -> memref<1x1280xf32, #tpu.memory_space<vmem_shared>>
    %dma_wait3A_713 = tpu.memref_squeeze %dma_wait3A_712 : memref<1x1280xf32, #tpu.memory_space<vmem_shared>> -> memref<1280xf32, #tpu.memory_space<vmem_shared>>
    tpu.wait_dma2 semaphore(%arg14 : memref<!tpu.dma_semaphore, #tpu.memory_space<semaphore_mem>>) src(%dma_wait3A_713 : memref<1280xf32, #tpu.memory_space<vmem_shared>>) dst(%dma_wait3A_711 : memref<1280xf32, #tpu.memory_space<vmem>>)
    %dma_wait3A_714 = arith.constant 13 : i32
    %dma_wait3A_715 = arith.constant 37120 : i32
    %dma_wait3A_716 = tpu.memref_slice %arg8[%dma_wait3A_715] : memref<40960xf32, #tpu.memory_space<vmem>> -> memref<1280xf32, #tpu.memory_space<vmem>>
    %dma_wait3A_717 = tpu.memref_slice %arg13[%dma_wait3A_714, %mul3A_452] : memref<16x20480xf32, #tpu.memory_space<vmem_shared>> -> memref<1x1280xf32, #tpu.memory_space<vmem_shared>>
    %dma_wait3A_718 = tpu.memref_squeeze %dma_wait3A_717 : memref<1x1280xf32, #tpu.memory_space<vmem_shared>> -> memref<1280xf32, #tpu.memory_space<vmem_shared>>
    %dma_wait3A_719 = arith.constant 37120 : i32
    %dma_wait3A_720 = tpu.memref_slice %arg8[%dma_wait3A_719] : memref<40960xf32, #tpu.memory_space<vmem>> -> memref<1280xf32, #tpu.memory_space<vmem>>
    %dma_wait3A_721 = tpu.memref_slice %arg13[%dma_wait3A_714, %mul3A_452] : memref<16x20480xf32, #tpu.memory_space<vmem_shared>> -> memref<1x1280xf32, #tpu.memory_space<vmem_shared>>
    %dma_wait3A_722 = tpu.memref_squeeze %dma_wait3A_721 : memref<1x1280xf32, #tpu.memory_space<vmem_shared>> -> memref<1280xf32, #tpu.memory_space<vmem_shared>>
    tpu.wait_dma2 semaphore(%arg14 : memref<!tpu.dma_semaphore, #tpu.memory_space<semaphore_mem>>) src(%dma_wait3A_722 : memref<1280xf32, #tpu.memory_space<vmem_shared>>) dst(%dma_wait3A_720 : memref<1280xf32, #tpu.memory_space<vmem>>)
    %dma_wait3A_723 = arith.constant 14 : i32
    %dma_wait3A_724 = arith.constant 38400 : i32
    %dma_wait3A_725 = tpu.memref_slice %arg8[%dma_wait3A_724] : memref<40960xf32, #tpu.memory_space<vmem>> -> memref<1280xf32, #tpu.memory_space<vmem>>
    %dma_wait3A_726 = tpu.memref_slice %arg13[%dma_wait3A_723, %mul3A_452] : memref<16x20480xf32, #tpu.memory_space<vmem_shared>> -> memref<1x1280xf32, #tpu.memory_space<vmem_shared>>
    %dma_wait3A_727 = tpu.memref_squeeze %dma_wait3A_726 : memref<1x1280xf32, #tpu.memory_space<vmem_shared>> -> memref<1280xf32, #tpu.memory_space<vmem_shared>>
    %dma_wait3A_728 = arith.constant 38400 : i32
    %dma_wait3A_729 = tpu.memref_slice %arg8[%dma_wait3A_728] : memref<40960xf32, #tpu.memory_space<vmem>> -> memref<1280xf32, #tpu.memory_space<vmem>>
    %dma_wait3A_730 = tpu.memref_slice %arg13[%dma_wait3A_723, %mul3A_452] : memref<16x20480xf32, #tpu.memory_space<vmem_shared>> -> memref<1x1280xf32, #tpu.memory_space<vmem_shared>>
    %dma_wait3A_731 = tpu.memref_squeeze %dma_wait3A_730 : memref<1x1280xf32, #tpu.memory_space<vmem_shared>> -> memref<1280xf32, #tpu.memory_space<vmem_shared>>
    tpu.wait_dma2 semaphore(%arg14 : memref<!tpu.dma_semaphore, #tpu.memory_space<semaphore_mem>>) src(%dma_wait3A_731 : memref<1280xf32, #tpu.memory_space<vmem_shared>>) dst(%dma_wait3A_729 : memref<1280xf32, #tpu.memory_space<vmem>>)
    %dma_wait3A_732 = arith.constant 15 : i32
    %dma_wait3A_733 = arith.constant 39680 : i32
    %dma_wait3A_734 = tpu.memref_slice %arg8[%dma_wait3A_733] : memref<40960xf32, #tpu.memory_space<vmem>> -> memref<1280xf32, #tpu.memory_space<vmem>>
    %dma_wait3A_735 = tpu.memref_slice %arg13[%dma_wait3A_732, %mul3A_452] : memref<16x20480xf32, #tpu.memory_space<vmem_shared>> -> memref<1x1280xf32, #tpu.memory_space<vmem_shared>>
    %dma_wait3A_736 = tpu.memref_squeeze %dma_wait3A_735 : memref<1x1280xf32, #tpu.memory_space<vmem_shared>> -> memref<1280xf32, #tpu.memory_space<vmem_shared>>
    %dma_wait3A_737 = arith.constant 39680 : i32
    %dma_wait3A_738 = tpu.memref_slice %arg8[%dma_wait3A_737] : memref<40960xf32, #tpu.memory_space<vmem>> -> memref<1280xf32, #tpu.memory_space<vmem>>
    %dma_wait3A_739 = tpu.memref_slice %arg13[%dma_wait3A_732, %mul3A_452] : memref<16x20480xf32, #tpu.memory_space<vmem_shared>> -> memref<1x1280xf32, #tpu.memory_space<vmem_shared>>
    %dma_wait3A_740 = tpu.memref_squeeze %dma_wait3A_739 : memref<1x1280xf32, #tpu.memory_space<vmem_shared>> -> memref<1280xf32, #tpu.memory_space<vmem_shared>>
    tpu.wait_dma2 semaphore(%arg14 : memref<!tpu.dma_semaphore, #tpu.memory_space<semaphore_mem>>) src(%dma_wait3A_740 : memref<1280xf32, #tpu.memory_space<vmem_shared>>) dst(%dma_wait3A_738 : memref<1280xf32, #tpu.memory_space<vmem>>)
    %parallel_loop3A_741 = arith.constant 0 : i32
    %parallel_loop3A_742 = arith.constant 80 : i32
    %parallel_loop3A_743 = arith.constant 1 : i32
    scf.for %parallel_loop3A_756 = %parallel_loop3A_741 to %parallel_loop3A_742 step %parallel_loop3A_743  : i32 {
      %parallel_loop3A_757 = arith.constant 16 : i32
      %parallel_loop3A_758 = arith.muli %parallel_loop3A_756, %parallel_loop3A_757 : i32
      %parallel_loop3A_759 = arith.constant 20480 : i32
      %parallel_loop3A_760 = arith.addi %parallel_loop3A_759, %parallel_loop3A_758 : i32
      %parallel_loop3A_761 = arith.index_cast %parallel_loop3A_760 : i32 to index
      %parallel_loop3A_762 = tpu.vector_load %arg8[%parallel_loop3A_761] {strides = array<i32>} : memref<40960xf32, #tpu.memory_space<vmem>>, vector<16xf32>,
      %parallel_loop3A_763 = arith.constant 16 : i32
      %parallel_loop3A_764 = arith.muli %parallel_loop3A_756, %parallel_loop3A_763 : i32
      %parallel_loop3A_765 = arith.constant 21760 : i32
      %parallel_loop3A_766 = arith.addi %parallel_loop3A_765, %parallel_loop3A_764 : i32
      %parallel_loop3A_767 = arith.index_cast %parallel_loop3A_766 : i32 to index
      %parallel_loop3A_768 = tpu.vector_load %arg8[%parallel_loop3A_767] {strides = array<i32>} : memref<40960xf32, #tpu.memory_space<vmem>>, vector<16xf32>,
      %parallel_loop3A_769 = arith.addf %parallel_loop3A_762, %parallel_loop3A_768 : vector<16xf32>
      %parallel_loop3A_770 = arith.constant 16 : i32
      %parallel_loop3A_771 = arith.muli %parallel_loop3A_756, %parallel_loop3A_770 : i32
      %parallel_loop3A_772 = arith.constant 23040 : i32
      %parallel_loop3A_773 = arith.addi %parallel_loop3A_772, %parallel_loop3A_771 : i32
      %parallel_loop3A_774 = arith.index_cast %parallel_loop3A_773 : i32 to index
      %parallel_loop3A_775 = tpu.vector_load %arg8[%parallel_loop3A_774] {strides = array<i32>} : memref<40960xf32, #tpu.memory_space<vmem>>, vector<16xf32>,
      %parallel_loop3A_776 = arith.addf %parallel_loop3A_769, %parallel_loop3A_775 : vector<16xf32>
      %parallel_loop3A_777 = arith.constant 16 : i32
      %parallel_loop3A_778 = arith.muli %parallel_loop3A_756, %parallel_loop3A_777 : i32
      %parallel_loop3A_779 = arith.constant 24320 : i32
      %parallel_loop3A_780 = arith.addi %parallel_loop3A_779, %parallel_loop3A_778 : i32
      %parallel_loop3A_781 = arith.index_cast %parallel_loop3A_780 : i32 to index
      %parallel_loop3A_782 = tpu.vector_load %arg8[%parallel_loop3A_781] {strides = array<i32>} : memref<40960xf32, #tpu.memory_space<vmem>>, vector<16xf32>,
      %parallel_loop3A_783 = arith.addf %parallel_loop3A_776, %parallel_loop3A_782 : vector<16xf32>
      %parallel_loop3A_784 = arith.constant 16 : i32
      %parallel_loop3A_785 = arith.muli %parallel_loop3A_756, %parallel_loop3A_784 : i32
      %parallel_loop3A_786 = arith.constant 25600 : i32
      %parallel_loop3A_787 = arith.addi %parallel_loop3A_786, %parallel_loop3A_785 : i32
      %parallel_loop3A_788 = arith.index_cast %parallel_loop3A_787 : i32 to index
      %parallel_loop3A_789 = tpu.vector_load %arg8[%parallel_loop3A_788] {strides = array<i32>} : memref<40960xf32, #tpu.memory_space<vmem>>, vector<16xf32>,
      %parallel_loop3A_790 = arith.addf %parallel_loop3A_783, %parallel_loop3A_789 : vector<16xf32>
      %parallel_loop3A_791 = arith.constant 16 : i32
      %parallel_loop3A_792 = arith.muli %parallel_loop3A_756, %parallel_loop3A_791 : i32
      %parallel_loop3A_793 = arith.constant 26880 : i32
      %parallel_loop3A_794 = arith.addi %parallel_loop3A_793, %parallel_loop3A_792 : i32
      %parallel_loop3A_795 = arith.index_cast %parallel_loop3A_794 : i32 to index
      %parallel_loop3A_796 = tpu.vector_load %arg8[%parallel_loop3A_795] {strides = array<i32>} : memref<40960xf32, #tpu.memory_space<vmem>>, vector<16xf32>,
      %parallel_loop3A_797 = arith.addf %parallel_loop3A_790, %parallel_loop3A_796 : vector<16xf32>
      %parallel_loop3A_798 = arith.constant 16 : i32
      %parallel_loop3A_799 = arith.muli %parallel_loop3A_756, %parallel_loop3A_798 : i32
      %parallel_loop3A_800 = arith.constant 28160 : i32
      %parallel_loop3A_801 = arith.addi %parallel_loop3A_800, %parallel_loop3A_799 : i32
      %parallel_loop3A_802 = arith.index_cast %parallel_loop3A_801 : i32 to index
      %parallel_loop3A_803 = tpu.vector_load %arg8[%parallel_loop3A_802] {strides = array<i32>} : memref<40960xf32, #tpu.memory_space<vmem>>, vector<16xf32>,
      %parallel_loop3A_804 = arith.addf %parallel_loop3A_797, %parallel_loop3A_803 : vector<16xf32>
      %parallel_loop3A_805 = arith.constant 16 : i32
      %parallel_loop3A_806 = arith.muli %parallel_loop3A_756, %parallel_loop3A_805 : i32
      %parallel_loop3A_807 = arith.constant 29440 : i32
      %parallel_loop3A_808 = arith.addi %parallel_loop3A_807, %parallel_loop3A_806 : i32
      %parallel_loop3A_809 = arith.index_cast %parallel_loop3A_808 : i32 to index
      %parallel_loop3A_810 = tpu.vector_load %arg8[%parallel_loop3A_809] {strides = array<i32>} : memref<40960xf32, #tpu.memory_space<vmem>>, vector<16xf32>,
      %parallel_loop3A_811 = arith.addf %parallel_loop3A_804, %parallel_loop3A_810 : vector<16xf32>
      %parallel_loop3A_812 = arith.constant 16 : i32
      %parallel_loop3A_813 = arith.muli %parallel_loop3A_756, %parallel_loop3A_812 : i32
      %parallel_loop3A_814 = arith.constant 30720 : i32
      %parallel_loop3A_815 = arith.addi %parallel_loop3A_814, %parallel_loop3A_813 : i32
      %parallel_loop3A_816 = arith.index_cast %parallel_loop3A_815 : i32 to index
      %parallel_loop3A_817 = tpu.vector_load %arg8[%parallel_loop3A_816] {strides = array<i32>} : memref<40960xf32, #tpu.memory_space<vmem>>, vector<16xf32>,
      %parallel_loop3A_818 = arith.addf %parallel_loop3A_811, %parallel_loop3A_817 : vector<16xf32>
      %parallel_loop3A_819 = arith.constant 16 : i32
      %parallel_loop3A_820 = arith.muli %parallel_loop3A_756, %parallel_loop3A_819 : i32
      %parallel_loop3A_821 = arith.constant 32000 : i32
      %parallel_loop3A_822 = arith.addi %parallel_loop3A_821, %parallel_loop3A_820 : i32
      %parallel_loop3A_823 = arith.index_cast %parallel_loop3A_822 : i32 to index
      %parallel_loop3A_824 = tpu.vector_load %arg8[%parallel_loop3A_823] {strides = array<i32>} : memref<40960xf32, #tpu.memory_space<vmem>>, vector<16xf32>,
      %parallel_loop3A_825 = arith.addf %parallel_loop3A_818, %parallel_loop3A_824 : vector<16xf32>
      %parallel_loop3A_826 = arith.constant 16 : i32
      %parallel_loop3A_827 = arith.muli %parallel_loop3A_756, %parallel_loop3A_826 : i32
      %parallel_loop3A_828 = arith.constant 33280 : i32
      %parallel_loop3A_829 = arith.addi %parallel_loop3A_828, %parallel_loop3A_827 : i32
      %parallel_loop3A_830 = arith.index_cast %parallel_loop3A_829 : i32 to index
      %parallel_loop3A_831 = tpu.vector_load %arg8[%parallel_loop3A_830] {strides = array<i32>} : memref<40960xf32, #tpu.memory_space<vmem>>, vector<16xf32>,
      %parallel_loop3A_832 = arith.addf %parallel_loop3A_825, %parallel_loop3A_831 : vector<16xf32>
      %parallel_loop3A_833 = arith.constant 16 : i32
      %parallel_loop3A_834 = arith.muli %parallel_loop3A_756, %parallel_loop3A_833 : i32
      %parallel_loop3A_835 = arith.constant 34560 : i32
      %parallel_loop3A_836 = arith.addi %parallel_loop3A_835, %parallel_loop3A_834 : i32
      %parallel_loop3A_837 = arith.index_cast %parallel_loop3A_836 : i32 to index
      %parallel_loop3A_838 = tpu.vector_load %arg8[%parallel_loop3A_837] {strides = array<i32>} : memref<40960xf32, #tpu.memory_space<vmem>>, vector<16xf32>,
      %parallel_loop3A_839 = arith.addf %parallel_loop3A_832, %parallel_loop3A_838 : vector<16xf32>
      %parallel_loop3A_840 = arith.constant 16 : i32
      %parallel_loop3A_841 = arith.muli %parallel_loop3A_756, %parallel_loop3A_840 : i32
      %parallel_loop3A_842 = arith.constant 35840 : i32
      %parallel_loop3A_843 = arith.addi %parallel_loop3A_842, %parallel_loop3A_841 : i32
      %parallel_loop3A_844 = arith.index_cast %parallel_loop3A_843 : i32 to index
      %parallel_loop3A_845 = tpu.vector_load %arg8[%parallel_loop3A_844] {strides = array<i32>} : memref<40960xf32, #tpu.memory_space<vmem>>, vector<16xf32>,
      %parallel_loop3A_846 = arith.addf %parallel_loop3A_839, %parallel_loop3A_845 : vector<16xf32>
      %parallel_loop3A_847 = arith.constant 16 : i32
      %parallel_loop3A_848 = arith.muli %parallel_loop3A_756, %parallel_loop3A_847 : i32
      %parallel_loop3A_849 = arith.constant 37120 : i32
      %parallel_loop3A_850 = arith.addi %parallel_loop3A_849, %parallel_loop3A_848 : i32
      %parallel_loop3A_851 = arith.index_cast %parallel_loop3A_850 : i32 to index
      %parallel_loop3A_852 = tpu.vector_load %arg8[%parallel_loop3A_851] {strides = array<i32>} : memref<40960xf32, #tpu.memory_space<vmem>>, vector<16xf32>,
      %parallel_loop3A_853 = arith.addf %parallel_loop3A_846, %parallel_loop3A_852 : vector<16xf32>
      %parallel_loop3A_854 = arith.constant 16 : i32
      %parallel_loop3A_855 = arith.muli %parallel_loop3A_756, %parallel_loop3A_854 : i32
      %parallel_loop3A_856 = arith.constant 38400 : i32
      %parallel_loop3A_857 = arith.addi %parallel_loop3A_856, %parallel_loop3A_855 : i32
      %parallel_loop3A_858 = arith.index_cast %parallel_loop3A_857 : i32 to index
      %parallel_loop3A_859 = tpu.vector_load %arg8[%parallel_loop3A_858] {strides = array<i32>} : memref<40960xf32, #tpu.memory_space<vmem>>, vector<16xf32>,
      %parallel_loop3A_860 = arith.addf %parallel_loop3A_853, %parallel_loop3A_859 : vector<16xf32>
      %parallel_loop3A_861 = arith.constant 16 : i32
      %parallel_loop3A_862 = arith.muli %parallel_loop3A_756, %parallel_loop3A_861 : i32
      %parallel_loop3A_863 = arith.constant 39680 : i32
      %parallel_loop3A_864 = arith.addi %parallel_loop3A_863, %parallel_loop3A_862 : i32
      %parallel_loop3A_865 = arith.index_cast %parallel_loop3A_864 : i32 to index
      %parallel_loop3A_866 = tpu.vector_load %arg8[%parallel_loop3A_865] {strides = array<i32>} : memref<40960xf32, #tpu.memory_space<vmem>>, vector<16xf32>,
      %parallel_loop3A_867 = arith.addf %parallel_loop3A_860, %parallel_loop3A_866 : vector<16xf32>
      %parallel_loop3A_868 = arith.constant 16 : i32
      %parallel_loop3A_869 = arith.muli %parallel_loop3A_756, %parallel_loop3A_868 : i32
      %parallel_loop3A_870 = arith.constant 20480 : i32
      %parallel_loop3A_871 = arith.addi %parallel_loop3A_870, %parallel_loop3A_869 : i32
      %parallel_loop3A_872 = arith.index_cast %parallel_loop3A_871 : i32 to index
      %parallel_loop3A_873 = tpu.vector_load %arg8[%parallel_loop3A_872] {strides = array<i32>} : memref<40960xf32, #tpu.memory_space<vmem>>, vector<16xf32>,
      tpu.vector_store %arg8[%parallel_loop3A_872], %parallel_loop3A_867 {strides = array<i32>} : memref<40960xf32, #tpu.memory_space<vmem>>, vector<16xf32>,
    } {sc.loop_unroll_factor = 4 : i64, sc.parallel_access}
    %add3A_744 = arith.constant 20480 : i32
    %add3A_745 = arith.addi %add3A_744, %mul3A_452 : i32
    %eq3A_746 = arith.constant 0 : i32
    %eq3A_747 = arith.cmpi eq, %arg0, %eq3A_746 : i32
    %convert_element_type3A_748 = arith.extui %eq3A_747 : i1 to i32
    %cond3A_749 = arith.constant 0 : i32
    %cond3A_750 = arith.cmpi ne, %convert_element_type3A_748, %cond3A_749 : i32
    scf.if %cond3A_750 {
      "tpu.region"() ({
        %run_scoped3A = tpu.sem_alloc : memref<!tpu.dma_semaphore, #tpu.memory_space<semaphore_mem>>
        %dma_start3A_756 = arith.constant 20480 : i32
        %dma_start3A_757 = tpu.memref_slice %arg8[%dma_start3A_756] : memref<40960xf32, #tpu.memory_space<vmem>> -> memref<1280xf32, #tpu.memory_space<vmem>>
        %dma_start3A_758 = tpu.memref_slice %arg5[%add3A_745] : memref<40960xf32, #tpu.memory_space<hbm>> -> memref<1280xf32, #tpu.memory_space<hbm>>
        %dma_start3A_759 = tpu.memref_slice %arg5[%add3A_745] : memref<40960xf32, #tpu.memory_space<hbm>> -> memref<1280xf32, #tpu.memory_space<hbm>>
        %dma_start3A_760 = arith.constant 20480 : i32
        %dma_start3A_761 = tpu.memref_slice %arg8[%dma_start3A_760] : memref<40960xf32, #tpu.memory_space<vmem>> -> memref<1280xf32, #tpu.memory_space<vmem>>
        tpu.enqueue_dma source(%dma_start3A_761 : memref<1280xf32, #tpu.memory_space<vmem>>) target(%dma_start3A_759 : memref<1280xf32, #tpu.memory_space<hbm>>) target_semaphore(%run_scoped3A : memref<!tpu.dma_semaphore, #tpu.memory_space<semaphore_mem>>)
        %dma_wait3A_762 = arith.constant 20480 : i32
        %dma_wait3A_763 = tpu.memref_slice %arg8[%dma_wait3A_762] : memref<40960xf32, #tpu.memory_space<vmem>> -> memref<1280xf32, #tpu.memory_space<vmem>>
        %dma_wait3A_764 = tpu.memref_slice %arg5[%add3A_745] : memref<40960xf32, #tpu.memory_space<hbm>> -> memref<1280xf32, #tpu.memory_space<hbm>>
        %dma_wait3A_765 = tpu.memref_slice %arg5[%add3A_745] : memref<40960xf32, #tpu.memory_space<hbm>> -> memref<1280xf32, #tpu.memory_space<hbm>>
        %dma_wait3A_766 = arith.constant 20480 : i32
        %dma_wait3A_767 = tpu.memref_slice %arg8[%dma_wait3A_766] : memref<40960xf32, #tpu.memory_space<vmem>> -> memref<1280xf32, #tpu.memory_space<vmem>>
        tpu.wait_dma2 semaphore(%run_scoped3A : memref<!tpu.dma_semaphore, #tpu.memory_space<semaphore_mem>>) src(%dma_wait3A_767 : memref<1280xf32, #tpu.memory_space<vmem>>) dst(%dma_wait3A_765 : memref<1280xf32, #tpu.memory_space<hbm>>)
        tpu.yield
      }) : () -> ()
    } else {
    }
    %eq3A_751 = arith.constant 1 : i32
    %eq3A_752 = arith.cmpi eq, %arg0, %eq3A_751 : i32
    %convert_element_type3A_753 = arith.extui %eq3A_752 : i1 to i32
    %cond3A_754 = arith.constant 0 : i32
    %cond3A_755 = arith.cmpi ne, %convert_element_type3A_753, %cond3A_754 : i32
    scf.if %cond3A_755 {
      "tpu.region"() ({
        %run_scoped3A = tpu.sem_alloc : memref<!tpu.dma_semaphore, #tpu.memory_space<semaphore_mem>>
        %dma_start3A_756 = arith.constant 20480 : i32
        %dma_start3A_757 = tpu.memref_slice %arg8[%dma_start3A_756] : memref<40960xf32, #tpu.memory_space<vmem>> -> memref<1280xf32, #tpu.memory_space<vmem>>
        %dma_start3A_758 = tpu.memref_slice %arg6[%add3A_745] : memref<40960xf32, #tpu.memory_space<hbm>> -> memref<1280xf32, #tpu.memory_space<hbm>>
        %dma_start3A_759 = tpu.memref_slice %arg6[%add3A_745] : memref<40960xf32, #tpu.memory_space<hbm>> -> memref<1280xf32, #tpu.memory_space<hbm>>
        %dma_start3A_760 = arith.constant 20480 : i32
        %dma_start3A_761 = tpu.memref_slice %arg8[%dma_start3A_760] : memref<40960xf32, #tpu.memory_space<vmem>> -> memref<1280xf32, #tpu.memory_space<vmem>>
        tpu.enqueue_dma source(%dma_start3A_761 : memref<1280xf32, #tpu.memory_space<vmem>>) target(%dma_start3A_759 : memref<1280xf32, #tpu.memory_space<hbm>>) target_semaphore(%run_scoped3A : memref<!tpu.dma_semaphore, #tpu.memory_space<semaphore_mem>>)
        %dma_wait3A_762 = arith.constant 20480 : i32
        %dma_wait3A_763 = tpu.memref_slice %arg8[%dma_wait3A_762] : memref<40960xf32, #tpu.memory_space<vmem>> -> memref<1280xf32, #tpu.memory_space<vmem>>
        %dma_wait3A_764 = tpu.memref_slice %arg6[%add3A_745] : memref<40960xf32, #tpu.memory_space<hbm>> -> memref<1280xf32, #tpu.memory_space<hbm>>
        %dma_wait3A_765 = tpu.memref_slice %arg6[%add3A_745] : memref<40960xf32, #tpu.memory_space<hbm>> -> memref<1280xf32, #tpu.memory_space<hbm>>
        %dma_wait3A_766 = arith.constant 20480 : i32
        %dma_wait3A_767 = tpu.memref_slice %arg8[%dma_wait3A_766] : memref<40960xf32, #tpu.memory_space<vmem>> -> memref<1280xf32, #tpu.memory_space<vmem>>
        tpu.wait_dma2 semaphore(%run_scoped3A : memref<!tpu.dma_semaphore, #tpu.memory_space<semaphore_mem>>) src(%dma_wait3A_767 : memref<1280xf32, #tpu.memory_space<vmem>>) dst(%dma_wait3A_765 : memref<1280xf32, #tpu.memory_space<hbm>>)
        tpu.yield
      }) : () -> ()
    } else {
    }
    return
  }
}

module attributes {stable_mosaic.version = 14 : i64} {
  func.func @_stalk_body(%arg0: memref<10000x128xf32, #tpu.memory_space<vmem>>, %arg1: memref<4x128xf32, #tpu.memory_space<vmem>>, %arg2: memref<4x1xf32, #tpu.memory_space<vmem>>, %arg3: memref<4x10240xf32, #tpu.memory_space<vmem>>) attributes {dimension_semantics = [], scalar_prefetch = 0 : i64, scratch_operands = 0 : i64, tpu.core_type = #tpu.core_type<tc>} {
    %get3A = arith.constant 0 : index
    %get3A_0 = arith.constant 0 : index
    %get3A_1 = vector.load %arg1[%get3A, %get3A_0] : memref<4x128xf32, #tpu.memory_space<vmem>>, vector<4x128xf32>
    %get3A_2 = arith.constant 0 : index
    %get3A_3 = arith.constant 0 : index
    %get3A_4 = vector.load %arg0[%get3A_2, %get3A_3] : memref<10000x128xf32, #tpu.memory_space<vmem>>, vector<10000x128xf32>
    %dot_general3A = arith.constant dense<0.000000e+00> : vector<4x10000xf32>
    %dot_general3A_5 = tpu.matmul %get3A_1, %get3A_4, %dot_general3A {dimension_numbers = #tpu.dot_dimension_numbers<[1], [1], [0], [0], [0, 0, 1, 0], [], []>, transpose_lhs_hint = false} : vector<4x128xf32>, vector<10000x128xf32>, vector<4x10000xf32> -> vector<4x10000xf32>
    %get3A_6 = arith.constant 0 : index
    %get3A_7 = arith.constant 0 : index
    %get3A_8 = vector.load %arg2[%get3A_6, %get3A_7] : memref<4x1xf32, #tpu.memory_space<vmem>>, vector<4x1xf32>
    %add3A = vector.broadcast %get3A_8 : vector<4x1xf32> to vector<4x10000xf32>
    %add3A_9 = arith.addf %dot_general3A_5, %add3A : vector<4x10000xf32>
    %swap3A = arith.constant 0 : index
    %swap3A_10 = arith.constant 0 : index
    %swap3A_11 = vector.load %arg3[%swap3A, %swap3A_10] : memref<4x10240xf32, #tpu.memory_space<vmem>>, vector<4x10000xf32>
    tpu.vector_store %arg3[%swap3A, %swap3A_10], %add3A_9 {strides = array<i32>} : memref<4x10240xf32, #tpu.memory_space<vmem>>, vector<4x10000xf32>,
    return
  }
}

module attributes {stable_mosaic.version = 14 : i64} {
  func.func @_out_body(%arg0: memref<4x10240xf32, #tpu.memory_space<vmem>>, %arg1: memref<4x10240xf32, #tpu.memory_space<vmem>>, %arg2: memref<128x4xf32, #tpu.memory_space<vmem>>, %arg3: memref<1x128xf32, #tpu.memory_space<vmem>>, %arg4: memref<10000x128xf32, #tpu.memory_space<vmem>>) attributes {dimension_semantics = [], scalar_prefetch = 0 : i64, scratch_operands = 0 : i64, tpu.core_type = #tpu.core_type<tc>} {
    %get3A = arith.constant 0 : index
    %get3A_0 = arith.constant 0 : index
    %get3A_1 = vector.load %arg0[%get3A, %get3A_0] : memref<4x10240xf32, #tpu.memory_space<vmem>>, vector<4x10240xf32>
    %get3A_2 = arith.constant 0 : index
    %get3A_3 = arith.constant 0 : index
    %get3A_4 = vector.load %arg1[%get3A_2, %get3A_3] : memref<4x10240xf32, #tpu.memory_space<vmem>>, vector<4x10240xf32>
    %add3A = arith.addf %get3A_1, %get3A_4 : vector<4x10240xf32>
    %slice3A = vector.extract_strided_slice %add3A {offsets = [0, 0], sizes = [4, 10000], strides = [1, 1]} : vector<4x10240xf32> to vector<4x10000xf32>
    %get3A_5 = arith.constant 0 : index
    %get3A_6 = arith.constant 0 : index
    %get3A_7 = vector.load %arg2[%get3A_5, %get3A_6] : memref<128x4xf32, #tpu.memory_space<vmem>>, vector<128x4xf32>
    %dot_general3A = arith.constant dense<0.000000e+00> : vector<10000x128xf32>
    %dot_general3A_8 = tpu.matmul %slice3A, %get3A_7, %dot_general3A {dimension_numbers = #tpu.dot_dimension_numbers<[0], [1], [1], [0], [0, 1, 1, 0], [], []>, transpose_lhs_hint = false} : vector<4x10000xf32>, vector<128x4xf32>, vector<10000x128xf32> -> vector<10000x128xf32>
    %get3A_9 = arith.constant 0 : index
    %get3A_10 = arith.constant 0 : index
    %get3A_11 = vector.load %arg3[%get3A_9, %get3A_10] : memref<1x128xf32, #tpu.memory_space<vmem>>, vector<1x128xf32>
    %add3A_12 = vector.broadcast %get3A_11 : vector<1x128xf32> to vector<10000x128xf32>
    %add3A_13 = arith.addf %dot_general3A_8, %add3A_12 : vector<10000x128xf32>
    %mul3A = arith.constant 5.000000e-01 : f32
    %mul3A_14 = vector.broadcast %mul3A : f32 to vector<10000x128xf32>
    %mul3A_15 = arith.mulf %add3A_13, %mul3A_14 : vector<10000x128xf32>
    %mul3A_16 = arith.constant 0.707106769 : f32
    %mul3A_17 = vector.broadcast %mul3A_16 : f32 to vector<10000x128xf32>
    %mul3A_18 = arith.mulf %add3A_13, %mul3A_17 : vector<10000x128xf32>
    %erf3A = math.erf %mul3A_18 : vector<10000x128xf32>
    %add3A_19 = arith.constant 1.000000e+00 : f32
    %add3A_20 = vector.broadcast %add3A_19 : f32 to vector<10000x128xf32>
    %add3A_21 = arith.addf %add3A_20, %erf3A : vector<10000x128xf32>
    %mul3A_22 = arith.mulf %mul3A_15, %add3A_21 : vector<10000x128xf32>
    %swap3A = arith.constant 0 : index
    %swap3A_23 = arith.constant 0 : index
    %swap3A_24 = vector.load %arg4[%swap3A, %swap3A_23] : memref<10000x128xf32, #tpu.memory_space<vmem>>, vector<10000x128xf32>
    tpu.vector_store %arg4[%swap3A, %swap3A_23], %mul3A_22 {strides = array<i32>} : memref<10000x128xf32, #tpu.memory_space<vmem>>, vector<10000x128xf32>,
    return
  }
}

</mosaic_0001>

<sc_bundles>
// kernel: kernel.5.cloned.1.call-start
scs
__scs_entry_jumppad:
0x0: {  	(pc) =	sbr.rel $0x88, $3  }
0x1: {  	(tag) =	ssettag $0x0;
	lr =	simm.s32 $0x1  }
0x2: {  	[smem:$0x3F9B] =	sst lr;
	_ =	strace $0xD0000000  }
0x3: {  	_ = 	snop  }
0x4: {  	_ = 	snop  }
0x5: {  	_ = 	snop  }
0x6: {  	_ = 	snop  }
0x7: {  	_ = 	snop  }
__scs_overlays_trampoline_lowered:
0x8: {  	[smem:$0x3FAA] =	sst s0  }
0x9: {  	[smem:$0x3FAB] =	sst s1  }
0xa: {  	[smem:$0x3FAC] =	sst s2  }
0xb: {  	[smem:$0x3FAD] =	sst s3  }
0xc: {  	[smem:$0x3FAE] =	sst s4  }
0xd: {  	[smem:$0x3FAF] =	sst s5  }
0xe: {  	[smem:$0x3FB0] =	sst s6  }
0xf: {  	[smem:$0x3FB1] =	sst s7  }
0x10: {  	[smem:$0x3FB2] =	sst s8  }
0x11: {  	[smem:$0x3FB3] =	sst s9;
	s0 =	simm.s32 @!p0 $0x0  }
0x12: {  	s1 =	sld [smem:$0x3F99];
	s0 =	simm.s32 @p0 $0x1  }
0x13: {  	[smem:$0x3FB4] =	sst s0;
	s0 =	simm.s32 @!p1 $0x0  }
0x14: {  	s2 =	sld [smem:$0x3F98];
	s0 =	simm.s32 @p1 $0x1  }
0x15: {  	[smem:$0x3FB5] =	sst s0;
	s0 =	simm.s32 @!p2 $0x0  }
0x16: {  	s3 =	sld [smem:$0x3FDB];
	s0 =	simm.s32 @p2 $0x1  }
0x17: {  	s4 =	simm.s32 $0x1BF5;
	[smem:$0x3FB7] =	sst s0  }
0x18: {  	s0 =	sld [smem:$0x3F9A];
	_ =	swait.ge [sflag:s4], $0x0  }
0x19: {  	s7 =	sld [smem:$0x3F9B]  }
0x1a: {  	s8 =	sadd.s32 $0xFFFFE003, lr  }
0x1b: {  	s9 =	sadd.s32 $0xFFFFFEF7, lr;
	s5 =	simm.s32 $0xFFFFFFFF;
	p2 =	slt.u32 s8, $0xFFFFF086  }
0x1c: {  	p1 =	slt.u32 s9, $0xF7A;
	s5 =	simm.s32 @!p2 $0x0  }
0x1d: {  	s5 =	simm.s32 @p1 $0x1;
	p0 =	seq.s32 s7, s2  }
0x1e: {  	s7 =	smul.u32 @!p0 $0xF7A, s2;
	p2 =	seq.s32 @!p0 s5, $0x0  }
0x1f: {  	s9 =	smul.u32 $0xF7A, s1;
	s8 =	simm.s32 @!p0 $0x1BF5;
	p2 =	por !p2, p0  }
0x20: {  	[sflag:s8] =	ssyncset.s32 @!p0 $0xFFFFF086;
	s6 =	sadd.s32 @!p0 s3, s7;
	s7 =	simm.s32 @!p0 $0x108  }
0x21: {  	s3 =	sadd.s32 s3, s9;
	s6 =	sadd.s32 @!p0 $0x88, s6;
	s7 =	simm.s32 @p2 $0x1082  }
0x22: {  	[simem:s7], [sflag:s8] =	dma.local @!p0 [hbm:s6], $0xF7A  }
0x23: {  	s9 =	sor.u32 $0xD0000000, s2;
	s6 =	simm.s32 $0x108;
	_ =	swait.ge @!p0 [sflag:s8], $0x0  }
0x24: {  	s3 =	sadd.s32 $0x88, s3;
	s6 =	simm.s32 @!p1 $0x1082;
	[sflag:s4] =	ssyncset.s32 $0xFFFFF086  }
0x25: {  	[simem:s6], [sflag:s4] =	dma.local [hbm:s3], $0xF7A  }
0x26: {  	[smem:$0x3F9B] =	sst s1;
	(tag) =	ssettag s2;
	_ =	strace s9  }
0x27: {  	s1 =	sld [smem:$0x3FAB]  }
0x28: {  	s2 =	sld [smem:$0x3FAC]  }
0x29: {  	s4 =	sld [smem:$0x3FAE]  }
0x2a: {  	p0 =	seq.s32 s5, $0x0;
	s5 =	sld [smem:$0x3FAF]  }
0x2b: {  	s6 =	sld [smem:$0x3FB0]  }
0x2c: {  	s7 =	sld [smem:$0x3FB1]  }
0x2d: {  	s3 =	simm.s32 $0x108;
	s8 =	sld [smem:$0x3FB2]  }
0x2e: {  	s3 =	simm.s32 @!p0 $0x1082;
	s9 =	sld [smem:$0x3FB3]  }
0x2f: {  	lr =	sadd.s32 s0, s3;
	s0 =	sld [smem:$0x3FAA]  }
0x30: {  	s3 =	sld [smem:$0x3FAD]  }
0x31: {  	[smem:$0x3FB6] =	sst s10  }
0x32: {  	s10 =	sld [smem:$0x3FB4];
	_ =	sdelay $0x3  }
0x33: {  	p0 =	seq.s32 s10, $0x1;
	s10 =	sld [smem:$0x3FB6];
	_ =	sdelay $0x3  }
0x34: {  	[smem:$0x3FB6] =	sst s10  }
0x35: {  	s10 =	sld [smem:$0x3FB5];
	_ =	sdelay $0x3  }
0x36: {  	p1 =	seq.s32 s10, $0x1;
	s10 =	sld [smem:$0x3FB6];
	_ =	sdelay $0x3  }
0x37: {  	[smem:$0x3FB6] =	sst s10  }
0x38: {  	s10 =	sld [smem:$0x3FB7]  }
0x39: {  	_ = 	snop;
	(pc) =	sbr.ind lr, $3  }
0x3a: {  	_ = 	snop  }
0x3b: {  	_ = 	snop  }
0x3c: {  	p2 =	seq.s32 s10, $0x1;
	s10 =	sld [smem:$0x3FB6]  }
0x3d: {  	_ =	shalt  }
0x3e: {  	_ =	shalt  }
0x3f: {  	_ =	shalt  }
0x40: {  	_ =	shalt  }
0x41: {  	_ =	shalt  }
0x42: {  	_ =	shalt  }
0x43: {  	_ =	shalt  }
0x44: {  	_ =	shalt  }
0x45: {  	_ =	shalt  }
0x46: {  	_ =	shalt  }
0x47: {  	_ =	shalt  }
0x48: {  	_ =	shalt  }
0x49: {  	_ =	shalt  }
0x4a: {  	_ =	shalt  }
0x4b: {  	_ =	shalt  }
0x4c: {  	_ =	shalt  }
0x4d: {  	_ =	shalt  }
0x4e: {  	_ =	shalt  }
0x4f: {  	_ =	shalt  }
0x50: {  	_ =	shalt  }
0x51: {  	_ =	shalt  }
0x52: {  	_ =	shalt  }
0x53: {  	_ =	shalt  }
0x54: {  	_ =	shalt  }
0x55: {  	_ =	shalt  }
0x56: {  	_ =	shalt  }
0x57: {  	_ =	shalt  }
0x58: {  	_ =	shalt  }
0x59: {  	_ =	shalt  }
0x5a: {  	_ =	shalt  }
0x5b: {  	_ =	shalt  }
0x5c: {  	_ =	shalt  }
0x5d: {  	_ =	shalt  }
0x5e: {  	_ =	shalt  }
0x5f: {  	_ =	shalt  }
0x60: {  	_ =	shalt  }
0x61: {  	_ =	shalt  }
0x62: {  	_ =	shalt  }
0x63: {  	_ =	shalt  }
0x64: {  	_ =	shalt  }
0x65: {  	_ =	shalt  }
0x66: {  	_ =	shalt  }
0x67: {  	_ =	shalt  }
0x68: {  	_ =	shalt  }
0x69: {  	_ =	shalt  }
0x6a: {  	_ =	shalt  }
0x6b: {  	_ =	shalt  }
0x6c: {  	_ =	shalt  }
0x6d: {  	_ =	shalt  }
0x6e: {  	_ =	shalt  }
0x6f: {  	_ =	shalt  }
0x70: {  	_ =	shalt  }
0x71: {  	_ =	shalt  }
0x72: {  	_ =	shalt  }
0x73: {  	_ =	shalt  }
0x74: {  	_ =	shalt  }
0x75: {  	_ =	shalt  }
0x76: {  	_ =	shalt  }
0x77: {  	_ =	shalt  }
0x78: {  	_ =	shalt  }
0x79: {  	_ =	shalt  }
0x7a: {  	_ =	shalt  }
0x7b: {  	_ =	shalt  }
0x7c: {  	_ =	shalt  }
0x7d: {  	_ =	shalt  }
0x7e: {  	_ =	shalt  }
0x7f: {  	_ =	shalt  }
0x80: {  	_ =	shalt  }
0x81: {  	_ =	shalt  }
0x82: {  	_ =	shalt  }
0x83: {  	_ =	shalt  }
0x84: {  	_ =	shalt  }
0x85: {  	_ =	shalt  }
0x86: {  	_ =	shalt  }
0x87: {  	_ =	shalt  }
.Lfunc_end0:
.L_simem_size_0:
called_computation_lowered:
.L_overlay_start_0:
0x88: {  	s2 =	sld [smem:$0x3FD9]  }
0x89: {  	s3 =	sld [smem:$0x3FFE];
	_ =	sdelay $0x1  }
0x8a: {  	s1 =	srdreg.scid  }
0x8b: {  	s0 =	sand.u32 $0x1, s1  }
0x8c: {  	s17 =	sshll.u32 s0, $0xA;
	s2 =	sadd.s32 s3, s2  }
0x8d: {  	s2 =	sadd.s32 s2, s17  }
0x8e: {  	[smem:$0x3FC2] =	sst s2  }
0x8f: {  	_ = 	snop  }
0x90: {  	s2 =	sld [smem:$0x3FD0];
	(tm) =	ssettm $0x1  }
0x91: {  	s18 =	sld [smem:$0x3FFB];
	_ =	sdelay $0x3  }
0x92: {  	_ =	strace s18  }
0x93: {  	s3 =	sld [smem:$0x3FFC];
	_ =	sdelay $0x3  }
0x94: {  	_ =	strace s3  }
0x95: {  	s3 =	sld [smem:$0x3FFD];
	_ =	sdelay $0x3  }
0x96: {  	_ =	strace s3  }
0x97: {  	_ =	strace $0x8FFFFFFF  }
0x98: {  	s19 =	sld [smem:$0x3FDB];
	_ =	sdelay $0x1  }
0x99: {  	s4 =	simm.s32 $_scs_section_size  }
0x9a: {  	s5 =	simm.s32 $_size__tile_overlayer_lowered;
	s6 =	simm.s32 $_tile_overlayer_lowered  }
0x9b: {  	s22 =	simm.s32 $0x1BFF;
	s21 =	sshll.u32 s6, $0x1;
	s3 =	sadd.s32 s4, s19  }
0x9c: {  	s7 =	simm.s32 $0x0;
	s20 =	sshll.u32 s5, $0x1;
	s5 =	sadd.s32 s21, s3  }
0x9d: {  	[timem:s7], [sflag:s22] =	dma.local [hbm:s5], s20  }
0x9e: {  	_ =	swait.ge [sflag:s22], s20  }
0x9f: {  	s4 =	ssub.s32 $0x0, s20;
	[sflag:s22] =	ssyncset.done $0x0  }
0xa0: {  	[sflag:s22] =	ssyncadd.s32 s4;
	_ =	sdelay $0x1  }
0xa1: {  	s23 =	simm.s32 $0x1B8B  }
0xa2: {  	_ =	swait.ge [sflag:s23], $0x1  }
0xa3: {  	[sflag:s23] =	ssyncset.done $0x0  }
0xa4: {  	s25 =	simm.s32 $0x1B8E;
	s24 =	sld [smem:$0x3FFE];
	[sflag:s23] =	ssyncadd.s32 $0xFFFFFFFF  }
0xa5: {  	s26 =	simm.s32 $execute0_lowered;
	[smem:$0x3FD2] =	sst s25  }
0xa6: {  	s5 =	sshll.u32 s26, $0x1;
	_ =	strace $0x80000046;
	[dreg:$0x1] =	wrdreg $0xFFFFFFFF  }
0xa7: {  	s28 =	simm.s32 $_size_execute0_lowered;
	s3 =	sadd.s32 s3, s5;
	[dreg:$0x0] =	wrdreg $0x0  }
0xa8: {  	s5 =	sshll.u32 s28, $0x1;
	[dreg:$0x2] =	wrdreg s3  }
0xa9: {  	[dreg:$0x3] =	wrdreg s5  }
0xaa: {  	[dreg:$0x4] =	wrdreg $0xC0  }
0xab: {  	_ =	task [dreg:s7], $0x5FFFF  }
0xac: {  	[dreg:$0x1] =	wrdreg $0xFFFFFFFF  }
0xad: {  	[dreg:$0x0] =	wrdreg $0x60  }
0xae: {  	[dreg:$0x2] =	wrdreg s24  }
0xaf: {  	[dreg:$0x3] =	wrdreg s2  }
0xb0: {  	[dreg:$0x4] =	wrdreg $0x180000  }
0xb1: {  	[dreg:$0x5] =	wrdreg $0x9  }
0xb2: {  	_ =	task.clear_ibuf [dreg:s7], $0x6FFFF;
	_ =	strace $0x90000046  }
0xb3: {  	s29 =	simm.s32 $0x9;
	_ =	strace $0x80000048  }
0xb4: {  	_ =	swait.ge [sflag:s29], $0x1  }
0xb5: {  	[sflag:s29] =	ssyncadd.s32 $0xFFFFFFFF  }
0xb6: {  	_ =	strace $0x90000048  }
0xb7: {  	_ =	sfence  }
0xb8: {  	s30 =	sld [smem:$0x0];
	_ =	sdelay $0x2  }
0xb9: {  	s31 =	sshll.u32 s1, $0xD;
	s1 =	sshrl.u32 s1, $0x2  }
0xba: {  	s3 =	sand.u32 $0x4000, s31;
	s1 =	sadd.s32 s1, s30  }
0xbb: {  	s0 =	sor.u32 s3, s0;
	s1 =	sshll.u32 s1, $0x11  }
0xbc: {  	s0 =	sor.u32 s1, s0  }
0xbd: {  	s0 =	sadd.s32 $0x8F2B, s0  }
0xbe: {  	[sflag:s0] =	ssyncadd.remote.s32 $0x1  }
0xbf: {  	_ =	sfence.sel $0xFFFF  }
0xc0: {  	[dreg:$0x0] =	wrdreg $0xFFFFFFFF;
	(pc) =	sbr.abs _section_cstart, $3  }
0xc1: {  	[dreg:$0x1] =	wrdreg $0xFFFFFFFF  }
0xc2: {  	_ =	task.clear_ibuf [dreg:s7], $0x2FFFF;
	_ =	strace $0x9FFFFFFF  }
0xc3: {  	(tm) =	ssettm $0x7FFFFFFF  }
tec
execute0_lowered:
.L_overlay_start_1:
0x0: {  	(tag) =	ssettag $0x1  }
0x1: {  	s0 =	rddreg [dreg:$0x0]  }
0x2: {  	s1 =	rddreg [dreg:$0x1];
	s2 =	srdreg.scid  }
0x3: {  	s10 =	stileid.u32;
	s3 =	rddreg [dreg:$0x2]  }
0x4: {  	s12 =	simm.s32 $0x4;
	s4 =	sand.u32 $0x1, s2;
	s5 =	sshll.u32 s10, $0x1  }
0x5: {  	s2 =	simm.s32 $0x0;
	s7 =	sadd.s32 $0x1A00, s0;
	s9 =	sadd.s32 $0x15400, s0  }
0x6: {  	s20 =	sshrl.u32 s10, $0x3;
	s22 =	smul.u32 $0xA000, s10;
	s23 =	sshll.u32 s10, $0x7  }
0x7: {  	s25 =	smul.u32 $0x500, s10;
	s5 =	sor.u32 s4, s5;
	s6 =	ssub.s32 $0x2, s4  }
0x8: {  	[smem:$0x7FF] =	sst s2;
	s5 =	smul.u32 $0x4E20, s5;
	s8 =	sshrl.u32 s6, $0x1  }
0x9: {  	s10 =	simm.s32 $0x3;
	_ =	strace $0x80000047;
	s6 =	ssub.s32 s6, s8  }
0xa: {  	[dreg:$0x4] =	wrdreg s9;
	s5 =	sshrl.u32 s5, $0x3;
	s26 =	smax.u32 s6, $0x1  }
0xb: {  	p0 =	seq.s32 s4, $0x0;
	s13 =	sadd.s32 s7, s5;
	[dreg:$0x10] =	wrdreg s26  }
0xc: {  	s14 =	sadd.s32 s1, s5;
	s15 =	sadd.s32 $0x1F4, s5;
	[dreg:$0x5] =	wrdreg s13  }
0xd: {  	s9 =	smul.u32 $0xA0000, s20;
	[dreg:$0x6] =	wrdreg s14;
	s11 =	sadd.s32 s7, s15  }
0xe: {  	s16 =	sadd.s32 $0x3E8, s5;
	s8 =	sadd.s32 s1, s15;
	[dreg:$0x7] =	wrdreg s11  }
0xf: {  	s24 =	sshrl.u32 s9, $0x2;
	s17 =	sadd.s32 s7, s16;
	[dreg:$0x8] =	wrdreg s8  }
0x10: {  	s19 =	sadd.s32 $0x5DC, s5;
	s18 =	sadd.s32 s1, s16;
	[dreg:$0x9] =	wrdreg s17  }
0x11: {  	s5 =	sadd.s32 $0x7D0, s5;
	s21 =	sadd.s32 s7, s19;
	[dreg:$0xa] =	wrdreg s18  }
0x12: {  	s6 =	simm.s32 $0x1;
	s7 =	sadd.s32 s7, s5;
	[dreg:$0xb] =	wrdreg s21  }
0x13: {  	s9 =	simm.s32 $0x2;
	s8 =	sadd.s32 s1, s19;
	[dreg:$0xd] =	wrdreg s7  }
0x14: {  	s1 =	sadd.s32 s1, s5;
	s5 =	sadd.s32 s24, s3;
	[dreg:$0xc] =	wrdreg s8  }
0x15: {  	s7 =	sshrl.u32 s22, $0x2;
	s11 =	simm.s32 $0x400;
	[dreg:$0xe] =	wrdreg s1  }
0x16: {  	s1 =	sand.u32 $0x380, s23;
	s15 =	sadd.s32 s7, s3;
	s7 =	simm.s32 $0xA000  }
0x17: {  	s8 =	simm.s32 $0x80;
	s16 =	sadd.s32 s1, s5;
	s3 =	sadd.s32 $0x80, s15  }
0x18: {  	s17 =	sadd.s32 $0x100, s15;
	s18 =	sadd.s32 $0x180, s15;
	s19 =	sadd.s32 $0x200, s15  }
0x19: {  	s20 =	sadd.s32 $0x280, s15;
	s21 =	sadd.s32 $0x300, s15;
	s22 =	sadd.s32 $0x380, s15  }
0x1a: {  	s1 =	sshrl.u32 s25, $0x3;
	[dreg:$0x12] =	wrdreg s3;
	s3 =	simm.s32 $0x16800  }
0x1b: {  	s24 =	sadd.s32 $0x28000, s15;
	s26 =	sadd.s32 $0x28080, s15;
	s3 =	simm.s32 @!p0 $0x17C00  }
0x1c: {  	s28 =	sadd.s32 $0x28100, s15;
	s29 =	sadd.s32 $0x28180, s15;
	s0 =	sadd.s32 s3, s0  }
0x1d: {  	s30 =	sadd.s32 $0x28200, s15;
	s31 =	sadd.s32 $0x28280, s15;
	s3 =	sadd.s32 s0, s1  }
0x1e: {  	s25 =	simm.s32 $0x0;
	[dreg:$0xf] =	wrdreg s3;
	s3 =	sadd.s32 $0xA00, s3  }
0x1f: {  	v0 =	vimm.f32 $0.0e+00;
	s1 =	sadd.s32 $0x28300, s15;
	s0 =	sadd.s32 $0x28380, s15;
	[dreg:$0x11] =	wrdreg s3  }
.LBB2_1:
0x20: {  	s3 =	rddreg [dreg:$0x4]  }
0x21: {  	[tilespmem:s2], [sflag:$0x1] =	stream.linear.gather [hbm4b:s3+s2], $0xA000, $0x38;
	[tilespmem:$0x1D000] =	vst v63  }
0x22: {  	s13 =	rddreg [dreg:$0x5];
	s4 =	simm.s32 $0x14000  }
0x23: {  	[tilespmem:s4], [sflag:$0x2] =	stream.linear.gather [hbm4b:s13+s2], $0xFA0, $0x38;
	[tilespmem:$0x1D000] =	vst v63  }
0x24: {  	s14 =	rddreg [dreg:$0x6];
	s23 =	simm.s32 $0x16000;
	s3 =	simm.s32 $0xA040  }
0x25: {  	[tilespmem:s23], [sflag:$0x3] =	stream.linear.gather [hbm4b:s14+s2], $0xFA0, $0x38;
	[tilespmem:$0x1D000] =	vst v63  }
0x26: {  	[tilespmem:s3+$0xFFFFFFC0] =	vst v0  }
0x27: {  	[tilespmem:s3+$0x30] =	vst v0  }
0x28: {  	[tilespmem:s3+$0x20] =	vst v0  }
0x29: {  	[tilespmem:s3+$0x10] =	vst v0  }
0x2a: {  	[tilespmem:s3+$0x0] =	vst v0  }
0x2b: {  	[tilespmem:s3+$0xFFFFFFF0] =	vst v0  }
0x2c: {  	s4 =	simm.s32 $0x0;
	[tilespmem:s3+$0xFFFFFFE0] =	vst v0  }
.LBB2_2:
0x2d: {  	s4 =	sadd.s32 $0x8, s4;
	[tilespmem:s3+$0xFFFFFFD0] =	vst v0;
	s3 =	sadd.s32 $0x80, s3  }
0x2e: {  	[tilespmem:s3+$0xFFFFFFC0] =	vst v0;
	p0 =	slt.u32 s4, $0x9F8  }
0x2f: {  	[tilespmem:s3+$0x30] =	vst v0  }
.Ltmp0:
0x30: {  	[tilespmem:s3+$0x20] =	vst v0;
	(pc) =	sbr.rel @p0 .LBB2_2-.Ltmp0, $4  }
0x31: {  	[tilespmem:s3+$0x10] =	vst v0  }
0x32: {  	[tilespmem:s3+$0x0] =	vst v0  }
0x33: {  	[tilespmem:s3+$0xFFFFFFF0] =	vst v0  }
0x34: {  	[tilespmem:s3+$0xFFFFFFE0] =	vst v0  }
0x35: {  	[tilespmem:s3+$0xFFFFFFD0] =	vst v0  }
0x36: {  	_ =	swait.ge [sflag:s6], $0xA000  }
0x37: {  	s3 =	simm.s32 $0x0;
	[sflag:s6] =	ssyncset.done $0x0  }
0x38: {  	s5 =	simm.s32 $0x15000;
	s4 =	rddreg [dreg:$0x7];
	[sflag:s6] =	ssyncadd.s32 $0xFFFF6000  }
0x39: {  	[tilespmem:s5], [sflag:$0x2] =	stream.linear.gather [hbm4b:s4+s3], $0xFA0, $0x38;
	[tilespmem:$0x1D000] =	vst v63  }
0x3a: {  	s23 =	simm.s32 $0x17000;
	s14 =	rddreg [dreg:$0x8]  }
0x3b: {  	[tilespmem:s23], [sflag:$0x3] =	stream.linear.gather [hbm4b:s14+s3], $0xFA0, $0x38;
	[tilespmem:$0x1D000] =	vst v63  }
0x3c: {  	_ =	swait.ge [sflag:s9], $0xFA0  }
0x3d: {  	[sflag:s9] =	ssyncset.done $0x0  }
0x3e: {  	[sflag:s9] =	ssyncadd.s32 $0xFFFFF060  }
0x3f: {  	_ =	swait.ge [sflag:s10], $0xFA0  }
0x40: {  	s4 =	simm.s32 $0x14050;
	[sflag:s10] =	ssyncset.done $0x0  }
0x41: {  	s5 =	simm.s32 $0x16050;
	s23 =	simm.s32 $0xFFFFFFF6;
	[sflag:s10] =	ssyncadd.s32 $0xFFFFF060  }
.LBB2_4:
0x42: {  	v1 =	vld [tilespmem:s4+$0xFFFFFFB0]  }
0x43: {  	v2 =	vld [tilespmem:s5+$0xFFFFFFB0]  }
0x44: {  	v3 =	vld [tilespmem:s4+$0xFFFFFFC0]  }
0x45: {  	v4 =	vld [tilespmem:s5+$0xFFFFFFC0];
	_ =	sdelay $0x2  }
0x46: {  	v40 =	vld [tilespmem:s4+$0xFFFFFFD0]  }
0x47: {  	v41 =	vld [tilespmem:s5+$0xFFFFFFD0]  }
0x48: {  	v5 =	vld.idx.msk [tilespmem:v1+s2+$0x0], $0xffff  }
0x49: {  	v6 =	vld.idx.msk [tilespmem:v2+s2+$0x0], $0xffff  }
0x4a: {  	v7 =	vld.idx.msk [tilespmem:v3+s2+$0x0], $0xffff  }
0x4b: {  	v8 =	vld.idx.msk [tilespmem:v4+s2+$0x0], $0xffff  }
0x4c: {  	v49 =	vld [tilespmem:s4+$0xFFFFFFE0]  }
0x4d: {  	v16 =	vld [tilespmem:s5+$0xFFFFFFE0]  }
0x4e: {  	v59 =	vld [tilespmem:s4+$0xFFFFFFF0]  }
0x4f: {  	v60 =	vld [tilespmem:s5+$0xFFFFFFF0];
	v5 =	vsub.f32 v6, v5  }
0x50: {  	v31 =	vadd.s32 $0x2800, v1;
	v44 =	vld.idx.msk [tilespmem:v40+s2+$0x0], $0xffff;
	v32 =	vsub.f32 v8, v7  }
0x51: {  	v9 =	vadd.s32 $0x2800, v2;
	v10 =	vsub.f32 $0.0e+00, v5;
	[tilespmem:v2+s7+$0x0] =	vst.idx.add.f32.msk $0xffff, v5  }
0x52: {  	v33 =	vadd.s32 $0x2800, v3;
	v12 =	vsub.f32 $0.0e+00, v32;
	[tilespmem:v4+s7+$0x0] =	vst.idx.add.f32.msk $0xffff, v32  }
0x53: {  	v35 =	vadd.s32 $0x2800, v4;
	[tilespmem:v1+s7+$0x0] =	vst.idx.add.f32.msk $0xffff, v10  }
0x54: {  	[tilespmem:v3+s7+$0x0] =	vst.idx.add.f32.msk $0xffff, v12  }
0x55: {  	v34 =	vld.idx.msk [tilespmem:v31+s2+$0x0], $0xffff  }
0x56: {  	v11 =	vld.idx.msk [tilespmem:v9+s2+$0x0], $0xffff  }
0x57: {  	v5 =	vld.idx.msk [tilespmem:v33+s2+$0x0], $0xffff  }
0x58: {  	v12 =	vld.idx.msk [tilespmem:v35+s2+$0x0], $0xffff  }
0x59: {  	v45 =	vld.idx.msk [tilespmem:v41+s2+$0x0], $0xffff  }
0x5a: {  	v50 =	vld.idx.msk [tilespmem:v49+s2+$0x0], $0xffff  }
0x5b: {  	v18 =	vld.idx.msk [tilespmem:v16+s2+$0x0], $0xffff  }
0x5c: {  	v21 =	vld.idx.msk [tilespmem:v59+s2+$0x0], $0xffff;
	v8 =	vsub.f32 v11, v34  }
0x5d: {  	v36 =	vadd.s32 $0x5000, v1;
	v23 =	vld.idx.msk [tilespmem:v60+s2+$0x0], $0xffff;
	v5 =	vsub.f32 v12, v5  }
0x5e: {  	v13 =	vadd.s32 $0x5000, v2;
	v14 =	vsub.f32 $0.0e+00, v8;
	[tilespmem:v9+s7+$0x0] =	vst.idx.add.f32.msk $0xffff, v8  }
0x5f: {  	v38 =	vadd.s32 $0x5000, v3;
	v37 =	vsub.f32 $0.0e+00, v5;
	[tilespmem:v35+s7+$0x0] =	vst.idx.add.f32.msk $0xffff, v5  }
0x60: {  	v39 =	vadd.s32 $0x5000, v4;
	[tilespmem:v31+s7+$0x0] =	vst.idx.add.f32.msk $0xffff, v14  }
0x61: {  	[tilespmem:v33+s7+$0x0] =	vst.idx.add.f32.msk $0xffff, v37  }
0x62: {  	v6 =	vld.idx.msk [tilespmem:v36+s2+$0x0], $0xffff  }
0x63: {  	v57 =	vadd.s32 $0x2800, v49;
	v54 =	vsub.f32 v18, v50;
	v8 =	vld.idx.msk [tilespmem:v13+s2+$0x0], $0xffff  }
0x64: {  	v42 =	vld.idx.msk [tilespmem:v38+s2+$0x0], $0xffff  }
0x65: {  	v56 =	vsub.f32 $0.0e+00, v54;
	v10 =	vld.idx.msk [tilespmem:v39+s2+$0x0], $0xffff  }
0x66: {  	[tilespmem:v16+s7+$0x0] =	vst.idx.add.f32.msk $0xffff, v54  }
0x67: {  	[tilespmem:v49+s7+$0x0] =	vst.idx.add.f32.msk $0xffff, v56  }
0x68: {  	v61 =	vld.idx.msk [tilespmem:v57+s2+$0x0], $0xffff  }
0x69: {  	v9 =	vld [tilespmem:s4+$0x10];
	v6 =	vsub.f32 v8, v6  }
0x6a: {  	v14 =	vld [tilespmem:s5+$0x10];
	v8 =	vsub.f32 v10, v42  }
0x6b: {  	v1 =	vadd.s32 $0x7800, v1;
	v10 =	vsub.f32 v45, v44;
	[tilespmem:v13+s7+$0x0] =	vst.idx.add.f32.msk $0xffff, v6  }
0x6c: {  	v2 =	vadd.s32 $0x7800, v2;
	v43 =	vsub.f32 $0.0e+00, v6;
	[tilespmem:v39+s7+$0x0] =	vst.idx.add.f32.msk $0xffff, v8  }
0x6d: {  	v47 =	vadd.s32 $0x2800, v40;
	v15 =	vsub.f32 $0.0e+00, v10;
	[tilespmem:v41+s7+$0x0] =	vst.idx.add.f32.msk $0xffff, v10  }
0x6e: {  	v48 =	vadd.s32 $0x2800, v41;
	[tilespmem:v36+s7+$0x0] =	vst.idx.add.f32.msk $0xffff, v43  }
0x6f: {  	[tilespmem:v40+s7+$0x0] =	vst.idx.add.f32.msk $0xffff, v15  }
0x70: {  	v3 =	vadd.s32 $0x7800, v3;
	v6 =	vld.idx.msk [tilespmem:v1+s2+$0x0], $0xffff  }
0x71: {  	v4 =	vadd.s32 $0x7800, v4;
	v13 =	vld.idx.msk [tilespmem:v2+s2+$0x0], $0xffff  }
0x72: {  	v58 =	vadd.s32 $0x2800, v16;
	v46 =	vsub.f32 $0.0e+00, v8;
	v10 =	vld.idx.msk [tilespmem:v47+s2+$0x0], $0xffff  }
0x73: {  	v15 =	vld.idx.msk [tilespmem:v48+s2+$0x0], $0xffff  }
0x74: {  	[tilespmem:v38+s7+$0x0] =	vst.idx.add.f32.msk $0xffff, v46  }
0x75: {  	v5 =	vld.idx.msk [tilespmem:v3+s2+$0x0], $0xffff  }
0x76: {  	v8 =	vld.idx.msk [tilespmem:v4+s2+$0x0], $0xffff  }
0x77: {  	v62 =	vld.idx.msk [tilespmem:v58+s2+$0x0], $0xffff;
	v6 =	vsub.f32 v13, v6  }
0x78: {  	v46 =	vld.idx.msk [tilespmem:v9+s2+$0x0], $0xffff;
	v51 =	vsub.f32 v15, v10  }
0x79: {  	[tilespmem:v2+s7+$0x0] =	vst.idx.add.f32.msk $0xffff, v6  }
0x7a: {  	v17 =	vsub.f32 $0.0e+00, v6;
	[tilespmem:v48+s7+$0x0] =	vst.idx.add.f32.msk $0xffff, v51  }
0x7b: {  	v52 =	vadd.s32 $0x5000, v40;
	v2 =	vsub.f32 v8, v5;
	v48 =	vld.idx.msk [tilespmem:v14+s2+$0x0], $0xffff  }
0x7c: {  	v53 =	vsub.f32 $0.0e+00, v51;
	[tilespmem:v1+s7+$0x0] =	vst.idx.add.f32.msk $0xffff, v17;
	v1 =	vadd.s32 $0x5000, v41  }
0x7d: {  	[tilespmem:v4+s7+$0x0] =	vst.idx.add.f32.msk $0xffff, v2  }
0x7e: {  	[tilespmem:v47+s7+$0x0] =	vst.idx.add.f32.msk $0xffff, v53  }
0x7f: {  	v17 =	vld [tilespmem:s4+$0x0]  }
0x80: {  	v26 =	vadd.s32 $0x2800, v59;
	v6 =	vsub.f32 v23, v21;
	v5 =	vld.idx.msk [tilespmem:v52+s2+$0x0], $0xffff  }
0x81: {  	v27 =	vadd.s32 $0x2800, v60;
	v2 =	vsub.f32 $0.0e+00, v2;
	v55 =	vld.idx.msk [tilespmem:v1+s2+$0x0], $0xffff  }
0x82: {  	v28 =	vsub.f32 $0.0e+00, v6;
	[tilespmem:v60+s7+$0x0] =	vst.idx.add.f32.msk $0xffff, v6  }
0x83: {  	[tilespmem:v3+s7+$0x0] =	vst.idx.add.f32.msk $0xffff, v2  }
0x84: {  	[tilespmem:v59+s7+$0x0] =	vst.idx.add.f32.msk $0xffff, v28  }
0x85: {  	v6 =	vld.idx.msk [tilespmem:v26+s2+$0x0], $0xffff  }
0x86: {  	v18 =	vld.idx.msk [tilespmem:v27+s2+$0x0], $0xffff;
	v5 =	vsub.f32 v55, v5  }
0x87: {  	v29 =	vld.idx.msk [tilespmem:v17+s2+$0x0], $0xffff  }
0x88: {  	s13 =	sand.u32 $0xFE0, s3;
	v7 =	vadd.s32 $0x7800, v40;
	v2 =	vsub.f32 $0.0e+00, v5;
	[tilespmem:v1+s7+$0x0] =	vst.idx.add.f32.msk $0xffff, v5  }
0x89: {  	v3 =	vadd.s32 $0x7800, v41;
	v1 =	vsub.f32 v62, v61;
	v62 =	vld [tilespmem:s13+$0x14080]  }
0x8a: {  	[tilespmem:v52+s7+$0x0] =	vst.idx.add.f32.msk $0xffff, v2  }
0x8b: {  	[tilespmem:v58+s7+$0x0] =	vst.idx.add.f32.msk $0xffff, v1  }
0x8c: {  	v63 =	vadd.s32 $0x5000, v49;
	v25 =	vsub.f32 $0.0e+00, v1;
	v1 =	vld [tilespmem:s5+$0x0]  }
0x8d: {  	v22 =	vadd.s32 $0x5000, v16;
	v2 =	vld.idx.msk [tilespmem:v7+s2+$0x0], $0xffff  }
0x8e: {  	v24 =	vld.idx.msk [tilespmem:v3+s2+$0x0], $0xffff  }
0x8f: {  	v52 =	vld [tilespmem:s4+$0x20]  }
0x90: {  	[tilespmem:v57+s7+$0x0] =	vst.idx.add.f32.msk $0xffff, v25  }
0x91: {  	v4 =	vld.idx.msk [tilespmem:v63+s2+$0x0], $0xffff  }
0x92: {  	v11 =	vld.idx.msk [tilespmem:v22+s2+$0x0], $0xffff  }
0x93: {  	v25 =	vld [tilespmem:s5+$0x40];
	v2 =	vsub.f32 v24, v2  }
0x94: {  	v24 =	vld [tilespmem:s4+$0x40]  }
0x95: {  	[tilespmem:v3+s7+$0x0] =	vst.idx.add.f32.msk $0xffff, v2  }
0x96: {  	v13 =	vsub.f32 $0.0e+00, v2;
	v31 =	vld.idx.msk [tilespmem:v1+s2+$0x0], $0xffff  }
0x97: {  	v2 =	vsub.f32 v11, v4;
	v53 =	vld.idx.msk [tilespmem:v52+s2+$0x0], $0xffff  }
0x98: {  	[tilespmem:v7+s7+$0x0] =	vst.idx.add.f32.msk $0xffff, v13  }
0x99: {  	v3 =	vadd.s32 $0x7800, v49;
	v49 =	vsub.f32 v48, v46;
	[tilespmem:v22+s7+$0x0] =	vst.idx.add.f32.msk $0xffff, v2  }
0x9a: {  	v30 =	vsub.f32 $0.0e+00, v2;
	v22 =	vld [tilespmem:s5+$0x20]  }
0x9b: {  	v2 =	vsub.f32 v18, v6;
	[tilespmem:v14+s7+$0x0] =	vst.idx.add.f32.msk $0xffff, v49  }
0x9c: {  	v21 =	vsub.f32 $0.0e+00, v49;
	[tilespmem:v63+s7+$0x0] =	vst.idx.add.f32.msk $0xffff, v30  }
0x9d: {  	[tilespmem:v27+s7+$0x0] =	vst.idx.add.f32.msk $0xffff, v2  }
0x9e: {  	v32 =	vadd.s32 $0x5000, v59;
	[tilespmem:v9+s7+$0x0] =	vst.idx.add.f32.msk $0xffff, v21  }
0x9f: {  	v33 =	vadd.s32 $0x5000, v60;
	v63 =	vld [tilespmem:s13+$0x16080]  }
0xa0: {  	v38 =	vadd.s32 $0x7800, v16;
	v34 =	vsub.f32 $0.0e+00, v2;
	v27 =	vld.idx.msk [tilespmem:v62+s2+$0x0], $0xffff  }
0xa1: {  	v7 =	vld.idx.msk [tilespmem:v3+s2+$0x0], $0xffff  }
0xa2: {  	v50 =	vadd.s32 $0x2800, v9;
	[tilespmem:v26+s7+$0x0] =	vst.idx.add.f32.msk $0xffff, v34  }
0xa3: {  	v51 =	vadd.s32 $0x2800, v14;
	v35 =	vld.idx.msk [tilespmem:v32+s2+$0x0], $0xffff  }
0xa4: {  	v2 =	vsub.f32 v31, v29;
	v8 =	vld.idx.msk [tilespmem:v33+s2+$0x0], $0xffff  }
0xa5: {  	v37 =	vadd.s32 $0x2800, v17;
	v16 =	vld.idx.msk [tilespmem:v38+s2+$0x0], $0xffff  }
0xa6: {  	v36 =	vsub.f32 $0.0e+00, v2;
	[tilespmem:v1+s7+$0x0] =	vst.idx.add.f32.msk $0xffff, v2;
	v2 =	vadd.s32 $0x2800, v1  }
0xa7: {  	v11 =	vld.idx.msk [tilespmem:v50+s2+$0x0], $0xffff  }
0xa8: {  	v21 =	vld.idx.msk [tilespmem:v51+s2+$0x0], $0xffff  }
0xa9: {  	v39 =	vadd.s32 $0x7800, v59;
	[tilespmem:v17+s7+$0x0] =	vst.idx.add.f32.msk $0xffff, v36;
	v4 =	vsub.f32 v8, v35  }
0xaa: {  	v43 =	vadd.s32 $0x7800, v60;
	v40 =	vld.idx.msk [tilespmem:v37+s2+$0x0], $0xffff  }
0xab: {  	v41 =	vld.idx.msk [tilespmem:v2+s2+$0x0], $0xffff;
	v42 =	vsub.f32 $0.0e+00, v4  }
0xac: {  	[tilespmem:v33+s7+$0x0] =	vst.idx.add.f32.msk $0xffff, v4  }
0xad: {  	[tilespmem:v32+s7+$0x0] =	vst.idx.add.f32.msk $0xffff, v42  }
0xae: {  	v5 =	vld.idx.msk [tilespmem:v39+s2+$0x0], $0xffff  }
0xaf: {  	v7 =	vsub.f32 v16, v7;
	v19 =	vld.idx.msk [tilespmem:v43+s2+$0x0], $0xffff  }
0xb0: {  	v55 =	vld.idx.msk [tilespmem:v22+s2+$0x0], $0xffff  }
0xb1: {  	v16 =	vsub.f32 $0.0e+00, v7;
	[tilespmem:v38+s7+$0x0] =	vst.idx.add.f32.msk $0xffff, v7;
	v44 =	vsub.f32 v41, v40  }
0xb2: {  	v45 =	vadd.s32 $0x5000, v17;
	v28 =	vld.idx.msk [tilespmem:v63+s2+$0x0], $0xffff  }
0xb3: {  	v47 =	vadd.s32 $0x5000, v1;
	[tilespmem:v3+s7+$0x0] =	vst.idx.add.f32.msk $0xffff, v16;
	v20 =	vsub.f32 $0.0e+00, v44  }
0xb4: {  	[tilespmem:v2+s7+$0x0] =	vst.idx.add.f32.msk $0xffff, v44;
	v3 =	vsub.f32 v19, v5  }
0xb5: {  	[tilespmem:v37+s7+$0x0] =	vst.idx.add.f32.msk $0xffff, v20  }
0xb6: {  	v54 =	vsub.f32 $0.0e+00, v3;
	[tilespmem:v43+s7+$0x0] =	vst.idx.add.f32.msk $0xffff, v3;
	v3 =	vsub.f32 v21, v11  }
0xb7: {  	v56 =	vadd.s32 $0x5000, v9;
	v2 =	vld.idx.msk [tilespmem:v45+s2+$0x0], $0xffff  }
0xb8: {  	v57 =	vadd.s32 $0x5000, v14;
	v6 =	vld.idx.msk [tilespmem:v47+s2+$0x0], $0xffff;
	v58 =	vsub.f32 $0.0e+00, v3  }
0xb9: {  	[tilespmem:v51+s7+$0x0] =	vst.idx.add.f32.msk $0xffff, v3;
	v3 =	vsub.f32 v55, v53  }
0xba: {  	v61 =	vadd.s32 $0x2800, v52;
	[tilespmem:v50+s7+$0x0] =	vst.idx.add.f32.msk $0xffff, v58  }
0xbb: {  	v60 =	vsub.f32 $0.0e+00, v3;
	[tilespmem:v22+s7+$0x0] =	vst.idx.add.f32.msk $0xffff, v3;
	v3 =	vadd.s32 $0x2800, v22  }
0xbc: {  	v59 =	vld.idx.msk [tilespmem:v56+s2+$0x0], $0xffff  }
0xbd: {  	v7 =	vld.idx.msk [tilespmem:v57+s2+$0x0], $0xffff  }
0xbe: {  	[tilespmem:v52+s7+$0x0] =	vst.idx.add.f32.msk $0xffff, v60  }
0xbf: {  	v2 =	vsub.f32 v6, v2;
	v21 =	vld.idx.msk [tilespmem:v61+s2+$0x0], $0xffff  }
0xc0: {  	v23 =	vld.idx.msk [tilespmem:v3+s2+$0x0], $0xffff  }
0xc1: {  	[tilespmem:v47+s7+$0x0] =	vst.idx.add.f32.msk $0xffff, v2;
	v2 =	vsub.f32 $0.0e+00, v2  }
0xc2: {  	v32 =	vld.idx.msk [tilespmem:v25+s2+$0x0], $0xffff;
	v30 =	vsub.f32 v28, v27  }
0xc3: {  	[tilespmem:v45+s7+$0x0] =	vst.idx.add.f32.msk $0xffff, v2;
	v2 =	vsub.f32 v7, v59  }
0xc4: {  	v36 =	vsub.f32 $0.0e+00, v30;
	[tilespmem:v63+s7+$0x0] =	vst.idx.add.f32.msk $0xffff, v30  }
0xc5: {  	[tilespmem:v57+s7+$0x0] =	vst.idx.add.f32.msk $0xffff, v2;
	v2 =	vsub.f32 $0.0e+00, v2;
	v26 =	vsub.f32 v23, v21  }
0xc6: {  	v34 =	vadd.s32 $0x2800, v63;
	[tilespmem:v62+s7+$0x0] =	vst.idx.add.f32.msk $0xffff, v36  }
0xc7: {  	[tilespmem:v56+s7+$0x0] =	vst.idx.add.f32.msk $0xffff, v2;
	v2 =	vsub.f32 $0.0e+00, v26  }
0xc8: {  	v31 =	vadd.s32 $0x2800, v62;
	[tilespmem:v3+s7+$0x0] =	vst.idx.add.f32.msk $0xffff, v26  }
0xc9: {  	v17 =	vadd.s32 $0x7800, v17;
	[tilespmem:v61+s7+$0x0] =	vst.idx.add.f32.msk $0xffff, v2  }
0xca: {  	v29 =	vadd.s32 $0x5000, v52;
	v2 =	vld.idx.msk [tilespmem:v24+s2+$0x0], $0xffff  }
0xcb: {  	v18 =	vld.idx.msk [tilespmem:v34+s2+$0x0], $0xffff;
	v3 =	vadd.s32 $0x5000, v22  }
0xcc: {  	[tilespmem:v39+s7+$0x0] =	vst.idx.add.f32.msk $0xffff, v54  }
0xcd: {  	v1 =	vadd.s32 $0x7800, v1;
	v6 =	vld.idx.msk [tilespmem:v31+s2+$0x0], $0xffff  }
0xce: {  	v39 =	vld.idx.msk [tilespmem:v17+s2+$0x0], $0xffff  }
0xcf: {  	v37 =	vadd.s32 $0x2800, v24;
	v33 =	vld.idx.msk [tilespmem:v29+s2+$0x0], $0xffff;
	v2 =	vsub.f32 v32, v2  }
0xd0: {  	v38 =	vadd.s32 $0x2800, v25;
	v35 =	vld.idx.msk [tilespmem:v3+s2+$0x0], $0xffff  }
0xd1: {  	[tilespmem:v25+s7+$0x0] =	vst.idx.add.f32.msk $0xffff, v2;
	v2 =	vsub.f32 $0.0e+00, v2  }
0xd2: {  	v43 =	vld.idx.msk [tilespmem:v1+s2+$0x0], $0xffff  }
0xd3: {  	[tilespmem:v24+s7+$0x0] =	vst.idx.add.f32.msk $0xffff, v2  }
0xd4: {  	v41 =	vadd.s32 $0x5000, v62;
	v6 =	vsub.f32 v18, v6;
	v40 =	vld.idx.msk [tilespmem:v37+s2+$0x0], $0xffff  }
0xd5: {  	v2 =	vsub.f32 v35, v33;
	v42 =	vld.idx.msk [tilespmem:v38+s2+$0x0], $0xffff  }
0xd6: {  	[tilespmem:v34+s7+$0x0] =	vst.idx.add.f32.msk $0xffff, v6;
	v6 =	vsub.f32 $0.0e+00, v6  }
0xd7: {  	[tilespmem:v3+s7+$0x0] =	vst.idx.add.f32.msk $0xffff, v2;
	v3 =	vadd.s32 $0x5000, v63  }
0xd8: {  	[tilespmem:v31+s7+$0x0] =	vst.idx.add.f32.msk $0xffff, v6;
	v48 =	vsub.f32 v43, v39  }
0xd9: {  	v6 =	vld.idx.msk [tilespmem:v41+s2+$0x0], $0xffff;
	v2 =	vsub.f32 $0.0e+00, v2  }
0xda: {  	v46 =	vadd.s32 $0x5000, v24;
	[tilespmem:v1+s7+$0x0] =	vst.idx.add.f32.msk $0xffff, v48;
	v44 =	vsub.f32 v42, v40  }
0xdb: {  	v47 =	vadd.s32 $0x5000, v25;
	[tilespmem:v29+s7+$0x0] =	vst.idx.add.f32.msk $0xffff, v2  }
0xdc: {  	v1 =	vadd.s32 $0x7800, v14;
	v45 =	vld.idx.msk [tilespmem:v3+s2+$0x0], $0xffff;
	v2 =	vsub.f32 $0.0e+00, v44  }
0xdd: {  	v50 =	vadd.s32 $0x7800, v52;
	[tilespmem:v38+s7+$0x0] =	vst.idx.add.f32.msk $0xffff, v44  }
0xde: {  	[tilespmem:v37+s7+$0x0] =	vst.idx.add.f32.msk $0xffff, v2  }
0xdf: {  	v52 =	vadd.s32 $0x7800, v22;
	v49 =	vld.idx.msk [tilespmem:v46+s2+$0x0], $0xffff  }
0xe0: {  	v51 =	vld.idx.msk [tilespmem:v47+s2+$0x0], $0xffff  }
0xe1: {  	v54 =	vld.idx.msk [tilespmem:v1+s2+$0x0], $0xffff;
	v2 =	vadd.s32 $0x7800, v9;
	v6 =	vsub.f32 v45, v6  }
0xe2: {  	v12 =	vadd.s32 $0x7800, v63;
	v55 =	vld.idx.msk [tilespmem:v50+s2+$0x0], $0xffff  }
0xe3: {  	[tilespmem:v3+s7+$0x0] =	vst.idx.add.f32.msk $0xffff, v6;
	v3 =	vsub.f32 $0.0e+00, v6  }
0xe4: {  	v56 =	vld.idx.msk [tilespmem:v52+s2+$0x0], $0xffff  }
0xe5: {  	[tilespmem:v41+s7+$0x0] =	vst.idx.add.f32.msk $0xffff, v3;
	v3 =	vadd.s32 $0x7800, v62;
	v9 =	vsub.f32 v51, v49  }
0xe6: {  	v5 =	vadd.s32 $0x7800, v24;
	v53 =	vld.idx.msk [tilespmem:v2+s2+$0x0], $0xffff  }
0xe7: {  	v7 =	vadd.s32 $0x7800, v25;
	v59 =	vld.idx.msk [tilespmem:v12+s2+$0x0], $0xffff;
	v57 =	vsub.f32 $0.0e+00, v9  }
0xe8: {  	[tilespmem:v47+s7+$0x0] =	vst.idx.add.f32.msk $0xffff, v9  }
0xe9: {  	[tilespmem:v46+s7+$0x0] =	vst.idx.add.f32.msk $0xffff, v57  }
0xea: {  	v58 =	vld.idx.msk [tilespmem:v3+s2+$0x0], $0xffff  }
0xeb: {  	v10 =	vsub.f32 $0.0e+00, v48;
	v6 =	vsub.f32 v54, v53;
	v60 =	vld.idx.msk [tilespmem:v5+s2+$0x0], $0xffff  }
0xec: {  	v61 =	vld.idx.msk [tilespmem:v7+s2+$0x0], $0xffff  }
0xed: {  	[tilespmem:v17+s7+$0x0] =	vst.idx.add.f32.msk $0xffff, v10;
	v62 =	vsub.f32 v56, v55;
	v63 =	vsub.f32 $0.0e+00, v6  }
0xee: {  	[tilespmem:v1+s7+$0x0] =	vst.idx.add.f32.msk $0xffff, v6  }
0xef: {  	s23 =	sadd.s32 $0xA, s23;
	[tilespmem:v2+s7+$0x0] =	vst.idx.add.f32.msk $0xffff, v63;
	v2 =	vsub.f32 $0.0e+00, v62  }
0xf0: {  	p0 =	slt.u32 s23, $0xF0;
	[tilespmem:v52+s7+$0x0] =	vst.idx.add.f32.msk $0xffff, v62;
	v1 =	vsub.f32 v59, v58  }
.Ltmp1:
0xf1: {  	[tilespmem:v50+s7+$0x0] =	vst.idx.add.f32.msk $0xffff, v2;
	v2 =	vsub.f32 v61, v60;
	(pc) =	sbr.rel @p0 .LBB2_4-.Ltmp1, $4  }
0xf2: {  	v4 =	vsub.f32 $0.0e+00, v1;
	[tilespmem:v12+s7+$0x0] =	vst.idx.add.f32.msk $0xffff, v1  }
0xf3: {  	v1 =	vsub.f32 $0.0e+00, v2;
	[tilespmem:v7+s7+$0x0] =	vst.idx.add.f32.msk $0xffff, v2  }
0xf4: {  	[tilespmem:v3+s7+$0x0] =	vst.idx.add.f32.msk $0xffff, v4  }
0xf5: {  	s3 =	sadd.s32 $0xA0, s3;
	s4 =	sadd.s32 $0xA0, s4;
	s5 =	sadd.s32 $0xA0, s5;
	[tilespmem:v5+s7+$0x0] =	vst.idx.add.f32.msk $0xffff, v1  }
0xf6: {  	s3 =	simm.s32 $0x0;
	s4 =	rddreg [dreg:$0x9];
	s5 =	simm.s32 $0x14000  }
0xf7: {  	[tilespmem:s5], [sflag:$0x2] =	stream.linear.gather [hbm4b:s4+s3], $0xFA0, $0x38;
	[tilespmem:$0x1D000] =	vst v63  }
0xf8: {  	s14 =	rddreg [dreg:$0xa];
	s23 =	simm.s32 $0x16000  }
0xf9: {  	[tilespmem:s23], [sflag:$0x3] =	stream.linear.gather [hbm4b:s14+s3], $0xFA0, $0x38;
	[tilespmem:$0x1D000] =	vst v63  }
0xfa: {  	_ =	swait.ge [sflag:s9], $0xFA0  }
0xfb: {  	[sflag:s9] =	ssyncset.done $0x0  }
0xfc: {  	[sflag:s9] =	ssyncadd.s32 $0xFFFFF060  }
0xfd: {  	_ =	swait.ge [sflag:s10], $0xFA0  }
0xfe: {  	s4 =	simm.s32 $0x15050;
	[sflag:s10] =	ssyncset.done $0x0  }
0xff: {  	s5 =	simm.s32 $0x17050;
	s23 =	simm.s32 $0xFFFFFFF6;
	[sflag:s10] =	ssyncadd.s32 $0xFFFFF060  }
.LBB2_6:
0x100: {  	v1 =	vld [tilespmem:s4+$0xFFFFFFB0]  }
0x101: {  	v2 =	vld [tilespmem:s5+$0xFFFFFFB0]  }
0x102: {  	v3 =	vld [tilespmem:s4+$0xFFFFFFC0]  }
0x103: {  	v4 =	vld [tilespmem:s5+$0xFFFFFFC0];
	_ =	sdelay $0x2  }
0x104: {  	v40 =	vld [tilespmem:s4+$0xFFFFFFD0]  }
0x105: {  	v41 =	vld [tilespmem:s5+$0xFFFFFFD0]  }
0x106: {  	v5 =	vld.idx.msk [tilespmem:v1+s2+$0x0], $0xffff  }
0x107: {  	v6 =	vld.idx.msk [tilespmem:v2+s2+$0x0], $0xffff  }
0x108: {  	v7 =	vld.idx.msk [tilespmem:v3+s2+$0x0], $0xffff  }
0x109: {  	v8 =	vld.idx.msk [tilespmem:v4+s2+$0x0], $0xffff  }
0x10a: {  	v49 =	vld [tilespmem:s4+$0xFFFFFFE0]  }
0x10b: {  	v16 =	vld [tilespmem:s5+$0xFFFFFFE0]  }
0x10c: {  	v59 =	vld [tilespmem:s4+$0xFFFFFFF0]  }
0x10d: {  	v60 =	vld [tilespmem:s5+$0xFFFFFFF0];
	v5 =	vsub.f32 v6, v5  }
0x10e: {  	v31 =	vadd.s32 $0x2800, v1;
	v44 =	vld.idx.msk [tilespmem:v40+s2+$0x0], $0xffff;
	v32 =	vsub.f32 v8, v7  }
0x10f: {  	v9 =	vadd.s32 $0x2800, v2;
	v10 =	vsub.f32 $0.0e+00, v5;
	[tilespmem:v2+s7+$0x0] =	vst.idx.add.f32.msk $0xffff, v5  }
0x110: {  	v33 =	vadd.s32 $0x2800, v3;
	v12 =	vsub.f32 $0.0e+00, v32;
	[tilespmem:v4+s7+$0x0] =	vst.idx.add.f32.msk $0xffff, v32  }
0x111: {  	v35 =	vadd.s32 $0x2800, v4;
	[tilespmem:v1+s7+$0x0] =	vst.idx.add.f32.msk $0xffff, v10  }
0x112: {  	[tilespmem:v3+s7+$0x0] =	vst.idx.add.f32.msk $0xffff, v12  }
0x113: {  	v34 =	vld.idx.msk [tilespmem:v31+s2+$0x0], $0xffff  }
0x114: {  	v11 =	vld.idx.msk [tilespmem:v9+s2+$0x0], $0xffff  }
0x115: {  	v5 =	vld.idx.msk [tilespmem:v33+s2+$0x0], $0xffff  }
0x116: {  	v12 =	vld.idx.msk [tilespmem:v35+s2+$0x0], $0xffff  }
0x117: {  	v45 =	vld.idx.msk [tilespmem:v41+s2+$0x0], $0xffff  }
0x118: {  	v50 =	vld.idx.msk [tilespmem:v49+s2+$0x0], $0xffff  }
0x119: {  	v18 =	vld.idx.msk [tilespmem:v16+s2+$0x0], $0xffff  }
0x11a: {  	v21 =	vld.idx.msk [tilespmem:v59+s2+$0x0], $0xffff;
	v8 =	vsub.f32 v11, v34  }
0x11b: {  	v36 =	vadd.s32 $0x5000, v1;
	v23 =	vld.idx.msk [tilespmem:v60+s2+$0x0], $0xffff;
	v5 =	vsub.f32 v12, v5  }
0x11c: {  	v13 =	vadd.s32 $0x5000, v2;
	v14 =	vsub.f32 $0.0e+00, v8;
	[tilespmem:v9+s7+$0x0] =	vst.idx.add.f32.msk $0xffff, v8  }
0x11d: {  	v38 =	vadd.s32 $0x5000, v3;
	v37 =	vsub.f32 $0.0e+00, v5;
	[tilespmem:v35+s7+$0x0] =	vst.idx.add.f32.msk $0xffff, v5  }
0x11e: {  	v39 =	vadd.s32 $0x5000, v4;
	[tilespmem:v31+s7+$0x0] =	vst.idx.add.f32.msk $0xffff, v14  }
0x11f: {  	[tilespmem:v33+s7+$0x0] =	vst.idx.add.f32.msk $0xffff, v37  }
0x120: {  	v6 =	vld.idx.msk [tilespmem:v36+s2+$0x0], $0xffff  }
0x121: {  	v57 =	vadd.s32 $0x2800, v49;
	v54 =	vsub.f32 v18, v50;
	v8 =	vld.idx.msk [tilespmem:v13+s2+$0x0], $0xffff  }
0x122: {  	v42 =	vld.idx.msk [tilespmem:v38+s2+$0x0], $0xffff  }
0x123: {  	v56 =	vsub.f32 $0.0e+00, v54;
	v10 =	vld.idx.msk [tilespmem:v39+s2+$0x0], $0xffff  }
0x124: {  	[tilespmem:v16+s7+$0x0] =	vst.idx.add.f32.msk $0xffff, v54  }
0x125: {  	[tilespmem:v49+s7+$0x0] =	vst.idx.add.f32.msk $0xffff, v56  }
0x126: {  	v61 =	vld.idx.msk [tilespmem:v57+s2+$0x0], $0xffff  }
0x127: {  	v9 =	vld [tilespmem:s4+$0x10];
	v6 =	vsub.f32 v8, v6  }
0x128: {  	v14 =	vld [tilespmem:s5+$0x10];
	v8 =	vsub.f32 v10, v42  }
0x129: {  	v1 =	vadd.s32 $0x7800, v1;
	v10 =	vsub.f32 v45, v44;
	[tilespmem:v13+s7+$0x0] =	vst.idx.add.f32.msk $0xffff, v6  }
0x12a: {  	v2 =	vadd.s32 $0x7800, v2;
	v43 =	vsub.f32 $0.0e+00, v6;
	[tilespmem:v39+s7+$0x0] =	vst.idx.add.f32.msk $0xffff, v8  }
0x12b: {  	v47 =	vadd.s32 $0x2800, v40;
	v15 =	vsub.f32 $0.0e+00, v10;
	[tilespmem:v41+s7+$0x0] =	vst.idx.add.f32.msk $0xffff, v10  }
0x12c: {  	v48 =	vadd.s32 $0x2800, v41;
	[tilespmem:v36+s7+$0x0] =	vst.idx.add.f32.msk $0xffff, v43  }
0x12d: {  	[tilespmem:v40+s7+$0x0] =	vst.idx.add.f32.msk $0xffff, v15  }
0x12e: {  	v3 =	vadd.s32 $0x7800, v3;
	v6 =	vld.idx.msk [tilespmem:v1+s2+$0x0], $0xffff  }
0x12f: {  	v4 =	vadd.s32 $0x7800, v4;
	v13 =	vld.idx.msk [tilespmem:v2+s2+$0x0], $0xffff  }
0x130: {  	v58 =	vadd.s32 $0x2800, v16;
	v46 =	vsub.f32 $0.0e+00, v8;
	v10 =	vld.idx.msk [tilespmem:v47+s2+$0x0], $0xffff  }
0x131: {  	v15 =	vld.idx.msk [tilespmem:v48+s2+$0x0], $0xffff  }
0x132: {  	[tilespmem:v38+s7+$0x0] =	vst.idx.add.f32.msk $0xffff, v46  }
0x133: {  	v5 =	vld.idx.msk [tilespmem:v3+s2+$0x0], $0xffff  }
0x134: {  	v8 =	vld.idx.msk [tilespmem:v4+s2+$0x0], $0xffff  }
0x135: {  	v62 =	vld.idx.msk [tilespmem:v58+s2+$0x0], $0xffff;
	v6 =	vsub.f32 v13, v6  }
0x136: {  	v46 =	vld.idx.msk [tilespmem:v9+s2+$0x0], $0xffff;
	v51 =	vsub.f32 v15, v10  }
0x137: {  	[tilespmem:v2+s7+$0x0] =	vst.idx.add.f32.msk $0xffff, v6  }
0x138: {  	v17 =	vsub.f32 $0.0e+00, v6;
	[tilespmem:v48+s7+$0x0] =	vst.idx.add.f32.msk $0xffff, v51  }
0x139: {  	v52 =	vadd.s32 $0x5000, v40;
	v2 =	vsub.f32 v8, v5;
	v48 =	vld.idx.msk [tilespmem:v14+s2+$0x0], $0xffff  }
0x13a: {  	v53 =	vsub.f32 $0.0e+00, v51;
	[tilespmem:v1+s7+$0x0] =	vst.idx.add.f32.msk $0xffff, v17;
	v1 =	vadd.s32 $0x5000, v41  }
0x13b: {  	[tilespmem:v4+s7+$0x0] =	vst.idx.add.f32.msk $0xffff, v2  }
0x13c: {  	[tilespmem:v47+s7+$0x0] =	vst.idx.add.f32.msk $0xffff, v53  }
0x13d: {  	v17 =	vld [tilespmem:s4+$0x0]  }
0x13e: {  	v26 =	vadd.s32 $0x2800, v59;
	v6 =	vsub.f32 v23, v21;
	v5 =	vld.idx.msk [tilespmem:v52+s2+$0x0], $0xffff  }
0x13f: {  	v27 =	vadd.s32 $0x2800, v60;
	v2 =	vsub.f32 $0.0e+00, v2;
	v55 =	vld.idx.msk [tilespmem:v1+s2+$0x0], $0xffff  }
0x140: {  	v28 =	vsub.f32 $0.0e+00, v6;
	[tilespmem:v60+s7+$0x0] =	vst.idx.add.f32.msk $0xffff, v6  }
0x141: {  	[tilespmem:v3+s7+$0x0] =	vst.idx.add.f32.msk $0xffff, v2  }
0x142: {  	[tilespmem:v59+s7+$0x0] =	vst.idx.add.f32.msk $0xffff, v28  }
0x143: {  	v6 =	vld.idx.msk [tilespmem:v26+s2+$0x0], $0xffff  }
0x144: {  	v18 =	vld.idx.msk [tilespmem:v27+s2+$0x0], $0xffff;
	v5 =	vsub.f32 v55, v5  }
0x145: {  	v29 =	vld.idx.msk [tilespmem:v17+s2+$0x0], $0xffff  }
0x146: {  	s13 =	sand.u32 $0xFE0, s3;
	v7 =	vadd.s32 $0x7800, v40;
	v2 =	vsub.f32 $0.0e+00, v5;
	[tilespmem:v1+s7+$0x0] =	vst.idx.add.f32.msk $0xffff, v5  }
0x147: {  	v3 =	vadd.s32 $0x7800, v41;
	v1 =	vsub.f32 v62, v61;
	v62 =	vld [tilespmem:s13+$0x15080]  }
0x148: {  	[tilespmem:v52+s7+$0x0] =	vst.idx.add.f32.msk $0xffff, v2  }
0x149: {  	[tilespmem:v58+s7+$0x0] =	vst.idx.add.f32.msk $0xffff, v1  }
0x14a: {  	v63 =	vadd.s32 $0x5000, v49;
	v25 =	vsub.f32 $0.0e+00, v1;
	v1 =	vld [tilespmem:s5+$0x0]  }
0x14b: {  	v22 =	vadd.s32 $0x5000, v16;
	v2 =	vld.idx.msk [tilespmem:v7+s2+$0x0], $0xffff  }
0x14c: {  	v24 =	vld.idx.msk [tilespmem:v3+s2+$0x0], $0xffff  }
0x14d: {  	v52 =	vld [tilespmem:s4+$0x20]  }
0x14e: {  	[tilespmem:v57+s7+$0x0] =	vst.idx.add.f32.msk $0xffff, v25  }
0x14f: {  	v4 =	vld.idx.msk [tilespmem:v63+s2+$0x0], $0xffff  }
0x150: {  	v11 =	vld.idx.msk [tilespmem:v22+s2+$0x0], $0xffff  }
0x151: {  	v25 =	vld [tilespmem:s5+$0x40];
	v2 =	vsub.f32 v24, v2  }
0x152: {  	v24 =	vld [tilespmem:s4+$0x40]  }
0x153: {  	[tilespmem:v3+s7+$0x0] =	vst.idx.add.f32.msk $0xffff, v2  }
0x154: {  	v13 =	vsub.f32 $0.0e+00, v2;
	v31 =	vld.idx.msk [tilespmem:v1+s2+$0x0], $0xffff  }
0x155: {  	v2 =	vsub.f32 v11, v4;
	v53 =	vld.idx.msk [tilespmem:v52+s2+$0x0], $0xffff  }
0x156: {  	[tilespmem:v7+s7+$0x0] =	vst.idx.add.f32.msk $0xffff, v13  }
0x157: {  	v3 =	vadd.s32 $0x7800, v49;
	v49 =	vsub.f32 v48, v46;
	[tilespmem:v22+s7+$0x0] =	vst.idx.add.f32.msk $0xffff, v2  }
0x158: {  	v30 =	vsub.f32 $0.0e+00, v2;
	v22 =	vld [tilespmem:s5+$0x20]  }
0x159: {  	v2 =	vsub.f32 v18, v6;
	[tilespmem:v14+s7+$0x0] =	vst.idx.add.f32.msk $0xffff, v49  }
0x15a: {  	v21 =	vsub.f32 $0.0e+00, v49;
	[tilespmem:v63+s7+$0x0] =	vst.idx.add.f32.msk $0xffff, v30  }
0x15b: {  	[tilespmem:v27+s7+$0x0] =	vst.idx.add.f32.msk $0xffff, v2  }
0x15c: {  	v32 =	vadd.s32 $0x5000, v59;
	[tilespmem:v9+s7+$0x0] =	vst.idx.add.f32.msk $0xffff, v21  }
0x15d: {  	v33 =	vadd.s32 $0x5000, v60;
	v63 =	vld [tilespmem:s13+$0x17080]  }
0x15e: {  	v38 =	vadd.s32 $0x7800, v16;
	v34 =	vsub.f32 $0.0e+00, v2;
	v27 =	vld.idx.msk [tilespmem:v62+s2+$0x0], $0xffff  }
0x15f: {  	v7 =	vld.idx.msk [tilespmem:v3+s2+$0x0], $0xffff  }
0x160: {  	v50 =	vadd.s32 $0x2800, v9;
	[tilespmem:v26+s7+$0x0] =	vst.idx.add.f32.msk $0xffff, v34  }
0x161: {  	v51 =	vadd.s32 $0x2800, v14;
	v35 =	vld.idx.msk [tilespmem:v32+s2+$0x0], $0xffff  }
0x162: {  	v2 =	vsub.f32 v31, v29;
	v8 =	vld.idx.msk [tilespmem:v33+s2+$0x0], $0xffff  }
0x163: {  	v37 =	vadd.s32 $0x2800, v17;
	v16 =	vld.idx.msk [tilespmem:v38+s2+$0x0], $0xffff  }
0x164: {  	v36 =	vsub.f32 $0.0e+00, v2;
	[tilespmem:v1+s7+$0x0] =	vst.idx.add.f32.msk $0xffff, v2;
	v2 =	vadd.s32 $0x2800, v1  }
0x165: {  	v11 =	vld.idx.msk [tilespmem:v50+s2+$0x0], $0xffff  }
0x166: {  	v21 =	vld.idx.msk [tilespmem:v51+s2+$0x0], $0xffff  }
0x167: {  	v39 =	vadd.s32 $0x7800, v59;
	[tilespmem:v17+s7+$0x0] =	vst.idx.add.f32.msk $0xffff, v36;
	v4 =	vsub.f32 v8, v35  }
0x168: {  	v43 =	vadd.s32 $0x7800, v60;
	v40 =	vld.idx.msk [tilespmem:v37+s2+$0x0], $0xffff  }
0x169: {  	v41 =	vld.idx.msk [tilespmem:v2+s2+$0x0], $0xffff;
	v42 =	vsub.f32 $0.0e+00, v4  }
0x16a: {  	[tilespmem:v33+s7+$0x0] =	vst.idx.add.f32.msk $0xffff, v4  }
0x16b: {  	[tilespmem:v32+s7+$0x0] =	vst.idx.add.f32.msk $0xffff, v42  }
0x16c: {  	v5 =	vld.idx.msk [tilespmem:v39+s2+$0x0], $0xffff  }
0x16d: {  	v7 =	vsub.f32 v16, v7;
	v19 =	vld.idx.msk [tilespmem:v43+s2+$0x0], $0xffff  }
0x16e: {  	v55 =	vld.idx.msk [tilespmem:v22+s2+$0x0], $0xffff  }
0x16f: {  	v16 =	vsub.f32 $0.0e+00, v7;
	[tilespmem:v38+s7+$0x0] =	vst.idx.add.f32.msk $0xffff, v7;
	v44 =	vsub.f32 v41, v40  }
0x170: {  	v45 =	vadd.s32 $0x5000, v17;
	v28 =	vld.idx.msk [tilespmem:v63+s2+$0x0], $0xffff  }
0x171: {  	v47 =	vadd.s32 $0x5000, v1;
	[tilespmem:v3+s7+$0x0] =	vst.idx.add.f32.msk $0xffff, v16;
	v20 =	vsub.f32 $0.0e+00, v44  }
0x172: {  	[tilespmem:v2+s7+$0x0] =	vst.idx.add.f32.msk $0xffff, v44;
	v3 =	vsub.f32 v19, v5  }
0x173: {  	[tilespmem:v37+s7+$0x0] =	vst.idx.add.f32.msk $0xffff, v20  }
0x174: {  	v54 =	vsub.f32 $0.0e+00, v3;
	[tilespmem:v43+s7+$0x0] =	vst.idx.add.f32.msk $0xffff, v3;
	v3 =	vsub.f32 v21, v11  }
0x175: {  	v56 =	vadd.s32 $0x5000, v9;
	v2 =	vld.idx.msk [tilespmem:v45+s2+$0x0], $0xffff  }
0x176: {  	v57 =	vadd.s32 $0x5000, v14;
	v6 =	vld.idx.msk [tilespmem:v47+s2+$0x0], $0xffff;
	v58 =	vsub.f32 $0.0e+00, v3  }
0x177: {  	[tilespmem:v51+s7+$0x0] =	vst.idx.add.f32.msk $0xffff, v3;
	v3 =	vsub.f32 v55, v53  }
0x178: {  	v61 =	vadd.s32 $0x2800, v52;
	[tilespmem:v50+s7+$0x0] =	vst.idx.add.f32.msk $0xffff, v58  }
0x179: {  	v60 =	vsub.f32 $0.0e+00, v3;
	[tilespmem:v22+s7+$0x0] =	vst.idx.add.f32.msk $0xffff, v3;
	v3 =	vadd.s32 $0x2800, v22  }
0x17a: {  	v59 =	vld.idx.msk [tilespmem:v56+s2+$0x0], $0xffff  }
0x17b: {  	v7 =	vld.idx.msk [tilespmem:v57+s2+$0x0], $0xffff  }
0x17c: {  	[tilespmem:v52+s7+$0x0] =	vst.idx.add.f32.msk $0xffff, v60  }
0x17d: {  	v2 =	vsub.f32 v6, v2;
	v21 =	vld.idx.msk [tilespmem:v61+s2+$0x0], $0xffff  }
0x17e: {  	v23 =	vld.idx.msk [tilespmem:v3+s2+$0x0], $0xffff  }
0x17f: {  	[tilespmem:v47+s7+$0x0] =	vst.idx.add.f32.msk $0xffff, v2;
	v2 =	vsub.f32 $0.0e+00, v2  }
0x180: {  	v32 =	vld.idx.msk [tilespmem:v25+s2+$0x0], $0xffff;
	v30 =	vsub.f32 v28, v27  }
0x181: {  	[tilespmem:v45+s7+$0x0] =	vst.idx.add.f32.msk $0xffff, v2;
	v2 =	vsub.f32 v7, v59  }
0x182: {  	v36 =	vsub.f32 $0.0e+00, v30;
	[tilespmem:v63+s7+$0x0] =	vst.idx.add.f32.msk $0xffff, v30  }
0x183: {  	[tilespmem:v57+s7+$0x0] =	vst.idx.add.f32.msk $0xffff, v2;
	v2 =	vsub.f32 $0.0e+00, v2;
	v26 =	vsub.f32 v23, v21  }
0x184: {  	v34 =	vadd.s32 $0x2800, v63;
	[tilespmem:v62+s7+$0x0] =	vst.idx.add.f32.msk $0xffff, v36  }
0x185: {  	[tilespmem:v56+s7+$0x0] =	vst.idx.add.f32.msk $0xffff, v2;
	v2 =	vsub.f32 $0.0e+00, v26  }
0x186: {  	v31 =	vadd.s32 $0x2800, v62;
	[tilespmem:v3+s7+$0x0] =	vst.idx.add.f32.msk $0xffff, v26  }
0x187: {  	v17 =	vadd.s32 $0x7800, v17;
	[tilespmem:v61+s7+$0x0] =	vst.idx.add.f32.msk $0xffff, v2  }
0x188: {  	v29 =	vadd.s32 $0x5000, v52;
	v2 =	vld.idx.msk [tilespmem:v24+s2+$0x0], $0xffff  }
0x189: {  	v18 =	vld.idx.msk [tilespmem:v34+s2+$0x0], $0xffff;
	v3 =	vadd.s32 $0x5000, v22  }
0x18a: {  	[tilespmem:v39+s7+$0x0] =	vst.idx.add.f32.msk $0xffff, v54  }
0x18b: {  	v1 =	vadd.s32 $0x7800, v1;
	v6 =	vld.idx.msk [tilespmem:v31+s2+$0x0], $0xffff  }
0x18c: {  	v39 =	vld.idx.msk [tilespmem:v17+s2+$0x0], $0xffff  }
0x18d: {  	v37 =	vadd.s32 $0x2800, v24;
	v33 =	vld.idx.msk [tilespmem:v29+s2+$0x0], $0xffff;
	v2 =	vsub.f32 v32, v2  }
0x18e: {  	v38 =	vadd.s32 $0x2800, v25;
	v35 =	vld.idx.msk [tilespmem:v3+s2+$0x0], $0xffff  }
0x18f: {  	[tilespmem:v25+s7+$0x0] =	vst.idx.add.f32.msk $0xffff, v2;
	v2 =	vsub.f32 $0.0e+00, v2  }
0x190: {  	v43 =	vld.idx.msk [tilespmem:v1+s2+$0x0], $0xffff  }
0x191: {  	[tilespmem:v24+s7+$0x0] =	vst.idx.add.f32.msk $0xffff, v2  }
0x192: {  	v41 =	vadd.s32 $0x5000, v62;
	v6 =	vsub.f32 v18, v6;
	v40 =	vld.idx.msk [tilespmem:v37+s2+$0x0], $0xffff  }
0x193: {  	v2 =	vsub.f32 v35, v33;
	v42 =	vld.idx.msk [tilespmem:v38+s2+$0x0], $0xffff  }
0x194: {  	[tilespmem:v34+s7+$0x0] =	vst.idx.add.f32.msk $0xffff, v6;
	v6 =	vsub.f32 $0.0e+00, v6  }
0x195: {  	[tilespmem:v3+s7+$0x0] =	vst.idx.add.f32.msk $0xffff, v2;
	v3 =	vadd.s32 $0x5000, v63  }
0x196: {  	[tilespmem:v31+s7+$0x0] =	vst.idx.add.f32.msk $0xffff, v6;
	v48 =	vsub.f32 v43, v39  }
0x197: {  	v6 =	vld.idx.msk [tilespmem:v41+s2+$0x0], $0xffff;
	v2 =	vsub.f32 $0.0e+00, v2  }
0x198: {  	v46 =	vadd.s32 $0x5000, v24;
	[tilespmem:v1+s7+$0x0] =	vst.idx.add.f32.msk $0xffff, v48;
	v44 =	vsub.f32 v42, v40  }
0x199: {  	v47 =	vadd.s32 $0x5000, v25;
	[tilespmem:v29+s7+$0x0] =	vst.idx.add.f32.msk $0xffff, v2  }
0x19a: {  	v1 =	vadd.s32 $0x7800, v14;
	v45 =	vld.idx.msk [tilespmem:v3+s2+$0x0], $0xffff;
	v2 =	vsub.f32 $0.0e+00, v44  }
0x19b: {  	v50 =	vadd.s32 $0x7800, v52;
	[tilespmem:v38+s7+$0x0] =	vst.idx.add.f32.msk $0xffff, v44  }
0x19c: {  	[tilespmem:v37+s7+$0x0] =	vst.idx.add.f32.msk $0xffff, v2  }
0x19d: {  	v52 =	vadd.s32 $0x7800, v22;
	v49 =	vld.idx.msk [tilespmem:v46+s2+$0x0], $0xffff  }
0x19e: {  	v51 =	vld.idx.msk [tilespmem:v47+s2+$0x0], $0xffff  }
0x19f: {  	v54 =	vld.idx.msk [tilespmem:v1+s2+$0x0], $0xffff;
	v2 =	vadd.s32 $0x7800, v9;
	v6 =	vsub.f32 v45, v6  }
0x1a0: {  	v12 =	vadd.s32 $0x7800, v63;
	v55 =	vld.idx.msk [tilespmem:v50+s2+$0x0], $0xffff  }
0x1a1: {  	[tilespmem:v3+s7+$0x0] =	vst.idx.add.f32.msk $0xffff, v6;
	v3 =	vsub.f32 $0.0e+00, v6  }
0x1a2: {  	v56 =	vld.idx.msk [tilespmem:v52+s2+$0x0], $0xffff  }
0x1a3: {  	[tilespmem:v41+s7+$0x0] =	vst.idx.add.f32.msk $0xffff, v3;
	v3 =	vadd.s32 $0x7800, v62;
	v9 =	vsub.f32 v51, v49  }
0x1a4: {  	v5 =	vadd.s32 $0x7800, v24;
	v53 =	vld.idx.msk [tilespmem:v2+s2+$0x0], $0xffff  }
0x1a5: {  	v7 =	vadd.s32 $0x7800, v25;
	v59 =	vld.idx.msk [tilespmem:v12+s2+$0x0], $0xffff;
	v57 =	vsub.f32 $0.0e+00, v9  }
0x1a6: {  	[tilespmem:v47+s7+$0x0] =	vst.idx.add.f32.msk $0xffff, v9  }
0x1a7: {  	[tilespmem:v46+s7+$0x0] =	vst.idx.add.f32.msk $0xffff, v57  }
0x1a8: {  	v58 =	vld.idx.msk [tilespmem:v3+s2+$0x0], $0xffff  }
0x1a9: {  	v10 =	vsub.f32 $0.0e+00, v48;
	v6 =	vsub.f32 v54, v53;
	v60 =	vld.idx.msk [tilespmem:v5+s2+$0x0], $0xffff  }
0x1aa: {  	v61 =	vld.idx.msk [tilespmem:v7+s2+$0x0], $0xffff  }
0x1ab: {  	[tilespmem:v17+s7+$0x0] =	vst.idx.add.f32.msk $0xffff, v10;
	v62 =	vsub.f32 v56, v55;
	v63 =	vsub.f32 $0.0e+00, v6  }
0x1ac: {  	[tilespmem:v1+s7+$0x0] =	vst.idx.add.f32.msk $0xffff, v6  }
0x1ad: {  	s23 =	sadd.s32 $0xA, s23;
	[tilespmem:v2+s7+$0x0] =	vst.idx.add.f32.msk $0xffff, v63;
	v2 =	vsub.f32 $0.0e+00, v62  }
0x1ae: {  	p0 =	slt.u32 s23, $0xF0;
	[tilespmem:v52+s7+$0x0] =	vst.idx.add.f32.msk $0xffff, v62;
	v1 =	vsub.f32 v59, v58  }
.Ltmp2:
0x1af: {  	[tilespmem:v50+s7+$0x0] =	vst.idx.add.f32.msk $0xffff, v2;
	v2 =	vsub.f32 v61, v60;
	(pc) =	sbr.rel @p0 .LBB2_6-.Ltmp2, $4  }
0x1b0: {  	v4 =	vsub.f32 $0.0e+00, v1;
	[tilespmem:v12+s7+$0x0] =	vst.idx.add.f32.msk $0xffff, v1  }
0x1b1: {  	v1 =	vsub.f32 $0.0e+00, v2;
	[tilespmem:v7+s7+$0x0] =	vst.idx.add.f32.msk $0xffff, v2  }
0x1b2: {  	[tilespmem:v3+s7+$0x0] =	vst.idx.add.f32.msk $0xffff, v4  }
0x1b3: {  	s3 =	sadd.s32 $0xA0, s3;
	s4 =	sadd.s32 $0xA0, s4;
	s5 =	sadd.s32 $0xA0, s5;
	[tilespmem:v5+s7+$0x0] =	vst.idx.add.f32.msk $0xffff, v1  }
0x1b4: {  	s3 =	simm.s32 $0x0;
	s4 =	rddreg [dreg:$0xb];
	s5 =	simm.s32 $0x15000  }
0x1b5: {  	[tilespmem:s5], [sflag:$0x2] =	stream.linear.gather [hbm4b:s4+s3], $0xFA0, $0x38;
	[tilespmem:$0x1D000] =	vst v63  }
0x1b6: {  	s14 =	rddreg [dreg:$0xc];
	s23 =	simm.s32 $0x17000  }
0x1b7: {  	[tilespmem:s23], [sflag:$0x3] =	stream.linear.gather [hbm4b:s14+s3], $0xFA0, $0x38;
	[tilespmem:$0x1D000] =	vst v63  }
0x1b8: {  	_ =	swait.ge [sflag:s9], $0xFA0  }
0x1b9: {  	[sflag:s9] =	ssyncset.done $0x0  }
0x1ba: {  	[sflag:s9] =	ssyncadd.s32 $0xFFFFF060  }
0x1bb: {  	_ =	swait.ge [sflag:s10], $0xFA0  }
0x1bc: {  	s4 =	simm.s32 $0x14050;
	[sflag:s10] =	ssyncset.done $0x0  }
0x1bd: {  	s5 =	simm.s32 $0x16050;
	s23 =	simm.s32 $0xFFFFFFF6;
	[sflag:s10] =	ssyncadd.s32 $0xFFFFF060  }
.LBB2_8:
0x1be: {  	v1 =	vld [tilespmem:s4+$0xFFFFFFB0]  }
0x1bf: {  	v2 =	vld [tilespmem:s5+$0xFFFFFFB0]  }
0x1c0: {  	v3 =	vld [tilespmem:s4+$0xFFFFFFC0]  }
0x1c1: {  	v4 =	vld [tilespmem:s5+$0xFFFFFFC0];
	_ =	sdelay $0x2  }
0x1c2: {  	v40 =	vld [tilespmem:s4+$0xFFFFFFD0]  }
0x1c3: {  	v41 =	vld [tilespmem:s5+$0xFFFFFFD0]  }
0x1c4: {  	v5 =	vld.idx.msk [tilespmem:v1+s2+$0x0], $0xffff  }
0x1c5: {  	v6 =	vld.idx.msk [tilespmem:v2+s2+$0x0], $0xffff  }
0x1c6: {  	v7 =	vld.idx.msk [tilespmem:v3+s2+$0x0], $0xffff  }
0x1c7: {  	v8 =	vld.idx.msk [tilespmem:v4+s2+$0x0], $0xffff  }
0x1c8: {  	v49 =	vld [tilespmem:s4+$0xFFFFFFE0]  }
0x1c9: {  	v16 =	vld [tilespmem:s5+$0xFFFFFFE0]  }
0x1ca: {  	v59 =	vld [tilespmem:s4+$0xFFFFFFF0]  }
0x1cb: {  	v60 =	vld [tilespmem:s5+$0xFFFFFFF0];
	v5 =	vsub.f32 v6, v5  }
0x1cc: {  	v31 =	vadd.s32 $0x2800, v1;
	v44 =	vld.idx.msk [tilespmem:v40+s2+$0x0], $0xffff;
	v32 =	vsub.f32 v8, v7  }
0x1cd: {  	v9 =	vadd.s32 $0x2800, v2;
	v10 =	vsub.f32 $0.0e+00, v5;
	[tilespmem:v2+s7+$0x0] =	vst.idx.add.f32.msk $0xffff, v5  }
0x1ce: {  	v33 =	vadd.s32 $0x2800, v3;
	v12 =	vsub.f32 $0.0e+00, v32;
	[tilespmem:v4+s7+$0x0] =	vst.idx.add.f32.msk $0xffff, v32  }
0x1cf: {  	v35 =	vadd.s32 $0x2800, v4;
	[tilespmem:v1+s7+$0x0] =	vst.idx.add.f32.msk $0xffff, v10  }
0x1d0: {  	[tilespmem:v3+s7+$0x0] =	vst.idx.add.f32.msk $0xffff, v12  }
0x1d1: {  	v34 =	vld.idx.msk [tilespmem:v31+s2+$0x0], $0xffff  }
0x1d2: {  	v11 =	vld.idx.msk [tilespmem:v9+s2+$0x0], $0xffff  }
0x1d3: {  	v5 =	vld.idx.msk [tilespmem:v33+s2+$0x0], $0xffff  }
0x1d4: {  	v12 =	vld.idx.msk [tilespmem:v35+s2+$0x0], $0xffff  }
0x1d5: {  	v45 =	vld.idx.msk [tilespmem:v41+s2+$0x0], $0xffff  }
0x1d6: {  	v50 =	vld.idx.msk [tilespmem:v49+s2+$0x0], $0xffff  }
0x1d7: {  	v18 =	vld.idx.msk [tilespmem:v16+s2+$0x0], $0xffff  }
0x1d8: {  	v21 =	vld.idx.msk [tilespmem:v59+s2+$0x0], $0xffff;
	v8 =	vsub.f32 v11, v34  }
0x1d9: {  	v36 =	vadd.s32 $0x5000, v1;
	v23 =	vld.idx.msk [tilespmem:v60+s2+$0x0], $0xffff;
	v5 =	vsub.f32 v12, v5  }
0x1da: {  	v13 =	vadd.s32 $0x5000, v2;
	v14 =	vsub.f32 $0.0e+00, v8;
	[tilespmem:v9+s7+$0x0] =	vst.idx.add.f32.msk $0xffff, v8  }
0x1db: {  	v38 =	vadd.s32 $0x5000, v3;
	v37 =	vsub.f32 $0.0e+00, v5;
	[tilespmem:v35+s7+$0x0] =	vst.idx.add.f32.msk $0xffff, v5  }
0x1dc: {  	v39 =	vadd.s32 $0x5000, v4;
	[tilespmem:v31+s7+$0x0] =	vst.idx.add.f32.msk $0xffff, v14  }
0x1dd: {  	[tilespmem:v33+s7+$0x0] =	vst.idx.add.f32.msk $0xffff, v37  }
0x1de: {  	v6 =	vld.idx.msk [tilespmem:v36+s2+$0x0], $0xffff  }
0x1df: {  	v57 =	vadd.s32 $0x2800, v49;
	v54 =	vsub.f32 v18, v50;
	v8 =	vld.idx.msk [tilespmem:v13+s2+$0x0], $0xffff  }
0x1e0: {  	v42 =	vld.idx.msk [tilespmem:v38+s2+$0x0], $0xffff  }
0x1e1: {  	v56 =	vsub.f32 $0.0e+00, v54;
	v10 =	vld.idx.msk [tilespmem:v39+s2+$0x0], $0xffff  }
0x1e2: {  	[tilespmem:v16+s7+$0x0] =	vst.idx.add.f32.msk $0xffff, v54  }
0x1e3: {  	[tilespmem:v49+s7+$0x0] =	vst.idx.add.f32.msk $0xffff, v56  }
0x1e4: {  	v61 =	vld.idx.msk [tilespmem:v57+s2+$0x0], $0xffff  }
0x1e5: {  	v9 =	vld [tilespmem:s4+$0x10];
	v6 =	vsub.f32 v8, v6  }
0x1e6: {  	v14 =	vld [tilespmem:s5+$0x10];
	v8 =	vsub.f32 v10, v42  }
0x1e7: {  	v1 =	vadd.s32 $0x7800, v1;
	v10 =	vsub.f32 v45, v44;
	[tilespmem:v13+s7+$0x0] =	vst.idx.add.f32.msk $0xffff, v6  }
0x1e8: {  	v2 =	vadd.s32 $0x7800, v2;
	v43 =	vsub.f32 $0.0e+00, v6;
	[tilespmem:v39+s7+$0x0] =	vst.idx.add.f32.msk $0xffff, v8  }
0x1e9: {  	v47 =	vadd.s32 $0x2800, v40;
	v15 =	vsub.f32 $0.0e+00, v10;
	[tilespmem:v41+s7+$0x0] =	vst.idx.add.f32.msk $0xffff, v10  }
0x1ea: {  	v48 =	vadd.s32 $0x2800, v41;
	[tilespmem:v36+s7+$0x0] =	vst.idx.add.f32.msk $0xffff, v43  }
0x1eb: {  	[tilespmem:v40+s7+$0x0] =	vst.idx.add.f32.msk $0xffff, v15  }
0x1ec: {  	v3 =	vadd.s32 $0x7800, v3;
	v6 =	vld.idx.msk [tilespmem:v1+s2+$0x0], $0xffff  }
0x1ed: {  	v4 =	vadd.s32 $0x7800, v4;
	v13 =	vld.idx.msk [tilespmem:v2+s2+$0x0], $0xffff  }
0x1ee: {  	v58 =	vadd.s32 $0x2800, v16;
	v46 =	vsub.f32 $0.0e+00, v8;
	v10 =	vld.idx.msk [tilespmem:v47+s2+$0x0], $0xffff  }
0x1ef: {  	v15 =	vld.idx.msk [tilespmem:v48+s2+$0x0], $0xffff  }
0x1f0: {  	[tilespmem:v38+s7+$0x0] =	vst.idx.add.f32.msk $0xffff, v46  }
0x1f1: {  	v5 =	vld.idx.msk [tilespmem:v3+s2+$0x0], $0xffff  }
0x1f2: {  	v8 =	vld.idx.msk [tilespmem:v4+s2+$0x0], $0xffff  }
0x1f3: {  	v62 =	vld.idx.msk [tilespmem:v58+s2+$0x0], $0xffff;
	v6 =	vsub.f32 v13, v6  }
0x1f4: {  	v46 =	vld.idx.msk [tilespmem:v9+s2+$0x0], $0xffff;
	v51 =	vsub.f32 v15, v10  }
0x1f5: {  	[tilespmem:v2+s7+$0x0] =	vst.idx.add.f32.msk $0xffff, v6  }
0x1f6: {  	v17 =	vsub.f32 $0.0e+00, v6;
	[tilespmem:v48+s7+$0x0] =	vst.idx.add.f32.msk $0xffff, v51  }
0x1f7: {  	v52 =	vadd.s32 $0x5000, v40;
	v2 =	vsub.f32 v8, v5;
	v48 =	vld.idx.msk [tilespmem:v14+s2+$0x0], $0xffff  }
0x1f8: {  	v53 =	vsub.f32 $0.0e+00, v51;
	[tilespmem:v1+s7+$0x0] =	vst.idx.add.f32.msk $0xffff, v17;
	v1 =	vadd.s32 $0x5000, v41  }
0x1f9: {  	[tilespmem:v4+s7+$0x0] =	vst.idx.add.f32.msk $0xffff, v2  }
0x1fa: {  	[tilespmem:v47+s7+$0x0] =	vst.idx.add.f32.msk $0xffff, v53  }
0x1fb: {  	v17 =	vld [tilespmem:s4+$0x0]  }
0x1fc: {  	v26 =	vadd.s32 $0x2800, v59;
	v6 =	vsub.f32 v23, v21;
	v5 =	vld.idx.msk [tilespmem:v52+s2+$0x0], $0xffff  }
0x1fd: {  	v27 =	vadd.s32 $0x2800, v60;
	v2 =	vsub.f32 $0.0e+00, v2;
	v55 =	vld.idx.msk [tilespmem:v1+s2+$0x0], $0xffff  }
0x1fe: {  	v28 =	vsub.f32 $0.0e+00, v6;
	[tilespmem:v60+s7+$0x0] =	vst.idx.add.f32.msk $0xffff, v6  }
0x1ff: {  	[tilespmem:v3+s7+$0x0] =	vst.idx.add.f32.msk $0xffff, v2  }
0x200: {  	[tilespmem:v59+s7+$0x0] =	vst.idx.add.f32.msk $0xffff, v28  }
0x201: {  	v6 =	vld.idx.msk [tilespmem:v26+s2+$0x0], $0xffff  }
0x202: {  	v18 =	vld.idx.msk [tilespmem:v27+s2+$0x0], $0xffff;
	v5 =	vsub.f32 v55, v5  }
0x203: {  	v29 =	vld.idx.msk [tilespmem:v17+s2+$0x0], $0xffff  }
0x204: {  	s13 =	sand.u32 $0xFE0, s3;
	v7 =	vadd.s32 $0x7800, v40;
	v2 =	vsub.f32 $0.0e+00, v5;
	[tilespmem:v1+s7+$0x0] =	vst.idx.add.f32.msk $0xffff, v5  }
0x205: {  	v3 =	vadd.s32 $0x7800, v41;
	v1 =	vsub.f32 v62, v61;
	v62 =	vld [tilespmem:s13+$0x14080]  }
0x206: {  	[tilespmem:v52+s7+$0x0] =	vst.idx.add.f32.msk $0xffff, v2  }
0x207: {  	[tilespmem:v58+s7+$0x0] =	vst.idx.add.f32.msk $0xffff, v1  }
0x208: {  	v63 =	vadd.s32 $0x5000, v49;
	v25 =	vsub.f32 $0.0e+00, v1;
	v1 =	vld [tilespmem:s5+$0x0]  }
0x209: {  	v22 =	vadd.s32 $0x5000, v16;
	v2 =	vld.idx.msk [tilespmem:v7+s2+$0x0], $0xffff  }
0x20a: {  	v24 =	vld.idx.msk [tilespmem:v3+s2+$0x0], $0xffff  }
0x20b: {  	v52 =	vld [tilespmem:s4+$0x20]  }
0x20c: {  	[tilespmem:v57+s7+$0x0] =	vst.idx.add.f32.msk $0xffff, v25  }
0x20d: {  	v4 =	vld.idx.msk [tilespmem:v63+s2+$0x0], $0xffff  }
0x20e: {  	v11 =	vld.idx.msk [tilespmem:v22+s2+$0x0], $0xffff  }
0x20f: {  	v25 =	vld [tilespmem:s5+$0x40];
	v2 =	vsub.f32 v24, v2  }
0x210: {  	v24 =	vld [tilespmem:s4+$0x40]  }
0x211: {  	[tilespmem:v3+s7+$0x0] =	vst.idx.add.f32.msk $0xffff, v2  }
0x212: {  	v13 =	vsub.f32 $0.0e+00, v2;
	v31 =	vld.idx.msk [tilespmem:v1+s2+$0x0], $0xffff  }
0x213: {  	v2 =	vsub.f32 v11, v4;
	v53 =	vld.idx.msk [tilespmem:v52+s2+$0x0], $0xffff  }
0x214: {  	[tilespmem:v7+s7+$0x0] =	vst.idx.add.f32.msk $0xffff, v13  }
0x215: {  	v3 =	vadd.s32 $0x7800, v49;
	v49 =	vsub.f32 v48, v46;
	[tilespmem:v22+s7+$0x0] =	vst.idx.add.f32.msk $0xffff, v2  }
0x216: {  	v30 =	vsub.f32 $0.0e+00, v2;
	v22 =	vld [tilespmem:s5+$0x20]  }
0x217: {  	v2 =	vsub.f32 v18, v6;
	[tilespmem:v14+s7+$0x0] =	vst.idx.add.f32.msk $0xffff, v49  }
0x218: {  	v21 =	vsub.f32 $0.0e+00, v49;
	[tilespmem:v63+s7+$0x0] =	vst.idx.add.f32.msk $0xffff, v30  }
0x219: {  	[tilespmem:v27+s7+$0x0] =	vst.idx.add.f32.msk $0xffff, v2  }
0x21a: {  	v32 =	vadd.s32 $0x5000, v59;
	[tilespmem:v9+s7+$0x0] =	vst.idx.add.f32.msk $0xffff, v21  }
0x21b: {  	v33 =	vadd.s32 $0x5000, v60;
	v63 =	vld [tilespmem:s13+$0x16080]  }
0x21c: {  	v38 =	vadd.s32 $0x7800, v16;
	v34 =	vsub.f32 $0.0e+00, v2;
	v27 =	vld.idx.msk [tilespmem:v62+s2+$0x0], $0xffff  }
0x21d: {  	v7 =	vld.idx.msk [tilespmem:v3+s2+$0x0], $0xffff  }
0x21e: {  	v50 =	vadd.s32 $0x2800, v9;
	[tilespmem:v26+s7+$0x0] =	vst.idx.add.f32.msk $0xffff, v34  }
0x21f: {  	v51 =	vadd.s32 $0x2800, v14;
	v35 =	vld.idx.msk [tilespmem:v32+s2+$0x0], $0xffff  }
0x220: {  	v2 =	vsub.f32 v31, v29;
	v8 =	vld.idx.msk [tilespmem:v33+s2+$0x0], $0xffff  }
0x221: {  	v37 =	vadd.s32 $0x2800, v17;
	v16 =	vld.idx.msk [tilespmem:v38+s2+$0x0], $0xffff  }
0x222: {  	v36 =	vsub.f32 $0.0e+00, v2;
	[tilespmem:v1+s7+$0x0] =	vst.idx.add.f32.msk $0xffff, v2;
	v2 =	vadd.s32 $0x2800, v1  }
0x223: {  	v11 =	vld.idx.msk [tilespmem:v50+s2+$0x0], $0xffff  }
0x224: {  	v21 =	vld.idx.msk [tilespmem:v51+s2+$0x0], $0xffff  }
0x225: {  	v39 =	vadd.s32 $0x7800, v59;
	[tilespmem:v17+s7+$0x0] =	vst.idx.add.f32.msk $0xffff, v36;
	v4 =	vsub.f32 v8, v35  }
0x226: {  	v43 =	vadd.s32 $0x7800, v60;
	v40 =	vld.idx.msk [tilespmem:v37+s2+$0x0], $0xffff  }
0x227: {  	v41 =	vld.idx.msk [tilespmem:v2+s2+$0x0], $0xffff;
	v42 =	vsub.f32 $0.0e+00, v4  }
0x228: {  	[tilespmem:v33+s7+$0x0] =	vst.idx.add.f32.msk $0xffff, v4  }
0x229: {  	[tilespmem:v32+s7+$0x0] =	vst.idx.add.f32.msk $0xffff, v42  }
0x22a: {  	v5 =	vld.idx.msk [tilespmem:v39+s2+$0x0], $0xffff  }
0x22b: {  	v7 =	vsub.f32 v16, v7;
	v19 =	vld.idx.msk [tilespmem:v43+s2+$0x0], $0xffff  }
0x22c: {  	v55 =	vld.idx.msk [tilespmem:v22+s2+$0x0], $0xffff  }
0x22d: {  	v16 =	vsub.f32 $0.0e+00, v7;
	[tilespmem:v38+s7+$0x0] =	vst.idx.add.f32.msk $0xffff, v7;
	v44 =	vsub.f32 v41, v40  }
0x22e: {  	v45 =	vadd.s32 $0x5000, v17;
	v28 =	vld.idx.msk [tilespmem:v63+s2+$0x0], $0xffff  }
0x22f: {  	v47 =	vadd.s32 $0x5000, v1;
	[tilespmem:v3+s7+$0x0] =	vst.idx.add.f32.msk $0xffff, v16;
	v20 =	vsub.f32 $0.0e+00, v44  }
0x230: {  	[tilespmem:v2+s7+$0x0] =	vst.idx.add.f32.msk $0xffff, v44;
	v3 =	vsub.f32 v19, v5  }
0x231: {  	[tilespmem:v37+s7+$0x0] =	vst.idx.add.f32.msk $0xffff, v20  }
0x232: {  	v54 =	vsub.f32 $0.0e+00, v3;
	[tilespmem:v43+s7+$0x0] =	vst.idx.add.f32.msk $0xffff, v3;
	v3 =	vsub.f32 v21, v11  }
0x233: {  	v56 =	vadd.s32 $0x5000, v9;
	v2 =	vld.idx.msk [tilespmem:v45+s2+$0x0], $0xffff  }
0x234: {  	v57 =	vadd.s32 $0x5000, v14;
	v6 =	vld.idx.msk [tilespmem:v47+s2+$0x0], $0xffff;
	v58 =	vsub.f32 $0.0e+00, v3  }
0x235: {  	[tilespmem:v51+s7+$0x0] =	vst.idx.add.f32.msk $0xffff, v3;
	v3 =	vsub.f32 v55, v53  }
0x236: {  	v61 =	vadd.s32 $0x2800, v52;
	[tilespmem:v50+s7+$0x0] =	vst.idx.add.f32.msk $0xffff, v58  }
0x237: {  	v60 =	vsub.f32 $0.0e+00, v3;
	[tilespmem:v22+s7+$0x0] =	vst.idx.add.f32.msk $0xffff, v3;
	v3 =	vadd.s32 $0x2800, v22  }
0x238: {  	v59 =	vld.idx.msk [tilespmem:v56+s2+$0x0], $0xffff  }
0x239: {  	v7 =	vld.idx.msk [tilespmem:v57+s2+$0x0], $0xffff  }
0x23a: {  	[tilespmem:v52+s7+$0x0] =	vst.idx.add.f32.msk $0xffff, v60  }
0x23b: {  	v2 =	vsub.f32 v6, v2;
	v21 =	vld.idx.msk [tilespmem:v61+s2+$0x0], $0xffff  }
0x23c: {  	v23 =	vld.idx.msk [tilespmem:v3+s2+$0x0], $0xffff  }
0x23d: {  	[tilespmem:v47+s7+$0x0] =	vst.idx.add.f32.msk $0xffff, v2;
	v2 =	vsub.f32 $0.0e+00, v2  }
0x23e: {  	v32 =	vld.idx.msk [tilespmem:v25+s2+$0x0], $0xffff;
	v30 =	vsub.f32 v28, v27  }
0x23f: {  	[tilespmem:v45+s7+$0x0] =	vst.idx.add.f32.msk $0xffff, v2;
	v2 =	vsub.f32 v7, v59  }
0x240: {  	v36 =	vsub.f32 $0.0e+00, v30;
	[tilespmem:v63+s7+$0x0] =	vst.idx.add.f32.msk $0xffff, v30  }
0x241: {  	[tilespmem:v57+s7+$0x0] =	vst.idx.add.f32.msk $0xffff, v2;
	v2 =	vsub.f32 $0.0e+00, v2;
	v26 =	vsub.f32 v23, v21  }
0x242: {  	v34 =	vadd.s32 $0x2800, v63;
	[tilespmem:v62+s7+$0x0] =	vst.idx.add.f32.msk $0xffff, v36  }
0x243: {  	[tilespmem:v56+s7+$0x0] =	vst.idx.add.f32.msk $0xffff, v2;
	v2 =	vsub.f32 $0.0e+00, v26  }
0x244: {  	v31 =	vadd.s32 $0x2800, v62;
	[tilespmem:v3+s7+$0x0] =	vst.idx.add.f32.msk $0xffff, v26  }
0x245: {  	v17 =	vadd.s32 $0x7800, v17;
	[tilespmem:v61+s7+$0x0] =	vst.idx.add.f32.msk $0xffff, v2  }
0x246: {  	v29 =	vadd.s32 $0x5000, v52;
	v2 =	vld.idx.msk [tilespmem:v24+s2+$0x0], $0xffff  }
0x247: {  	v18 =	vld.idx.msk [tilespmem:v34+s2+$0x0], $0xffff;
	v3 =	vadd.s32 $0x5000, v22  }
0x248: {  	[tilespmem:v39+s7+$0x0] =	vst.idx.add.f32.msk $0xffff, v54  }
0x249: {  	v1 =	vadd.s32 $0x7800, v1;
	v6 =	vld.idx.msk [tilespmem:v31+s2+$0x0], $0xffff  }
0x24a: {  	v39 =	vld.idx.msk [tilespmem:v17+s2+$0x0], $0xffff  }
0x24b: {  	v37 =	vadd.s32 $0x2800, v24;
	v33 =	vld.idx.msk [tilespmem:v29+s2+$0x0], $0xffff;
	v2 =	vsub.f32 v32, v2  }
0x24c: {  	v38 =	vadd.s32 $0x2800, v25;
	v35 =	vld.idx.msk [tilespmem:v3+s2+$0x0], $0xffff  }
0x24d: {  	[tilespmem:v25+s7+$0x0] =	vst.idx.add.f32.msk $0xffff, v2;
	v2 =	vsub.f32 $0.0e+00, v2  }
0x24e: {  	v43 =	vld.idx.msk [tilespmem:v1+s2+$0x0], $0xffff  }
0x24f: {  	[tilespmem:v24+s7+$0x0] =	vst.idx.add.f32.msk $0xffff, v2  }
0x250: {  	v41 =	vadd.s32 $0x5000, v62;
	v6 =	vsub.f32 v18, v6;
	v40 =	vld.idx.msk [tilespmem:v37+s2+$0x0], $0xffff  }
0x251: {  	v2 =	vsub.f32 v35, v33;
	v42 =	vld.idx.msk [tilespmem:v38+s2+$0x0], $0xffff  }
0x252: {  	[tilespmem:v34+s7+$0x0] =	vst.idx.add.f32.msk $0xffff, v6;
	v6 =	vsub.f32 $0.0e+00, v6  }
0x253: {  	[tilespmem:v3+s7+$0x0] =	vst.idx.add.f32.msk $0xffff, v2;
	v3 =	vadd.s32 $0x5000, v63  }
0x254: {  	[tilespmem:v31+s7+$0x0] =	vst.idx.add.f32.msk $0xffff, v6;
	v48 =	vsub.f32 v43, v39  }
0x255: {  	v6 =	vld.idx.msk [tilespmem:v41+s2+$0x0], $0xffff;
	v2 =	vsub.f32 $0.0e+00, v2  }
0x256: {  	v46 =	vadd.s32 $0x5000, v24;
	[tilespmem:v1+s7+$0x0] =	vst.idx.add.f32.msk $0xffff, v48;
	v44 =	vsub.f32 v42, v40  }
0x257: {  	v47 =	vadd.s32 $0x5000, v25;
	[tilespmem:v29+s7+$0x0] =	vst.idx.add.f32.msk $0xffff, v2  }
0x258: {  	v1 =	vadd.s32 $0x7800, v14;
	v45 =	vld.idx.msk [tilespmem:v3+s2+$0x0], $0xffff;
	v2 =	vsub.f32 $0.0e+00, v44  }
0x259: {  	v50 =	vadd.s32 $0x7800, v52;
	[tilespmem:v38+s7+$0x0] =	vst.idx.add.f32.msk $0xffff, v44  }
0x25a: {  	[tilespmem:v37+s7+$0x0] =	vst.idx.add.f32.msk $0xffff, v2  }
0x25b: {  	v52 =	vadd.s32 $0x7800, v22;
	v49 =	vld.idx.msk [tilespmem:v46+s2+$0x0], $0xffff  }
0x25c: {  	v51 =	vld.idx.msk [tilespmem:v47+s2+$0x0], $0xffff  }
0x25d: {  	v54 =	vld.idx.msk [tilespmem:v1+s2+$0x0], $0xffff;
	v2 =	vadd.s32 $0x7800, v9;
	v6 =	vsub.f32 v45, v6  }
0x25e: {  	v12 =	vadd.s32 $0x7800, v63;
	v55 =	vld.idx.msk [tilespmem:v50+s2+$0x0], $0xffff  }
0x25f: {  	[tilespmem:v3+s7+$0x0] =	vst.idx.add.f32.msk $0xffff, v6;
	v3 =	vsub.f32 $0.0e+00, v6  }
0x260: {  	v56 =	vld.idx.msk [tilespmem:v52+s2+$0x0], $0xffff  }
0x261: {  	[tilespmem:v41+s7+$0x0] =	vst.idx.add.f32.msk $0xffff, v3;
	v3 =	vadd.s32 $0x7800, v62;
	v9 =	vsub.f32 v51, v49  }
0x262: {  	v5 =	vadd.s32 $0x7800, v24;
	v53 =	vld.idx.msk [tilespmem:v2+s2+$0x0], $0xffff  }
0x263: {  	v7 =	vadd.s32 $0x7800, v25;
	v59 =	vld.idx.msk [tilespmem:v12+s2+$0x0], $0xffff;
	v57 =	vsub.f32 $0.0e+00, v9  }
0x264: {  	[tilespmem:v47+s7+$0x0] =	vst.idx.add.f32.msk $0xffff, v9  }
0x265: {  	[tilespmem:v46+s7+$0x0] =	vst.idx.add.f32.msk $0xffff, v57  }
0x266: {  	v58 =	vld.idx.msk [tilespmem:v3+s2+$0x0], $0xffff  }
0x267: {  	v10 =	vsub.f32 $0.0e+00, v48;
	v6 =	vsub.f32 v54, v53;
	v60 =	vld.idx.msk [tilespmem:v5+s2+$0x0], $0xffff  }
0x268: {  	v61 =	vld.idx.msk [tilespmem:v7+s2+$0x0], $0xffff  }
0x269: {  	[tilespmem:v17+s7+$0x0] =	vst.idx.add.f32.msk $0xffff, v10;
	v62 =	vsub.f32 v56, v55;
	v63 =	vsub.f32 $0.0e+00, v6  }
0x26a: {  	[tilespmem:v1+s7+$0x0] =	vst.idx.add.f32.msk $0xffff, v6  }
0x26b: {  	s23 =	sadd.s32 $0xA, s23;
	[tilespmem:v2+s7+$0x0] =	vst.idx.add.f32.msk $0xffff, v63;
	v2 =	vsub.f32 $0.0e+00, v62  }
0x26c: {  	p0 =	slt.u32 s23, $0xF0;
	[tilespmem:v52+s7+$0x0] =	vst.idx.add.f32.msk $0xffff, v62;
	v1 =	vsub.f32 v59, v58  }
.Ltmp3:
0x26d: {  	[tilespmem:v50+s7+$0x0] =	vst.idx.add.f32.msk $0xffff, v2;
	v2 =	vsub.f32 v61, v60;
	(pc) =	sbr.rel @p0 .LBB2_8-.Ltmp3, $4  }
0x26e: {  	v4 =	vsub.f32 $0.0e+00, v1;
	[tilespmem:v12+s7+$0x0] =	vst.idx.add.f32.msk $0xffff, v1  }
0x26f: {  	v1 =	vsub.f32 $0.0e+00, v2;
	[tilespmem:v7+s7+$0x0] =	vst.idx.add.f32.msk $0xffff, v2  }
0x270: {  	[tilespmem:v3+s7+$0x0] =	vst.idx.add.f32.msk $0xffff, v4  }
0x271: {  	s3 =	sadd.s32 $0xA0, s3;
	s4 =	sadd.s32 $0xA0, s4;
	s5 =	sadd.s32 $0xA0, s5;
	[tilespmem:v5+s7+$0x0] =	vst.idx.add.f32.msk $0xffff, v1  }
0x272: {  	s3 =	simm.s32 $0x0;
	s4 =	rddreg [dreg:$0xd];
	s5 =	simm.s32 $0x14000  }
0x273: {  	[tilespmem:s5], [sflag:$0x2] =	stream.linear.gather [hbm4b:s4+s3], $0xFA0, $0x38;
	[tilespmem:$0x1D000] =	vst v63  }
0x274: {  	s14 =	rddreg [dreg:$0xe];
	s23 =	simm.s32 $0x16000  }
0x275: {  	[tilespmem:s23], [sflag:$0x3] =	stream.linear.gather [hbm4b:s14+s3], $0xFA0, $0x38;
	[tilespmem:$0x1D000] =	vst v63  }
0x276: {  	_ =	swait.ge [sflag:s9], $0xFA0  }
0x277: {  	[sflag:s9] =	ssyncset.done $0x0  }
0x278: {  	[sflag:s9] =	ssyncadd.s32 $0xFFFFF060  }
0x279: {  	_ =	swait.ge [sflag:s10], $0xFA0  }
0x27a: {  	s4 =	simm.s32 $0x15050;
	[sflag:s10] =	ssyncset.done $0x0  }
0x27b: {  	s5 =	simm.s32 $0x17050;
	s23 =	simm.s32 $0xFFFFFFF6;
	[sflag:s10] =	ssyncadd.s32 $0xFFFFF060  }
.LBB2_10:
0x27c: {  	v1 =	vld [tilespmem:s4+$0xFFFFFFB0]  }
0x27d: {  	v2 =	vld [tilespmem:s5+$0xFFFFFFB0]  }
0x27e: {  	v3 =	vld [tilespmem:s4+$0xFFFFFFC0]  }
0x27f: {  	v4 =	vld [tilespmem:s5+$0xFFFFFFC0];
	_ =	sdelay $0x2  }
0x280: {  	v40 =	vld [tilespmem:s4+$0xFFFFFFD0]  }
0x281: {  	v41 =	vld [tilespmem:s5+$0xFFFFFFD0]  }
0x282: {  	v5 =	vld.idx.msk [tilespmem:v1+s2+$0x0], $0xffff  }
0x283: {  	v6 =	vld.idx.msk [tilespmem:v2+s2+$0x0], $0xffff  }
0x284: {  	v7 =	vld.idx.msk [tilespmem:v3+s2+$0x0], $0xffff  }
0x285: {  	v8 =	vld.idx.msk [tilespmem:v4+s2+$0x0], $0xffff  }
0x286: {  	v49 =	vld [tilespmem:s4+$0xFFFFFFE0]  }
0x287: {  	v16 =	vld [tilespmem:s5+$0xFFFFFFE0]  }
0x288: {  	v59 =	vld [tilespmem:s4+$0xFFFFFFF0]  }
0x289: {  	v60 =	vld [tilespmem:s5+$0xFFFFFFF0];
	v5 =	vsub.f32 v6, v5  }
0x28a: {  	v31 =	vadd.s32 $0x2800, v1;
	v44 =	vld.idx.msk [tilespmem:v40+s2+$0x0], $0xffff;
	v32 =	vsub.f32 v8, v7  }
0x28b: {  	v9 =	vadd.s32 $0x2800, v2;
	v10 =	vsub.f32 $0.0e+00, v5;
	[tilespmem:v2+s7+$0x0] =	vst.idx.add.f32.msk $0xffff, v5  }
0x28c: {  	v33 =	vadd.s32 $0x2800, v3;
	v12 =	vsub.f32 $0.0e+00, v32;
	[tilespmem:v4+s7+$0x0] =	vst.idx.add.f32.msk $0xffff, v32  }
0x28d: {  	v35 =	vadd.s32 $0x2800, v4;
	[tilespmem:v1+s7+$0x0] =	vst.idx.add.f32.msk $0xffff, v10  }
0x28e: {  	[tilespmem:v3+s7+$0x0] =	vst.idx.add.f32.msk $0xffff, v12  }
0x28f: {  	v34 =	vld.idx.msk [tilespmem:v31+s2+$0x0], $0xffff  }
0x290: {  	v11 =	vld.idx.msk [tilespmem:v9+s2+$0x0], $0xffff  }
0x291: {  	v5 =	vld.idx.msk [tilespmem:v33+s2+$0x0], $0xffff  }
0x292: {  	v12 =	vld.idx.msk [tilespmem:v35+s2+$0x0], $0xffff  }
0x293: {  	v45 =	vld.idx.msk [tilespmem:v41+s2+$0x0], $0xffff  }
0x294: {  	v50 =	vld.idx.msk [tilespmem:v49+s2+$0x0], $0xffff  }
0x295: {  	v18 =	vld.idx.msk [tilespmem:v16+s2+$0x0], $0xffff  }
0x296: {  	v21 =	vld.idx.msk [tilespmem:v59+s2+$0x0], $0xffff;
	v8 =	vsub.f32 v11, v34  }
0x297: {  	v36 =	vadd.s32 $0x5000, v1;
	v23 =	vld.idx.msk [tilespmem:v60+s2+$0x0], $0xffff;
	v5 =	vsub.f32 v12, v5  }
0x298: {  	v13 =	vadd.s32 $0x5000, v2;
	v14 =	vsub.f32 $0.0e+00, v8;
	[tilespmem:v9+s7+$0x0] =	vst.idx.add.f32.msk $0xffff, v8  }
0x299: {  	v38 =	vadd.s32 $0x5000, v3;
	v37 =	vsub.f32 $0.0e+00, v5;
	[tilespmem:v35+s7+$0x0] =	vst.idx.add.f32.msk $0xffff, v5  }
0x29a: {  	v39 =	vadd.s32 $0x5000, v4;
	[tilespmem:v31+s7+$0x0] =	vst.idx.add.f32.msk $0xffff, v14  }
0x29b: {  	[tilespmem:v33+s7+$0x0] =	vst.idx.add.f32.msk $0xffff, v37  }
0x29c: {  	v6 =	vld.idx.msk [tilespmem:v36+s2+$0x0], $0xffff  }
0x29d: {  	v57 =	vadd.s32 $0x2800, v49;
	v54 =	vsub.f32 v18, v50;
	v8 =	vld.idx.msk [tilespmem:v13+s2+$0x0], $0xffff  }
0x29e: {  	v42 =	vld.idx.msk [tilespmem:v38+s2+$0x0], $0xffff  }
0x29f: {  	v56 =	vsub.f32 $0.0e+00, v54;
	v10 =	vld.idx.msk [tilespmem:v39+s2+$0x0], $0xffff  }
0x2a0: {  	[tilespmem:v16+s7+$0x0] =	vst.idx.add.f32.msk $0xffff, v54  }
0x2a1: {  	[tilespmem:v49+s7+$0x0] =	vst.idx.add.f32.msk $0xffff, v56  }
0x2a2: {  	v61 =	vld.idx.msk [tilespmem:v57+s2+$0x0], $0xffff  }
0x2a3: {  	v9 =	vld [tilespmem:s4+$0x10];
	v6 =	vsub.f32 v8, v6  }
0x2a4: {  	v14 =	vld [tilespmem:s5+$0x10];
	v8 =	vsub.f32 v10, v42  }
0x2a5: {  	v1 =	vadd.s32 $0x7800, v1;
	v10 =	vsub.f32 v45, v44;
	[tilespmem:v13+s7+$0x0] =	vst.idx.add.f32.msk $0xffff, v6  }
0x2a6: {  	v2 =	vadd.s32 $0x7800, v2;
	v43 =	vsub.f32 $0.0e+00, v6;
	[tilespmem:v39+s7+$0x0] =	vst.idx.add.f32.msk $0xffff, v8  }
0x2a7: {  	v47 =	vadd.s32 $0x2800, v40;
	v15 =	vsub.f32 $0.0e+00, v10;
	[tilespmem:v41+s7+$0x0] =	vst.idx.add.f32.msk $0xffff, v10  }
0x2a8: {  	v48 =	vadd.s32 $0x2800, v41;
	[tilespmem:v36+s7+$0x0] =	vst.idx.add.f32.msk $0xffff, v43  }
0x2a9: {  	[tilespmem:v40+s7+$0x0] =	vst.idx.add.f32.msk $0xffff, v15  }
0x2aa: {  	v3 =	vadd.s32 $0x7800, v3;
	v6 =	vld.idx.msk [tilespmem:v1+s2+$0x0], $0xffff  }
0x2ab: {  	v4 =	vadd.s32 $0x7800, v4;
	v13 =	vld.idx.msk [tilespmem:v2+s2+$0x0], $0xffff  }
0x2ac: {  	v58 =	vadd.s32 $0x2800, v16;
	v46 =	vsub.f32 $0.0e+00, v8;
	v10 =	vld.idx.msk [tilespmem:v47+s2+$0x0], $0xffff  }
0x2ad: {  	v15 =	vld.idx.msk [tilespmem:v48+s2+$0x0], $0xffff  }
0x2ae: {  	[tilespmem:v38+s7+$0x0] =	vst.idx.add.f32.msk $0xffff, v46  }
0x2af: {  	v5 =	vld.idx.msk [tilespmem:v3+s2+$0x0], $0xffff  }
0x2b0: {  	v8 =	vld.idx.msk [tilespmem:v4+s2+$0x0], $0xffff  }
0x2b1: {  	v62 =	vld.idx.msk [tilespmem:v58+s2+$0x0], $0xffff;
	v6 =	vsub.f32 v13, v6  }
0x2b2: {  	v46 =	vld.idx.msk [tilespmem:v9+s2+$0x0], $0xffff;
	v51 =	vsub.f32 v15, v10  }
0x2b3: {  	[tilespmem:v2+s7+$0x0] =	vst.idx.add.f32.msk $0xffff, v6  }
0x2b4: {  	v17 =	vsub.f32 $0.0e+00, v6;
	[tilespmem:v48+s7+$0x0] =	vst.idx.add.f32.msk $0xffff, v51  }
0x2b5: {  	v52 =	vadd.s32 $0x5000, v40;
	v2 =	vsub.f32 v8, v5;
	v48 =	vld.idx.msk [tilespmem:v14+s2+$0x0], $0xffff  }
0x2b6: {  	v53 =	vsub.f32 $0.0e+00, v51;
	[tilespmem:v1+s7+$0x0] =	vst.idx.add.f32.msk $0xffff, v17;
	v1 =	vadd.s32 $0x5000, v41  }
0x2b7: {  	[tilespmem:v4+s7+$0x0] =	vst.idx.add.f32.msk $0xffff, v2  }
0x2b8: {  	[tilespmem:v47+s7+$0x0] =	vst.idx.add.f32.msk $0xffff, v53  }
0x2b9: {  	v17 =	vld [tilespmem:s4+$0x0]  }
0x2ba: {  	v26 =	vadd.s32 $0x2800, v59;
	v6 =	vsub.f32 v23, v21;
	v5 =	vld.idx.msk [tilespmem:v52+s2+$0x0], $0xffff  }
0x2bb: {  	v27 =	vadd.s32 $0x2800, v60;
	v2 =	vsub.f32 $0.0e+00, v2;
	v55 =	vld.idx.msk [tilespmem:v1+s2+$0x0], $0xffff  }
0x2bc: {  	v28 =	vsub.f32 $0.0e+00, v6;
	[tilespmem:v60+s7+$0x0] =	vst.idx.add.f32.msk $0xffff, v6  }
0x2bd: {  	[tilespmem:v3+s7+$0x0] =	vst.idx.add.f32.msk $0xffff, v2  }
0x2be: {  	[tilespmem:v59+s7+$0x0] =	vst.idx.add.f32.msk $0xffff, v28  }
0x2bf: {  	v6 =	vld.idx.msk [tilespmem:v26+s2+$0x0], $0xffff  }
0x2c0: {  	v18 =	vld.idx.msk [tilespmem:v27+s2+$0x0], $0xffff;
	v5 =	vsub.f32 v55, v5  }
0x2c1: {  	v29 =	vld.idx.msk [tilespmem:v17+s2+$0x0], $0xffff  }
0x2c2: {  	s13 =	sand.u32 $0xFE0, s3;
	v7 =	vadd.s32 $0x7800, v40;
	v2 =	vsub.f32 $0.0e+00, v5;
	[tilespmem:v1+s7+$0x0] =	vst.idx.add.f32.msk $0xffff, v5  }
0x2c3: {  	v3 =	vadd.s32 $0x7800, v41;
	v1 =	vsub.f32 v62, v61;
	v62 =	vld [tilespmem:s13+$0x15080]  }
0x2c4: {  	[tilespmem:v52+s7+$0x0] =	vst.idx.add.f32.msk $0xffff, v2  }
0x2c5: {  	[tilespmem:v58+s7+$0x0] =	vst.idx.add.f32.msk $0xffff, v1  }
0x2c6: {  	v63 =	vadd.s32 $0x5000, v49;
	v25 =	vsub.f32 $0.0e+00, v1;
	v1 =	vld [tilespmem:s5+$0x0]  }
0x2c7: {  	v22 =	vadd.s32 $0x5000, v16;
	v2 =	vld.idx.msk [tilespmem:v7+s2+$0x0], $0xffff  }
0x2c8: {  	v24 =	vld.idx.msk [tilespmem:v3+s2+$0x0], $0xffff  }
0x2c9: {  	v52 =	vld [tilespmem:s4+$0x20]  }
0x2ca: {  	[tilespmem:v57+s7+$0x0] =	vst.idx.add.f32.msk $0xffff, v25  }
0x2cb: {  	v4 =	vld.idx.msk [tilespmem:v63+s2+$0x0], $0xffff  }
0x2cc: {  	v11 =	vld.idx.msk [tilespmem:v22+s2+$0x0], $0xffff  }
0x2cd: {  	v25 =	vld [tilespmem:s5+$0x40];
	v2 =	vsub.f32 v24, v2  }
0x2ce: {  	v24 =	vld [tilespmem:s4+$0x40]  }
0x2cf: {  	[tilespmem:v3+s7+$0x0] =	vst.idx.add.f32.msk $0xffff, v2  }
0x2d0: {  	v13 =	vsub.f32 $0.0e+00, v2;
	v31 =	vld.idx.msk [tilespmem:v1+s2+$0x0], $0xffff  }
0x2d1: {  	v2 =	vsub.f32 v11, v4;
	v53 =	vld.idx.msk [tilespmem:v52+s2+$0x0], $0xffff  }
0x2d2: {  	[tilespmem:v7+s7+$0x0] =	vst.idx.add.f32.msk $0xffff, v13  }
0x2d3: {  	v3 =	vadd.s32 $0x7800, v49;
	v49 =	vsub.f32 v48, v46;
	[tilespmem:v22+s7+$0x0] =	vst.idx.add.f32.msk $0xffff, v2  }
0x2d4: {  	v30 =	vsub.f32 $0.0e+00, v2;
	v22 =	vld [tilespmem:s5+$0x20]  }
0x2d5: {  	v2 =	vsub.f32 v18, v6;
	[tilespmem:v14+s7+$0x0] =	vst.idx.add.f32.msk $0xffff, v49  }
0x2d6: {  	v21 =	vsub.f32 $0.0e+00, v49;
	[tilespmem:v63+s7+$0x0] =	vst.idx.add.f32.msk $0xffff, v30  }
0x2d7: {  	[tilespmem:v27+s7+$0x0] =	vst.idx.add.f32.msk $0xffff, v2  }
0x2d8: {  	v32 =	vadd.s32 $0x5000, v59;
	[tilespmem:v9+s7+$0x0] =	vst.idx.add.f32.msk $0xffff, v21  }
0x2d9: {  	v33 =	vadd.s32 $0x5000, v60;
	v63 =	vld [tilespmem:s13+$0x17080]  }
0x2da: {  	v38 =	vadd.s32 $0x7800, v16;
	v34 =	vsub.f32 $0.0e+00, v2;
	v27 =	vld.idx.msk [tilespmem:v62+s2+$0x0], $0xffff  }
0x2db: {  	v7 =	vld.idx.msk [tilespmem:v3+s2+$0x0], $0xffff  }
0x2dc: {  	v50 =	vadd.s32 $0x2800, v9;
	[tilespmem:v26+s7+$0x0] =	vst.idx.add.f32.msk $0xffff, v34  }
0x2dd: {  	v51 =	vadd.s32 $0x2800, v14;
	v35 =	vld.idx.msk [tilespmem:v32+s2+$0x0], $0xffff  }
0x2de: {  	v2 =	vsub.f32 v31, v29;
	v8 =	vld.idx.msk [tilespmem:v33+s2+$0x0], $0xffff  }
0x2df: {  	v37 =	vadd.s32 $0x2800, v17;
	v16 =	vld.idx.msk [tilespmem:v38+s2+$0x0], $0xffff  }
0x2e0: {  	v36 =	vsub.f32 $0.0e+00, v2;
	[tilespmem:v1+s7+$0x0] =	vst.idx.add.f32.msk $0xffff, v2;
	v2 =	vadd.s32 $0x2800, v1  }
0x2e1: {  	v11 =	vld.idx.msk [tilespmem:v50+s2+$0x0], $0xffff  }
0x2e2: {  	v21 =	vld.idx.msk [tilespmem:v51+s2+$0x0], $0xffff  }
0x2e3: {  	v39 =	vadd.s32 $0x7800, v59;
	[tilespmem:v17+s7+$0x0] =	vst.idx.add.f32.msk $0xffff, v36;
	v4 =	vsub.f32 v8, v35  }
0x2e4: {  	v43 =	vadd.s32 $0x7800, v60;
	v40 =	vld.idx.msk [tilespmem:v37+s2+$0x0], $0xffff  }
0x2e5: {  	v41 =	vld.idx.msk [tilespmem:v2+s2+$0x0], $0xffff;
	v42 =	vsub.f32 $0.0e+00, v4  }
0x2e6: {  	[tilespmem:v33+s7+$0x0] =	vst.idx.add.f32.msk $0xffff, v4  }
0x2e7: {  	[tilespmem:v32+s7+$0x0] =	vst.idx.add.f32.msk $0xffff, v42  }
0x2e8: {  	v5 =	vld.idx.msk [tilespmem:v39+s2+$0x0], $0xffff  }
0x2e9: {  	v7 =	vsub.f32 v16, v7;
	v19 =	vld.idx.msk [tilespmem:v43+s2+$0x0], $0xffff  }
0x2ea: {  	v55 =	vld.idx.msk [tilespmem:v22+s2+$0x0], $0xffff  }
0x2eb: {  	v16 =	vsub.f32 $0.0e+00, v7;
	[tilespmem:v38+s7+$0x0] =	vst.idx.add.f32.msk $0xffff, v7;
	v44 =	vsub.f32 v41, v40  }
0x2ec: {  	v45 =	vadd.s32 $0x5000, v17;
	v28 =	vld.idx.msk [tilespmem:v63+s2+$0x0], $0xffff  }
0x2ed: {  	v47 =	vadd.s32 $0x5000, v1;
	[tilespmem:v3+s7+$0x0] =	vst.idx.add.f32.msk $0xffff, v16;
	v20 =	vsub.f32 $0.0e+00, v44  }
0x2ee: {  	[tilespmem:v2+s7+$0x0] =	vst.idx.add.f32.msk $0xffff, v44;
	v3 =	vsub.f32 v19, v5  }
0x2ef: {  	[tilespmem:v37+s7+$0x0] =	vst.idx.add.f32.msk $0xffff, v20  }
0x2f0: {  	v54 =	vsub.f32 $0.0e+00, v3;
	[tilespmem:v43+s7+$0x0] =	vst.idx.add.f32.msk $0xffff, v3;
	v3 =	vsub.f32 v21, v11  }
0x2f1: {  	v56 =	vadd.s32 $0x5000, v9;
	v2 =	vld.idx.msk [tilespmem:v45+s2+$0x0], $0xffff  }
0x2f2: {  	v57 =	vadd.s32 $0x5000, v14;
	v6 =	vld.idx.msk [tilespmem:v47+s2+$0x0], $0xffff;
	v58 =	vsub.f32 $0.0e+00, v3  }
0x2f3: {  	[tilespmem:v51+s7+$0x0] =	vst.idx.add.f32.msk $0xffff, v3;
	v3 =	vsub.f32 v55, v53  }
0x2f4: {  	v61 =	vadd.s32 $0x2800, v52;
	[tilespmem:v50+s7+$0x0] =	vst.idx.add.f32.msk $0xffff, v58  }
0x2f5: {  	v60 =	vsub.f32 $0.0e+00, v3;
	[tilespmem:v22+s7+$0x0] =	vst.idx.add.f32.msk $0xffff, v3;
	v3 =	vadd.s32 $0x2800, v22  }
0x2f6: {  	v59 =	vld.idx.msk [tilespmem:v56+s2+$0x0], $0xffff  }
0x2f7: {  	v7 =	vld.idx.msk [tilespmem:v57+s2+$0x0], $0xffff  }
0x2f8: {  	[tilespmem:v52+s7+$0x0] =	vst.idx.add.f32.msk $0xffff, v60  }
0x2f9: {  	v2 =	vsub.f32 v6, v2;
	v21 =	vld.idx.msk [tilespmem:v61+s2+$0x0], $0xffff  }
0x2fa: {  	v23 =	vld.idx.msk [tilespmem:v3+s2+$0x0], $0xffff  }
0x2fb: {  	[tilespmem:v47+s7+$0x0] =	vst.idx.add.f32.msk $0xffff, v2;
	v2 =	vsub.f32 $0.0e+00, v2  }
0x2fc: {  	v32 =	vld.idx.msk [tilespmem:v25+s2+$0x0], $0xffff;
	v30 =	vsub.f32 v28, v27  }
0x2fd: {  	[tilespmem:v45+s7+$0x0] =	vst.idx.add.f32.msk $0xffff, v2;
	v2 =	vsub.f32 v7, v59  }
0x2fe: {  	v36 =	vsub.f32 $0.0e+00, v30;
	[tilespmem:v63+s7+$0x0] =	vst.idx.add.f32.msk $0xffff, v30  }
0x2ff: {  	[tilespmem:v57+s7+$0x0] =	vst.idx.add.f32.msk $0xffff, v2;
	v2 =	vsub.f32 $0.0e+00, v2;
	v26 =	vsub.f32 v23, v21  }
0x300: {  	v34 =	vadd.s32 $0x2800, v63;
	[tilespmem:v62+s7+$0x0] =	vst.idx.add.f32.msk $0xffff, v36  }
0x301: {  	[tilespmem:v56+s7+$0x0] =	vst.idx.add.f32.msk $0xffff, v2;
	v2 =	vsub.f32 $0.0e+00, v26  }
0x302: {  	v31 =	vadd.s32 $0x2800, v62;
	[tilespmem:v3+s7+$0x0] =	vst.idx.add.f32.msk $0xffff, v26  }
0x303: {  	v17 =	vadd.s32 $0x7800, v17;
	[tilespmem:v61+s7+$0x0] =	vst.idx.add.f32.msk $0xffff, v2  }
0x304: {  	v29 =	vadd.s32 $0x5000, v52;
	v2 =	vld.idx.msk [tilespmem:v24+s2+$0x0], $0xffff  }
0x305: {  	v18 =	vld.idx.msk [tilespmem:v34+s2+$0x0], $0xffff;
	v3 =	vadd.s32 $0x5000, v22  }
0x306: {  	[tilespmem:v39+s7+$0x0] =	vst.idx.add.f32.msk $0xffff, v54  }
0x307: {  	v1 =	vadd.s32 $0x7800, v1;
	v6 =	vld.idx.msk [tilespmem:v31+s2+$0x0], $0xffff  }
0x308: {  	v39 =	vld.idx.msk [tilespmem:v17+s2+$0x0], $0xffff  }
0x309: {  	v37 =	vadd.s32 $0x2800, v24;
	v33 =	vld.idx.msk [tilespmem:v29+s2+$0x0], $0xffff;
	v2 =	vsub.f32 v32, v2  }
0x30a: {  	v38 =	vadd.s32 $0x2800, v25;
	v35 =	vld.idx.msk [tilespmem:v3+s2+$0x0], $0xffff  }
0x30b: {  	[tilespmem:v25+s7+$0x0] =	vst.idx.add.f32.msk $0xffff, v2;
	v2 =	vsub.f32 $0.0e+00, v2  }
0x30c: {  	v43 =	vld.idx.msk [tilespmem:v1+s2+$0x0], $0xffff  }
0x30d: {  	[tilespmem:v24+s7+$0x0] =	vst.idx.add.f32.msk $0xffff, v2  }
0x30e: {  	v41 =	vadd.s32 $0x5000, v62;
	v6 =	vsub.f32 v18, v6;
	v40 =	vld.idx.msk [tilespmem:v37+s2+$0x0], $0xffff  }
0x30f: {  	v2 =	vsub.f32 v35, v33;
	v42 =	vld.idx.msk [tilespmem:v38+s2+$0x0], $0xffff  }
0x310: {  	[tilespmem:v34+s7+$0x0] =	vst.idx.add.f32.msk $0xffff, v6;
	v6 =	vsub.f32 $0.0e+00, v6  }
0x311: {  	[tilespmem:v3+s7+$0x0] =	vst.idx.add.f32.msk $0xffff, v2;
	v3 =	vadd.s32 $0x5000, v63  }
0x312: {  	[tilespmem:v31+s7+$0x0] =	vst.idx.add.f32.msk $0xffff, v6;
	v48 =	vsub.f32 v43, v39  }
0x313: {  	v6 =	vld.idx.msk [tilespmem:v41+s2+$0x0], $0xffff;
	v2 =	vsub.f32 $0.0e+00, v2  }
0x314: {  	v46 =	vadd.s32 $0x5000, v24;
	[tilespmem:v1+s7+$0x0] =	vst.idx.add.f32.msk $0xffff, v48;
	v44 =	vsub.f32 v42, v40  }
0x315: {  	v47 =	vadd.s32 $0x5000, v25;
	[tilespmem:v29+s7+$0x0] =	vst.idx.add.f32.msk $0xffff, v2  }
0x316: {  	v1 =	vadd.s32 $0x7800, v14;
	v45 =	vld.idx.msk [tilespmem:v3+s2+$0x0], $0xffff;
	v2 =	vsub.f32 $0.0e+00, v44  }
0x317: {  	v50 =	vadd.s32 $0x7800, v52;
	[tilespmem:v38+s7+$0x0] =	vst.idx.add.f32.msk $0xffff, v44  }
0x318: {  	[tilespmem:v37+s7+$0x0] =	vst.idx.add.f32.msk $0xffff, v2  }
0x319: {  	v52 =	vadd.s32 $0x7800, v22;
	v49 =	vld.idx.msk [tilespmem:v46+s2+$0x0], $0xffff  }
0x31a: {  	v51 =	vld.idx.msk [tilespmem:v47+s2+$0x0], $0xffff  }
0x31b: {  	v54 =	vld.idx.msk [tilespmem:v1+s2+$0x0], $0xffff;
	v2 =	vadd.s32 $0x7800, v9;
	v6 =	vsub.f32 v45, v6  }
0x31c: {  	v12 =	vadd.s32 $0x7800, v63;
	v55 =	vld.idx.msk [tilespmem:v50+s2+$0x0], $0xffff  }
0x31d: {  	[tilespmem:v3+s7+$0x0] =	vst.idx.add.f32.msk $0xffff, v6;
	v3 =	vsub.f32 $0.0e+00, v6  }
0x31e: {  	v56 =	vld.idx.msk [tilespmem:v52+s2+$0x0], $0xffff  }
0x31f: {  	[tilespmem:v41+s7+$0x0] =	vst.idx.add.f32.msk $0xffff, v3;
	v3 =	vadd.s32 $0x7800, v62;
	v9 =	vsub.f32 v51, v49  }
0x320: {  	v5 =	vadd.s32 $0x7800, v24;
	v53 =	vld.idx.msk [tilespmem:v2+s2+$0x0], $0xffff  }
0x321: {  	v7 =	vadd.s32 $0x7800, v25;
	v59 =	vld.idx.msk [tilespmem:v12+s2+$0x0], $0xffff;
	v57 =	vsub.f32 $0.0e+00, v9  }
0x322: {  	[tilespmem:v47+s7+$0x0] =	vst.idx.add.f32.msk $0xffff, v9  }
0x323: {  	[tilespmem:v46+s7+$0x0] =	vst.idx.add.f32.msk $0xffff, v57  }
0x324: {  	v58 =	vld.idx.msk [tilespmem:v3+s2+$0x0], $0xffff  }
0x325: {  	v10 =	vsub.f32 $0.0e+00, v48;
	v6 =	vsub.f32 v54, v53;
	v60 =	vld.idx.msk [tilespmem:v5+s2+$0x0], $0xffff  }
0x326: {  	v61 =	vld.idx.msk [tilespmem:v7+s2+$0x0], $0xffff  }
0x327: {  	[tilespmem:v17+s7+$0x0] =	vst.idx.add.f32.msk $0xffff, v10;
	v62 =	vsub.f32 v56, v55;
	v63 =	vsub.f32 $0.0e+00, v6  }
0x328: {  	[tilespmem:v1+s7+$0x0] =	vst.idx.add.f32.msk $0xffff, v6  }
0x329: {  	s23 =	sadd.s32 $0xA, s23;
	[tilespmem:v2+s7+$0x0] =	vst.idx.add.f32.msk $0xffff, v63;
	v2 =	vsub.f32 $0.0e+00, v62  }
0x32a: {  	p0 =	slt.u32 s23, $0xF0;
	[tilespmem:v52+s7+$0x0] =	vst.idx.add.f32.msk $0xffff, v62;
	v1 =	vsub.f32 v59, v58  }
.Ltmp4:
0x32b: {  	[tilespmem:v50+s7+$0x0] =	vst.idx.add.f32.msk $0xffff, v2;
	v2 =	vsub.f32 v61, v60;
	(pc) =	sbr.rel @p0 .LBB2_10-.Ltmp4, $4  }
0x32c: {  	v4 =	vsub.f32 $0.0e+00, v1;
	[tilespmem:v12+s7+$0x0] =	vst.idx.add.f32.msk $0xffff, v1  }
0x32d: {  	v1 =	vsub.f32 $0.0e+00, v2;
	[tilespmem:v7+s7+$0x0] =	vst.idx.add.f32.msk $0xffff, v2  }
0x32e: {  	[tilespmem:v3+s7+$0x0] =	vst.idx.add.f32.msk $0xffff, v4  }
0x32f: {  	s3 =	sadd.s32 $0xA0, s3;
	s4 =	sadd.s32 $0xA0, s4;
	s5 =	sadd.s32 $0xA0, s5;
	[tilespmem:v5+s7+$0x0] =	vst.idx.add.f32.msk $0xffff, v1  }
0x330: {  	_ =	swait.ge [sflag:s9], $0xFA0  }
0x331: {  	[sflag:s9] =	ssyncset.done $0x0  }
0x332: {  	[sflag:s9] =	ssyncadd.s32 $0xFFFFF060  }
0x333: {  	_ =	swait.ge [sflag:s10], $0xFA0  }
0x334: {  	s3 =	simm.s32 $0xFFFFFFF6;
	s23 =	simm.s32 $0x14050;
	[sflag:s10] =	ssyncset.done $0x0  }
0x335: {  	s4 =	simm.s32 $0x16050;
	s5 =	simm.s32 $0x0;
	[sflag:s10] =	ssyncadd.s32 $0xFFFFF060  }
.LBB2_12:
0x336: {  	v1 =	vld [tilespmem:s23+$0xFFFFFFB0]  }
0x337: {  	v2 =	vld [tilespmem:s4+$0xFFFFFFB0]  }
0x338: {  	v3 =	vld [tilespmem:s23+$0xFFFFFFC0]  }
0x339: {  	v4 =	vld [tilespmem:s4+$0xFFFFFFC0];
	_ =	sdelay $0x2  }
0x33a: {  	v40 =	vld [tilespmem:s23+$0xFFFFFFD0]  }
0x33b: {  	v41 =	vld [tilespmem:s4+$0xFFFFFFD0]  }
0x33c: {  	v5 =	vld.idx.msk [tilespmem:v1+s2+$0x0], $0xffff  }
0x33d: {  	v6 =	vld.idx.msk [tilespmem:v2+s2+$0x0], $0xffff  }
0x33e: {  	v7 =	vld.idx.msk [tilespmem:v3+s2+$0x0], $0xffff  }
0x33f: {  	v8 =	vld.idx.msk [tilespmem:v4+s2+$0x0], $0xffff  }
0x340: {  	v49 =	vld [tilespmem:s23+$0xFFFFFFE0]  }
0x341: {  	v16 =	vld [tilespmem:s4+$0xFFFFFFE0]  }
0x342: {  	v59 =	vld [tilespmem:s23+$0xFFFFFFF0]  }
0x343: {  	v60 =	vld [tilespmem:s4+$0xFFFFFFF0];
	v5 =	vsub.f32 v6, v5  }
0x344: {  	v31 =	vadd.s32 $0x2800, v1;
	v44 =	vld.idx.msk [tilespmem:v40+s2+$0x0], $0xffff;
	v32 =	vsub.f32 v8, v7  }
0x345: {  	v9 =	vadd.s32 $0x2800, v2;
	v10 =	vsub.f32 $0.0e+00, v5;
	[tilespmem:v2+s7+$0x0] =	vst.idx.add.f32.msk $0xffff, v5  }
0x346: {  	v33 =	vadd.s32 $0x2800, v3;
	v12 =	vsub.f32 $0.0e+00, v32;
	[tilespmem:v4+s7+$0x0] =	vst.idx.add.f32.msk $0xffff, v32  }
0x347: {  	v35 =	vadd.s32 $0x2800, v4;
	[tilespmem:v1+s7+$0x0] =	vst.idx.add.f32.msk $0xffff, v10  }
0x348: {  	[tilespmem:v3+s7+$0x0] =	vst.idx.add.f32.msk $0xffff, v12  }
0x349: {  	v34 =	vld.idx.msk [tilespmem:v31+s2+$0x0], $0xffff  }
0x34a: {  	v11 =	vld.idx.msk [tilespmem:v9+s2+$0x0], $0xffff  }
0x34b: {  	v5 =	vld.idx.msk [tilespmem:v33+s2+$0x0], $0xffff  }
0x34c: {  	v12 =	vld.idx.msk [tilespmem:v35+s2+$0x0], $0xffff  }
0x34d: {  	v45 =	vld.idx.msk [tilespmem:v41+s2+$0x0], $0xffff  }
0x34e: {  	v50 =	vld.idx.msk [tilespmem:v49+s2+$0x0], $0xffff  }
0x34f: {  	v18 =	vld.idx.msk [tilespmem:v16+s2+$0x0], $0xffff  }
0x350: {  	v21 =	vld.idx.msk [tilespmem:v59+s2+$0x0], $0xffff;
	v8 =	vsub.f32 v11, v34  }
0x351: {  	v36 =	vadd.s32 $0x5000, v1;
	v23 =	vld.idx.msk [tilespmem:v60+s2+$0x0], $0xffff;
	v5 =	vsub.f32 v12, v5  }
0x352: {  	v13 =	vadd.s32 $0x5000, v2;
	v14 =	vsub.f32 $0.0e+00, v8;
	[tilespmem:v9+s7+$0x0] =	vst.idx.add.f32.msk $0xffff, v8  }
0x353: {  	v38 =	vadd.s32 $0x5000, v3;
	v37 =	vsub.f32 $0.0e+00, v5;
	[tilespmem:v35+s7+$0x0] =	vst.idx.add.f32.msk $0xffff, v5  }
0x354: {  	v39 =	vadd.s32 $0x5000, v4;
	[tilespmem:v31+s7+$0x0] =	vst.idx.add.f32.msk $0xffff, v14  }
0x355: {  	[tilespmem:v33+s7+$0x0] =	vst.idx.add.f32.msk $0xffff, v37  }
0x356: {  	v6 =	vld.idx.msk [tilespmem:v36+s2+$0x0], $0xffff  }
0x357: {  	v57 =	vadd.s32 $0x2800, v49;
	v54 =	vsub.f32 v18, v50;
	v8 =	vld.idx.msk [tilespmem:v13+s2+$0x0], $0xffff  }
0x358: {  	v42 =	vld.idx.msk [tilespmem:v38+s2+$0x0], $0xffff  }
0x359: {  	v56 =	vsub.f32 $0.0e+00, v54;
	v10 =	vld.idx.msk [tilespmem:v39+s2+$0x0], $0xffff  }
0x35a: {  	[tilespmem:v16+s7+$0x0] =	vst.idx.add.f32.msk $0xffff, v54  }
0x35b: {  	[tilespmem:v49+s7+$0x0] =	vst.idx.add.f32.msk $0xffff, v56  }
0x35c: {  	v61 =	vld.idx.msk [tilespmem:v57+s2+$0x0], $0xffff  }
0x35d: {  	v9 =	vld [tilespmem:s23+$0x10];
	v6 =	vsub.f32 v8, v6  }
0x35e: {  	v14 =	vld [tilespmem:s4+$0x10];
	v8 =	vsub.f32 v10, v42  }
0x35f: {  	v1 =	vadd.s32 $0x7800, v1;
	v10 =	vsub.f32 v45, v44;
	[tilespmem:v13+s7+$0x0] =	vst.idx.add.f32.msk $0xffff, v6  }
0x360: {  	v2 =	vadd.s32 $0x7800, v2;
	v43 =	vsub.f32 $0.0e+00, v6;
	[tilespmem:v39+s7+$0x0] =	vst.idx.add.f32.msk $0xffff, v8  }
0x361: {  	v47 =	vadd.s32 $0x2800, v40;
	v15 =	vsub.f32 $0.0e+00, v10;
	[tilespmem:v41+s7+$0x0] =	vst.idx.add.f32.msk $0xffff, v10  }
0x362: {  	v48 =	vadd.s32 $0x2800, v41;
	[tilespmem:v36+s7+$0x0] =	vst.idx.add.f32.msk $0xffff, v43  }
0x363: {  	[tilespmem:v40+s7+$0x0] =	vst.idx.add.f32.msk $0xffff, v15  }
0x364: {  	v3 =	vadd.s32 $0x7800, v3;
	v6 =	vld.idx.msk [tilespmem:v1+s2+$0x0], $0xffff  }
0x365: {  	v4 =	vadd.s32 $0x7800, v4;
	v13 =	vld.idx.msk [tilespmem:v2+s2+$0x0], $0xffff  }
0x366: {  	v58 =	vadd.s32 $0x2800, v16;
	v46 =	vsub.f32 $0.0e+00, v8;
	v10 =	vld.idx.msk [tilespmem:v47+s2+$0x0], $0xffff  }
0x367: {  	v15 =	vld.idx.msk [tilespmem:v48+s2+$0x0], $0xffff  }
0x368: {  	[tilespmem:v38+s7+$0x0] =	vst.idx.add.f32.msk $0xffff, v46  }
0x369: {  	v5 =	vld.idx.msk [tilespmem:v3+s2+$0x0], $0xffff  }
0x36a: {  	v8 =	vld.idx.msk [tilespmem:v4+s2+$0x0], $0xffff  }
0x36b: {  	v62 =	vld.idx.msk [tilespmem:v58+s2+$0x0], $0xffff;
	v6 =	vsub.f32 v13, v6  }
0x36c: {  	v46 =	vld.idx.msk [tilespmem:v9+s2+$0x0], $0xffff;
	v51 =	vsub.f32 v15, v10  }
0x36d: {  	[tilespmem:v2+s7+$0x0] =	vst.idx.add.f32.msk $0xffff, v6  }
0x36e: {  	v17 =	vsub.f32 $0.0e+00, v6;
	[tilespmem:v48+s7+$0x0] =	vst.idx.add.f32.msk $0xffff, v51  }
0x36f: {  	v52 =	vadd.s32 $0x5000, v40;
	v2 =	vsub.f32 v8, v5;
	v48 =	vld.idx.msk [tilespmem:v14+s2+$0x0], $0xffff  }
0x370: {  	v53 =	vsub.f32 $0.0e+00, v51;
	[tilespmem:v1+s7+$0x0] =	vst.idx.add.f32.msk $0xffff, v17;
	v1 =	vadd.s32 $0x5000, v41  }
0x371: {  	[tilespmem:v4+s7+$0x0] =	vst.idx.add.f32.msk $0xffff, v2  }
0x372: {  	[tilespmem:v47+s7+$0x0] =	vst.idx.add.f32.msk $0xffff, v53  }
0x373: {  	v17 =	vld [tilespmem:s23+$0x0]  }
0x374: {  	v26 =	vadd.s32 $0x2800, v59;
	v6 =	vsub.f32 v23, v21;
	v5 =	vld.idx.msk [tilespmem:v52+s2+$0x0], $0xffff  }
0x375: {  	v27 =	vadd.s32 $0x2800, v60;
	v2 =	vsub.f32 $0.0e+00, v2;
	v55 =	vld.idx.msk [tilespmem:v1+s2+$0x0], $0xffff  }
0x376: {  	v28 =	vsub.f32 $0.0e+00, v6;
	[tilespmem:v60+s7+$0x0] =	vst.idx.add.f32.msk $0xffff, v6  }
0x377: {  	[tilespmem:v3+s7+$0x0] =	vst.idx.add.f32.msk $0xffff, v2  }
0x378: {  	[tilespmem:v59+s7+$0x0] =	vst.idx.add.f32.msk $0xffff, v28  }
0x379: {  	v6 =	vld.idx.msk [tilespmem:v26+s2+$0x0], $0xffff  }
0x37a: {  	v18 =	vld.idx.msk [tilespmem:v27+s2+$0x0], $0xffff;
	v5 =	vsub.f32 v55, v5  }
0x37b: {  	v29 =	vld.idx.msk [tilespmem:v17+s2+$0x0], $0xffff  }
0x37c: {  	s13 =	sand.u32 $0xFE0, s5;
	v7 =	vadd.s32 $0x7800, v40;
	v2 =	vsub.f32 $0.0e+00, v5;
	[tilespmem:v1+s7+$0x0] =	vst.idx.add.f32.msk $0xffff, v5  }
0x37d: {  	v3 =	vadd.s32 $0x7800, v41;
	v1 =	vsub.f32 v62, v61;
	v62 =	vld [tilespmem:s13+$0x14080]  }
0x37e: {  	[tilespmem:v52+s7+$0x0] =	vst.idx.add.f32.msk $0xffff, v2  }
0x37f: {  	[tilespmem:v58+s7+$0x0] =	vst.idx.add.f32.msk $0xffff, v1  }
0x380: {  	v63 =	vadd.s32 $0x5000, v49;
	v25 =	vsub.f32 $0.0e+00, v1;
	v1 =	vld [tilespmem:s4+$0x0]  }
0x381: {  	v22 =	vadd.s32 $0x5000, v16;
	v2 =	vld.idx.msk [tilespmem:v7+s2+$0x0], $0xffff  }
0x382: {  	v24 =	vld.idx.msk [tilespmem:v3+s2+$0x0], $0xffff  }
0x383: {  	v52 =	vld [tilespmem:s23+$0x20]  }
0x384: {  	[tilespmem:v57+s7+$0x0] =	vst.idx.add.f32.msk $0xffff, v25  }
0x385: {  	v4 =	vld.idx.msk [tilespmem:v63+s2+$0x0], $0xffff  }
0x386: {  	v11 =	vld.idx.msk [tilespmem:v22+s2+$0x0], $0xffff  }
0x387: {  	v25 =	vld [tilespmem:s4+$0x40];
	v2 =	vsub.f32 v24, v2  }
0x388: {  	v24 =	vld [tilespmem:s23+$0x40]  }
0x389: {  	[tilespmem:v3+s7+$0x0] =	vst.idx.add.f32.msk $0xffff, v2  }
0x38a: {  	v13 =	vsub.f32 $0.0e+00, v2;
	v31 =	vld.idx.msk [tilespmem:v1+s2+$0x0], $0xffff  }
0x38b: {  	v2 =	vsub.f32 v11, v4;
	v53 =	vld.idx.msk [tilespmem:v52+s2+$0x0], $0xffff  }
0x38c: {  	[tilespmem:v7+s7+$0x0] =	vst.idx.add.f32.msk $0xffff, v13  }
0x38d: {  	v3 =	vadd.s32 $0x7800, v49;
	v49 =	vsub.f32 v48, v46;
	[tilespmem:v22+s7+$0x0] =	vst.idx.add.f32.msk $0xffff, v2  }
0x38e: {  	v30 =	vsub.f32 $0.0e+00, v2;
	v22 =	vld [tilespmem:s4+$0x20]  }
0x38f: {  	v2 =	vsub.f32 v18, v6;
	[tilespmem:v14+s7+$0x0] =	vst.idx.add.f32.msk $0xffff, v49  }
0x390: {  	v21 =	vsub.f32 $0.0e+00, v49;
	[tilespmem:v63+s7+$0x0] =	vst.idx.add.f32.msk $0xffff, v30  }
0x391: {  	[tilespmem:v27+s7+$0x0] =	vst.idx.add.f32.msk $0xffff, v2  }
0x392: {  	v32 =	vadd.s32 $0x5000, v59;
	[tilespmem:v9+s7+$0x0] =	vst.idx.add.f32.msk $0xffff, v21  }
0x393: {  	v33 =	vadd.s32 $0x5000, v60;
	v63 =	vld [tilespmem:s13+$0x16080]  }
0x394: {  	v38 =	vadd.s32 $0x7800, v16;
	v34 =	vsub.f32 $0.0e+00, v2;
	v27 =	vld.idx.msk [tilespmem:v62+s2+$0x0], $0xffff  }
0x395: {  	v7 =	vld.idx.msk [tilespmem:v3+s2+$0x0], $0xffff  }
0x396: {  	v50 =	vadd.s32 $0x2800, v9;
	[tilespmem:v26+s7+$0x0] =	vst.idx.add.f32.msk $0xffff, v34  }
0x397: {  	v51 =	vadd.s32 $0x2800, v14;
	v35 =	vld.idx.msk [tilespmem:v32+s2+$0x0], $0xffff  }
0x398: {  	v2 =	vsub.f32 v31, v29;
	v8 =	vld.idx.msk [tilespmem:v33+s2+$0x0], $0xffff  }
0x399: {  	v37 =	vadd.s32 $0x2800, v17;
	v16 =	vld.idx.msk [tilespmem:v38+s2+$0x0], $0xffff  }
0x39a: {  	v36 =	vsub.f32 $0.0e+00, v2;
	[tilespmem:v1+s7+$0x0] =	vst.idx.add.f32.msk $0xffff, v2;
	v2 =	vadd.s32 $0x2800, v1  }
0x39b: {  	v11 =	vld.idx.msk [tilespmem:v50+s2+$0x0], $0xffff  }
0x39c: {  	v21 =	vld.idx.msk [tilespmem:v51+s2+$0x0], $0xffff  }
0x39d: {  	v39 =	vadd.s32 $0x7800, v59;
	[tilespmem:v17+s7+$0x0] =	vst.idx.add.f32.msk $0xffff, v36;
	v4 =	vsub.f32 v8, v35  }
0x39e: {  	v43 =	vadd.s32 $0x7800, v60;
	v40 =	vld.idx.msk [tilespmem:v37+s2+$0x0], $0xffff  }
0x39f: {  	v41 =	vld.idx.msk [tilespmem:v2+s2+$0x0], $0xffff;
	v42 =	vsub.f32 $0.0e+00, v4  }
0x3a0: {  	[tilespmem:v33+s7+$0x0] =	vst.idx.add.f32.msk $0xffff, v4  }
0x3a1: {  	[tilespmem:v32+s7+$0x0] =	vst.idx.add.f32.msk $0xffff, v42  }
0x3a2: {  	v5 =	vld.idx.msk [tilespmem:v39+s2+$0x0], $0xffff  }
0x3a3: {  	v7 =	vsub.f32 v16, v7;
	v19 =	vld.idx.msk [tilespmem:v43+s2+$0x0], $0xffff  }
0x3a4: {  	v55 =	vld.idx.msk [tilespmem:v22+s2+$0x0], $0xffff  }
0x3a5: {  	v16 =	vsub.f32 $0.0e+00, v7;
	[tilespmem:v38+s7+$0x0] =	vst.idx.add.f32.msk $0xffff, v7;
	v44 =	vsub.f32 v41, v40  }
0x3a6: {  	v45 =	vadd.s32 $0x5000, v17;
	v28 =	vld.idx.msk [tilespmem:v63+s2+$0x0], $0xffff  }
0x3a7: {  	v47 =	vadd.s32 $0x5000, v1;
	[tilespmem:v3+s7+$0x0] =	vst.idx.add.f32.msk $0xffff, v16;
	v20 =	vsub.f32 $0.0e+00, v44  }
0x3a8: {  	[tilespmem:v2+s7+$0x0] =	vst.idx.add.f32.msk $0xffff, v44;
	v3 =	vsub.f32 v19, v5  }
0x3a9: {  	[tilespmem:v37+s7+$0x0] =	vst.idx.add.f32.msk $0xffff, v20  }
0x3aa: {  	v54 =	vsub.f32 $0.0e+00, v3;
	[tilespmem:v43+s7+$0x0] =	vst.idx.add.f32.msk $0xffff, v3;
	v3 =	vsub.f32 v21, v11  }
0x3ab: {  	v56 =	vadd.s32 $0x5000, v9;
	v2 =	vld.idx.msk [tilespmem:v45+s2+$0x0], $0xffff  }
0x3ac: {  	v57 =	vadd.s32 $0x5000, v14;
	v6 =	vld.idx.msk [tilespmem:v47+s2+$0x0], $0xffff;
	v58 =	vsub.f32 $0.0e+00, v3  }
0x3ad: {  	[tilespmem:v51+s7+$0x0] =	vst.idx.add.f32.msk $0xffff, v3;
	v3 =	vsub.f32 v55, v53  }
0x3ae: {  	v61 =	vadd.s32 $0x2800, v52;
	[tilespmem:v50+s7+$0x0] =	vst.idx.add.f32.msk $0xffff, v58  }
0x3af: {  	v60 =	vsub.f32 $0.0e+00, v3;
	[tilespmem:v22+s7+$0x0] =	vst.idx.add.f32.msk $0xffff, v3;
	v3 =	vadd.s32 $0x2800, v22  }
0x3b0: {  	v59 =	vld.idx.msk [tilespmem:v56+s2+$0x0], $0xffff  }
0x3b1: {  	v7 =	vld.idx.msk [tilespmem:v57+s2+$0x0], $0xffff  }
0x3b2: {  	[tilespmem:v52+s7+$0x0] =	vst.idx.add.f32.msk $0xffff, v60  }
0x3b3: {  	v2 =	vsub.f32 v6, v2;
	v21 =	vld.idx.msk [tilespmem:v61+s2+$0x0], $0xffff  }
0x3b4: {  	v23 =	vld.idx.msk [tilespmem:v3+s2+$0x0], $0xffff  }
0x3b5: {  	[tilespmem:v47+s7+$0x0] =	vst.idx.add.f32.msk $0xffff, v2;
	v2 =	vsub.f32 $0.0e+00, v2  }
0x3b6: {  	v32 =	vld.idx.msk [tilespmem:v25+s2+$0x0], $0xffff;
	v30 =	vsub.f32 v28, v27  }
0x3b7: {  	[tilespmem:v45+s7+$0x0] =	vst.idx.add.f32.msk $0xffff, v2;
	v2 =	vsub.f32 v7, v59  }
0x3b8: {  	v36 =	vsub.f32 $0.0e+00, v30;
	[tilespmem:v63+s7+$0x0] =	vst.idx.add.f32.msk $0xffff, v30  }
0x3b9: {  	[tilespmem:v57+s7+$0x0] =	vst.idx.add.f32.msk $0xffff, v2;
	v2 =	vsub.f32 $0.0e+00, v2;
	v26 =	vsub.f32 v23, v21  }
0x3ba: {  	v34 =	vadd.s32 $0x2800, v63;
	[tilespmem:v62+s7+$0x0] =	vst.idx.add.f32.msk $0xffff, v36  }
0x3bb: {  	[tilespmem:v56+s7+$0x0] =	vst.idx.add.f32.msk $0xffff, v2;
	v2 =	vsub.f32 $0.0e+00, v26  }
0x3bc: {  	v31 =	vadd.s32 $0x2800, v62;
	[tilespmem:v3+s7+$0x0] =	vst.idx.add.f32.msk $0xffff, v26  }
0x3bd: {  	v17 =	vadd.s32 $0x7800, v17;
	[tilespmem:v61+s7+$0x0] =	vst.idx.add.f32.msk $0xffff, v2  }
0x3be: {  	v29 =	vadd.s32 $0x5000, v52;
	v2 =	vld.idx.msk [tilespmem:v24+s2+$0x0], $0xffff  }
0x3bf: {  	v18 =	vld.idx.msk [tilespmem:v34+s2+$0x0], $0xffff;
	v3 =	vadd.s32 $0x5000, v22  }
0x3c0: {  	[tilespmem:v39+s7+$0x0] =	vst.idx.add.f32.msk $0xffff, v54  }
0x3c1: {  	v1 =	vadd.s32 $0x7800, v1;
	v6 =	vld.idx.msk [tilespmem:v31+s2+$0x0], $0xffff  }
0x3c2: {  	v39 =	vld.idx.msk [tilespmem:v17+s2+$0x0], $0xffff  }
0x3c3: {  	v37 =	vadd.s32 $0x2800, v24;
	v33 =	vld.idx.msk [tilespmem:v29+s2+$0x0], $0xffff;
	v2 =	vsub.f32 v32, v2  }
0x3c4: {  	v38 =	vadd.s32 $0x2800, v25;
	v35 =	vld.idx.msk [tilespmem:v3+s2+$0x0], $0xffff  }
0x3c5: {  	[tilespmem:v25+s7+$0x0] =	vst.idx.add.f32.msk $0xffff, v2;
	v2 =	vsub.f32 $0.0e+00, v2  }
0x3c6: {  	v43 =	vld.idx.msk [tilespmem:v1+s2+$0x0], $0xffff  }
0x3c7: {  	[tilespmem:v24+s7+$0x0] =	vst.idx.add.f32.msk $0xffff, v2  }
0x3c8: {  	v41 =	vadd.s32 $0x5000, v62;
	v6 =	vsub.f32 v18, v6;
	v40 =	vld.idx.msk [tilespmem:v37+s2+$0x0], $0xffff  }
0x3c9: {  	v2 =	vsub.f32 v35, v33;
	v42 =	vld.idx.msk [tilespmem:v38+s2+$0x0], $0xffff  }
0x3ca: {  	[tilespmem:v34+s7+$0x0] =	vst.idx.add.f32.msk $0xffff, v6;
	v6 =	vsub.f32 $0.0e+00, v6  }
0x3cb: {  	[tilespmem:v3+s7+$0x0] =	vst.idx.add.f32.msk $0xffff, v2;
	v3 =	vadd.s32 $0x5000, v63  }
0x3cc: {  	[tilespmem:v31+s7+$0x0] =	vst.idx.add.f32.msk $0xffff, v6;
	v48 =	vsub.f32 v43, v39  }
0x3cd: {  	v6 =	vld.idx.msk [tilespmem:v41+s2+$0x0], $0xffff;
	v2 =	vsub.f32 $0.0e+00, v2  }
0x3ce: {  	v46 =	vadd.s32 $0x5000, v24;
	[tilespmem:v1+s7+$0x0] =	vst.idx.add.f32.msk $0xffff, v48;
	v44 =	vsub.f32 v42, v40  }
0x3cf: {  	v47 =	vadd.s32 $0x5000, v25;
	[tilespmem:v29+s7+$0x0] =	vst.idx.add.f32.msk $0xffff, v2  }
0x3d0: {  	v1 =	vadd.s32 $0x7800, v14;
	v45 =	vld.idx.msk [tilespmem:v3+s2+$0x0], $0xffff;
	v2 =	vsub.f32 $0.0e+00, v44  }
0x3d1: {  	v50 =	vadd.s32 $0x7800, v52;
	[tilespmem:v38+s7+$0x0] =	vst.idx.add.f32.msk $0xffff, v44  }
0x3d2: {  	[tilespmem:v37+s7+$0x0] =	vst.idx.add.f32.msk $0xffff, v2  }
0x3d3: {  	v52 =	vadd.s32 $0x7800, v22;
	v49 =	vld.idx.msk [tilespmem:v46+s2+$0x0], $0xffff  }
0x3d4: {  	v51 =	vld.idx.msk [tilespmem:v47+s2+$0x0], $0xffff  }
0x3d5: {  	v54 =	vld.idx.msk [tilespmem:v1+s2+$0x0], $0xffff;
	v2 =	vadd.s32 $0x7800, v9;
	v6 =	vsub.f32 v45, v6  }
0x3d6: {  	v12 =	vadd.s32 $0x7800, v63;
	v55 =	vld.idx.msk [tilespmem:v50+s2+$0x0], $0xffff  }
0x3d7: {  	[tilespmem:v3+s7+$0x0] =	vst.idx.add.f32.msk $0xffff, v6;
	v3 =	vsub.f32 $0.0e+00, v6  }
0x3d8: {  	v56 =	vld.idx.msk [tilespmem:v52+s2+$0x0], $0xffff  }
0x3d9: {  	[tilespmem:v41+s7+$0x0] =	vst.idx.add.f32.msk $0xffff, v3;
	v3 =	vadd.s32 $0x7800, v62;
	v9 =	vsub.f32 v51, v49  }
0x3da: {  	v5 =	vadd.s32 $0x7800, v24;
	v53 =	vld.idx.msk [tilespmem:v2+s2+$0x0], $0xffff  }
0x3db: {  	v7 =	vadd.s32 $0x7800, v25;
	v59 =	vld.idx.msk [tilespmem:v12+s2+$0x0], $0xffff;
	v57 =	vsub.f32 $0.0e+00, v9  }
0x3dc: {  	[tilespmem:v47+s7+$0x0] =	vst.idx.add.f32.msk $0xffff, v9  }
0x3dd: {  	[tilespmem:v46+s7+$0x0] =	vst.idx.add.f32.msk $0xffff, v57  }
0x3de: {  	v58 =	vld.idx.msk [tilespmem:v3+s2+$0x0], $0xffff  }
0x3df: {  	v10 =	vsub.f32 $0.0e+00, v48;
	v6 =	vsub.f32 v54, v53;
	v60 =	vld.idx.msk [tilespmem:v5+s2+$0x0], $0xffff  }
0x3e0: {  	v61 =	vld.idx.msk [tilespmem:v7+s2+$0x0], $0xffff  }
0x3e1: {  	[tilespmem:v17+s7+$0x0] =	vst.idx.add.f32.msk $0xffff, v10;
	v62 =	vsub.f32 v56, v55;
	v63 =	vsub.f32 $0.0e+00, v6  }
0x3e2: {  	[tilespmem:v1+s7+$0x0] =	vst.idx.add.f32.msk $0xffff, v6  }
0x3e3: {  	s3 =	sadd.s32 $0xA, s3;
	[tilespmem:v2+s7+$0x0] =	vst.idx.add.f32.msk $0xffff, v63;
	v2 =	vsub.f32 $0.0e+00, v62  }
0x3e4: {  	p0 =	slt.u32 s3, $0xF0;
	[tilespmem:v52+s7+$0x0] =	vst.idx.add.f32.msk $0xffff, v62;
	v1 =	vsub.f32 v59, v58  }
.Ltmp5:
0x3e5: {  	[tilespmem:v50+s7+$0x0] =	vst.idx.add.f32.msk $0xffff, v2;
	v2 =	vsub.f32 v61, v60;
	(pc) =	sbr.rel @p0 .LBB2_12-.Ltmp5, $4  }
0x3e6: {  	v4 =	vsub.f32 $0.0e+00, v1;
	[tilespmem:v12+s7+$0x0] =	vst.idx.add.f32.msk $0xffff, v1  }
0x3e7: {  	v1 =	vsub.f32 $0.0e+00, v2;
	[tilespmem:v7+s7+$0x0] =	vst.idx.add.f32.msk $0xffff, v2  }
0x3e8: {  	[tilespmem:v3+s7+$0x0] =	vst.idx.add.f32.msk $0xffff, v4  }
0x3e9: {  	s5 =	sadd.s32 $0xA0, s5;
	s23 =	sadd.s32 $0xA0, s23;
	s4 =	sadd.s32 $0xA0, s4;
	[tilespmem:v5+s7+$0x0] =	vst.idx.add.f32.msk $0xffff, v1  }
0x3ea: {  	s3 =	simm.s32 $0xA000  }
0x3eb: {  	[spmem:s16] =	stream.strided.scatter [tilespmem:s3], [sflag:$0x4], $0x5000, s11, s8, $0x38;
	[tilespmem:$0x1D000] =	vst v63  }
0x3ec: {  	_ =	swait.ge [sflag:s12], $0x5000  }
0x3ed: {  	[sflag:s12] =	ssyncset.done $0x0  }
0x3ee: {  	[sflag:s12] =	ssyncadd.s32 $0xFFFFB000  }
0x3ef: {  	[bflag:$0x0] =	sbarrier.arrive $0xFFFF  }
0x3f0: {  	[tilespmem:s3], [sflag:$0x1] =	stream.strided.gather [spmem:s15], $0x500, s11, s8, $0x38;
	[tilespmem:$0x1D000] =	vst v63  }
0x3f1: {  	s4 =	simm.s32 $0xA500;
	s5 =	rddreg [dreg:$0x12]  }
0x3f2: {  	[tilespmem:s4], [sflag:$0x1] =	stream.strided.gather [spmem:s5], $0x500, s11, s8, $0x38;
	[tilespmem:$0x1D000] =	vst v63  }
0x3f3: {  	s13 =	simm.s32 $0xAA00  }
0x3f4: {  	[tilespmem:s13], [sflag:$0x1] =	stream.strided.gather [spmem:s17], $0x500, s11, s8, $0x38;
	[tilespmem:$0x1D000] =	vst v63  }
0x3f5: {  	s14 =	simm.s32 $0xAF00  }
0x3f6: {  	[tilespmem:s14], [sflag:$0x1] =	stream.strided.gather [spmem:s18], $0x500, s11, s8, $0x38;
	[tilespmem:$0x1D000] =	vst v63  }
0x3f7: {  	s23 =	simm.s32 $0xB400  }
0x3f8: {  	[tilespmem:s23], [sflag:$0x1] =	stream.strided.gather [spmem:s19], $0x500, s11, s8, $0x38;
	[tilespmem:$0x1D000] =	vst v63  }
0x3f9: {  	s5 =	simm.s32 $0xB900  }
0x3fa: {  	[tilespmem:s5], [sflag:$0x1] =	stream.strided.gather [spmem:s20], $0x500, s11, s8, $0x38;
	[tilespmem:$0x1D000] =	vst v63  }
0x3fb: {  	s13 =	simm.s32 $0xBE00  }
0x3fc: {  	[tilespmem:s13], [sflag:$0x1] =	stream.strided.gather [spmem:s21], $0x500, s11, s8, $0x38;
	[tilespmem:$0x1D000] =	vst v63  }
0x3fd: {  	s14 =	simm.s32 $0xC300  }
0x3fe: {  	[tilespmem:s14], [sflag:$0x1] =	stream.strided.gather [spmem:s22], $0x500, s11, s8, $0x38;
	[tilespmem:$0x1D000] =	vst v63  }
0x3ff: {  	s23 =	simm.s32 $0xC800  }
0x400: {  	[tilespmem:s23], [sflag:$0x1] =	stream.strided.gather [spmem:s24], $0x500, s11, s8, $0x38;
	[tilespmem:$0x1D000] =	vst v63  }
0x401: {  	s5 =	simm.s32 $0xCD00  }
0x402: {  	[tilespmem:s5], [sflag:$0x1] =	stream.strided.gather [spmem:s26], $0x500, s11, s8, $0x38;
	[tilespmem:$0x1D000] =	vst v63  }
0x403: {  	s13 =	simm.s32 $0xD200  }
0x404: {  	[tilespmem:s13], [sflag:$0x1] =	stream.strided.gather [spmem:s28], $0x500, s11, s8, $0x38;
	[tilespmem:$0x1D000] =	vst v63  }
0x405: {  	s14 =	simm.s32 $0xD700  }
0x406: {  	[tilespmem:s14], [sflag:$0x1] =	stream.strided.gather [spmem:s29], $0x500, s11, s8, $0x38;
	[tilespmem:$0x1D000] =	vst v63  }
0x407: {  	s23 =	simm.s32 $0xDC00  }
0x408: {  	[tilespmem:s23], [sflag:$0x1] =	stream.strided.gather [spmem:s30], $0x500, s11, s8, $0x38;
	[tilespmem:$0x1D000] =	vst v63  }
0x409: {  	s5 =	simm.s32 $0xE100  }
0x40a: {  	[tilespmem:s5], [sflag:$0x1] =	stream.strided.gather [spmem:s31], $0x500, s11, s8, $0x38;
	[tilespmem:$0x1D000] =	vst v63  }
0x40b: {  	s13 =	simm.s32 $0xE600  }
0x40c: {  	[tilespmem:s13], [sflag:$0x1] =	stream.strided.gather [spmem:s1], $0x500, s11, s8, $0x38;
	[tilespmem:$0x1D000] =	vst v63  }
0x40d: {  	s14 =	simm.s32 $0xEB00  }
0x40e: {  	[tilespmem:s14], [sflag:$0x1] =	stream.strided.gather [spmem:s0], $0x500, s11, s8, $0x38;
	[tilespmem:$0x1D000] =	vst v63  }
0x40f: {  	_ =	swait.ge [sflag:s6], $0x500  }
0x410: {  	[sflag:s6] =	ssyncset.done $0x0  }
0x411: {  	[sflag:s6] =	ssyncadd.s32 $0xFFFFFB00  }
0x412: {  	_ =	swait.ge [sflag:s6], $0x500  }
0x413: {  	[sflag:s6] =	ssyncset.done $0x0  }
0x414: {  	[sflag:s6] =	ssyncadd.s32 $0xFFFFFB00  }
0x415: {  	_ =	swait.ge [sflag:s6], $0x500  }
0x416: {  	[sflag:s6] =	ssyncset.done $0x0  }
0x417: {  	[sflag:s6] =	ssyncadd.s32 $0xFFFFFB00  }
0x418: {  	_ =	swait.ge [sflag:s6], $0x500  }
0x419: {  	[sflag:s6] =	ssyncset.done $0x0  }
0x41a: {  	[sflag:s6] =	ssyncadd.s32 $0xFFFFFB00  }
0x41b: {  	_ =	swait.ge [sflag:s6], $0x500  }
0x41c: {  	[sflag:s6] =	ssyncset.done $0x0  }
0x41d: {  	[sflag:s6] =	ssyncadd.s32 $0xFFFFFB00  }
0x41e: {  	_ =	swait.ge [sflag:s6], $0x500  }
0x41f: {  	[sflag:s6] =	ssyncset.done $0x0  }
0x420: {  	[sflag:s6] =	ssyncadd.s32 $0xFFFFFB00  }
0x421: {  	_ =	swait.ge [sflag:s6], $0x500  }
0x422: {  	[sflag:s6] =	ssyncset.done $0x0  }
0x423: {  	[sflag:s6] =	ssyncadd.s32 $0xFFFFFB00  }
0x424: {  	_ =	swait.ge [sflag:s6], $0x500  }
0x425: {  	[sflag:s6] =	ssyncset.done $0x0  }
0x426: {  	[sflag:s6] =	ssyncadd.s32 $0xFFFFFB00  }
0x427: {  	_ =	swait.ge [sflag:s6], $0x500  }
0x428: {  	[sflag:s6] =	ssyncset.done $0x0  }
0x429: {  	[sflag:s6] =	ssyncadd.s32 $0xFFFFFB00  }
0x42a: {  	_ =	swait.ge [sflag:s6], $0x500  }
0x42b: {  	[sflag:s6] =	ssyncset.done $0x0  }
0x42c: {  	[sflag:s6] =	ssyncadd.s32 $0xFFFFFB00  }
0x42d: {  	_ =	swait.ge [sflag:s6], $0x500  }
0x42e: {  	[sflag:s6] =	ssyncset.done $0x0  }
0x42f: {  	[sflag:s6] =	ssyncadd.s32 $0xFFFFFB00  }
0x430: {  	_ =	swait.ge [sflag:s6], $0x500  }
0x431: {  	[sflag:s6] =	ssyncset.done $0x0  }
0x432: {  	[sflag:s6] =	ssyncadd.s32 $0xFFFFFB00  }
0x433: {  	_ =	swait.ge [sflag:s6], $0x500  }
0x434: {  	[sflag:s6] =	ssyncset.done $0x0  }
0x435: {  	[sflag:s6] =	ssyncadd.s32 $0xFFFFFB00  }
0x436: {  	_ =	swait.ge [sflag:s6], $0x500  }
0x437: {  	[sflag:s6] =	ssyncset.done $0x0  }
0x438: {  	[sflag:s6] =	ssyncadd.s32 $0xFFFFFB00  }
0x439: {  	_ =	swait.ge [sflag:s6], $0x500  }
0x43a: {  	[sflag:s6] =	ssyncset.done $0x0  }
0x43b: {  	[sflag:s6] =	ssyncadd.s32 $0xFFFFFB00  }
0x43c: {  	_ =	swait.ge [sflag:s6], $0x500  }
0x43d: {  	[sflag:s6] =	ssyncset.done $0x0  }
0x43e: {  	s23 =	simm.s32 $0x0;
	[sflag:s6] =	ssyncadd.s32 $0xFFFFFB00  }
0x43f: {  	s4 =	sand.u32 $0x7C0, s23;
	v1 =	vld [tilespmem:s3+$0x0]  }
0x440: {  	v2 =	vld [tilespmem:s4+$0xA500]  }
0x441: {  	v3 =	vld [tilespmem:s3+$0x10]  }
0x442: {  	v4 =	vld [tilespmem:s4+$0xAA00]  }
0x443: {  	v5 =	vld [tilespmem:s3+$0x510]  }
0x444: {  	v6 =	vld [tilespmem:s4+$0xAF00]  }
0x445: {  	v7 =	vld [tilespmem:s3+$0x20]  }
0x446: {  	v8 =	vld [tilespmem:s4+$0xB400]  }
0x447: {  	v9 =	vld [tilespmem:s3+$0x520]  }
0x448: {  	v10 =	vld [tilespmem:s4+$0xB900]  }
0x449: {  	v11 =	vld [tilespmem:s3+$0x30]  }
0x44a: {  	v12 =	vld [tilespmem:s4+$0xBE00]  }
0x44b: {  	v13 =	vld [tilespmem:s3+$0x530]  }
0x44c: {  	v14 =	vld [tilespmem:s4+$0xC300]  }
0x44d: {  	v15 =	vld [tilespmem:s3+$0xA10]  }
0x44e: {  	v16 =	vld [tilespmem:s4+$0xC800]  }
0x44f: {  	v17 =	vld [tilespmem:s3+$0xA20]  }
0x450: {  	v18 =	vld [tilespmem:s4+$0xCD00]  }
0x451: {  	v19 =	vld [tilespmem:s3+$0xA30]  }
0x452: {  	v20 =	vld [tilespmem:s4+$0xD200]  }
0x453: {  	v21 =	vld [tilespmem:s3+$0xF10]  }
0x454: {  	v22 =	vld [tilespmem:s4+$0xD700]  }
0x455: {  	v23 =	vld [tilespmem:s3+$0xF20]  }
0x456: {  	v24 =	vld [tilespmem:s4+$0xDC00]  }
0x457: {  	v25 =	vld [tilespmem:s3+$0xF30]  }
0x458: {  	v26 =	vld [tilespmem:s4+$0xE100]  }
0x459: {  	v27 =	vld [tilespmem:s3+$0x1410]  }
0x45a: {  	v28 =	vld [tilespmem:s4+$0xE600]  }
0x45b: {  	v29 =	vld [tilespmem:s3+$0x1420]  }
0x45c: {  	v30 =	vld [tilespmem:s4+$0xEB00]  }
0x45d: {  	v31 =	vld [tilespmem:s3+$0x1430]  }
0x45e: {  	v32 =	vld [tilespmem:s3+$0x1910]  }
0x45f: {  	v33 =	vld [tilespmem:s3+$0x1930]  }
0x460: {  	v34 =	vld [tilespmem:s3+$0x1E20];
	v1 =	vadd.f32 v2, v1  }
0x461: {  	v55 =	vld [tilespmem:s3+$0x2820]  }
0x462: {  	v56 =	vld [tilespmem:s3+$0x2830];
	v1 =	vadd.f32 v4, v1  }
0x463: {  	v57 =	vld [tilespmem:s3+$0x2D10]  }
0x464: {  	v58 =	vld [tilespmem:s3+$0x2D20];
	v3 =	vadd.f32 v5, v3;
	v1 =	vadd.f32 v6, v1  }
0x465: {  	v59 =	vld [tilespmem:s3+$0x2D30];
	v7 =	vadd.f32 v9, v7;
	v9 =	vadd.f32 v13, v11  }
0x466: {  	v60 =	vld [tilespmem:s3+$0x3230];
	v3 =	vadd.f32 v15, v3;
	v1 =	vadd.f32 v8, v1  }
0x467: {  	v2 =	vld [tilespmem:s3+$0x1920];
	v7 =	vadd.f32 v17, v7;
	v9 =	vadd.f32 v19, v9  }
0x468: {  	v5 =	vld [tilespmem:s3+$0x2310];
	v3 =	vadd.f32 v21, v3;
	v1 =	vadd.f32 v10, v1  }
0x469: {  	v4 =	vld [tilespmem:s3+$0x1E10];
	v7 =	vadd.f32 v23, v7;
	v9 =	vadd.f32 v25, v9  }
0x46a: {  	v6 =	vld [tilespmem:s3+$0x1E30];
	v3 =	vadd.f32 v27, v3;
	v1 =	vadd.f32 v12, v1  }
0x46b: {  	v11 =	vld [tilespmem:s3+$0x2330];
	v7 =	vadd.f32 v29, v7;
	v9 =	vadd.f32 v31, v9  }
0x46c: {  	v8 =	vld [tilespmem:s3+$0x2320];
	v3 =	vadd.f32 v32, v3;
	v1 =	vadd.f32 v14, v1  }
0x46d: {  	v10 =	vld [tilespmem:s3+$0x2810];
	v2 =	vadd.f32 v2, v7;
	v9 =	vadd.f32 v33, v9  }
0x46e: {  	v61 =	vld [tilespmem:s3+$0x3C30];
	v3 =	vadd.f32 v4, v3;
	v1 =	vadd.f32 v16, v1  }
0x46f: {  	v63 =	vld [tilespmem:s3+$0x4610];
	v2 =	vadd.f32 v34, v2;
	v6 =	vadd.f32 v6, v9  }
0x470: {  	v7 =	vld [tilespmem:s3+$0x3210];
	v3 =	vadd.f32 v5, v3;
	v1 =	vadd.f32 v18, v1  }
0x471: {  	v4 =	vld [tilespmem:s3+$0x3220];
	v2 =	vadd.f32 v8, v2;
	v6 =	vadd.f32 v11, v6  }
0x472: {  	v9 =	vld [tilespmem:s3+$0x3730];
	v3 =	vadd.f32 v10, v3;
	v1 =	vadd.f32 v20, v1  }
0x473: {  	v5 =	vld [tilespmem:s3+$0x3710];
	v2 =	vadd.f32 v55, v2;
	v6 =	vadd.f32 v56, v6  }
0x474: {  	v8 =	vld [tilespmem:s3+$0x3720];
	v3 =	vadd.f32 v57, v3;
	v1 =	vadd.f32 v22, v1  }
0x475: {  	v10 =	vld [tilespmem:s3+$0x3C10];
	v2 =	vadd.f32 v58, v2;
	v6 =	vadd.f32 v59, v6  }
0x476: {  	v11 =	vld [tilespmem:s3+$0x3C20];
	v3 =	vadd.f32 v7, v3;
	v1 =	vadd.f32 v24, v1  }
0x477: {  	v7 =	vld [tilespmem:s3+$0x4110];
	v2 =	vadd.f32 v4, v2;
	v6 =	vadd.f32 v60, v6  }
0x478: {  	v4 =	vld [tilespmem:s3+$0x4120];
	v3 =	vadd.f32 v5, v3;
	v1 =	vadd.f32 v26, v1  }
0x479: {  	v5 =	vld [tilespmem:s3+$0x4130];
	v2 =	vadd.f32 v8, v2;
	v6 =	vadd.f32 v9, v6  }
0x47a: {  	v3 =	vadd.f32 v10, v3;
	v62 =	vadd.f32 v28, v1;
	v1 =	vld [tilespmem:s3+$0x4620]  }
0x47b: {  	v9 =	vadd.f32 v11, v2;
	v2 =	vld [tilespmem:s3+$0x4630];
	v10 =	vadd.f32 v61, v6  }
0x47c: {  	v7 =	vadd.f32 v7, v3;
	v3 =	vld [tilespmem:s3+$0x4B10];
	v8 =	vadd.f32 v30, v62  }
0x47d: {  	v6 =	vadd.f32 v4, v9;
	v4 =	vld [tilespmem:s3+$0x4B20]  }
0x47e: {  	s23 =	simm.s32 $0xA040;
	s5 =	simm.s32 $0x40;
	s4 =	simm.s32 $0x0;
	v7 =	vadd.f32 v63, v7;
	[tilespmem:s3+$0x0] =	vst v8;
	v8 =	vadd.f32 v5, v10;
	v5 =	vld [tilespmem:s3+$0x4B30]  }
.LBB2_14:
0x47f: {  	v9 =	vld [tilespmem:s23+$0x0];
	s13 =	sand.u32 $0x7C0, s5;
	s4 =	sadd.s32 $0x4, s4;
	v1 =	vadd.f32 v1, v6  }
0x480: {  	v6 =	vld [tilespmem:s13+$0xA500];
	p0 =	slt.u32 s4, $0x4C;
	v2 =	vadd.f32 v2, v8  }
0x481: {  	v8 =	vld [tilespmem:s23+$0x10];
	v3 =	vadd.f32 v3, v7  }
0x482: {  	v7 =	vld [tilespmem:s13+$0xAA00];
	v1 =	vadd.f32 v4, v1  }
0x483: {  	v4 =	vld [tilespmem:s23+$0x510];
	[tilespmem:s3+$0x10] =	vst v3;
	v2 =	vadd.f32 v5, v2  }
0x484: {  	v3 =	vld [tilespmem:s13+$0xAF00];
	[tilespmem:s3+$0x20] =	vst v1  }
0x485: {  	v1 =	vadd.f32 v6, v9;
	v5 =	vld [tilespmem:s23+$0x20];
	[tilespmem:s3+$0x30] =	vst v2;
	s3 =	smov.u32 s23  }
0x486: {  	v2 =	vld [tilespmem:s13+$0xB400]  }
0x487: {  	v1 =	vadd.f32 v7, v1;
	v6 =	vld [tilespmem:s23+$0x520]  }
0x488: {  	v7 =	vld [tilespmem:s13+$0xB900];
	v4 =	vadd.f32 v4, v8  }
0x489: {  	v1 =	vadd.f32 v3, v1;
	v3 =	vld [tilespmem:s23+$0x30]  }
0x48a: {  	v8 =	vld [tilespmem:s13+$0xBE00]  }
0x48b: {  	v1 =	vadd.f32 v2, v1;
	v2 =	vld [tilespmem:s23+$0x530]  }
0x48c: {  	v9 =	vld [tilespmem:s13+$0xC300];
	v5 =	vadd.f32 v6, v5  }
0x48d: {  	v1 =	vadd.f32 v7, v1;
	v6 =	vld [tilespmem:s23+$0xA10]  }
0x48e: {  	v7 =	vld [tilespmem:s13+$0xC800]  }
0x48f: {  	v1 =	vadd.f32 v8, v1;
	v8 =	vld [tilespmem:s23+$0xA20]  }
0x490: {  	v10 =	vld [tilespmem:s13+$0xCD00];
	v2 =	vadd.f32 v2, v3  }
0x491: {  	v1 =	vadd.f32 v9, v1;
	v3 =	vld [tilespmem:s23+$0xA30]  }
0x492: {  	v9 =	vld [tilespmem:s13+$0xD200];
	v4 =	vadd.f32 v6, v4  }
0x493: {  	v1 =	vadd.f32 v7, v1;
	v6 =	vld [tilespmem:s23+$0xF10]  }
0x494: {  	v7 =	vld [tilespmem:s13+$0xD700];
	v5 =	vadd.f32 v8, v5  }
0x495: {  	v1 =	vadd.f32 v10, v1;
	v8 =	vld [tilespmem:s23+$0xF20]  }
0x496: {  	v10 =	vld [tilespmem:s13+$0xDC00];
	v2 =	vadd.f32 v3, v2  }
0x497: {  	v1 =	vadd.f32 v9, v1;
	v3 =	vld [tilespmem:s23+$0xF30]  }
0x498: {  	v9 =	vld [tilespmem:s13+$0xE100];
	v4 =	vadd.f32 v6, v4  }
0x499: {  	v1 =	vadd.f32 v7, v1;
	v6 =	vld [tilespmem:s23+$0x1410]  }
0x49a: {  	v7 =	vld [tilespmem:s13+$0xE600];
	v5 =	vadd.f32 v8, v5  }
0x49b: {  	v1 =	vadd.f32 v10, v1;
	v8 =	vld [tilespmem:s23+$0x1420]  }
0x49c: {  	v10 =	vld [tilespmem:s13+$0xEB00];
	v2 =	vadd.f32 v3, v2  }
0x49d: {  	v1 =	vadd.f32 v9, v1;
	v3 =	vld [tilespmem:s23+$0x1430]  }
0x49e: {  	v4 =	vadd.f32 v6, v4;
	v6 =	vld [tilespmem:s23+$0x1910]  }
0x49f: {  	v1 =	vadd.f32 v7, v1;
	v7 =	vld [tilespmem:s23+$0x1920]  }
0x4a0: {  	v5 =	vadd.f32 v8, v5;
	v8 =	vld [tilespmem:s23+$0x1930]  }
0x4a1: {  	v1 =	vadd.f32 v10, v1;
	v9 =	vld [tilespmem:s23+$0x1E10]  }
0x4a2: {  	v10 =	vld [tilespmem:s23+$0x1E20];
	v2 =	vadd.f32 v3, v2  }
0x4a3: {  	[tilespmem:s23+$0x0] =	vst v1;
	v1 =	vadd.f32 v6, v4;
	v3 =	vld [tilespmem:s23+$0x1E30]  }
0x4a4: {  	v4 =	vld [tilespmem:s23+$0x2310];
	v5 =	vadd.f32 v7, v5  }
0x4a5: {  	v6 =	vld [tilespmem:s23+$0x2320];
	v2 =	vadd.f32 v8, v2  }
0x4a6: {  	v1 =	vadd.f32 v9, v1;
	v7 =	vld [tilespmem:s23+$0x2330]  }
0x4a7: {  	v8 =	vld [tilespmem:s23+$0x2810];
	v5 =	vadd.f32 v10, v5  }
0x4a8: {  	v9 =	vld [tilespmem:s23+$0x2820];
	v2 =	vadd.f32 v3, v2  }
0x4a9: {  	v1 =	vadd.f32 v4, v1;
	v3 =	vld [tilespmem:s23+$0x2830]  }
0x4aa: {  	v4 =	vld [tilespmem:s23+$0x2D10];
	v5 =	vadd.f32 v6, v5  }
0x4ab: {  	v6 =	vld [tilespmem:s23+$0x2D20];
	v2 =	vadd.f32 v7, v2  }
0x4ac: {  	v1 =	vadd.f32 v8, v1;
	v7 =	vld [tilespmem:s23+$0x2D30]  }
0x4ad: {  	v8 =	vld [tilespmem:s23+$0x3210];
	v5 =	vadd.f32 v9, v5  }
0x4ae: {  	v9 =	vld [tilespmem:s23+$0x3220];
	v2 =	vadd.f32 v3, v2  }
0x4af: {  	v1 =	vadd.f32 v4, v1;
	v3 =	vld [tilespmem:s23+$0x3230]  }
0x4b0: {  	v4 =	vld [tilespmem:s23+$0x3710];
	v5 =	vadd.f32 v6, v5  }
0x4b1: {  	v6 =	vld [tilespmem:s23+$0x3720];
	v2 =	vadd.f32 v7, v2  }
0x4b2: {  	v1 =	vadd.f32 v8, v1;
	v7 =	vld [tilespmem:s23+$0x3730]  }
0x4b3: {  	v8 =	vld [tilespmem:s23+$0x3C10];
	v5 =	vadd.f32 v9, v5  }
0x4b4: {  	v9 =	vld [tilespmem:s23+$0x3C20];
	v2 =	vadd.f32 v3, v2  }
0x4b5: {  	v1 =	vadd.f32 v4, v1;
	v3 =	vld [tilespmem:s23+$0x3C30]  }
0x4b6: {  	v4 =	vld [tilespmem:s23+$0x4110];
	v5 =	vadd.f32 v6, v5  }
0x4b7: {  	v6 =	vld [tilespmem:s23+$0x4120];
	v2 =	vadd.f32 v7, v2  }
0x4b8: {  	v7 =	vadd.f32 v8, v1;
	v8 =	vld [tilespmem:s23+$0x4130]  }
0x4b9: {  	v10 =	vld [tilespmem:s23+$0x4610];
	v5 =	vadd.f32 v9, v5  }
.Ltmp6:
0x4ba: {  	v1 =	vld [tilespmem:s23+$0x4620];
	v9 =	vadd.f32 v3, v2;
	(pc) =	sbr.rel @p0 .LBB2_14-.Ltmp6, $4  }
0x4bb: {  	v7 =	vadd.f32 v4, v7;
	v2 =	vld [tilespmem:s23+$0x4630]  }
0x4bc: {  	v3 =	vld [tilespmem:s23+$0x4B10];
	v6 =	vadd.f32 v6, v5  }
0x4bd: {  	v4 =	vld [tilespmem:s23+$0x4B20];
	v8 =	vadd.f32 v8, v9  }
0x4be: {  	s5 =	sadd.s32 $0x40, s5;
	s23 =	sadd.s32 $0x40, s23;
	v7 =	vadd.f32 v10, v7;
	v5 =	vld [tilespmem:s3+$0x4B30]  }
0x4bf: {  	_ = 	snop  }
0x4c0: {  	v1 =	vadd.f32 v1, v6  }
0x4c1: {  	v2 =	vadd.f32 v2, v8;
	v3 =	vadd.f32 v3, v7  }
0x4c2: {  	v1 =	vadd.f32 v4, v1  }
0x4c3: {  	[tilespmem:s3+$0x10] =	vst v3;
	v2 =	vadd.f32 v5, v2  }
0x4c4: {  	[tilespmem:s3+$0x20] =	vst v1  }
0x4c5: {  	[tilespmem:s3+$0x30] =	vst v2  }
0x4c6: {  	s3 =	simm.s32 $0x0;
	s4 =	rddreg [dreg:$0xf]  }
0x4c7: {  	[hbm4b:s4+s3] =	stream.linear.scatter [tilespmem:s7], [sflag:$0x4], $0x500, $0x38;
	[tilespmem:$0x1D000] =	vst v63  }
0x4c8: {  	_ =	swait.ge [sflag:s12], $0x500  }
0x4c9: {  	[sflag:s12] =	ssyncset.done $0x0  }
0x4ca: {  	[sflag:s12] =	ssyncadd.s32 $0xFFFFFB00  }
0x4cb: {  	s5 =	simm.s32 $0xF000;
	[bflag:$0x0] =	sbarrier.arrive $0xFFFF  }
0x4cc: {  	[spmem:s16] =	stream.strided.scatter [tilespmem:s5], [sflag:$0x4], $0x5000, s11, s8, $0x38;
	[tilespmem:$0x1D000] =	vst v63  }
0x4cd: {  	_ =	swait.ge [sflag:s12], $0x5000  }
0x4ce: {  	[sflag:s12] =	ssyncset.done $0x0  }
0x4cf: {  	[sflag:s12] =	ssyncadd.s32 $0xFFFFB000  }
0x4d0: {  	[bflag:$0x0] =	sbarrier.arrive $0xFFFF  }
0x4d1: {  	[tilespmem:s5], [sflag:$0x1] =	stream.strided.gather [spmem:s15], $0x500, s11, s8, $0x38;
	[tilespmem:$0x1D000] =	vst v63  }
0x4d2: {  	s13 =	rddreg [dreg:$0x12];
	s5 =	simm.s32 $0xF500  }
0x4d3: {  	[tilespmem:s5], [sflag:$0x1] =	stream.strided.gather [spmem:s13], $0x500, s11, s8, $0x38;
	[tilespmem:$0x1D000] =	vst v63  }
0x4d4: {  	s23 =	simm.s32 $0xFA00  }
0x4d5: {  	[tilespmem:s23], [sflag:$0x1] =	stream.strided.gather [spmem:s17], $0x500, s11, s8, $0x38;
	[tilespmem:$0x1D000] =	vst v63  }
0x4d6: {  	s5 =	simm.s32 $0xFF00  }
0x4d7: {  	[tilespmem:s5], [sflag:$0x1] =	stream.strided.gather [spmem:s18], $0x500, s11, s8, $0x38;
	[tilespmem:$0x1D000] =	vst v63  }
0x4d8: {  	s13 =	simm.s32 $0x10400  }
0x4d9: {  	[tilespmem:s13], [sflag:$0x1] =	stream.strided.gather [spmem:s19], $0x500, s11, s8, $0x38;
	[tilespmem:$0x1D000] =	vst v63  }
0x4da: {  	s23 =	simm.s32 $0x10900  }
0x4db: {  	[tilespmem:s23], [sflag:$0x1] =	stream.strided.gather [spmem:s20], $0x500, s11, s8, $0x38;
	[tilespmem:$0x1D000] =	vst v63  }
0x4dc: {  	s5 =	simm.s32 $0x10E00  }
0x4dd: {  	[tilespmem:s5], [sflag:$0x1] =	stream.strided.gather [spmem:s21], $0x500, s11, s8, $0x38;
	[tilespmem:$0x1D000] =	vst v63  }
0x4de: {  	s13 =	simm.s32 $0x11300  }
0x4df: {  	[tilespmem:s13], [sflag:$0x1] =	stream.strided.gather [spmem:s22], $0x500, s11, s8, $0x38;
	[tilespmem:$0x1D000] =	vst v63  }
0x4e0: {  	s23 =	simm.s32 $0x11800  }
0x4e1: {  	[tilespmem:s23], [sflag:$0x1] =	stream.strided.gather [spmem:s24], $0x500, s11, s8, $0x38;
	[tilespmem:$0x1D000] =	vst v63  }
0x4e2: {  	s5 =	simm.s32 $0x11D00  }
0x4e3: {  	[tilespmem:s5], [sflag:$0x1] =	stream.strided.gather [spmem:s26], $0x500, s11, s8, $0x38;
	[tilespmem:$0x1D000] =	vst v63  }
0x4e4: {  	s13 =	simm.s32 $0x12200  }
0x4e5: {  	[tilespmem:s13], [sflag:$0x1] =	stream.strided.gather [spmem:s28], $0x500, s11, s8, $0x38;
	[tilespmem:$0x1D000] =	vst v63  }
0x4e6: {  	s23 =	simm.s32 $0x12700  }
0x4e7: {  	[tilespmem:s23], [sflag:$0x1] =	stream.strided.gather [spmem:s29], $0x500, s11, s8, $0x38;
	[tilespmem:$0x1D000] =	vst v63  }
0x4e8: {  	s5 =	simm.s32 $0x12C00  }
0x4e9: {  	[tilespmem:s5], [sflag:$0x1] =	stream.strided.gather [spmem:s30], $0x500, s11, s8, $0x38;
	[tilespmem:$0x1D000] =	vst v63  }
0x4ea: {  	s13 =	simm.s32 $0x13100  }
0x4eb: {  	[tilespmem:s13], [sflag:$0x1] =	stream.strided.gather [spmem:s31], $0x500, s11, s8, $0x38;
	[tilespmem:$0x1D000] =	vst v63  }
0x4ec: {  	s23 =	simm.s32 $0x13600  }
0x4ed: {  	[tilespmem:s23], [sflag:$0x1] =	stream.strided.gather [spmem:s1], $0x500, s11, s8, $0x38;
	[tilespmem:$0x1D000] =	vst v63  }
0x4ee: {  	s5 =	simm.s32 $0x13B00  }
0x4ef: {  	[tilespmem:s5], [sflag:$0x1] =	stream.strided.gather [spmem:s0], $0x500, s11, s8, $0x38;
	[tilespmem:$0x1D000] =	vst v63  }
0x4f0: {  	_ =	swait.ge [sflag:s6], $0x500  }
0x4f1: {  	[sflag:s6] =	ssyncset.done $0x0  }
0x4f2: {  	[sflag:s6] =	ssyncadd.s32 $0xFFFFFB00  }
0x4f3: {  	_ =	swait.ge [sflag:s6], $0x500  }
0x4f4: {  	[sflag:s6] =	ssyncset.done $0x0  }
0x4f5: {  	[sflag:s6] =	ssyncadd.s32 $0xFFFFFB00  }
0x4f6: {  	_ =	swait.ge [sflag:s6], $0x500  }
0x4f7: {  	[sflag:s6] =	ssyncset.done $0x0  }
0x4f8: {  	[sflag:s6] =	ssyncadd.s32 $0xFFFFFB00  }
0x4f9: {  	_ =	swait.ge [sflag:s6], $0x500  }
0x4fa: {  	[sflag:s6] =	ssyncset.done $0x0  }
0x4fb: {  	[sflag:s6] =	ssyncadd.s32 $0xFFFFFB00  }
0x4fc: {  	_ =	swait.ge [sflag:s6], $0x500  }
0x4fd: {  	[sflag:s6] =	ssyncset.done $0x0  }
0x4fe: {  	[sflag:s6] =	ssyncadd.s32 $0xFFFFFB00  }
0x4ff: {  	_ =	swait.ge [sflag:s6], $0x500  }
0x500: {  	[sflag:s6] =	ssyncset.done $0x0  }
0x501: {  	[sflag:s6] =	ssyncadd.s32 $0xFFFFFB00  }
0x502: {  	_ =	swait.ge [sflag:s6], $0x500  }
0x503: {  	[sflag:s6] =	ssyncset.done $0x0  }
0x504: {  	[sflag:s6] =	ssyncadd.s32 $0xFFFFFB00  }
0x505: {  	_ =	swait.ge [sflag:s6], $0x500  }
0x506: {  	[sflag:s6] =	ssyncset.done $0x0  }
0x507: {  	[sflag:s6] =	ssyncadd.s32 $0xFFFFFB00  }
0x508: {  	_ =	swait.ge [sflag:s6], $0x500  }
0x509: {  	[sflag:s6] =	ssyncset.done $0x0  }
0x50a: {  	[sflag:s6] =	ssyncadd.s32 $0xFFFFFB00  }
0x50b: {  	_ =	swait.ge [sflag:s6], $0x500  }
0x50c: {  	[sflag:s6] =	ssyncset.done $0x0  }
0x50d: {  	[sflag:s6] =	ssyncadd.s32 $0xFFFFFB00  }
0x50e: {  	_ =	swait.ge [sflag:s6], $0x500  }
0x50f: {  	[sflag:s6] =	ssyncset.done $0x0  }
0x510: {  	[sflag:s6] =	ssyncadd.s32 $0xFFFFFB00  }
0x511: {  	_ =	swait.ge [sflag:s6], $0x500  }
0x512: {  	[sflag:s6] =	ssyncset.done $0x0  }
0x513: {  	[sflag:s6] =	ssyncadd.s32 $0xFFFFFB00  }
0x514: {  	_ =	swait.ge [sflag:s6], $0x500  }
0x515: {  	[sflag:s6] =	ssyncset.done $0x0  }
0x516: {  	[sflag:s6] =	ssyncadd.s32 $0xFFFFFB00  }
0x517: {  	_ =	swait.ge [sflag:s6], $0x500  }
0x518: {  	[sflag:s6] =	ssyncset.done $0x0  }
0x519: {  	[sflag:s6] =	ssyncadd.s32 $0xFFFFFB00  }
0x51a: {  	_ =	swait.ge [sflag:s6], $0x500  }
0x51b: {  	[sflag:s6] =	ssyncset.done $0x0  }
0x51c: {  	[sflag:s6] =	ssyncadd.s32 $0xFFFFFB00  }
0x51d: {  	_ =	swait.ge [sflag:s6], $0x500  }
0x51e: {  	[sflag:s6] =	ssyncset.done $0x0  }
0x51f: {  	s23 =	simm.s32 $0x13B30;
	[sflag:s6] =	ssyncadd.s32 $0xFFFFFB00  }
0x520: {  	v1 =	vld [tilespmem:s23+$0xFFFFB500]  }
0x521: {  	s13 =	sand.u32 $0x7C0, s3;
	v2 =	vld [tilespmem:s23+$0xFFFFBA00]  }
0x522: {  	v3 =	vld [tilespmem:s13+$0xF000]  }
0x523: {  	v4 =	vld [tilespmem:s13+$0xF500]  }
0x524: {  	v5 =	vld [tilespmem:s23+$0xFFFFBF00]  }
0x525: {  	v6 =	vld [tilespmem:s13+$0xFA00]  }
0x526: {  	v7 =	vld [tilespmem:s23+$0xFFFFC400]  }
0x527: {  	v8 =	vld [tilespmem:s13+$0xFF00]  }
0x528: {  	v9 =	vld [tilespmem:s23+$0xFFFFC900]  }
0x529: {  	v10 =	vld [tilespmem:s13+$0x10400]  }
0x52a: {  	v11 =	vld [tilespmem:s23+$0xFFFFCE00]  }
0x52b: {  	v12 =	vld [tilespmem:s13+$0x10900]  }
0x52c: {  	v13 =	vld [tilespmem:s23+$0xFFFFD300]  }
0x52d: {  	v14 =	vld [tilespmem:s13+$0x10E00]  }
0x52e: {  	v15 =	vld [tilespmem:s23+$0xFFFFD800]  }
0x52f: {  	v16 =	vld [tilespmem:s13+$0x11300]  }
0x530: {  	v17 =	vld [tilespmem:s23+$0xFFFFDD00]  }
0x531: {  	v18 =	vld [tilespmem:s13+$0x11800]  }
0x532: {  	v19 =	vld [tilespmem:s23+$0xFFFFE200]  }
0x533: {  	v20 =	vld [tilespmem:s13+$0x11D00]  }
0x534: {  	v21 =	vld [tilespmem:s23+$0xFFFFE700]  }
0x535: {  	v22 =	vld [tilespmem:s13+$0x12200]  }
0x536: {  	v23 =	vld [tilespmem:s23+$0xFFFFEC00]  }
0x537: {  	v24 =	vld [tilespmem:s13+$0x12700]  }
0x538: {  	v25 =	vld [tilespmem:s23+$0xFFFFF100]  }
0x539: {  	v26 =	vld [tilespmem:s13+$0x12C00]  }
0x53a: {  	v27 =	vld [tilespmem:s23+$0xFFFFF600]  }
0x53b: {  	v28 =	vld [tilespmem:s13+$0x13100]  }
0x53c: {  	v29 =	vld [tilespmem:s23+$0xFFFFFB00]  }
0x53d: {  	v30 =	vld [tilespmem:s13+$0x13600]  }
0x53e: {  	v31 =	vld [tilespmem:s23+$0x0]  }
0x53f: {  	v1 =	vadd.f32 v2, v1;
	v2 =	vadd.f32 v4, v3;
	v3 =	vld [tilespmem:s23+$0xFFFFB4E0]  }
0x540: {  	v4 =	vld [tilespmem:s23+$0xFFFFB9E0]  }
0x541: {  	v1 =	vadd.f32 v5, v1;
	v5 =	vld [tilespmem:s23+$0xFFFFB4F0]  }
0x542: {  	v2 =	vadd.f32 v6, v2;
	v6 =	vld [tilespmem:s23+$0xFFFFB9F0]  }
0x543: {  	v1 =	vadd.f32 v7, v1;
	v7 =	vld [tilespmem:s23+$0xFFFFBEE0]  }
0x544: {  	v2 =	vadd.f32 v8, v2;
	v8 =	vld [tilespmem:s23+$0xFFFFBEF0]  }
0x545: {  	v55 =	vld [tilespmem:s23+$0xFFFFC3E0];
	v3 =	vadd.f32 v4, v3  }
0x546: {  	v4 =	vld [tilespmem:s23+$0xFFFFC3F0];
	v1 =	vadd.f32 v9, v1;
	v2 =	vadd.f32 v10, v2  }
0x547: {  	v56 =	vld [tilespmem:s23+$0xFFFFC8E0];
	v5 =	vadd.f32 v6, v5  }
0x548: {  	v6 =	vld [tilespmem:s23+$0xFFFFC8F0];
	v1 =	vadd.f32 v11, v1;
	v2 =	vadd.f32 v12, v2  }
0x549: {  	v3 =	vadd.f32 v7, v3;
	v7 =	vld [tilespmem:s23+$0xFFFFCDE0];
	v5 =	vadd.f32 v8, v5  }
0x54a: {  	v8 =	vld [tilespmem:s23+$0xFFFFCDF0];
	v1 =	vadd.f32 v13, v1;
	v2 =	vadd.f32 v14, v2  }
0x54b: {  	v57 =	vld [tilespmem:s23+$0xFFFFD2E0];
	v3 =	vadd.f32 v55, v3;
	v4 =	vadd.f32 v4, v5  }
0x54c: {  	v5 =	vld [tilespmem:s23+$0xFFFFD2F0];
	v1 =	vadd.f32 v15, v1;
	v2 =	vadd.f32 v16, v2  }
0x54d: {  	v58 =	vld [tilespmem:s23+$0xFFFFD7E0];
	v3 =	vadd.f32 v56, v3;
	v4 =	vadd.f32 v6, v4  }
0x54e: {  	v6 =	vld [tilespmem:s23+$0xFFFFD7F0];
	v1 =	vadd.f32 v17, v1;
	v2 =	vadd.f32 v18, v2  }
0x54f: {  	v3 =	vadd.f32 v7, v3;
	v7 =	vld [tilespmem:s23+$0xFFFFDCE0];
	v4 =	vadd.f32 v8, v4  }
0x550: {  	v8 =	vld [tilespmem:s23+$0xFFFFDCF0];
	v1 =	vadd.f32 v19, v1;
	v2 =	vadd.f32 v20, v2  }
0x551: {  	v59 =	vld [tilespmem:s23+$0xFFFFE1E0];
	v3 =	vadd.f32 v57, v3;
	v4 =	vadd.f32 v5, v4  }
0x552: {  	v5 =	vld [tilespmem:s23+$0xFFFFE1F0];
	v1 =	vadd.f32 v21, v1;
	v2 =	vadd.f32 v22, v2  }
0x553: {  	v60 =	vld [tilespmem:s23+$0xFFFFE6E0];
	v3 =	vadd.f32 v58, v3;
	v4 =	vadd.f32 v6, v4  }
0x554: {  	v6 =	vld [tilespmem:s23+$0xFFFFE6F0];
	v1 =	vadd.f32 v23, v1;
	v2 =	vadd.f32 v24, v2  }
0x555: {  	v3 =	vadd.f32 v7, v3;
	v7 =	vld [tilespmem:s23+$0xFFFFEBE0];
	v4 =	vadd.f32 v8, v4  }
0x556: {  	v8 =	vld [tilespmem:s23+$0xFFFFEBF0];
	v1 =	vadd.f32 v25, v1;
	v2 =	vadd.f32 v26, v2  }
0x557: {  	v32 =	vld [tilespmem:s13+$0x13B00];
	v3 =	vadd.f32 v59, v3;
	v4 =	vadd.f32 v5, v4  }
0x558: {  	v61 =	vld [tilespmem:s23+$0xFFFFF0E0];
	v1 =	vadd.f32 v27, v1;
	v2 =	vadd.f32 v28, v2  }
0x559: {  	v5 =	vld [tilespmem:s23+$0xFFFFF0F0];
	v3 =	vadd.f32 v60, v3;
	v4 =	vadd.f32 v6, v4  }
0x55a: {  	v63 =	vld [tilespmem:s23+$0xFFFFF5E0];
	v1 =	vadd.f32 v29, v1;
	v62 =	vadd.f32 v30, v2  }
0x55b: {  	v2 =	vld [tilespmem:s23+$0xFFFFF5F0];
	v3 =	vadd.f32 v7, v3;
	v8 =	vadd.f32 v8, v4  }
0x55c: {  	v6 =	vadd.f32 v31, v1;
	v7 =	vadd.f32 v32, v62;
	v1 =	vld [tilespmem:s23+$0xFFFFFAE0]  }
0x55d: {  	v4 =	vld [tilespmem:s23+$0xFFFFFAF0];
	v9 =	vadd.f32 v61, v3  }
0x55e: {  	s14 =	smov.u32 s16;
	v3 =	vld [tilespmem:s23+$0xFFFFFFE0];
	[tilespmem:s13+$0xF000] =	vst v7;
	v7 =	vadd.f32 v5, v8  }
0x55f: {  	s4 =	simm.s32 $0x0;
	s16 =	simm.s32 $0xF000;
	s5 =	simm.s32 $0x13B70;
	[tilespmem:s23+$0xFFFFB500] =	vst v6;
	v5 =	vld [tilespmem:s23+$0xFFFFFFF0];
	v6 =	vadd.f32 v63, v9  }
.LBB2_16:
0x560: {  	v8 =	vld [tilespmem:s5+$0xFFFFB500];
	v2 =	vadd.f32 v2, v7;
	s3 =	sadd.s32 $0x40, s3  }
0x561: {  	s13 =	sand.u32 $0x7C0, s3;
	v7 =	vld [tilespmem:s5+$0xFFFFBA00];
	v1 =	vadd.f32 v1, v6  }
0x562: {  	s4 =	sadd.s32 $0x4, s4;
	v6 =	vld [tilespmem:s13+$0xF000];
	v2 =	vadd.f32 v4, v2  }
0x563: {  	p0 =	slt.u32 s4, $0x4C;
	v4 =	vld [tilespmem:s13+$0xF500];
	v1 =	vadd.f32 v3, v1  }
0x564: {  	v3 =	vld [tilespmem:s5+$0xFFFFBF00];
	v2 =	vadd.f32 v5, v2  }
0x565: {  	v5 =	vld [tilespmem:s13+$0xFA00];
	[tilespmem:s23+$0xFFFFB4E0] =	vst v1  }
0x566: {  	v1 =	vld [tilespmem:s5+$0xFFFFC400];
	[tilespmem:s23+$0xFFFFB4F0] =	vst v2;
	s23 =	smov.u32 s5  }
0x567: {  	v7 =	vadd.f32 v7, v8;
	v2 =	vld [tilespmem:s13+$0xFF00]  }
0x568: {  	v4 =	vadd.f32 v4, v6;
	v6 =	vld [tilespmem:s5+$0xFFFFC900]  }
0x569: {  	v8 =	vld [tilespmem:s13+$0x10400];
	v3 =	vadd.f32 v3, v7  }
0x56a: {  	v4 =	vadd.f32 v5, v4;
	v5 =	vld [tilespmem:s5+$0xFFFFCE00]  }
0x56b: {  	v7 =	vld [tilespmem:s13+$0x10900];
	v1 =	vadd.f32 v1, v3  }
0x56c: {  	v2 =	vadd.f32 v2, v4;
	v3 =	vld [tilespmem:s5+$0xFFFFD300]  }
0x56d: {  	v4 =	vld [tilespmem:s13+$0x10E00];
	v1 =	vadd.f32 v6, v1  }
0x56e: {  	v2 =	vadd.f32 v8, v2;
	v6 =	vld [tilespmem:s5+$0xFFFFD800]  }
0x56f: {  	v8 =	vld [tilespmem:s13+$0x11300];
	v1 =	vadd.f32 v5, v1  }
0x570: {  	v2 =	vadd.f32 v7, v2;
	v5 =	vld [tilespmem:s5+$0xFFFFDD00]  }
0x571: {  	v7 =	vld [tilespmem:s13+$0x11800];
	v1 =	vadd.f32 v3, v1  }
0x572: {  	v2 =	vadd.f32 v4, v2;
	v3 =	vld [tilespmem:s5+$0xFFFFE200]  }
0x573: {  	v4 =	vld [tilespmem:s13+$0x11D00];
	v1 =	vadd.f32 v6, v1  }
0x574: {  	v2 =	vadd.f32 v8, v2;
	v6 =	vld [tilespmem:s5+$0xFFFFE700]  }
0x575: {  	v8 =	vld [tilespmem:s13+$0x12200];
	v1 =	vadd.f32 v5, v1  }
0x576: {  	v2 =	vadd.f32 v7, v2;
	v5 =	vld [tilespmem:s5+$0xFFFFEC00]  }
0x577: {  	v7 =	vld [tilespmem:s13+$0x12700];
	v1 =	vadd.f32 v3, v1  }
0x578: {  	v2 =	vadd.f32 v4, v2;
	v3 =	vld [tilespmem:s5+$0xFFFFF100]  }
0x579: {  	v4 =	vld [tilespmem:s13+$0x12C00];
	v1 =	vadd.f32 v6, v1  }
0x57a: {  	v2 =	vadd.f32 v8, v2;
	v6 =	vld [tilespmem:s5+$0xFFFFF600]  }
0x57b: {  	v8 =	vld [tilespmem:s13+$0x13100];
	v1 =	vadd.f32 v5, v1  }
0x57c: {  	v2 =	vadd.f32 v7, v2;
	v5 =	vld [tilespmem:s5+$0xFFFFFB00]  }
0x57d: {  	v7 =	vld [tilespmem:s13+$0x13600];
	v1 =	vadd.f32 v3, v1  }
0x57e: {  	v2 =	vadd.f32 v4, v2;
	v3 =	vld [tilespmem:s5+$0x0]  }
0x57f: {  	v4 =	vld [tilespmem:s13+$0x13B00];
	v1 =	vadd.f32 v6, v1  }
0x580: {  	v2 =	vadd.f32 v8, v2;
	v6 =	vld [tilespmem:s5+$0xFFFFB4E0]  }
0x581: {  	v8 =	vld [tilespmem:s5+$0xFFFFB9E0];
	v1 =	vadd.f32 v5, v1  }
0x582: {  	v2 =	vadd.f32 v7, v2;
	v5 =	vld [tilespmem:s5+$0xFFFFB4F0]  }
0x583: {  	v7 =	vld [tilespmem:s5+$0xFFFFB9F0];
	v1 =	vadd.f32 v3, v1  }
0x584: {  	v2 =	vadd.f32 v4, v2;
	v3 =	vld [tilespmem:s5+$0xFFFFBEE0]  }
0x585: {  	v4 =	vld [tilespmem:s5+$0xFFFFBEF0];
	[tilespmem:s5+$0xFFFFB500] =	vst v1  }
0x586: {  	[tilespmem:s13+$0xF000] =	vst v2;
	v1 =	vadd.f32 v8, v6;
	v2 =	vld [tilespmem:s5+$0xFFFFC3E0]  }
0x587: {  	v6 =	vld [tilespmem:s5+$0xFFFFC3F0]  }
0x588: {  	v8 =	vld [tilespmem:s5+$0xFFFFC8E0];
	v5 =	vadd.f32 v7, v5  }
0x589: {  	v1 =	vadd.f32 v3, v1;
	v3 =	vld [tilespmem:s5+$0xFFFFC8F0]  }
0x58a: {  	v7 =	vld [tilespmem:s5+$0xFFFFCDE0];
	v4 =	vadd.f32 v4, v5  }
0x58b: {  	v1 =	vadd.f32 v2, v1;
	v2 =	vld [tilespmem:s5+$0xFFFFCDF0]  }
0x58c: {  	v5 =	vld [tilespmem:s5+$0xFFFFD2E0];
	v4 =	vadd.f32 v6, v4  }
0x58d: {  	v1 =	vadd.f32 v8, v1;
	v6 =	vld [tilespmem:s5+$0xFFFFD2F0]  }
0x58e: {  	v8 =	vld [tilespmem:s5+$0xFFFFD7E0];
	v3 =	vadd.f32 v3, v4  }
0x58f: {  	v1 =	vadd.f32 v7, v1;
	v4 =	vld [tilespmem:s5+$0xFFFFD7F0]  }
0x590: {  	v7 =	vld [tilespmem:s5+$0xFFFFDCE0];
	v2 =	vadd.f32 v2, v3  }
0x591: {  	v1 =	vadd.f32 v5, v1;
	v3 =	vld [tilespmem:s5+$0xFFFFDCF0]  }
0x592: {  	v5 =	vld [tilespmem:s5+$0xFFFFE1E0];
	v2 =	vadd.f32 v6, v2  }
0x593: {  	v1 =	vadd.f32 v8, v1;
	v6 =	vld [tilespmem:s5+$0xFFFFE1F0]  }
0x594: {  	v8 =	vld [tilespmem:s5+$0xFFFFE6E0];
	v2 =	vadd.f32 v4, v2  }
0x595: {  	v1 =	vadd.f32 v7, v1;
	v4 =	vld [tilespmem:s5+$0xFFFFE6F0]  }
0x596: {  	v7 =	vld [tilespmem:s5+$0xFFFFEBE0];
	v2 =	vadd.f32 v3, v2  }
0x597: {  	v1 =	vadd.f32 v5, v1;
	v3 =	vld [tilespmem:s5+$0xFFFFEBF0]  }
0x598: {  	v5 =	vld [tilespmem:s5+$0xFFFFF0E0];
	v2 =	vadd.f32 v6, v2  }
0x599: {  	v1 =	vadd.f32 v8, v1;
	v6 =	vld [tilespmem:s5+$0xFFFFF0F0]  }
0x59a: {  	v8 =	vld [tilespmem:s5+$0xFFFFF5E0];
	v4 =	vadd.f32 v4, v2  }
.Ltmp7:
0x59b: {  	v7 =	vadd.f32 v7, v1;
	v2 =	vld [tilespmem:s5+$0xFFFFF5F0];
	(pc) =	sbr.rel @p0 .LBB2_16-.Ltmp7, $4  }
0x59c: {  	v1 =	vld [tilespmem:s5+$0xFFFFFAE0];
	v9 =	vadd.f32 v3, v4  }
0x59d: {  	v5 =	vadd.f32 v5, v7;
	v4 =	vld [tilespmem:s5+$0xFFFFFAF0]  }
0x59e: {  	v3 =	vld [tilespmem:s5+$0xFFFFFFE0];
	v7 =	vadd.f32 v6, v9  }
0x59f: {  	s5 =	sadd.s32 $0x40, s5;
	v6 =	vadd.f32 v8, v5;
	v5 =	vld [tilespmem:s23+$0xFFFFFFF0]  }
0x5a0: {  	v2 =	vadd.f32 v2, v7  }
0x5a1: {  	v1 =	vadd.f32 v1, v6  }
0x5a2: {  	v2 =	vadd.f32 v4, v2  }
0x5a3: {  	v1 =	vadd.f32 v3, v1  }
0x5a4: {  	v2 =	vadd.f32 v5, v2  }
0x5a5: {  	[tilespmem:s23+$0xFFFFB4E0] =	vst v1  }
0x5a6: {  	[tilespmem:s23+$0xFFFFB4F0] =	vst v2  }
0x5a7: {  	s3 =	rddreg [dreg:$0x11]  }
0x5a8: {  	[hbm4b:s3+s2] =	stream.linear.scatter [tilespmem:s16], [sflag:$0x4], $0x500, $0x38;
	[tilespmem:$0x1D000] =	vst v63  }
0x5a9: {  	_ =	swait.ge [sflag:s12], $0x500  }
0x5aa: {  	s25 =	sadd.s32 $0x1, s25;
	s23 =	rddreg [dreg:$0x10]  }
0x5ab: {  	p0 =	sne.s32 s25, s23  }
.Ltmp8:
0x5ac: {  	_ = 	snop;
	(pc) =	sbr.rel @p0 .LBB2_1-.Ltmp8, $3  }
0x5ad: {  	_ =	sdelay $0x1  }
0x5ae: {  	[sflag:s12] =	ssyncset.done $0x0  }
0x5af: {  	s16 =	smov.u32 s14;
	[sflag:s12] =	ssyncadd.s32 $0xFFFFFB00  }
0x5b0: {  	_ =	sfence.sel $0x180000  }
0x5b1: {  	[bflag:$0x0] =	sbarrier.arrive $0xFFFF  }
0x5b2: {  	_ =	strace $0x90000047  }
0x5b3: {  	s0 =	stileid.u32;
	[bflag:$0x2] =	sbarrier.arrive $0xFFFF  }
0x5b4: {  	p0 =	sne.s32 s0, $0x0;
	s0 =	rddreg [dreg:$0x3]  }
0x5b5: {  	s0 =	sadd.s32 @!p0 $0x100000, s0  }
0x5b6: {  	[sflag:s0] =	ssyncadd.tile.s32 @!p0 $0x1;
	_ =	shalt  }
.Lfunc_end2:
_tile_overlayer_lowered:
.L_overlay_start_2:
0x5b7: {  	(tag) =	ssettag $0x2  }
0x5b8: {  	s0 =	rddreg [dreg:$0x0];
	s2 =	stileid.u32  }
0x5b9: {  	s1 =	rddreg [dreg:$0x1];
	p0 =	sne.s32 s2, $0x0  }
0x5ba: {  	s3 =	rddreg [dreg:$0x2];
	[bflag:$0x3] =	sbarrier.arrive $0xFFFF;
	s2 =	simm.s32 @!p0 $0x1C04  }
0x5bb: {  	[timem:s3], [sflag:s2] =	dma.local @!p0 [hbm:s0], s1  }
0x5bc: {  	s0 =	simm.s32 @!p0 $0x4  }
0x5bd: {  	_ =	swait.ge @!p0 [sflag:s0], s1  }
0x5be: {  	s1 =	ssub.s32 @!p0 $0x0, s1;
	[sflag:s0] =	ssyncset.done @!p0 $0x0  }
0x5bf: {  	[sflag:s0] =	ssyncadd.s32 @!p0 s1  }
0x5c0: {  	[bflag:$0x3] =	sbarrier.arrive $0xFFFF  }
0x5c1: {  	_ =	shalt  }

</sc_bundles>
